<compile_context>
chip_gen: v7x
topology: tpu7x:2x2x1
jax: 0.10.2.dev20260603
libtpu: 0.0.44.dev20260713+nightly
codegen_flags: <defaults>
</compile_context>

<pallas_src>
import functools
import math

import jax
import jax.numpy as jnp
from jax import lax
from jax.experimental import pallas as pl
from jax.experimental.pallas import tpu as pltpu
from jax.experimental.pallas import tpu_sc as plsc

_NC = 2
_NS = 16
_NW = _NC * _NS
_L = 16

_B = 80
_RP = 640



def _proj_body(z_ref, wq_ref, bq_ref, wk_ref, bk_ref, wv_ref, bv_ref,
               q_ref, k_ref, v_ref):
    x = z_ref[...]
    dn = (((1,), (1,)), ((), ()))
    q_ref[...] = lax.dot_general(x, wq_ref[...], dn,
                                 preferred_element_type=jnp.float32) + bq_ref[...]
    k_ref[...] = lax.dot_general(x, wk_ref[...], dn,
                                 preferred_element_type=jnp.float32) + bk_ref[...]
    v_ref[...] = lax.dot_general(x, wv_ref[...], dn,
                                 preferred_element_type=jnp.float32) + bv_ref[...]


def _project(z, Wq, bq, Wk, bk, Wv, bv):
    n, d = z.shape
    blk = 2000
    row = pl.BlockSpec((blk, d), lambda i: (i, 0))
    wsp = pl.BlockSpec((d, d), lambda i: (0, 0))
    bsp = pl.BlockSpec((1, d), lambda i: (0, 0))
    out = jax.ShapeDtypeStruct((n, d), jnp.float32)
    return pl.pallas_call(
        _proj_body,
        grid=(n // blk,),
        in_specs=[row, wsp, bsp, wsp, bsp, wsp, bsp],
        out_specs=[row, row, row],
        out_shape=[out, out, out],
    )(z, Wq, bq.reshape(1, d), Wk, bk.reshape(1, d), Wv, bv.reshape(1, d))


def _edge_body(epw, chunks, npad, tau,
               k_hbm, q_hbm, v_hbm, src_hbm, dst_hbm,
               hu_out, s_out, ex_out,
               src0, dst0, src1, dst1, kbuf, qbuf, vbuf0, vbuf1,
               wbuf0, wbuf1, zsbuf, hu_sh, s_sh, gkq, gv, ssem, lsem):
    c = lax.axis_index("c")
    sid = lax.axis_index("s")
    wid = sid * _NC + c
    z16 = jnp.zeros((_L,), jnp.float32)
    lane = lax.iota(jnp.int32, _L)
    sets = ((src0, dst0, vbuf0, wbuf0), (src1, dst1, vbuf1, wbuf1))
    vbuf = vbuf0

    def zrow(i, _):
        for d in range(8):
            vbuf[i, pl.ds(d * _L, _L)] = z16
        return 0
    lax.fori_loop(0, _B, zrow, 0)

    def zs(i, _):
        zsbuf[pl.ds(i * _L, _L)] = z16
        return 0
    lax.fori_loop(0, _RP // _L, zs, 0)

    row0 = sid * _RP
    for j in range(_RP // _B):
        pltpu.sync_copy(vbuf, hu_sh.at[pl.ds(row0 + j * _B, _B)])
    pltpu.sync_copy(zsbuf, s_sh.at[pl.ds(row0, _RP)])
    plsc.subcore_barrier()

    base = wid * epw

    def load_idx(bs, ci):
        off = base + ci * _B
        pltpu.sync_copy(src_hbm.at[pl.ds(off, _B)], bs[0])
        pltpu.sync_copy(dst_hbm.at[pl.ds(off, _B)], bs[1])

    def load_idx_async(bs, ci):
        off = base + ci * _B
        return (pltpu.async_copy(src_hbm.at[pl.ds(off, _B)], bs[0], lsem),
                pltpu.async_copy(dst_hbm.at[pl.ds(off, _B)], bs[1], lsem))

    def scatters(bs, ci):
        src_v, dst_v, vb, wb = bs
        off = base + ci * _B
        pltpu.sync_copy(vb, hu_sh.at[dst_v], add=True)
        pltpu.sync_copy(wb, s_sh.at[dst_v], add=True)
        pltpu.sync_copy(wb, ex_out.at[pl.ds(off, _B)])

    def compute(wb):
        def grp(gi, _):
            i0 = pl.multiple_of(gi * _L, _L)

            def edge(j, dots):
                i = i0 + j
                acc = kbuf[i, pl.ds(0, _L)] * qbuf[i, pl.ds(0, _L)]
                for d in range(1, 8):
                    acc = acc + kbuf[i, pl.ds(d * _L, _L)] * qbuf[i, pl.ds(d * _L, _L)]
                for kk in (8, 4, 2, 1):
                    acc = acc + acc.at[jnp.bitwise_xor(lane, kk)].get(
                        mode="promise_in_bounds")
                return jnp.where(lane == j, acc, dots)
            dots = lax.fori_loop(0, _L, edge, z16, unroll=4)
            evv = jnp.exp(dots * tau)
            wb[pl.ds(i0, _L)] = evv
            return 0
        lax.fori_loop(0, _B // _L, grp, 0)

    def scale(vb, wb):
        def grp(gi, _):
            i0 = pl.multiple_of(gi * _L, _L)
            evv = wb[pl.ds(i0, _L)]

            def edge(j, _):
                i = i0 + j
                ev = evv.at[jnp.full((_L,), j, jnp.int32)].get(
                    mode="promise_in_bounds")
                for d in range(8):
                    vb[i, pl.ds(d * _L, _L)] = ev * vb[i, pl.ds(d * _L, _L)]
                return 0
            lax.fori_loop(0, _L, edge, 0, unroll=4)
            return 0
        lax.fori_loop(0, _B // _L, grp, 0)

    def gather_kq(bs):
        return (pltpu.async_copy(k_hbm.at[bs[0]], kbuf, gkq),
                pltpu.async_copy(q_hbm.at[bs[1]], qbuf, gkq))

    def gather_v(bs):
        return pltpu.async_copy(v_hbm.at[bs[0]], bs[2], gv)

    def half(bs, dkq, dv):
        dkq[0].wait()
        dkq[1].wait()
        compute(bs[3])
        dv.wait()
        scale(bs[2], bs[3])

    def pair(g, _):
        ca = g * 2
        load_idx(sets[0], ca)
        dkqa = gather_kq(sets[0])
        dva = gather_v(sets[0])
        la = load_idx_async(sets[1], ca + 1)
        la[0].wait()
        la[1].wait()
        dvb = gather_v(sets[1])
        half(sets[0], dkqa, dva)
        dkqb = gather_kq(sets[1])
        scatters(sets[0], ca)
        half(sets[1], dkqb, dvb)
        scatters(sets[1], ca + 1)
        return 0
    lax.fori_loop(0, chunks // 2, pair, 0)
    load_idx(sets[0], chunks - 1)
    dkql = gather_kq(sets[0])
    dvl = gather_v(sets[0])
    half(sets[0], dkql, dvl)
    scatters(sets[0], chunks - 1)
    plsc.subcore_barrier()

    for j in range(_RP // _B):
        r = row0 + j * _B
        pltpu.sync_copy(hu_sh.at[pl.ds(r, _B)], vbuf)
        pltpu.sync_copy(vbuf, hu_out.at[c, pl.ds(r, _B)])
    pltpu.sync_copy(s_sh.at[pl.ds(row0, _RP)], zsbuf)
    pltpu.sync_copy(zsbuf, s_out.at[c, pl.ds(row0, _RP)])


@functools.lru_cache(maxsize=None)
def _edge_call(e, npad, tau):
    epw = e // _NW
    chunks = epw // _B
    mesh = plsc.VectorSubcoreMesh(core_axis_name="c", subcore_axis_name="s",
                                  num_cores=_NC, num_subcores=_NS)
    idx_t = pltpu.VMEM((_B,), jnp.int32)
    row_t = pltpu.VMEM((_B, 128), jnp.float32)
    dma = pltpu.SemaphoreType.DMA
    return pl.kernel(
        functools.partial(_edge_body, epw, chunks, npad, tau),
        out_type=(jax.ShapeDtypeStruct((_NC, npad, 128), jnp.float32),
                  jax.ShapeDtypeStruct((_NC, npad), jnp.float32),
                  jax.ShapeDtypeStruct((e,), jnp.float32)),
        mesh=mesh,
        scratch_types=[
            idx_t, idx_t, idx_t, idx_t,
            row_t, row_t,
            row_t, row_t,
            pltpu.VMEM((_B,), jnp.float32),
            pltpu.VMEM((_B,), jnp.float32),
            pltpu.VMEM((_RP,), jnp.float32),
            pltpu.VMEM_SHARED((npad, 128), jnp.float32),
            pltpu.VMEM_SHARED((npad,), jnp.float32),
            dma, dma, dma, dma,
        ],
    )


def _fin_body(hu_ref, s_ref, h_ref, st_ref):
    st = s_ref[0] + s_ref[1]
    st_ref[...] = st
    h_ref[...] = (hu_ref[0] + hu_ref[1]) / (st + 1e-20)


def _finalize(hu, s2):
    npad = hu.shape[1]
    return pl.pallas_call(
        _fin_body,
        out_shape=[jax.ShapeDtypeStruct((npad, 128), jnp.float32),
                   jax.ShapeDtypeStruct((npad, 1), jnp.float32)],
    )(hu, s2)


_CB = 2000


def _alpha_body(epw, ex_hbm, dst_hbm, st_hbm, a_out, dst_v, ex_v, sv, av, sem):
    c = lax.axis_index("c")
    sid = lax.axis_index("s")
    wid = sid * _NC + c
    base = wid * epw

    def chunk(ci, _):
        off = base + ci * _CB
        pltpu.sync_copy(dst_hbm.at[pl.ds(off, _CB)], dst_v)
        pltpu.sync_copy(ex_hbm.at[pl.ds(off, _CB)], ex_v)
        pltpu.async_copy(st_hbm.at[dst_v], sv, sem).wait()

        def grp(i, _):
            i0 = pl.multiple_of(i * _L, _L)
            av[pl.ds(i0, _L)] = ex_v[pl.ds(i0, _L)] / (sv[pl.ds(i0, _L)] + 1e-20)
            return 0
        lax.fori_loop(0, _CB // _L, grp, 0)
        pltpu.sync_copy(av, a_out.at[pl.ds(off, _CB)])
        return 0
    lax.fori_loop(0, epw // _CB, chunk, 0)


@functools.lru_cache(maxsize=None)
def _alpha_call(e, npad):
    epw = e // _NW
    mesh = plsc.VectorSubcoreMesh(core_axis_name="c", subcore_axis_name="s",
                                  num_cores=_NC, num_subcores=_NS)
    return pl.kernel(
        functools.partial(_alpha_body, epw),
        out_type=jax.ShapeDtypeStruct((e,), jnp.float32),
        mesh=mesh,
        scratch_types=[
            pltpu.VMEM((_CB,), jnp.int32),
            pltpu.VMEM((_CB,), jnp.float32),
            pltpu.VMEM((_CB,), jnp.float32),
            pltpu.VMEM((_CB,), jnp.float32),
            pltpu.SemaphoreType.DMA,
        ],
    )


def kernel(z, edge_index, Wq, bq, Wk, bk, Wv, bv, Wse1, bse1, Wse2, bse2):
    n, d = z.shape
    e = edge_index.shape[1]
    npad = _NS * _RP
    tau = 1.0 / math.sqrt(d)
    src = edge_index[0]
    dst = edge_index[1]

    q, k, v = _project(z, Wq, bq, Wk, bk, Wv, bv)
    hu, s2, ex = _edge_call(e, npad, tau)(k, q, v, src, dst)
    h_pad, st = _finalize(hu, s2.reshape(_NC, npad, 1))
    alpha = _alpha_call(e, npad)(ex, dst, st.reshape(npad))
    return h_pad[:n], alpha

# --- scband reference (transcript-rebuilt; emitter-appended) ---
"""Pipeline reference for scband-bayes-gatlayer-13872744366439 (READ-ONLY COPY).

The authoritative reference and input builder live on the scoring server;
editing this copy changes nothing except your own understanding.
"""

import jax, jax.numpy as jnp
import numpy as np

N = 10000
E = 320000
IN_DIM = 128
OUT_DIM = 128
SE_DIM = 1
TAU = 1.0 / np.sqrt(OUT_DIM)


def setup_inputs(seed: int = 0) -> dict:
    key = jax.random.key(seed)
    ks = jax.random.split(key, 12)
    z = jax.random.normal(ks[0], (N, IN_DIM), dtype=jnp.float32)
    edge_index = jax.random.randint(ks[1], (2, E), 0, N, dtype=jnp.int32)
    s_in = 1.0 / np.sqrt(IN_DIM)
    s_se = 1.0 / np.sqrt(SE_DIM)
    Wq = jax.random.normal(ks[2], (OUT_DIM, IN_DIM), dtype=jnp.float32) * s_in
    bq = jax.random.normal(ks[3], (OUT_DIM,), dtype=jnp.float32) * s_in
    Wk = jax.random.normal(ks[4], (OUT_DIM, IN_DIM), dtype=jnp.float32) * s_in
    bk = jax.random.normal(ks[5], (OUT_DIM,), dtype=jnp.float32) * s_in
    Wv = jax.random.normal(ks[6], (OUT_DIM, IN_DIM), dtype=jnp.float32) * s_in
    bv = jax.random.normal(ks[7], (OUT_DIM,), dtype=jnp.float32) * s_in
    Wse1 = jax.random.normal(ks[8], (SE_DIM, IN_DIM), dtype=jnp.float32) * s_in
    bse1 = jax.random.normal(ks[9], (SE_DIM,), dtype=jnp.float32) * s_in
    Wse2 = jax.random.normal(ks[10], (1, SE_DIM), dtype=jnp.float32) * s_se
    bse2 = jax.random.normal(ks[11], (1,), dtype=jnp.float32) * s_se
    return {"z": z, "edge_index": edge_index, "Wq": Wq, "bq": bq, "Wk": Wk, "bk": bk, "Wv": Wv, "bv": bv, "Wse1": Wse1, "bse1": bse1, "Wse2": Wse2, "bse2": bse2}


def _seg_softmax(e, seg, num):
    m = jax.ops.segment_max(e, seg, num_segments=num)
    m = jnp.where(jnp.isfinite(m), m, 0.0)
    m = jax.lax.stop_gradient(m)
    ex = jnp.exp(e - m[seg])
    s = jax.ops.segment_sum(ex, seg, num_segments=num)
    return ex / (s[seg] + 1e-20)


def reference(z, edge_index, Wq, bq, Wk, bk, Wv, bv, Wse1, bse1, Wse2, bse2):
    src = edge_index[0]
    dst = edge_index[1]
    zs = z[src]
    zd = z[dst]
    # edge_attention
    k2 = jnp.maximum(zs @ Wse1.T + bse1, 0.0) @ Wse2.T + bse2  # [E, 1]
    k = zs @ Wk.T + bk  # [E, OUT]
    q = zd @ Wq.T + bq  # [E, OUT]
    e = jnp.sum(k * q, axis=-1, keepdims=True) * TAU  # [E, 1]
    # reduce (eval mode: out_weight = alpha, KL = 0)
    p = _seg_softmax(k2, dst, N)  # prior path, computed as in original
    alpha = _seg_softmax(e, dst, N)  # [E, 1]
    v = zs @ Wv.T + bv  # [E, OUT]
    h = jax.ops.segment_sum(alpha * v, dst, num_segments=N)  # [N, OUT]
    return h, alpha[:, 0]

if __name__ == "__main__":
    import jax
    _d = setup_inputs()
    print(jax.jit(kernel)(*tuple(_d.values())))

</pallas_src>

<mosaic_0001>
#map = affine_map<(d0, d1) -> (0, 0)>
#map1 = affine_map<(d0, d1) -> (0)>
#map2 = affine_map<(d0, d1) -> (0, 0, 0)>
module attributes {stable_mosaic.version = 14 : i64} {
  func.func @_edge_body(%arg0: i32, %arg1: i32, %arg2: memref<10000x128xf32, #tpu.memory_space<hbm>>, %arg3: memref<10000x128xf32, #tpu.memory_space<hbm>>, %arg4: memref<10000x128xf32, #tpu.memory_space<hbm>>, %arg5: memref<320000xi32, #tpu.memory_space<hbm>>, %arg6: memref<320000xi32, #tpu.memory_space<hbm>>, %arg7: memref<2x10240x128xf32, #tpu.memory_space<hbm>>, %arg8: memref<2x10240xf32, #tpu.memory_space<hbm>>, %arg9: memref<320000xf32, #tpu.memory_space<hbm>>, %arg10: memref<80xi32, #tpu.memory_space<vmem>>, %arg11: memref<80xi32, #tpu.memory_space<vmem>>, %arg12: memref<80xi32, #tpu.memory_space<vmem>>, %arg13: memref<80xi32, #tpu.memory_space<vmem>>, %arg14: memref<80x128xf32, #tpu.memory_space<vmem>>, %arg15: memref<80x128xf32, #tpu.memory_space<vmem>>, %arg16: memref<80x128xf32, #tpu.memory_space<vmem>>, %arg17: memref<80x128xf32, #tpu.memory_space<vmem>>, %arg18: memref<80xf32, #tpu.memory_space<vmem>>, %arg19: memref<80xf32, #tpu.memory_space<vmem>>, %arg20: memref<640xf32, #tpu.memory_space<vmem>>, %arg21: memref<10240x128xf32, #tpu.memory_space<vmem_shared>>, %arg22: memref<10240xf32, #tpu.memory_space<vmem_shared>>, %arg23: memref<!tpu.dma_semaphore, #tpu.memory_space<semaphore_mem>>, %arg24: memref<!tpu.dma_semaphore, #tpu.memory_space<semaphore_mem>>, %arg25: memref<!tpu.dma_semaphore, #tpu.memory_space<semaphore_mem>>, %arg26: memref<!tpu.dma_semaphore, #tpu.memory_space<semaphore_mem>>) attributes {dimension_semantics = [#tpu.dimension_semantics<core_parallel>, #tpu.dimension_semantics<subcore_parallel>], iteration_bounds = array<i64: 2, 16>, scalar_prefetch = 0 : i64, scratch_operands = 17 : i64, tpu.core_type = #tpu.core_type<sc_vector_subcore>, window_params = [{transform_indices = #map}, {transform_indices = #map}, {transform_indices = #map}, {transform_indices = #map1}, {transform_indices = #map1}, {transform_indices = #map2}, {transform_indices = #map}, {transform_indices = #map1}]} {
    %mul3A = arith.constant 2 : i32
    %mul3A_0 = arith.muli %arg1, %mul3A : i32
    %add3A = arith.addi %mul3A_0, %arg0 : i32
    %broadcast_in_dim3A = arith.constant 0.000000e+00 : f32
    %broadcast_in_dim3A_1 = vector.broadcast %broadcast_in_dim3A : f32 to vector<16xf32>
    %iota3A = tpu.iota {dimensions = array<i32: 0>} : vector<16xi32>
    %scan3A = arith.constant 0 : i32
    %scan3A_2 = arith.constant 0 : i32
    %scan3A_3 = arith.constant 80 : i32
    %scan3A_4 = arith.addi %scan3A_2, %scan3A_3 : i32
    %scan3A_5 = arith.constant 1 : i32
    %scan3A_6 = scf.for %scan3A_93 = %scan3A_2 to %scan3A_4 step %scan3A_5 iter_args(%scan3A_94 = %scan3A) -> (i32)  : i32 {
      %swap3A = arith.index_cast %scan3A_93 : i32 to index
      %swap3A_95 = arith.constant 0 : index
      %swap3A_96 = tpu.vector_load %arg16[%swap3A, %swap3A_95] {strides = array<i32>} : memref<80x128xf32, #tpu.memory_space<vmem>>, vector<1x16xf32>,
      %swap3A_97 = vector.shape_cast %swap3A_96 : vector<1x16xf32> to vector<16xf32>
      %swap3A_98 = vector.shape_cast %broadcast_in_dim3A_1 : vector<16xf32> to vector<1x16xf32>
      tpu.vector_store %arg16[%swap3A, %swap3A_95], %swap3A_98 {strides = array<i32>} : memref<80x128xf32, #tpu.memory_space<vmem>>, vector<1x16xf32>,
      %swap3A_99 = arith.index_cast %scan3A_93 : i32 to index
      %swap3A_100 = arith.constant 16 : index
      %swap3A_101 = tpu.vector_load %arg16[%swap3A_99, %swap3A_100] {strides = array<i32>} : memref<80x128xf32, #tpu.memory_space<vmem>>, vector<1x16xf32>,
      %swap3A_102 = vector.shape_cast %swap3A_101 : vector<1x16xf32> to vector<16xf32>
      %swap3A_103 = vector.shape_cast %broadcast_in_dim3A_1 : vector<16xf32> to vector<1x16xf32>
      tpu.vector_store %arg16[%swap3A_99, %swap3A_100], %swap3A_103 {strides = array<i32>} : memref<80x128xf32, #tpu.memory_space<vmem>>, vector<1x16xf32>,
      %swap3A_104 = arith.index_cast %scan3A_93 : i32 to index
      %swap3A_105 = arith.constant 32 : index
      %swap3A_106 = tpu.vector_load %arg16[%swap3A_104, %swap3A_105] {strides = array<i32>} : memref<80x128xf32, #tpu.memory_space<vmem>>, vector<1x16xf32>,
      %swap3A_107 = vector.shape_cast %swap3A_106 : vector<1x16xf32> to vector<16xf32>
      %swap3A_108 = vector.shape_cast %broadcast_in_dim3A_1 : vector<16xf32> to vector<1x16xf32>
      tpu.vector_store %arg16[%swap3A_104, %swap3A_105], %swap3A_108 {strides = array<i32>} : memref<80x128xf32, #tpu.memory_space<vmem>>, vector<1x16xf32>,
      %swap3A_109 = arith.index_cast %scan3A_93 : i32 to index
      %swap3A_110 = arith.constant 48 : index
      %swap3A_111 = tpu.vector_load %arg16[%swap3A_109, %swap3A_110] {strides = array<i32>} : memref<80x128xf32, #tpu.memory_space<vmem>>, vector<1x16xf32>,
      %swap3A_112 = vector.shape_cast %swap3A_111 : vector<1x16xf32> to vector<16xf32>
      %swap3A_113 = vector.shape_cast %broadcast_in_dim3A_1 : vector<16xf32> to vector<1x16xf32>
      tpu.vector_store %arg16[%swap3A_109, %swap3A_110], %swap3A_113 {strides = array<i32>} : memref<80x128xf32, #tpu.memory_space<vmem>>, vector<1x16xf32>,
      %swap3A_114 = arith.index_cast %scan3A_93 : i32 to index
      %swap3A_115 = arith.constant 64 : index
      %swap3A_116 = tpu.vector_load %arg16[%swap3A_114, %swap3A_115] {strides = array<i32>} : memref<80x128xf32, #tpu.memory_space<vmem>>, vector<1x16xf32>,
      %swap3A_117 = vector.shape_cast %swap3A_116 : vector<1x16xf32> to vector<16xf32>
      %swap3A_118 = vector.shape_cast %broadcast_in_dim3A_1 : vector<16xf32> to vector<1x16xf32>
      tpu.vector_store %arg16[%swap3A_114, %swap3A_115], %swap3A_118 {strides = array<i32>} : memref<80x128xf32, #tpu.memory_space<vmem>>, vector<1x16xf32>,
      %swap3A_119 = arith.index_cast %scan3A_93 : i32 to index
      %swap3A_120 = arith.constant 80 : index
      %swap3A_121 = tpu.vector_load %arg16[%swap3A_119, %swap3A_120] {strides = array<i32>} : memref<80x128xf32, #tpu.memory_space<vmem>>, vector<1x16xf32>,
      %swap3A_122 = vector.shape_cast %swap3A_121 : vector<1x16xf32> to vector<16xf32>
      %swap3A_123 = vector.shape_cast %broadcast_in_dim3A_1 : vector<16xf32> to vector<1x16xf32>
      tpu.vector_store %arg16[%swap3A_119, %swap3A_120], %swap3A_123 {strides = array<i32>} : memref<80x128xf32, #tpu.memory_space<vmem>>, vector<1x16xf32>,
      %swap3A_124 = arith.index_cast %scan3A_93 : i32 to index
      %swap3A_125 = arith.constant 96 : index
      %swap3A_126 = tpu.vector_load %arg16[%swap3A_124, %swap3A_125] {strides = array<i32>} : memref<80x128xf32, #tpu.memory_space<vmem>>, vector<1x16xf32>,
      %swap3A_127 = vector.shape_cast %swap3A_126 : vector<1x16xf32> to vector<16xf32>
      %swap3A_128 = vector.shape_cast %broadcast_in_dim3A_1 : vector<16xf32> to vector<1x16xf32>
      tpu.vector_store %arg16[%swap3A_124, %swap3A_125], %swap3A_128 {strides = array<i32>} : memref<80x128xf32, #tpu.memory_space<vmem>>, vector<1x16xf32>,
      %swap3A_129 = arith.index_cast %scan3A_93 : i32 to index
      %swap3A_130 = arith.constant 112 : index
      %swap3A_131 = tpu.vector_load %arg16[%swap3A_129, %swap3A_130] {strides = array<i32>} : memref<80x128xf32, #tpu.memory_space<vmem>>, vector<1x16xf32>,
      %swap3A_132 = vector.shape_cast %swap3A_131 : vector<1x16xf32> to vector<16xf32>
      %swap3A_133 = vector.shape_cast %broadcast_in_dim3A_1 : vector<16xf32> to vector<1x16xf32>
      tpu.vector_store %arg16[%swap3A_129, %swap3A_130], %swap3A_133 {strides = array<i32>} : memref<80x128xf32, #tpu.memory_space<vmem>>, vector<1x16xf32>,
      %scan3A_134 = arith.constant 0 : i32
      scf.yield %scan3A_134 : i32
    }
    %scan3A_7 = arith.constant 80 : i32
    %scan3A_8 = arith.constant 0 : i32
    %scan3A_9 = arith.constant 0 : i32
    %scan3A_10 = arith.constant 40 : i32
    %scan3A_11 = arith.addi %scan3A_9, %scan3A_10 : i32
    %scan3A_12 = arith.constant 1 : i32
    %scan3A_13 = scf.for %scan3A_93 = %scan3A_9 to %scan3A_11 step %scan3A_12 iter_args(%scan3A_94 = %scan3A_8) -> (i32)  : i32 {
      %mul3A_95 = arith.constant 16 : i32
      %mul3A_96 = arith.muli %scan3A_93, %mul3A_95 : i32
      %swap3A = arith.index_cast %mul3A_96 : i32 to index
      %swap3A_97 = tpu.vector_load %arg20[%swap3A] {strides = array<i32>} : memref<640xf32, #tpu.memory_space<vmem>>, vector<16xf32>,
      %swap3A_98 = vector.shape_cast %swap3A_97 : vector<16xf32> to vector<16xf32>
      %swap3A_99 = vector.shape_cast %broadcast_in_dim3A_1 : vector<16xf32> to vector<16xf32>
      tpu.vector_store %arg20[%swap3A], %swap3A_99 {strides = array<i32>} : memref<640xf32, #tpu.memory_space<vmem>>, vector<16xf32>,
      %scan3A_100 = arith.constant 0 : i32
      scf.yield %scan3A_100 : i32
    }
    %scan3A_14 = arith.constant 40 : i32
    %mul3A_15 = arith.constant 640 : i32
    %mul3A_16 = arith.muli %arg1, %mul3A_15 : i32
    %add3A_17 = arith.constant 0 : i32
    %add3A_18 = arith.addi %mul3A_16, %add3A_17 : i32
    "tpu.region"() ({
      %run_scoped3A = tpu.sem_alloc : memref<!tpu.dma_semaphore, #tpu.memory_space<semaphore_mem>>
      %dma_start3A_93 = arith.constant 0 : i32
      %dma_start3A_94 = tpu.memref_slice %arg21[%add3A_18, %dma_start3A_93] : memref<10240x128xf32, #tpu.memory_space<vmem_shared>> -> memref<80x128xf32, #tpu.memory_space<vmem_shared>>
      %dma_start3A_95 = arith.constant 0 : i32
      %dma_start3A_96 = tpu.memref_slice %arg21[%add3A_18, %dma_start3A_95] : memref<10240x128xf32, #tpu.memory_space<vmem_shared>> -> memref<80x128xf32, #tpu.memory_space<vmem_shared>>
      tpu.enqueue_dma source(%arg16 : memref<80x128xf32, #tpu.memory_space<vmem>>) target(%dma_start3A_96 : memref<80x128xf32, #tpu.memory_space<vmem_shared>>) target_semaphore(%run_scoped3A : memref<!tpu.dma_semaphore, #tpu.memory_space<semaphore_mem>>)
      %dma_wait3A_97 = arith.constant 0 : i32
      %dma_wait3A_98 = tpu.memref_slice %arg21[%add3A_18, %dma_wait3A_97] : memref<10240x128xf32, #tpu.memory_space<vmem_shared>> -> memref<80x128xf32, #tpu.memory_space<vmem_shared>>
      %dma_wait3A_99 = arith.constant 0 : i32
      %dma_wait3A_100 = tpu.memref_slice %arg21[%add3A_18, %dma_wait3A_99] : memref<10240x128xf32, #tpu.memory_space<vmem_shared>> -> memref<80x128xf32, #tpu.memory_space<vmem_shared>>
      tpu.wait_dma2 semaphore(%run_scoped3A : memref<!tpu.dma_semaphore, #tpu.memory_space<semaphore_mem>>) src(%arg16 : memref<80x128xf32, #tpu.memory_space<vmem>>) dst(%dma_wait3A_100 : memref<80x128xf32, #tpu.memory_space<vmem_shared>>)
      tpu.yield
    }) : () -> ()
    %add3A_19 = arith.constant 80 : i32
    %add3A_20 = arith.addi %mul3A_16, %add3A_19 : i32
    "tpu.region"() ({
      %run_scoped3A = tpu.sem_alloc : memref<!tpu.dma_semaphore, #tpu.memory_space<semaphore_mem>>
      %dma_start3A_93 = arith.constant 0 : i32
      %dma_start3A_94 = tpu.memref_slice %arg21[%add3A_20, %dma_start3A_93] : memref<10240x128xf32, #tpu.memory_space<vmem_shared>> -> memref<80x128xf32, #tpu.memory_space<vmem_shared>>
      %dma_start3A_95 = arith.constant 0 : i32
      %dma_start3A_96 = tpu.memref_slice %arg21[%add3A_20, %dma_start3A_95] : memref<10240x128xf32, #tpu.memory_space<vmem_shared>> -> memref<80x128xf32, #tpu.memory_space<vmem_shared>>
      tpu.enqueue_dma source(%arg16 : memref<80x128xf32, #tpu.memory_space<vmem>>) target(%dma_start3A_96 : memref<80x128xf32, #tpu.memory_space<vmem_shared>>) target_semaphore(%run_scoped3A : memref<!tpu.dma_semaphore, #tpu.memory_space<semaphore_mem>>)
      %dma_wait3A_97 = arith.constant 0 : i32
      %dma_wait3A_98 = tpu.memref_slice %arg21[%add3A_20, %dma_wait3A_97] : memref<10240x128xf32, #tpu.memory_space<vmem_shared>> -> memref<80x128xf32, #tpu.memory_space<vmem_shared>>
      %dma_wait3A_99 = arith.constant 0 : i32
      %dma_wait3A_100 = tpu.memref_slice %arg21[%add3A_20, %dma_wait3A_99] : memref<10240x128xf32, #tpu.memory_space<vmem_shared>> -> memref<80x128xf32, #tpu.memory_space<vmem_shared>>
      tpu.wait_dma2 semaphore(%run_scoped3A : memref<!tpu.dma_semaphore, #tpu.memory_space<semaphore_mem>>) src(%arg16 : memref<80x128xf32, #tpu.memory_space<vmem>>) dst(%dma_wait3A_100 : memref<80x128xf32, #tpu.memory_space<vmem_shared>>)
      tpu.yield
    }) : () -> ()
    %add3A_21 = arith.constant 160 : i32
    %add3A_22 = arith.addi %mul3A_16, %add3A_21 : i32
    "tpu.region"() ({
      %run_scoped3A = tpu.sem_alloc : memref<!tpu.dma_semaphore, #tpu.memory_space<semaphore_mem>>
      %dma_start3A_93 = arith.constant 0 : i32
      %dma_start3A_94 = tpu.memref_slice %arg21[%add3A_22, %dma_start3A_93] : memref<10240x128xf32, #tpu.memory_space<vmem_shared>> -> memref<80x128xf32, #tpu.memory_space<vmem_shared>>
      %dma_start3A_95 = arith.constant 0 : i32
      %dma_start3A_96 = tpu.memref_slice %arg21[%add3A_22, %dma_start3A_95] : memref<10240x128xf32, #tpu.memory_space<vmem_shared>> -> memref<80x128xf32, #tpu.memory_space<vmem_shared>>
      tpu.enqueue_dma source(%arg16 : memref<80x128xf32, #tpu.memory_space<vmem>>) target(%dma_start3A_96 : memref<80x128xf32, #tpu.memory_space<vmem_shared>>) target_semaphore(%run_scoped3A : memref<!tpu.dma_semaphore, #tpu.memory_space<semaphore_mem>>)
      %dma_wait3A_97 = arith.constant 0 : i32
      %dma_wait3A_98 = tpu.memref_slice %arg21[%add3A_22, %dma_wait3A_97] : memref<10240x128xf32, #tpu.memory_space<vmem_shared>> -> memref<80x128xf32, #tpu.memory_space<vmem_shared>>
      %dma_wait3A_99 = arith.constant 0 : i32
      %dma_wait3A_100 = tpu.memref_slice %arg21[%add3A_22, %dma_wait3A_99] : memref<10240x128xf32, #tpu.memory_space<vmem_shared>> -> memref<80x128xf32, #tpu.memory_space<vmem_shared>>
      tpu.wait_dma2 semaphore(%run_scoped3A : memref<!tpu.dma_semaphore, #tpu.memory_space<semaphore_mem>>) src(%arg16 : memref<80x128xf32, #tpu.memory_space<vmem>>) dst(%dma_wait3A_100 : memref<80x128xf32, #tpu.memory_space<vmem_shared>>)
      tpu.yield
    }) : () -> ()
    %add3A_23 = arith.constant 240 : i32
    %add3A_24 = arith.addi %mul3A_16, %add3A_23 : i32
    "tpu.region"() ({
      %run_scoped3A = tpu.sem_alloc : memref<!tpu.dma_semaphore, #tpu.memory_space<semaphore_mem>>
      %dma_start3A_93 = arith.constant 0 : i32
      %dma_start3A_94 = tpu.memref_slice %arg21[%add3A_24, %dma_start3A_93] : memref<10240x128xf32, #tpu.memory_space<vmem_shared>> -> memref<80x128xf32, #tpu.memory_space<vmem_shared>>
      %dma_start3A_95 = arith.constant 0 : i32
      %dma_start3A_96 = tpu.memref_slice %arg21[%add3A_24, %dma_start3A_95] : memref<10240x128xf32, #tpu.memory_space<vmem_shared>> -> memref<80x128xf32, #tpu.memory_space<vmem_shared>>
      tpu.enqueue_dma source(%arg16 : memref<80x128xf32, #tpu.memory_space<vmem>>) target(%dma_start3A_96 : memref<80x128xf32, #tpu.memory_space<vmem_shared>>) target_semaphore(%run_scoped3A : memref<!tpu.dma_semaphore, #tpu.memory_space<semaphore_mem>>)
      %dma_wait3A_97 = arith.constant 0 : i32
      %dma_wait3A_98 = tpu.memref_slice %arg21[%add3A_24, %dma_wait3A_97] : memref<10240x128xf32, #tpu.memory_space<vmem_shared>> -> memref<80x128xf32, #tpu.memory_space<vmem_shared>>
      %dma_wait3A_99 = arith.constant 0 : i32
      %dma_wait3A_100 = tpu.memref_slice %arg21[%add3A_24, %dma_wait3A_99] : memref<10240x128xf32, #tpu.memory_space<vmem_shared>> -> memref<80x128xf32, #tpu.memory_space<vmem_shared>>
      tpu.wait_dma2 semaphore(%run_scoped3A : memref<!tpu.dma_semaphore, #tpu.memory_space<semaphore_mem>>) src(%arg16 : memref<80x128xf32, #tpu.memory_space<vmem>>) dst(%dma_wait3A_100 : memref<80x128xf32, #tpu.memory_space<vmem_shared>>)
      tpu.yield
    }) : () -> ()
    %add3A_25 = arith.constant 320 : i32
    %add3A_26 = arith.addi %mul3A_16, %add3A_25 : i32
    "tpu.region"() ({
      %run_scoped3A = tpu.sem_alloc : memref<!tpu.dma_semaphore, #tpu.memory_space<semaphore_mem>>
      %dma_start3A_93 = arith.constant 0 : i32
      %dma_start3A_94 = tpu.memref_slice %arg21[%add3A_26, %dma_start3A_93] : memref<10240x128xf32, #tpu.memory_space<vmem_shared>> -> memref<80x128xf32, #tpu.memory_space<vmem_shared>>
      %dma_start3A_95 = arith.constant 0 : i32
      %dma_start3A_96 = tpu.memref_slice %arg21[%add3A_26, %dma_start3A_95] : memref<10240x128xf32, #tpu.memory_space<vmem_shared>> -> memref<80x128xf32, #tpu.memory_space<vmem_shared>>
      tpu.enqueue_dma source(%arg16 : memref<80x128xf32, #tpu.memory_space<vmem>>) target(%dma_start3A_96 : memref<80x128xf32, #tpu.memory_space<vmem_shared>>) target_semaphore(%run_scoped3A : memref<!tpu.dma_semaphore, #tpu.memory_space<semaphore_mem>>)
      %dma_wait3A_97 = arith.constant 0 : i32
      %dma_wait3A_98 = tpu.memref_slice %arg21[%add3A_26, %dma_wait3A_97] : memref<10240x128xf32, #tpu.memory_space<vmem_shared>> -> memref<80x128xf32, #tpu.memory_space<vmem_shared>>
      %dma_wait3A_99 = arith.constant 0 : i32
      %dma_wait3A_100 = tpu.memref_slice %arg21[%add3A_26, %dma_wait3A_99] : memref<10240x128xf32, #tpu.memory_space<vmem_shared>> -> memref<80x128xf32, #tpu.memory_space<vmem_shared>>
      tpu.wait_dma2 semaphore(%run_scoped3A : memref<!tpu.dma_semaphore, #tpu.memory_space<semaphore_mem>>) src(%arg16 : memref<80x128xf32, #tpu.memory_space<vmem>>) dst(%dma_wait3A_100 : memref<80x128xf32, #tpu.memory_space<vmem_shared>>)
      tpu.yield
    }) : () -> ()
    %add3A_27 = arith.constant 400 : i32
    %add3A_28 = arith.addi %mul3A_16, %add3A_27 : i32
    "tpu.region"() ({
      %run_scoped3A = tpu.sem_alloc : memref<!tpu.dma_semaphore, #tpu.memory_space<semaphore_mem>>
      %dma_start3A_93 = arith.constant 0 : i32
      %dma_start3A_94 = tpu.memref_slice %arg21[%add3A_28, %dma_start3A_93] : memref<10240x128xf32, #tpu.memory_space<vmem_shared>> -> memref<80x128xf32, #tpu.memory_space<vmem_shared>>
      %dma_start3A_95 = arith.constant 0 : i32
      %dma_start3A_96 = tpu.memref_slice %arg21[%add3A_28, %dma_start3A_95] : memref<10240x128xf32, #tpu.memory_space<vmem_shared>> -> memref<80x128xf32, #tpu.memory_space<vmem_shared>>
      tpu.enqueue_dma source(%arg16 : memref<80x128xf32, #tpu.memory_space<vmem>>) target(%dma_start3A_96 : memref<80x128xf32, #tpu.memory_space<vmem_shared>>) target_semaphore(%run_scoped3A : memref<!tpu.dma_semaphore, #tpu.memory_space<semaphore_mem>>)
      %dma_wait3A_97 = arith.constant 0 : i32
      %dma_wait3A_98 = tpu.memref_slice %arg21[%add3A_28, %dma_wait3A_97] : memref<10240x128xf32, #tpu.memory_space<vmem_shared>> -> memref<80x128xf32, #tpu.memory_space<vmem_shared>>
      %dma_wait3A_99 = arith.constant 0 : i32
      %dma_wait3A_100 = tpu.memref_slice %arg21[%add3A_28, %dma_wait3A_99] : memref<10240x128xf32, #tpu.memory_space<vmem_shared>> -> memref<80x128xf32, #tpu.memory_space<vmem_shared>>
      tpu.wait_dma2 semaphore(%run_scoped3A : memref<!tpu.dma_semaphore, #tpu.memory_space<semaphore_mem>>) src(%arg16 : memref<80x128xf32, #tpu.memory_space<vmem>>) dst(%dma_wait3A_100 : memref<80x128xf32, #tpu.memory_space<vmem_shared>>)
      tpu.yield
    }) : () -> ()
    %add3A_29 = arith.constant 480 : i32
    %add3A_30 = arith.addi %mul3A_16, %add3A_29 : i32
    "tpu.region"() ({
      %run_scoped3A = tpu.sem_alloc : memref<!tpu.dma_semaphore, #tpu.memory_space<semaphore_mem>>
      %dma_start3A_93 = arith.constant 0 : i32
      %dma_start3A_94 = tpu.memref_slice %arg21[%add3A_30, %dma_start3A_93] : memref<10240x128xf32, #tpu.memory_space<vmem_shared>> -> memref<80x128xf32, #tpu.memory_space<vmem_shared>>
      %dma_start3A_95 = arith.constant 0 : i32
      %dma_start3A_96 = tpu.memref_slice %arg21[%add3A_30, %dma_start3A_95] : memref<10240x128xf32, #tpu.memory_space<vmem_shared>> -> memref<80x128xf32, #tpu.memory_space<vmem_shared>>
      tpu.enqueue_dma source(%arg16 : memref<80x128xf32, #tpu.memory_space<vmem>>) target(%dma_start3A_96 : memref<80x128xf32, #tpu.memory_space<vmem_shared>>) target_semaphore(%run_scoped3A : memref<!tpu.dma_semaphore, #tpu.memory_space<semaphore_mem>>)
      %dma_wait3A_97 = arith.constant 0 : i32
      %dma_wait3A_98 = tpu.memref_slice %arg21[%add3A_30, %dma_wait3A_97] : memref<10240x128xf32, #tpu.memory_space<vmem_shared>> -> memref<80x128xf32, #tpu.memory_space<vmem_shared>>
      %dma_wait3A_99 = arith.constant 0 : i32
      %dma_wait3A_100 = tpu.memref_slice %arg21[%add3A_30, %dma_wait3A_99] : memref<10240x128xf32, #tpu.memory_space<vmem_shared>> -> memref<80x128xf32, #tpu.memory_space<vmem_shared>>
      tpu.wait_dma2 semaphore(%run_scoped3A : memref<!tpu.dma_semaphore, #tpu.memory_space<semaphore_mem>>) src(%arg16 : memref<80x128xf32, #tpu.memory_space<vmem>>) dst(%dma_wait3A_100 : memref<80x128xf32, #tpu.memory_space<vmem_shared>>)
      tpu.yield
    }) : () -> ()
    %add3A_31 = arith.constant 560 : i32
    %add3A_32 = arith.addi %mul3A_16, %add3A_31 : i32
    "tpu.region"() ({
      %run_scoped3A = tpu.sem_alloc : memref<!tpu.dma_semaphore, #tpu.memory_space<semaphore_mem>>
      %dma_start3A_93 = arith.constant 0 : i32
      %dma_start3A_94 = tpu.memref_slice %arg21[%add3A_32, %dma_start3A_93] : memref<10240x128xf32, #tpu.memory_space<vmem_shared>> -> memref<80x128xf32, #tpu.memory_space<vmem_shared>>
      %dma_start3A_95 = arith.constant 0 : i32
      %dma_start3A_96 = tpu.memref_slice %arg21[%add3A_32, %dma_start3A_95] : memref<10240x128xf32, #tpu.memory_space<vmem_shared>> -> memref<80x128xf32, #tpu.memory_space<vmem_shared>>
      tpu.enqueue_dma source(%arg16 : memref<80x128xf32, #tpu.memory_space<vmem>>) target(%dma_start3A_96 : memref<80x128xf32, #tpu.memory_space<vmem_shared>>) target_semaphore(%run_scoped3A : memref<!tpu.dma_semaphore, #tpu.memory_space<semaphore_mem>>)
      %dma_wait3A_97 = arith.constant 0 : i32
      %dma_wait3A_98 = tpu.memref_slice %arg21[%add3A_32, %dma_wait3A_97] : memref<10240x128xf32, #tpu.memory_space<vmem_shared>> -> memref<80x128xf32, #tpu.memory_space<vmem_shared>>
      %dma_wait3A_99 = arith.constant 0 : i32
      %dma_wait3A_100 = tpu.memref_slice %arg21[%add3A_32, %dma_wait3A_99] : memref<10240x128xf32, #tpu.memory_space<vmem_shared>> -> memref<80x128xf32, #tpu.memory_space<vmem_shared>>
      tpu.wait_dma2 semaphore(%run_scoped3A : memref<!tpu.dma_semaphore, #tpu.memory_space<semaphore_mem>>) src(%arg16 : memref<80x128xf32, #tpu.memory_space<vmem>>) dst(%dma_wait3A_100 : memref<80x128xf32, #tpu.memory_space<vmem_shared>>)
      tpu.yield
    }) : () -> ()
    "tpu.region"() ({
      %run_scoped3A = tpu.sem_alloc : memref<!tpu.dma_semaphore, #tpu.memory_space<semaphore_mem>>
      %dma_start3A_93 = tpu.memref_slice %arg22[%mul3A_16] : memref<10240xf32, #tpu.memory_space<vmem_shared>> -> memref<640xf32, #tpu.memory_space<vmem_shared>>
      %dma_start3A_94 = tpu.memref_slice %arg22[%mul3A_16] : memref<10240xf32, #tpu.memory_space<vmem_shared>> -> memref<640xf32, #tpu.memory_space<vmem_shared>>
      tpu.enqueue_dma source(%arg20 : memref<640xf32, #tpu.memory_space<vmem>>) target(%dma_start3A_94 : memref<640xf32, #tpu.memory_space<vmem_shared>>) target_semaphore(%run_scoped3A : memref<!tpu.dma_semaphore, #tpu.memory_space<semaphore_mem>>)
      %dma_wait3A_95 = tpu.memref_slice %arg22[%mul3A_16] : memref<10240xf32, #tpu.memory_space<vmem_shared>> -> memref<640xf32, #tpu.memory_space<vmem_shared>>
      %dma_wait3A_96 = tpu.memref_slice %arg22[%mul3A_16] : memref<10240xf32, #tpu.memory_space<vmem_shared>> -> memref<640xf32, #tpu.memory_space<vmem_shared>>
      tpu.wait_dma2 semaphore(%run_scoped3A : memref<!tpu.dma_semaphore, #tpu.memory_space<semaphore_mem>>) src(%arg20 : memref<640xf32, #tpu.memory_space<vmem>>) dst(%dma_wait3A_96 : memref<640xf32, #tpu.memory_space<vmem_shared>>)
      tpu.yield
    }) : () -> ()
    %barrier3A = arith.constant 0 : index
    tpu.barrier barrier_id(%barrier3A)
    %mul3A_33 = arith.constant 10000 : i32
    %mul3A_34 = arith.muli %add3A, %mul3A_33 : i32
    %scan3A_35 = arith.constant 0 : i32
    %scan3A_36 = arith.constant 0 : i32
    %scan3A_37 = arith.constant 62 : i32
    %scan3A_38 = arith.addi %scan3A_36, %scan3A_37 : i32
    %scan3A_39 = arith.constant 1 : i32
    %scan3A_40 = scf.for %scan3A_93 = %scan3A_36 to %scan3A_38 step %scan3A_39 iter_args(%scan3A_94 = %scan3A_35) -> (i32)  : i32 {
      %mul3A_95 = arith.constant 2 : i32
      %mul3A_96 = arith.muli %scan3A_93, %mul3A_95 : i32
      %mul3A_97 = arith.constant 80 : i32
      %mul3A_98 = arith.muli %mul3A_96, %mul3A_97 : i32
      %add3A_99 = arith.addi %mul3A_34, %mul3A_98 : i32
      "tpu.region"() ({
        %run_scoped3A = tpu.sem_alloc : memref<!tpu.dma_semaphore, #tpu.memory_space<semaphore_mem>>
        %dma_start3A_186 = tpu.memref_slice %arg5[%add3A_99] : memref<320000xi32, #tpu.memory_space<hbm>> -> memref<80xi32, #tpu.memory_space<hbm>>
        %dma_start3A_187 = tpu.memref_slice %arg5[%add3A_99] : memref<320000xi32, #tpu.memory_space<hbm>> -> memref<80xi32, #tpu.memory_space<hbm>>
        tpu.enqueue_dma source(%dma_start3A_187 : memref<80xi32, #tpu.memory_space<hbm>>) target(%arg10 : memref<80xi32, #tpu.memory_space<vmem>>) target_semaphore(%run_scoped3A : memref<!tpu.dma_semaphore, #tpu.memory_space<semaphore_mem>>)
        %dma_wait3A_188 = tpu.memref_slice %arg5[%add3A_99] : memref<320000xi32, #tpu.memory_space<hbm>> -> memref<80xi32, #tpu.memory_space<hbm>>
        %dma_wait3A_189 = tpu.memref_slice %arg5[%add3A_99] : memref<320000xi32, #tpu.memory_space<hbm>> -> memref<80xi32, #tpu.memory_space<hbm>>
        tpu.wait_dma2 semaphore(%run_scoped3A : memref<!tpu.dma_semaphore, #tpu.memory_space<semaphore_mem>>) src(%dma_wait3A_189 : memref<80xi32, #tpu.memory_space<hbm>>) dst(%arg10 : memref<80xi32, #tpu.memory_space<vmem>>)
        tpu.yield
      }) : () -> ()
      "tpu.region"() ({
        %run_scoped3A = tpu.sem_alloc : memref<!tpu.dma_semaphore, #tpu.memory_space<semaphore_mem>>
        %dma_start3A_186 = tpu.memref_slice %arg6[%add3A_99] : memref<320000xi32, #tpu.memory_space<hbm>> -> memref<80xi32, #tpu.memory_space<hbm>>
        %dma_start3A_187 = tpu.memref_slice %arg6[%add3A_99] : memref<320000xi32, #tpu.memory_space<hbm>> -> memref<80xi32, #tpu.memory_space<hbm>>
        tpu.enqueue_dma source(%dma_start3A_187 : memref<80xi32, #tpu.memory_space<hbm>>) target(%arg11 : memref<80xi32, #tpu.memory_space<vmem>>) target_semaphore(%run_scoped3A : memref<!tpu.dma_semaphore, #tpu.memory_space<semaphore_mem>>)
        %dma_wait3A_188 = tpu.memref_slice %arg6[%add3A_99] : memref<320000xi32, #tpu.memory_space<hbm>> -> memref<80xi32, #tpu.memory_space<hbm>>
        %dma_wait3A_189 = tpu.memref_slice %arg6[%add3A_99] : memref<320000xi32, #tpu.memory_space<hbm>> -> memref<80xi32, #tpu.memory_space<hbm>>
        tpu.wait_dma2 semaphore(%run_scoped3A : memref<!tpu.dma_semaphore, #tpu.memory_space<semaphore_mem>>) src(%dma_wait3A_189 : memref<80xi32, #tpu.memory_space<hbm>>) dst(%arg11 : memref<80xi32, #tpu.memory_space<vmem>>)
        tpu.yield
      }) : () -> ()
      %dma_start3A_100 = arith.constant 0 : i32
      %dma_start3A_101 = arith.constant 0 : i32
      %dma_start3A_102 = tpu.memref_slice %arg2[%dma_start3A_100, %dma_start3A_101] : memref<10000x128xf32, #tpu.memory_space<hbm>> -> memref<10000x128xf32, #tpu.memory_space<hbm>>
      tpu.enqueue_indirect_dma source(%dma_start3A_102 : memref<10000x128xf32, #tpu.memory_space<hbm>>) target(%arg14 : memref<80x128xf32, #tpu.memory_space<vmem>>) offsets(%arg10 : memref<80xi32, #tpu.memory_space<vmem>>) semaphore(%arg23 : memref<!tpu.dma_semaphore, #tpu.memory_space<semaphore_mem>>)
      %dma_start3A_103 = arith.constant 0 : i32
      %dma_start3A_104 = arith.constant 0 : i32
      %dma_start3A_105 = tpu.memref_slice %arg3[%dma_start3A_103, %dma_start3A_104] : memref<10000x128xf32, #tpu.memory_space<hbm>> -> memref<10000x128xf32, #tpu.memory_space<hbm>>
      tpu.enqueue_indirect_dma source(%dma_start3A_105 : memref<10000x128xf32, #tpu.memory_space<hbm>>) target(%arg15 : memref<80x128xf32, #tpu.memory_space<vmem>>) offsets(%arg11 : memref<80xi32, #tpu.memory_space<vmem>>) semaphore(%arg23 : memref<!tpu.dma_semaphore, #tpu.memory_space<semaphore_mem>>)
      %dma_start3A_106 = arith.constant 0 : i32
      %dma_start3A_107 = arith.constant 0 : i32
      %dma_start3A_108 = tpu.memref_slice %arg4[%dma_start3A_106, %dma_start3A_107] : memref<10000x128xf32, #tpu.memory_space<hbm>> -> memref<10000x128xf32, #tpu.memory_space<hbm>>
      tpu.enqueue_indirect_dma source(%dma_start3A_108 : memref<10000x128xf32, #tpu.memory_space<hbm>>) target(%arg16 : memref<80x128xf32, #tpu.memory_space<vmem>>) offsets(%arg10 : memref<80xi32, #tpu.memory_space<vmem>>) semaphore(%arg24 : memref<!tpu.dma_semaphore, #tpu.memory_space<semaphore_mem>>)
      %add3A_109 = arith.constant 1 : i32
      %add3A_110 = arith.addi %mul3A_96, %add3A_109 : i32
      %mul3A_111 = arith.constant 80 : i32
      %mul3A_112 = arith.muli %add3A_110, %mul3A_111 : i32
      %add3A_113 = arith.addi %mul3A_34, %mul3A_112 : i32
      %dma_start3A_114 = tpu.memref_slice %arg5[%add3A_113] : memref<320000xi32, #tpu.memory_space<hbm>> -> memref<80xi32, #tpu.memory_space<hbm>>
      %dma_start3A_115 = tpu.memref_slice %arg5[%add3A_113] : memref<320000xi32, #tpu.memory_space<hbm>> -> memref<80xi32, #tpu.memory_space<hbm>>
      tpu.enqueue_dma source(%dma_start3A_115 : memref<80xi32, #tpu.memory_space<hbm>>) target(%arg12 : memref<80xi32, #tpu.memory_space<vmem>>) target_semaphore(%arg26 : memref<!tpu.dma_semaphore, #tpu.memory_space<semaphore_mem>>)
      %dma_start3A_116 = tpu.memref_slice %arg6[%add3A_113] : memref<320000xi32, #tpu.memory_space<hbm>> -> memref<80xi32, #tpu.memory_space<hbm>>
      %dma_start3A_117 = tpu.memref_slice %arg6[%add3A_113] : memref<320000xi32, #tpu.memory_space<hbm>> -> memref<80xi32, #tpu.memory_space<hbm>>
      tpu.enqueue_dma source(%dma_start3A_117 : memref<80xi32, #tpu.memory_space<hbm>>) target(%arg13 : memref<80xi32, #tpu.memory_space<vmem>>) target_semaphore(%arg26 : memref<!tpu.dma_semaphore, #tpu.memory_space<semaphore_mem>>)
      %dma_wait3A_118 = tpu.memref_slice %arg5[%add3A_113] : memref<320000xi32, #tpu.memory_space<hbm>> -> memref<80xi32, #tpu.memory_space<hbm>>
      %dma_wait3A_119 = tpu.memref_slice %arg5[%add3A_113] : memref<320000xi32, #tpu.memory_space<hbm>> -> memref<80xi32, #tpu.memory_space<hbm>>
      tpu.wait_dma2 semaphore(%arg26 : memref<!tpu.dma_semaphore, #tpu.memory_space<semaphore_mem>>) src(%dma_wait3A_119 : memref<80xi32, #tpu.memory_space<hbm>>) dst(%arg12 : memref<80xi32, #tpu.memory_space<vmem>>)
      %dma_wait3A_120 = tpu.memref_slice %arg6[%add3A_113] : memref<320000xi32, #tpu.memory_space<hbm>> -> memref<80xi32, #tpu.memory_space<hbm>>
      %dma_wait3A_121 = tpu.memref_slice %arg6[%add3A_113] : memref<320000xi32, #tpu.memory_space<hbm>> -> memref<80xi32, #tpu.memory_space<hbm>>
      tpu.wait_dma2 semaphore(%arg26 : memref<!tpu.dma_semaphore, #tpu.memory_space<semaphore_mem>>) src(%dma_wait3A_121 : memref<80xi32, #tpu.memory_space<hbm>>) dst(%arg13 : memref<80xi32, #tpu.memory_space<vmem>>)
      %dma_start3A_122 = arith.constant 0 : i32
      %dma_start3A_123 = arith.constant 0 : i32
      %dma_start3A_124 = tpu.memref_slice %arg4[%dma_start3A_122, %dma_start3A_123] : memref<10000x128xf32, #tpu.memory_space<hbm>> -> memref<10000x128xf32, #tpu.memory_space<hbm>>
      tpu.enqueue_indirect_dma source(%dma_start3A_124 : memref<10000x128xf32, #tpu.memory_space<hbm>>) target(%arg17 : memref<80x128xf32, #tpu.memory_space<vmem>>) offsets(%arg12 : memref<80xi32, #tpu.memory_space<vmem>>) semaphore(%arg24 : memref<!tpu.dma_semaphore, #tpu.memory_space<semaphore_mem>>)
      %dma_wait3A_125 = arith.constant 0 : i32
      %dma_wait3A_126 = arith.constant 0 : i32
      %dma_wait3A_127 = tpu.memref_slice %arg2[%dma_wait3A_125, %dma_wait3A_126] : memref<10000x128xf32, #tpu.memory_space<hbm>> -> memref<10000x128xf32, #tpu.memory_space<hbm>>
      tpu.wait_indirect_dma semaphore(%arg23 : memref<!tpu.dma_semaphore, #tpu.memory_space<semaphore_mem>>) src(%dma_wait3A_127 : memref<10000x128xf32, #tpu.memory_space<hbm>>) dst(%arg14 : memref<80x128xf32, #tpu.memory_space<vmem>>)
      %dma_wait3A_128 = arith.constant 0 : i32
      %dma_wait3A_129 = arith.constant 0 : i32
      %dma_wait3A_130 = tpu.memref_slice %arg3[%dma_wait3A_128, %dma_wait3A_129] : memref<10000x128xf32, #tpu.memory_space<hbm>> -> memref<10000x128xf32, #tpu.memory_space<hbm>>
      tpu.wait_indirect_dma semaphore(%arg23 : memref<!tpu.dma_semaphore, #tpu.memory_space<semaphore_mem>>) src(%dma_wait3A_130 : memref<10000x128xf32, #tpu.memory_space<hbm>>) dst(%arg15 : memref<80x128xf32, #tpu.memory_space<vmem>>)
      %scan3A_131 = arith.constant 0 : i32
      %scan3A_132 = arith.constant 0 : i32
      %scan3A_133 = arith.constant 5 : i32
      %scan3A_134 = arith.addi %scan3A_132, %scan3A_133 : i32
      %scan3A_135 = arith.constant 1 : i32
      %scan3A_136 = scf.for %scan3A_186 = %scan3A_132 to %scan3A_134 step %scan3A_135 iter_args(%scan3A_187 = %scan3A_131) -> (i32)  : i32 {
        %mul3A_188 = arith.constant 16 : i32
        %mul3A_189 = arith.muli %scan3A_186, %mul3A_188 : i32
        %multiple_of3A = tpu.assume_multiple %mul3A_189, 16 : i32
        %scan3A_190 = arith.constant 0 : i32
        %scan3A_191 = arith.constant 16 : i32
        %scan3A_192 = arith.addi %scan3A_190, %scan3A_191 : i32
        %scan3A_193 = arith.constant 4 : i32
        %scan3A_194 = scf.for %scan3A_203 = %scan3A_190 to %scan3A_192 step %scan3A_193 iter_args(%scan3A_204 = %broadcast_in_dim3A_1) -> (vector<16xf32>)  : i32 {
          %add3A_205 = arith.addi %multiple_of3A, %scan3A_203 : i32
          %get3A = arith.index_cast %add3A_205 : i32 to index
          %get3A_206 = arith.constant 0 : index
          %get3A_207 = tpu.vector_load %arg14[%get3A, %get3A_206] {strides = array<i32>} : memref<80x128xf32, #tpu.memory_space<vmem>>, vector<1x16xf32>,
          %get3A_208 = vector.shape_cast %get3A_207 : vector<1x16xf32> to vector<16xf32>
          %get3A_209 = arith.index_cast %add3A_205 : i32 to index
          %get3A_210 = arith.constant 0 : index
          %get3A_211 = tpu.vector_load %arg15[%get3A_209, %get3A_210] {strides = array<i32>} : memref<80x128xf32, #tpu.memory_space<vmem>>, vector<1x16xf32>,
          %get3A_212 = vector.shape_cast %get3A_211 : vector<1x16xf32> to vector<16xf32>
          %mul3A_213 = arith.mulf %get3A_208, %get3A_212 : vector<16xf32>
          %get3A_214 = arith.index_cast %add3A_205 : i32 to index
          %get3A_215 = arith.constant 16 : index
          %get3A_216 = tpu.vector_load %arg14[%get3A_214, %get3A_215] {strides = array<i32>} : memref<80x128xf32, #tpu.memory_space<vmem>>, vector<1x16xf32>,
          %get3A_217 = vector.shape_cast %get3A_216 : vector<1x16xf32> to vector<16xf32>
          %get3A_218 = arith.index_cast %add3A_205 : i32 to index
          %get3A_219 = arith.constant 16 : index
          %get3A_220 = tpu.vector_load %arg15[%get3A_218, %get3A_219] {strides = array<i32>} : memref<80x128xf32, #tpu.memory_space<vmem>>, vector<1x16xf32>,
          %get3A_221 = vector.shape_cast %get3A_220 : vector<1x16xf32> to vector<16xf32>
          %mul3A_222 = arith.mulf %get3A_217, %get3A_221 : vector<16xf32>
          %add3A_223 = arith.addf %mul3A_213, %mul3A_222 : vector<16xf32>
          %get3A_224 = arith.index_cast %add3A_205 : i32 to index
          %get3A_225 = arith.constant 32 : index
          %get3A_226 = tpu.vector_load %arg14[%get3A_224, %get3A_225] {strides = array<i32>} : memref<80x128xf32, #tpu.memory_space<vmem>>, vector<1x16xf32>,
          %get3A_227 = vector.shape_cast %get3A_226 : vector<1x16xf32> to vector<16xf32>
          %get3A_228 = arith.index_cast %add3A_205 : i32 to index
          %get3A_229 = arith.constant 32 : index
          %get3A_230 = tpu.vector_load %arg15[%get3A_228, %get3A_229] {strides = array<i32>} : memref<80x128xf32, #tpu.memory_space<vmem>>, vector<1x16xf32>,
          %get3A_231 = vector.shape_cast %get3A_230 : vector<1x16xf32> to vector<16xf32>
          %mul3A_232 = arith.mulf %get3A_227, %get3A_231 : vector<16xf32>
          %add3A_233 = arith.addf %add3A_223, %mul3A_232 : vector<16xf32>
          %get3A_234 = arith.index_cast %add3A_205 : i32 to index
          %get3A_235 = arith.constant 48 : index
          %get3A_236 = tpu.vector_load %arg14[%get3A_234, %get3A_235] {strides = array<i32>} : memref<80x128xf32, #tpu.memory_space<vmem>>, vector<1x16xf32>,
          %get3A_237 = vector.shape_cast %get3A_236 : vector<1x16xf32> to vector<16xf32>
          %get3A_238 = arith.index_cast %add3A_205 : i32 to index
          %get3A_239 = arith.constant 48 : index
          %get3A_240 = tpu.vector_load %arg15[%get3A_238, %get3A_239] {strides = array<i32>} : memref<80x128xf32, #tpu.memory_space<vmem>>, vector<1x16xf32>,
          %get3A_241 = vector.shape_cast %get3A_240 : vector<1x16xf32> to vector<16xf32>
          %mul3A_242 = arith.mulf %get3A_237, %get3A_241 : vector<16xf32>
          %add3A_243 = arith.addf %add3A_233, %mul3A_242 : vector<16xf32>
          %get3A_244 = arith.index_cast %add3A_205 : i32 to index
          %get3A_245 = arith.constant 64 : index
          %get3A_246 = tpu.vector_load %arg14[%get3A_244, %get3A_245] {strides = array<i32>} : memref<80x128xf32, #tpu.memory_space<vmem>>, vector<1x16xf32>,
          %get3A_247 = vector.shape_cast %get3A_246 : vector<1x16xf32> to vector<16xf32>
          %get3A_248 = arith.index_cast %add3A_205 : i32 to index
          %get3A_249 = arith.constant 64 : index
          %get3A_250 = tpu.vector_load %arg15[%get3A_248, %get3A_249] {strides = array<i32>} : memref<80x128xf32, #tpu.memory_space<vmem>>, vector<1x16xf32>,
          %get3A_251 = vector.shape_cast %get3A_250 : vector<1x16xf32> to vector<16xf32>
          %mul3A_252 = arith.mulf %get3A_247, %get3A_251 : vector<16xf32>
          %add3A_253 = arith.addf %add3A_243, %mul3A_252 : vector<16xf32>
          %get3A_254 = arith.index_cast %add3A_205 : i32 to index
          %get3A_255 = arith.constant 80 : index
          %get3A_256 = tpu.vector_load %arg14[%get3A_254, %get3A_255] {strides = array<i32>} : memref<80x128xf32, #tpu.memory_space<vmem>>, vector<1x16xf32>,
          %get3A_257 = vector.shape_cast %get3A_256 : vector<1x16xf32> to vector<16xf32>
          %get3A_258 = arith.index_cast %add3A_205 : i32 to index
          %get3A_259 = arith.constant 80 : index
          %get3A_260 = tpu.vector_load %arg15[%get3A_258, %get3A_259] {strides = array<i32>} : memref<80x128xf32, #tpu.memory_space<vmem>>, vector<1x16xf32>,
          %get3A_261 = vector.shape_cast %get3A_260 : vector<1x16xf32> to vector<16xf32>
          %mul3A_262 = arith.mulf %get3A_257, %get3A_261 : vector<16xf32>
          %add3A_263 = arith.addf %add3A_253, %mul3A_262 : vector<16xf32>
          %get3A_264 = arith.index_cast %add3A_205 : i32 to index
          %get3A_265 = arith.constant 96 : index
          %get3A_266 = tpu.vector_load %arg14[%get3A_264, %get3A_265] {strides = array<i32>} : memref<80x128xf32, #tpu.memory_space<vmem>>, vector<1x16xf32>,
          %get3A_267 = vector.shape_cast %get3A_266 : vector<1x16xf32> to vector<16xf32>
          %get3A_268 = arith.index_cast %add3A_205 : i32 to index
          %get3A_269 = arith.constant 96 : index
          %get3A_270 = tpu.vector_load %arg15[%get3A_268, %get3A_269] {strides = array<i32>} : memref<80x128xf32, #tpu.memory_space<vmem>>, vector<1x16xf32>,
          %get3A_271 = vector.shape_cast %get3A_270 : vector<1x16xf32> to vector<16xf32>
          %mul3A_272 = arith.mulf %get3A_267, %get3A_271 : vector<16xf32>
          %add3A_273 = arith.addf %add3A_263, %mul3A_272 : vector<16xf32>
          %get3A_274 = arith.index_cast %add3A_205 : i32 to index
          %get3A_275 = arith.constant 112 : index
          %get3A_276 = tpu.vector_load %arg14[%get3A_274, %get3A_275] {strides = array<i32>} : memref<80x128xf32, #tpu.memory_space<vmem>>, vector<1x16xf32>,
          %get3A_277 = vector.shape_cast %get3A_276 : vector<1x16xf32> to vector<16xf32>
          %get3A_278 = arith.index_cast %add3A_205 : i32 to index
          %get3A_279 = arith.constant 112 : index
          %get3A_280 = tpu.vector_load %arg15[%get3A_278, %get3A_279] {strides = array<i32>} : memref<80x128xf32, #tpu.memory_space<vmem>>, vector<1x16xf32>,
          %get3A_281 = vector.shape_cast %get3A_280 : vector<1x16xf32> to vector<16xf32>
          %mul3A_282 = arith.mulf %get3A_277, %get3A_281 : vector<16xf32>
          %add3A_283 = arith.addf %add3A_273, %mul3A_282 : vector<16xf32>
          %xor3A = arith.constant 8 : i32
          %xor3A_284 = vector.broadcast %xor3A : i32 to vector<16xi32>
          %xor3A_285 = arith.xori %iota3A, %xor3A_284 : vector<16xi32>
          %lt3A = arith.constant 0 : i32
          %lt3A_286 = vector.broadcast %lt3A : i32 to vector<16xi32>
          %lt3A_287 = arith.cmpi slt, %xor3A_285, %lt3A_286 : vector<16xi32>
          %add3A_288 = arith.constant 16 : i32
          %add3A_289 = vector.broadcast %add3A_288 : i32 to vector<16xi32>
          %add3A_290 = arith.addi %xor3A_285, %add3A_289 : vector<16xi32>
          %select_n3A = arith.select %lt3A_287, %add3A_290, %xor3A_285 : vector<16xi1>, vector<16xi32>
          %broadcast_in_dim3A_291 = vector.shape_cast %select_n3A : vector<16xi32> to vector<16x1xi32>
          %gather3A = vector.shape_cast %broadcast_in_dim3A_291 : vector<16x1xi32> to vector<16xi32>
          %gather3A_292 = tpu.dynamic_gather %add3A_283[%gather3A] in [0] : vector<16xf32>, vector<16xi32> -> vector<16xf32>
          %add3A_293 = arith.addf %add3A_283, %gather3A_292 : vector<16xf32>
          %xor3A_294 = arith.constant 4 : i32
          %xor3A_295 = vector.broadcast %xor3A_294 : i32 to vector<16xi32>
          %xor3A_296 = arith.xori %iota3A, %xor3A_295 : vector<16xi32>
          %lt3A_297 = arith.constant 0 : i32
          %lt3A_298 = vector.broadcast %lt3A_297 : i32 to vector<16xi32>
          %lt3A_299 = arith.cmpi slt, %xor3A_296, %lt3A_298 : vector<16xi32>
          %add3A_300 = arith.constant 16 : i32
          %add3A_301 = vector.broadcast %add3A_300 : i32 to vector<16xi32>
          %add3A_302 = arith.addi %xor3A_296, %add3A_301 : vector<16xi32>
          %select_n3A_303 = arith.select %lt3A_299, %add3A_302, %xor3A_296 : vector<16xi1>, vector<16xi32>
          %broadcast_in_dim3A_304 = vector.shape_cast %select_n3A_303 : vector<16xi32> to vector<16x1xi32>
          %gather3A_305 = vector.shape_cast %broadcast_in_dim3A_304 : vector<16x1xi32> to vector<16xi32>
          %gather3A_306 = tpu.dynamic_gather %add3A_293[%gather3A_305] in [0] : vector<16xf32>, vector<16xi32> -> vector<16xf32>
          %add3A_307 = arith.addf %add3A_293, %gather3A_306 : vector<16xf32>
          %xor3A_308 = arith.constant 2 : i32
          %xor3A_309 = vector.broadcast %xor3A_308 : i32 to vector<16xi32>
          %xor3A_310 = arith.xori %iota3A, %xor3A_309 : vector<16xi32>
          %lt3A_311 = arith.constant 0 : i32
          %lt3A_312 = vector.broadcast %lt3A_311 : i32 to vector<16xi32>
          %lt3A_313 = arith.cmpi slt, %xor3A_310, %lt3A_312 : vector<16xi32>
          %add3A_314 = arith.constant 16 : i32
          %add3A_315 = vector.broadcast %add3A_314 : i32 to vector<16xi32>
          %add3A_316 = arith.addi %xor3A_310, %add3A_315 : vector<16xi32>
          %select_n3A_317 = arith.select %lt3A_313, %add3A_316, %xor3A_310 : vector<16xi1>, vector<16xi32>
          %broadcast_in_dim3A_318 = vector.shape_cast %select_n3A_317 : vector<16xi32> to vector<16x1xi32>
          %gather3A_319 = vector.shape_cast %broadcast_in_dim3A_318 : vector<16x1xi32> to vector<16xi32>
          %gather3A_320 = tpu.dynamic_gather %add3A_307[%gather3A_319] in [0] : vector<16xf32>, vector<16xi32> -> vector<16xf32>
          %add3A_321 = arith.addf %add3A_307, %gather3A_320 : vector<16xf32>
          %xor3A_322 = arith.constant 1 : i32
          %xor3A_323 = vector.broadcast %xor3A_322 : i32 to vector<16xi32>
          %xor3A_324 = arith.xori %iota3A, %xor3A_323 : vector<16xi32>
          %lt3A_325 = arith.constant 0 : i32
          %lt3A_326 = vector.broadcast %lt3A_325 : i32 to vector<16xi32>
          %lt3A_327 = arith.cmpi slt, %xor3A_324, %lt3A_326 : vector<16xi32>
          %add3A_328 = arith.constant 16 : i32
          %add3A_329 = vector.broadcast %add3A_328 : i32 to vector<16xi32>
          %add3A_330 = arith.addi %xor3A_324, %add3A_329 : vector<16xi32>
          %select_n3A_331 = arith.select %lt3A_327, %add3A_330, %xor3A_324 : vector<16xi1>, vector<16xi32>
          %broadcast_in_dim3A_332 = vector.shape_cast %select_n3A_331 : vector<16xi32> to vector<16x1xi32>
          %gather3A_333 = vector.shape_cast %broadcast_in_dim3A_332 : vector<16x1xi32> to vector<16xi32>
          %gather3A_334 = tpu.dynamic_gather %add3A_321[%gather3A_333] in [0] : vector<16xf32>, vector<16xi32> -> vector<16xf32>
          %add3A_335 = arith.addf %add3A_321, %gather3A_334 : vector<16xf32>
          %eq3A = vector.broadcast %scan3A_203 : i32 to vector<16xi32>
          %eq3A_336 = arith.cmpi eq, %iota3A, %eq3A : vector<16xi32>
          %select_n3A_337 = arith.select %eq3A_336, %add3A_335, %scan3A_204 : vector<16xi1>, vector<16xf32>
          %scan3A_338 = arith.constant 1 : i32
          %scan3A_339 = arith.addi %scan3A_203, %scan3A_338 : i32
          %add3A_340 = arith.addi %multiple_of3A, %scan3A_339 : i32
          %get3A_341 = arith.index_cast %add3A_340 : i32 to index
          %get3A_342 = arith.constant 0 : index
          %get3A_343 = tpu.vector_load %arg14[%get3A_341, %get3A_342] {strides = array<i32>} : memref<80x128xf32, #tpu.memory_space<vmem>>, vector<1x16xf32>,
          %get3A_344 = vector.shape_cast %get3A_343 : vector<1x16xf32> to vector<16xf32>
          %get3A_345 = arith.index_cast %add3A_340 : i32 to index
          %get3A_346 = arith.constant 0 : index
          %get3A_347 = tpu.vector_load %arg15[%get3A_345, %get3A_346] {strides = array<i32>} : memref<80x128xf32, #tpu.memory_space<vmem>>, vector<1x16xf32>,
          %get3A_348 = vector.shape_cast %get3A_347 : vector<1x16xf32> to vector<16xf32>
          %mul3A_349 = arith.mulf %get3A_344, %get3A_348 : vector<16xf32>
          %get3A_350 = arith.index_cast %add3A_340 : i32 to index
          %get3A_351 = arith.constant 16 : index
          %get3A_352 = tpu.vector_load %arg14[%get3A_350, %get3A_351] {strides = array<i32>} : memref<80x128xf32, #tpu.memory_space<vmem>>, vector<1x16xf32>,
          %get3A_353 = vector.shape_cast %get3A_352 : vector<1x16xf32> to vector<16xf32>
          %get3A_354 = arith.index_cast %add3A_340 : i32 to index
          %get3A_355 = arith.constant 16 : index
          %get3A_356 = tpu.vector_load %arg15[%get3A_354, %get3A_355] {strides = array<i32>} : memref<80x128xf32, #tpu.memory_space<vmem>>, vector<1x16xf32>,
          %get3A_357 = vector.shape_cast %get3A_356 : vector<1x16xf32> to vector<16xf32>
          %mul3A_358 = arith.mulf %get3A_353, %get3A_357 : vector<16xf32>
          %add3A_359 = arith.addf %mul3A_349, %mul3A_358 : vector<16xf32>
          %get3A_360 = arith.index_cast %add3A_340 : i32 to index
          %get3A_361 = arith.constant 32 : index
          %get3A_362 = tpu.vector_load %arg14[%get3A_360, %get3A_361] {strides = array<i32>} : memref<80x128xf32, #tpu.memory_space<vmem>>, vector<1x16xf32>,
          %get3A_363 = vector.shape_cast %get3A_362 : vector<1x16xf32> to vector<16xf32>
          %get3A_364 = arith.index_cast %add3A_340 : i32 to index
          %get3A_365 = arith.constant 32 : index
          %get3A_366 = tpu.vector_load %arg15[%get3A_364, %get3A_365] {strides = array<i32>} : memref<80x128xf32, #tpu.memory_space<vmem>>, vector<1x16xf32>,
          %get3A_367 = vector.shape_cast %get3A_366 : vector<1x16xf32> to vector<16xf32>
          %mul3A_368 = arith.mulf %get3A_363, %get3A_367 : vector<16xf32>
          %add3A_369 = arith.addf %add3A_359, %mul3A_368 : vector<16xf32>
          %get3A_370 = arith.index_cast %add3A_340 : i32 to index
          %get3A_371 = arith.constant 48 : index
          %get3A_372 = tpu.vector_load %arg14[%get3A_370, %get3A_371] {strides = array<i32>} : memref<80x128xf32, #tpu.memory_space<vmem>>, vector<1x16xf32>,
          %get3A_373 = vector.shape_cast %get3A_372 : vector<1x16xf32> to vector<16xf32>
          %get3A_374 = arith.index_cast %add3A_340 : i32 to index
          %get3A_375 = arith.constant 48 : index
          %get3A_376 = tpu.vector_load %arg15[%get3A_374, %get3A_375] {strides = array<i32>} : memref<80x128xf32, #tpu.memory_space<vmem>>, vector<1x16xf32>,
          %get3A_377 = vector.shape_cast %get3A_376 : vector<1x16xf32> to vector<16xf32>
          %mul3A_378 = arith.mulf %get3A_373, %get3A_377 : vector<16xf32>
          %add3A_379 = arith.addf %add3A_369, %mul3A_378 : vector<16xf32>
          %get3A_380 = arith.index_cast %add3A_340 : i32 to index
          %get3A_381 = arith.constant 64 : index
          %get3A_382 = tpu.vector_load %arg14[%get3A_380, %get3A_381] {strides = array<i32>} : memref<80x128xf32, #tpu.memory_space<vmem>>, vector<1x16xf32>,
          %get3A_383 = vector.shape_cast %get3A_382 : vector<1x16xf32> to vector<16xf32>
          %get3A_384 = arith.index_cast %add3A_340 : i32 to index
          %get3A_385 = arith.constant 64 : index
          %get3A_386 = tpu.vector_load %arg15[%get3A_384, %get3A_385] {strides = array<i32>} : memref<80x128xf32, #tpu.memory_space<vmem>>, vector<1x16xf32>,
          %get3A_387 = vector.shape_cast %get3A_386 : vector<1x16xf32> to vector<16xf32>
          %mul3A_388 = arith.mulf %get3A_383, %get3A_387 : vector<16xf32>
          %add3A_389 = arith.addf %add3A_379, %mul3A_388 : vector<16xf32>
          %get3A_390 = arith.index_cast %add3A_340 : i32 to index
          %get3A_391 = arith.constant 80 : index
          %get3A_392 = tpu.vector_load %arg14[%get3A_390, %get3A_391] {strides = array<i32>} : memref<80x128xf32, #tpu.memory_space<vmem>>, vector<1x16xf32>,
          %get3A_393 = vector.shape_cast %get3A_392 : vector<1x16xf32> to vector<16xf32>
          %get3A_394 = arith.index_cast %add3A_340 : i32 to index
          %get3A_395 = arith.constant 80 : index
          %get3A_396 = tpu.vector_load %arg15[%get3A_394, %get3A_395] {strides = array<i32>} : memref<80x128xf32, #tpu.memory_space<vmem>>, vector<1x16xf32>,
          %get3A_397 = vector.shape_cast %get3A_396 : vector<1x16xf32> to vector<16xf32>
          %mul3A_398 = arith.mulf %get3A_393, %get3A_397 : vector<16xf32>
          %add3A_399 = arith.addf %add3A_389, %mul3A_398 : vector<16xf32>
          %get3A_400 = arith.index_cast %add3A_340 : i32 to index
          %get3A_401 = arith.constant 96 : index
          %get3A_402 = tpu.vector_load %arg14[%get3A_400, %get3A_401] {strides = array<i32>} : memref<80x128xf32, #tpu.memory_space<vmem>>, vector<1x16xf32>,
          %get3A_403 = vector.shape_cast %get3A_402 : vector<1x16xf32> to vector<16xf32>
          %get3A_404 = arith.index_cast %add3A_340 : i32 to index
          %get3A_405 = arith.constant 96 : index
          %get3A_406 = tpu.vector_load %arg15[%get3A_404, %get3A_405] {strides = array<i32>} : memref<80x128xf32, #tpu.memory_space<vmem>>, vector<1x16xf32>,
          %get3A_407 = vector.shape_cast %get3A_406 : vector<1x16xf32> to vector<16xf32>
          %mul3A_408 = arith.mulf %get3A_403, %get3A_407 : vector<16xf32>
          %add3A_409 = arith.addf %add3A_399, %mul3A_408 : vector<16xf32>
          %get3A_410 = arith.index_cast %add3A_340 : i32 to index
          %get3A_411 = arith.constant 112 : index
          %get3A_412 = tpu.vector_load %arg14[%get3A_410, %get3A_411] {strides = array<i32>} : memref<80x128xf32, #tpu.memory_space<vmem>>, vector<1x16xf32>,
          %get3A_413 = vector.shape_cast %get3A_412 : vector<1x16xf32> to vector<16xf32>
          %get3A_414 = arith.index_cast %add3A_340 : i32 to index
          %get3A_415 = arith.constant 112 : index
          %get3A_416 = tpu.vector_load %arg15[%get3A_414, %get3A_415] {strides = array<i32>} : memref<80x128xf32, #tpu.memory_space<vmem>>, vector<1x16xf32>,
          %get3A_417 = vector.shape_cast %get3A_416 : vector<1x16xf32> to vector<16xf32>
          %mul3A_418 = arith.mulf %get3A_413, %get3A_417 : vector<16xf32>
          %add3A_419 = arith.addf %add3A_409, %mul3A_418 : vector<16xf32>
          %xor3A_420 = arith.constant 8 : i32
          %xor3A_421 = vector.broadcast %xor3A_420 : i32 to vector<16xi32>
          %xor3A_422 = arith.xori %iota3A, %xor3A_421 : vector<16xi32>
          %lt3A_423 = arith.constant 0 : i32
          %lt3A_424 = vector.broadcast %lt3A_423 : i32 to vector<16xi32>
          %lt3A_425 = arith.cmpi slt, %xor3A_422, %lt3A_424 : vector<16xi32>
          %add3A_426 = arith.constant 16 : i32
          %add3A_427 = vector.broadcast %add3A_426 : i32 to vector<16xi32>
          %add3A_428 = arith.addi %xor3A_422, %add3A_427 : vector<16xi32>
          %select_n3A_429 = arith.select %lt3A_425, %add3A_428, %xor3A_422 : vector<16xi1>, vector<16xi32>
          %broadcast_in_dim3A_430 = vector.shape_cast %select_n3A_429 : vector<16xi32> to vector<16x1xi32>
          %gather3A_431 = vector.shape_cast %broadcast_in_dim3A_430 : vector<16x1xi32> to vector<16xi32>
          %gather3A_432 = tpu.dynamic_gather %add3A_419[%gather3A_431] in [0] : vector<16xf32>, vector<16xi32> -> vector<16xf32>
          %add3A_433 = arith.addf %add3A_419, %gather3A_432 : vector<16xf32>
          %xor3A_434 = arith.constant 4 : i32
          %xor3A_435 = vector.broadcast %xor3A_434 : i32 to vector<16xi32>
          %xor3A_436 = arith.xori %iota3A, %xor3A_435 : vector<16xi32>
          %lt3A_437 = arith.constant 0 : i32
          %lt3A_438 = vector.broadcast %lt3A_437 : i32 to vector<16xi32>
          %lt3A_439 = arith.cmpi slt, %xor3A_436, %lt3A_438 : vector<16xi32>
          %add3A_440 = arith.constant 16 : i32
          %add3A_441 = vector.broadcast %add3A_440 : i32 to vector<16xi32>
          %add3A_442 = arith.addi %xor3A_436, %add3A_441 : vector<16xi32>
          %select_n3A_443 = arith.select %lt3A_439, %add3A_442, %xor3A_436 : vector<16xi1>, vector<16xi32>
          %broadcast_in_dim3A_444 = vector.shape_cast %select_n3A_443 : vector<16xi32> to vector<16x1xi32>
          %gather3A_445 = vector.shape_cast %broadcast_in_dim3A_444 : vector<16x1xi32> to vector<16xi32>
          %gather3A_446 = tpu.dynamic_gather %add3A_433[%gather3A_445] in [0] : vector<16xf32>, vector<16xi32> -> vector<16xf32>
          %add3A_447 = arith.addf %add3A_433, %gather3A_446 : vector<16xf32>
          %xor3A_448 = arith.constant 2 : i32
          %xor3A_449 = vector.broadcast %xor3A_448 : i32 to vector<16xi32>
          %xor3A_450 = arith.xori %iota3A, %xor3A_449 : vector<16xi32>
          %lt3A_451 = arith.constant 0 : i32
          %lt3A_452 = vector.broadcast %lt3A_451 : i32 to vector<16xi32>
          %lt3A_453 = arith.cmpi slt, %xor3A_450, %lt3A_452 : vector<16xi32>
          %add3A_454 = arith.constant 16 : i32
          %add3A_455 = vector.broadcast %add3A_454 : i32 to vector<16xi32>
          %add3A_456 = arith.addi %xor3A_450, %add3A_455 : vector<16xi32>
          %select_n3A_457 = arith.select %lt3A_453, %add3A_456, %xor3A_450 : vector<16xi1>, vector<16xi32>
          %broadcast_in_dim3A_458 = vector.shape_cast %select_n3A_457 : vector<16xi32> to vector<16x1xi32>
          %gather3A_459 = vector.shape_cast %broadcast_in_dim3A_458 : vector<16x1xi32> to vector<16xi32>
          %gather3A_460 = tpu.dynamic_gather %add3A_447[%gather3A_459] in [0] : vector<16xf32>, vector<16xi32> -> vector<16xf32>
          %add3A_461 = arith.addf %add3A_447, %gather3A_460 : vector<16xf32>
          %xor3A_462 = arith.constant 1 : i32
          %xor3A_463 = vector.broadcast %xor3A_462 : i32 to vector<16xi32>
          %xor3A_464 = arith.xori %iota3A, %xor3A_463 : vector<16xi32>
          %lt3A_465 = arith.constant 0 : i32
          %lt3A_466 = vector.broadcast %lt3A_465 : i32 to vector<16xi32>
          %lt3A_467 = arith.cmpi slt, %xor3A_464, %lt3A_466 : vector<16xi32>
          %add3A_468 = arith.constant 16 : i32
          %add3A_469 = vector.broadcast %add3A_468 : i32 to vector<16xi32>
          %add3A_470 = arith.addi %xor3A_464, %add3A_469 : vector<16xi32>
          %select_n3A_471 = arith.select %lt3A_467, %add3A_470, %xor3A_464 : vector<16xi1>, vector<16xi32>
          %broadcast_in_dim3A_472 = vector.shape_cast %select_n3A_471 : vector<16xi32> to vector<16x1xi32>
          %gather3A_473 = vector.shape_cast %broadcast_in_dim3A_472 : vector<16x1xi32> to vector<16xi32>
          %gather3A_474 = tpu.dynamic_gather %add3A_461[%gather3A_473] in [0] : vector<16xf32>, vector<16xi32> -> vector<16xf32>
          %add3A_475 = arith.addf %add3A_461, %gather3A_474 : vector<16xf32>
          %eq3A_476 = vector.broadcast %scan3A_339 : i32 to vector<16xi32>
          %eq3A_477 = arith.cmpi eq, %iota3A, %eq3A_476 : vector<16xi32>
          %select_n3A_478 = arith.select %eq3A_477, %add3A_475, %select_n3A_337 : vector<16xi1>, vector<16xf32>
          %scan3A_479 = arith.constant 2 : i32
          %scan3A_480 = arith.addi %scan3A_203, %scan3A_479 : i32
          %add3A_481 = arith.addi %multiple_of3A, %scan3A_480 : i32
          %get3A_482 = arith.index_cast %add3A_481 : i32 to index
          %get3A_483 = arith.constant 0 : index
          %get3A_484 = tpu.vector_load %arg14[%get3A_482, %get3A_483] {strides = array<i32>} : memref<80x128xf32, #tpu.memory_space<vmem>>, vector<1x16xf32>,
          %get3A_485 = vector.shape_cast %get3A_484 : vector<1x16xf32> to vector<16xf32>
          %get3A_486 = arith.index_cast %add3A_481 : i32 to index
          %get3A_487 = arith.constant 0 : index
          %get3A_488 = tpu.vector_load %arg15[%get3A_486, %get3A_487] {strides = array<i32>} : memref<80x128xf32, #tpu.memory_space<vmem>>, vector<1x16xf32>,
          %get3A_489 = vector.shape_cast %get3A_488 : vector<1x16xf32> to vector<16xf32>
          %mul3A_490 = arith.mulf %get3A_485, %get3A_489 : vector<16xf32>
          %get3A_491 = arith.index_cast %add3A_481 : i32 to index
          %get3A_492 = arith.constant 16 : index
          %get3A_493 = tpu.vector_load %arg14[%get3A_491, %get3A_492] {strides = array<i32>} : memref<80x128xf32, #tpu.memory_space<vmem>>, vector<1x16xf32>,
          %get3A_494 = vector.shape_cast %get3A_493 : vector<1x16xf32> to vector<16xf32>
          %get3A_495 = arith.index_cast %add3A_481 : i32 to index
          %get3A_496 = arith.constant 16 : index
          %get3A_497 = tpu.vector_load %arg15[%get3A_495, %get3A_496] {strides = array<i32>} : memref<80x128xf32, #tpu.memory_space<vmem>>, vector<1x16xf32>,
          %get3A_498 = vector.shape_cast %get3A_497 : vector<1x16xf32> to vector<16xf32>
          %mul3A_499 = arith.mulf %get3A_494, %get3A_498 : vector<16xf32>
          %add3A_500 = arith.addf %mul3A_490, %mul3A_499 : vector<16xf32>
          %get3A_501 = arith.index_cast %add3A_481 : i32 to index
          %get3A_502 = arith.constant 32 : index
          %get3A_503 = tpu.vector_load %arg14[%get3A_501, %get3A_502] {strides = array<i32>} : memref<80x128xf32, #tpu.memory_space<vmem>>, vector<1x16xf32>,
          %get3A_504 = vector.shape_cast %get3A_503 : vector<1x16xf32> to vector<16xf32>
          %get3A_505 = arith.index_cast %add3A_481 : i32 to index
          %get3A_506 = arith.constant 32 : index
          %get3A_507 = tpu.vector_load %arg15[%get3A_505, %get3A_506] {strides = array<i32>} : memref<80x128xf32, #tpu.memory_space<vmem>>, vector<1x16xf32>,
          %get3A_508 = vector.shape_cast %get3A_507 : vector<1x16xf32> to vector<16xf32>
          %mul3A_509 = arith.mulf %get3A_504, %get3A_508 : vector<16xf32>
          %add3A_510 = arith.addf %add3A_500, %mul3A_509 : vector<16xf32>
          %get3A_511 = arith.index_cast %add3A_481 : i32 to index
          %get3A_512 = arith.constant 48 : index
          %get3A_513 = tpu.vector_load %arg14[%get3A_511, %get3A_512] {strides = array<i32>} : memref<80x128xf32, #tpu.memory_space<vmem>>, vector<1x16xf32>,
          %get3A_514 = vector.shape_cast %get3A_513 : vector<1x16xf32> to vector<16xf32>
          %get3A_515 = arith.index_cast %add3A_481 : i32 to index
          %get3A_516 = arith.constant 48 : index
          %get3A_517 = tpu.vector_load %arg15[%get3A_515, %get3A_516] {strides = array<i32>} : memref<80x128xf32, #tpu.memory_space<vmem>>, vector<1x16xf32>,
          %get3A_518 = vector.shape_cast %get3A_517 : vector<1x16xf32> to vector<16xf32>
          %mul3A_519 = arith.mulf %get3A_514, %get3A_518 : vector<16xf32>
          %add3A_520 = arith.addf %add3A_510, %mul3A_519 : vector<16xf32>
          %get3A_521 = arith.index_cast %add3A_481 : i32 to index
          %get3A_522 = arith.constant 64 : index
          %get3A_523 = tpu.vector_load %arg14[%get3A_521, %get3A_522] {strides = array<i32>} : memref<80x128xf32, #tpu.memory_space<vmem>>, vector<1x16xf32>,
          %get3A_524 = vector.shape_cast %get3A_523 : vector<1x16xf32> to vector<16xf32>
          %get3A_525 = arith.index_cast %add3A_481 : i32 to index
          %get3A_526 = arith.constant 64 : index
          %get3A_527 = tpu.vector_load %arg15[%get3A_525, %get3A_526] {strides = array<i32>} : memref<80x128xf32, #tpu.memory_space<vmem>>, vector<1x16xf32>,
          %get3A_528 = vector.shape_cast %get3A_527 : vector<1x16xf32> to vector<16xf32>
          %mul3A_529 = arith.mulf %get3A_524, %get3A_528 : vector<16xf32>
          %add3A_530 = arith.addf %add3A_520, %mul3A_529 : vector<16xf32>
          %get3A_531 = arith.index_cast %add3A_481 : i32 to index
          %get3A_532 = arith.constant 80 : index
          %get3A_533 = tpu.vector_load %arg14[%get3A_531, %get3A_532] {strides = array<i32>} : memref<80x128xf32, #tpu.memory_space<vmem>>, vector<1x16xf32>,
          %get3A_534 = vector.shape_cast %get3A_533 : vector<1x16xf32> to vector<16xf32>
          %get3A_535 = arith.index_cast %add3A_481 : i32 to index
          %get3A_536 = arith.constant 80 : index
          %get3A_537 = tpu.vector_load %arg15[%get3A_535, %get3A_536] {strides = array<i32>} : memref<80x128xf32, #tpu.memory_space<vmem>>, vector<1x16xf32>,
          %get3A_538 = vector.shape_cast %get3A_537 : vector<1x16xf32> to vector<16xf32>
          %mul3A_539 = arith.mulf %get3A_534, %get3A_538 : vector<16xf32>
          %add3A_540 = arith.addf %add3A_530, %mul3A_539 : vector<16xf32>
          %get3A_541 = arith.index_cast %add3A_481 : i32 to index
          %get3A_542 = arith.constant 96 : index
          %get3A_543 = tpu.vector_load %arg14[%get3A_541, %get3A_542] {strides = array<i32>} : memref<80x128xf32, #tpu.memory_space<vmem>>, vector<1x16xf32>,
          %get3A_544 = vector.shape_cast %get3A_543 : vector<1x16xf32> to vector<16xf32>
          %get3A_545 = arith.index_cast %add3A_481 : i32 to index
          %get3A_546 = arith.constant 96 : index
          %get3A_547 = tpu.vector_load %arg15[%get3A_545, %get3A_546] {strides = array<i32>} : memref<80x128xf32, #tpu.memory_space<vmem>>, vector<1x16xf32>,
          %get3A_548 = vector.shape_cast %get3A_547 : vector<1x16xf32> to vector<16xf32>
          %mul3A_549 = arith.mulf %get3A_544, %get3A_548 : vector<16xf32>
          %add3A_550 = arith.addf %add3A_540, %mul3A_549 : vector<16xf32>
          %get3A_551 = arith.index_cast %add3A_481 : i32 to index
          %get3A_552 = arith.constant 112 : index
          %get3A_553 = tpu.vector_load %arg14[%get3A_551, %get3A_552] {strides = array<i32>} : memref<80x128xf32, #tpu.memory_space<vmem>>, vector<1x16xf32>,
          %get3A_554 = vector.shape_cast %get3A_553 : vector<1x16xf32> to vector<16xf32>
          %get3A_555 = arith.index_cast %add3A_481 : i32 to index
          %get3A_556 = arith.constant 112 : index
          %get3A_557 = tpu.vector_load %arg15[%get3A_555, %get3A_556] {strides = array<i32>} : memref<80x128xf32, #tpu.memory_space<vmem>>, vector<1x16xf32>,
          %get3A_558 = vector.shape_cast %get3A_557 : vector<1x16xf32> to vector<16xf32>
          %mul3A_559 = arith.mulf %get3A_554, %get3A_558 : vector<16xf32>
          %add3A_560 = arith.addf %add3A_550, %mul3A_559 : vector<16xf32>
          %xor3A_561 = arith.constant 8 : i32
          %xor3A_562 = vector.broadcast %xor3A_561 : i32 to vector<16xi32>
          %xor3A_563 = arith.xori %iota3A, %xor3A_562 : vector<16xi32>
          %lt3A_564 = arith.constant 0 : i32
          %lt3A_565 = vector.broadcast %lt3A_564 : i32 to vector<16xi32>
          %lt3A_566 = arith.cmpi slt, %xor3A_563, %lt3A_565 : vector<16xi32>
          %add3A_567 = arith.constant 16 : i32
          %add3A_568 = vector.broadcast %add3A_567 : i32 to vector<16xi32>
          %add3A_569 = arith.addi %xor3A_563, %add3A_568 : vector<16xi32>
          %select_n3A_570 = arith.select %lt3A_566, %add3A_569, %xor3A_563 : vector<16xi1>, vector<16xi32>
          %broadcast_in_dim3A_571 = vector.shape_cast %select_n3A_570 : vector<16xi32> to vector<16x1xi32>
          %gather3A_572 = vector.shape_cast %broadcast_in_dim3A_571 : vector<16x1xi32> to vector<16xi32>
          %gather3A_573 = tpu.dynamic_gather %add3A_560[%gather3A_572] in [0] : vector<16xf32>, vector<16xi32> -> vector<16xf32>
          %add3A_574 = arith.addf %add3A_560, %gather3A_573 : vector<16xf32>
          %xor3A_575 = arith.constant 4 : i32
          %xor3A_576 = vector.broadcast %xor3A_575 : i32 to vector<16xi32>
          %xor3A_577 = arith.xori %iota3A, %xor3A_576 : vector<16xi32>
          %lt3A_578 = arith.constant 0 : i32
          %lt3A_579 = vector.broadcast %lt3A_578 : i32 to vector<16xi32>
          %lt3A_580 = arith.cmpi slt, %xor3A_577, %lt3A_579 : vector<16xi32>
          %add3A_581 = arith.constant 16 : i32
          %add3A_582 = vector.broadcast %add3A_581 : i32 to vector<16xi32>
          %add3A_583 = arith.addi %xor3A_577, %add3A_582 : vector<16xi32>
          %select_n3A_584 = arith.select %lt3A_580, %add3A_583, %xor3A_577 : vector<16xi1>, vector<16xi32>
          %broadcast_in_dim3A_585 = vector.shape_cast %select_n3A_584 : vector<16xi32> to vector<16x1xi32>
          %gather3A_586 = vector.shape_cast %broadcast_in_dim3A_585 : vector<16x1xi32> to vector<16xi32>
          %gather3A_587 = tpu.dynamic_gather %add3A_574[%gather3A_586] in [0] : vector<16xf32>, vector<16xi32> -> vector<16xf32>
          %add3A_588 = arith.addf %add3A_574, %gather3A_587 : vector<16xf32>
          %xor3A_589 = arith.constant 2 : i32
          %xor3A_590 = vector.broadcast %xor3A_589 : i32 to vector<16xi32>
          %xor3A_591 = arith.xori %iota3A, %xor3A_590 : vector<16xi32>
          %lt3A_592 = arith.constant 0 : i32
          %lt3A_593 = vector.broadcast %lt3A_592 : i32 to vector<16xi32>
          %lt3A_594 = arith.cmpi slt, %xor3A_591, %lt3A_593 : vector<16xi32>
          %add3A_595 = arith.constant 16 : i32
          %add3A_596 = vector.broadcast %add3A_595 : i32 to vector<16xi32>
          %add3A_597 = arith.addi %xor3A_591, %add3A_596 : vector<16xi32>
          %select_n3A_598 = arith.select %lt3A_594, %add3A_597, %xor3A_591 : vector<16xi1>, vector<16xi32>
          %broadcast_in_dim3A_599 = vector.shape_cast %select_n3A_598 : vector<16xi32> to vector<16x1xi32>
          %gather3A_600 = vector.shape_cast %broadcast_in_dim3A_599 : vector<16x1xi32> to vector<16xi32>
          %gather3A_601 = tpu.dynamic_gather %add3A_588[%gather3A_600] in [0] : vector<16xf32>, vector<16xi32> -> vector<16xf32>
          %add3A_602 = arith.addf %add3A_588, %gather3A_601 : vector<16xf32>
          %xor3A_603 = arith.constant 1 : i32
          %xor3A_604 = vector.broadcast %xor3A_603 : i32 to vector<16xi32>
          %xor3A_605 = arith.xori %iota3A, %xor3A_604 : vector<16xi32>
          %lt3A_606 = arith.constant 0 : i32
          %lt3A_607 = vector.broadcast %lt3A_606 : i32 to vector<16xi32>
          %lt3A_608 = arith.cmpi slt, %xor3A_605, %lt3A_607 : vector<16xi32>
          %add3A_609 = arith.constant 16 : i32
          %add3A_610 = vector.broadcast %add3A_609 : i32 to vector<16xi32>
          %add3A_611 = arith.addi %xor3A_605, %add3A_610 : vector<16xi32>
          %select_n3A_612 = arith.select %lt3A_608, %add3A_611, %xor3A_605 : vector<16xi1>, vector<16xi32>
          %broadcast_in_dim3A_613 = vector.shape_cast %select_n3A_612 : vector<16xi32> to vector<16x1xi32>
          %gather3A_614 = vector.shape_cast %broadcast_in_dim3A_613 : vector<16x1xi32> to vector<16xi32>
          %gather3A_615 = tpu.dynamic_gather %add3A_602[%gather3A_614] in [0] : vector<16xf32>, vector<16xi32> -> vector<16xf32>
          %add3A_616 = arith.addf %add3A_602, %gather3A_615 : vector<16xf32>
          %eq3A_617 = vector.broadcast %scan3A_480 : i32 to vector<16xi32>
          %eq3A_618 = arith.cmpi eq, %iota3A, %eq3A_617 : vector<16xi32>
          %select_n3A_619 = arith.select %eq3A_618, %add3A_616, %select_n3A_478 : vector<16xi1>, vector<16xf32>
          %scan3A_620 = arith.constant 3 : i32
          %scan3A_621 = arith.addi %scan3A_203, %scan3A_620 : i32
          %add3A_622 = arith.addi %multiple_of3A, %scan3A_621 : i32
          %get3A_623 = arith.index_cast %add3A_622 : i32 to index
          %get3A_624 = arith.constant 0 : index
          %get3A_625 = tpu.vector_load %arg14[%get3A_623, %get3A_624] {strides = array<i32>} : memref<80x128xf32, #tpu.memory_space<vmem>>, vector<1x16xf32>,
          %get3A_626 = vector.shape_cast %get3A_625 : vector<1x16xf32> to vector<16xf32>
          %get3A_627 = arith.index_cast %add3A_622 : i32 to index
          %get3A_628 = arith.constant 0 : index
          %get3A_629 = tpu.vector_load %arg15[%get3A_627, %get3A_628] {strides = array<i32>} : memref<80x128xf32, #tpu.memory_space<vmem>>, vector<1x16xf32>,
          %get3A_630 = vector.shape_cast %get3A_629 : vector<1x16xf32> to vector<16xf32>
          %mul3A_631 = arith.mulf %get3A_626, %get3A_630 : vector<16xf32>
          %get3A_632 = arith.index_cast %add3A_622 : i32 to index
          %get3A_633 = arith.constant 16 : index
          %get3A_634 = tpu.vector_load %arg14[%get3A_632, %get3A_633] {strides = array<i32>} : memref<80x128xf32, #tpu.memory_space<vmem>>, vector<1x16xf32>,
          %get3A_635 = vector.shape_cast %get3A_634 : vector<1x16xf32> to vector<16xf32>
          %get3A_636 = arith.index_cast %add3A_622 : i32 to index
          %get3A_637 = arith.constant 16 : index
          %get3A_638 = tpu.vector_load %arg15[%get3A_636, %get3A_637] {strides = array<i32>} : memref<80x128xf32, #tpu.memory_space<vmem>>, vector<1x16xf32>,
          %get3A_639 = vector.shape_cast %get3A_638 : vector<1x16xf32> to vector<16xf32>
          %mul3A_640 = arith.mulf %get3A_635, %get3A_639 : vector<16xf32>
          %add3A_641 = arith.addf %mul3A_631, %mul3A_640 : vector<16xf32>
          %get3A_642 = arith.index_cast %add3A_622 : i32 to index
          %get3A_643 = arith.constant 32 : index
          %get3A_644 = tpu.vector_load %arg14[%get3A_642, %get3A_643] {strides = array<i32>} : memref<80x128xf32, #tpu.memory_space<vmem>>, vector<1x16xf32>,
          %get3A_645 = vector.shape_cast %get3A_644 : vector<1x16xf32> to vector<16xf32>
          %get3A_646 = arith.index_cast %add3A_622 : i32 to index
          %get3A_647 = arith.constant 32 : index
          %get3A_648 = tpu.vector_load %arg15[%get3A_646, %get3A_647] {strides = array<i32>} : memref<80x128xf32, #tpu.memory_space<vmem>>, vector<1x16xf32>,
          %get3A_649 = vector.shape_cast %get3A_648 : vector<1x16xf32> to vector<16xf32>
          %mul3A_650 = arith.mulf %get3A_645, %get3A_649 : vector<16xf32>
          %add3A_651 = arith.addf %add3A_641, %mul3A_650 : vector<16xf32>
          %get3A_652 = arith.index_cast %add3A_622 : i32 to index
          %get3A_653 = arith.constant 48 : index
          %get3A_654 = tpu.vector_load %arg14[%get3A_652, %get3A_653] {strides = array<i32>} : memref<80x128xf32, #tpu.memory_space<vmem>>, vector<1x16xf32>,
          %get3A_655 = vector.shape_cast %get3A_654 : vector<1x16xf32> to vector<16xf32>
          %get3A_656 = arith.index_cast %add3A_622 : i32 to index
          %get3A_657 = arith.constant 48 : index
          %get3A_658 = tpu.vector_load %arg15[%get3A_656, %get3A_657] {strides = array<i32>} : memref<80x128xf32, #tpu.memory_space<vmem>>, vector<1x16xf32>,
          %get3A_659 = vector.shape_cast %get3A_658 : vector<1x16xf32> to vector<16xf32>
          %mul3A_660 = arith.mulf %get3A_655, %get3A_659 : vector<16xf32>
          %add3A_661 = arith.addf %add3A_651, %mul3A_660 : vector<16xf32>
          %get3A_662 = arith.index_cast %add3A_622 : i32 to index
          %get3A_663 = arith.constant 64 : index
          %get3A_664 = tpu.vector_load %arg14[%get3A_662, %get3A_663] {strides = array<i32>} : memref<80x128xf32, #tpu.memory_space<vmem>>, vector<1x16xf32>,
          %get3A_665 = vector.shape_cast %get3A_664 : vector<1x16xf32> to vector<16xf32>
          %get3A_666 = arith.index_cast %add3A_622 : i32 to index
          %get3A_667 = arith.constant 64 : index
          %get3A_668 = tpu.vector_load %arg15[%get3A_666, %get3A_667] {strides = array<i32>} : memref<80x128xf32, #tpu.memory_space<vmem>>, vector<1x16xf32>,
          %get3A_669 = vector.shape_cast %get3A_668 : vector<1x16xf32> to vector<16xf32>
          %mul3A_670 = arith.mulf %get3A_665, %get3A_669 : vector<16xf32>
          %add3A_671 = arith.addf %add3A_661, %mul3A_670 : vector<16xf32>
          %get3A_672 = arith.index_cast %add3A_622 : i32 to index
          %get3A_673 = arith.constant 80 : index
          %get3A_674 = tpu.vector_load %arg14[%get3A_672, %get3A_673] {strides = array<i32>} : memref<80x128xf32, #tpu.memory_space<vmem>>, vector<1x16xf32>,
          %get3A_675 = vector.shape_cast %get3A_674 : vector<1x16xf32> to vector<16xf32>
          %get3A_676 = arith.index_cast %add3A_622 : i32 to index
          %get3A_677 = arith.constant 80 : index
          %get3A_678 = tpu.vector_load %arg15[%get3A_676, %get3A_677] {strides = array<i32>} : memref<80x128xf32, #tpu.memory_space<vmem>>, vector<1x16xf32>,
          %get3A_679 = vector.shape_cast %get3A_678 : vector<1x16xf32> to vector<16xf32>
          %mul3A_680 = arith.mulf %get3A_675, %get3A_679 : vector<16xf32>
          %add3A_681 = arith.addf %add3A_671, %mul3A_680 : vector<16xf32>
          %get3A_682 = arith.index_cast %add3A_622 : i32 to index
          %get3A_683 = arith.constant 96 : index
          %get3A_684 = tpu.vector_load %arg14[%get3A_682, %get3A_683] {strides = array<i32>} : memref<80x128xf32, #tpu.memory_space<vmem>>, vector<1x16xf32>,
          %get3A_685 = vector.shape_cast %get3A_684 : vector<1x16xf32> to vector<16xf32>
          %get3A_686 = arith.index_cast %add3A_622 : i32 to index
          %get3A_687 = arith.constant 96 : index
          %get3A_688 = tpu.vector_load %arg15[%get3A_686, %get3A_687] {strides = array<i32>} : memref<80x128xf32, #tpu.memory_space<vmem>>, vector<1x16xf32>,
          %get3A_689 = vector.shape_cast %get3A_688 : vector<1x16xf32> to vector<16xf32>
          %mul3A_690 = arith.mulf %get3A_685, %get3A_689 : vector<16xf32>
          %add3A_691 = arith.addf %add3A_681, %mul3A_690 : vector<16xf32>
          %get3A_692 = arith.index_cast %add3A_622 : i32 to index
          %get3A_693 = arith.constant 112 : index
          %get3A_694 = tpu.vector_load %arg14[%get3A_692, %get3A_693] {strides = array<i32>} : memref<80x128xf32, #tpu.memory_space<vmem>>, vector<1x16xf32>,
          %get3A_695 = vector.shape_cast %get3A_694 : vector<1x16xf32> to vector<16xf32>
          %get3A_696 = arith.index_cast %add3A_622 : i32 to index
          %get3A_697 = arith.constant 112 : index
          %get3A_698 = tpu.vector_load %arg15[%get3A_696, %get3A_697] {strides = array<i32>} : memref<80x128xf32, #tpu.memory_space<vmem>>, vector<1x16xf32>,
          %get3A_699 = vector.shape_cast %get3A_698 : vector<1x16xf32> to vector<16xf32>
          %mul3A_700 = arith.mulf %get3A_695, %get3A_699 : vector<16xf32>
          %add3A_701 = arith.addf %add3A_691, %mul3A_700 : vector<16xf32>
          %xor3A_702 = arith.constant 8 : i32
          %xor3A_703 = vector.broadcast %xor3A_702 : i32 to vector<16xi32>
          %xor3A_704 = arith.xori %iota3A, %xor3A_703 : vector<16xi32>
          %lt3A_705 = arith.constant 0 : i32
          %lt3A_706 = vector.broadcast %lt3A_705 : i32 to vector<16xi32>
          %lt3A_707 = arith.cmpi slt, %xor3A_704, %lt3A_706 : vector<16xi32>
          %add3A_708 = arith.constant 16 : i32
          %add3A_709 = vector.broadcast %add3A_708 : i32 to vector<16xi32>
          %add3A_710 = arith.addi %xor3A_704, %add3A_709 : vector<16xi32>
          %select_n3A_711 = arith.select %lt3A_707, %add3A_710, %xor3A_704 : vector<16xi1>, vector<16xi32>
          %broadcast_in_dim3A_712 = vector.shape_cast %select_n3A_711 : vector<16xi32> to vector<16x1xi32>
          %gather3A_713 = vector.shape_cast %broadcast_in_dim3A_712 : vector<16x1xi32> to vector<16xi32>
          %gather3A_714 = tpu.dynamic_gather %add3A_701[%gather3A_713] in [0] : vector<16xf32>, vector<16xi32> -> vector<16xf32>
          %add3A_715 = arith.addf %add3A_701, %gather3A_714 : vector<16xf32>
          %xor3A_716 = arith.constant 4 : i32
          %xor3A_717 = vector.broadcast %xor3A_716 : i32 to vector<16xi32>
          %xor3A_718 = arith.xori %iota3A, %xor3A_717 : vector<16xi32>
          %lt3A_719 = arith.constant 0 : i32
          %lt3A_720 = vector.broadcast %lt3A_719 : i32 to vector<16xi32>
          %lt3A_721 = arith.cmpi slt, %xor3A_718, %lt3A_720 : vector<16xi32>
          %add3A_722 = arith.constant 16 : i32
          %add3A_723 = vector.broadcast %add3A_722 : i32 to vector<16xi32>
          %add3A_724 = arith.addi %xor3A_718, %add3A_723 : vector<16xi32>
          %select_n3A_725 = arith.select %lt3A_721, %add3A_724, %xor3A_718 : vector<16xi1>, vector<16xi32>
          %broadcast_in_dim3A_726 = vector.shape_cast %select_n3A_725 : vector<16xi32> to vector<16x1xi32>
          %gather3A_727 = vector.shape_cast %broadcast_in_dim3A_726 : vector<16x1xi32> to vector<16xi32>
          %gather3A_728 = tpu.dynamic_gather %add3A_715[%gather3A_727] in [0] : vector<16xf32>, vector<16xi32> -> vector<16xf32>
          %add3A_729 = arith.addf %add3A_715, %gather3A_728 : vector<16xf32>
          %xor3A_730 = arith.constant 2 : i32
          %xor3A_731 = vector.broadcast %xor3A_730 : i32 to vector<16xi32>
          %xor3A_732 = arith.xori %iota3A, %xor3A_731 : vector<16xi32>
          %lt3A_733 = arith.constant 0 : i32
          %lt3A_734 = vector.broadcast %lt3A_733 : i32 to vector<16xi32>
          %lt3A_735 = arith.cmpi slt, %xor3A_732, %lt3A_734 : vector<16xi32>
          %add3A_736 = arith.constant 16 : i32
          %add3A_737 = vector.broadcast %add3A_736 : i32 to vector<16xi32>
          %add3A_738 = arith.addi %xor3A_732, %add3A_737 : vector<16xi32>
          %select_n3A_739 = arith.select %lt3A_735, %add3A_738, %xor3A_732 : vector<16xi1>, vector<16xi32>
          %broadcast_in_dim3A_740 = vector.shape_cast %select_n3A_739 : vector<16xi32> to vector<16x1xi32>
          %gather3A_741 = vector.shape_cast %broadcast_in_dim3A_740 : vector<16x1xi32> to vector<16xi32>
          %gather3A_742 = tpu.dynamic_gather %add3A_729[%gather3A_741] in [0] : vector<16xf32>, vector<16xi32> -> vector<16xf32>
          %add3A_743 = arith.addf %add3A_729, %gather3A_742 : vector<16xf32>
          %xor3A_744 = arith.constant 1 : i32
          %xor3A_745 = vector.broadcast %xor3A_744 : i32 to vector<16xi32>
          %xor3A_746 = arith.xori %iota3A, %xor3A_745 : vector<16xi32>
          %lt3A_747 = arith.constant 0 : i32
          %lt3A_748 = vector.broadcast %lt3A_747 : i32 to vector<16xi32>
          %lt3A_749 = arith.cmpi slt, %xor3A_746, %lt3A_748 : vector<16xi32>
          %add3A_750 = arith.constant 16 : i32
          %add3A_751 = vector.broadcast %add3A_750 : i32 to vector<16xi32>
          %add3A_752 = arith.addi %xor3A_746, %add3A_751 : vector<16xi32>
          %select_n3A_753 = arith.select %lt3A_749, %add3A_752, %xor3A_746 : vector<16xi1>, vector<16xi32>
          %broadcast_in_dim3A_754 = vector.shape_cast %select_n3A_753 : vector<16xi32> to vector<16x1xi32>
          %gather3A_755 = vector.shape_cast %broadcast_in_dim3A_754 : vector<16x1xi32> to vector<16xi32>
          %gather3A_756 = tpu.dynamic_gather %add3A_743[%gather3A_755] in [0] : vector<16xf32>, vector<16xi32> -> vector<16xf32>
          %add3A_757 = arith.addf %add3A_743, %gather3A_756 : vector<16xf32>
          %eq3A_758 = vector.broadcast %scan3A_621 : i32 to vector<16xi32>
          %eq3A_759 = arith.cmpi eq, %iota3A, %eq3A_758 : vector<16xi32>
          %select_n3A_760 = arith.select %eq3A_759, %add3A_757, %select_n3A_619 : vector<16xi1>, vector<16xf32>
          scf.yield %select_n3A_760 : vector<16xf32>
        }
        %scan3A_195 = arith.constant 16 : i32
        %mul3A_196 = arith.constant 0.0883883461 : f32
        %mul3A_197 = vector.broadcast %mul3A_196 : f32 to vector<16xf32>
        %mul3A_198 = arith.mulf %scan3A_194, %mul3A_197 : vector<16xf32>
        %exp3A = math.exp %mul3A_198 : vector<16xf32>
        %swap3A = arith.index_cast %multiple_of3A : i32 to index
        %swap3A_199 = tpu.vector_load %arg18[%swap3A] {strides = array<i32>} : memref<80xf32, #tpu.memory_space<vmem>>, vector<16xf32>,
        %swap3A_200 = vector.shape_cast %swap3A_199 : vector<16xf32> to vector<16xf32>
        %swap3A_201 = vector.shape_cast %exp3A : vector<16xf32> to vector<16xf32>
        tpu.vector_store %arg18[%swap3A], %swap3A_201 {strides = array<i32>} : memref<80xf32, #tpu.memory_space<vmem>>, vector<16xf32>,
        %scan3A_202 = arith.constant 0 : i32
        scf.yield %scan3A_202 : i32
      }
      %scan3A_137 = arith.constant 5 : i32
      %dma_wait3A_138 = arith.constant 0 : i32
      %dma_wait3A_139 = arith.constant 0 : i32
      %dma_wait3A_140 = tpu.memref_slice %arg4[%dma_wait3A_138, %dma_wait3A_139] : memref<10000x128xf32, #tpu.memory_space<hbm>> -> memref<10000x128xf32, #tpu.memory_space<hbm>>
      tpu.wait_indirect_dma semaphore(%arg24 : memref<!tpu.dma_semaphore, #tpu.memory_space<semaphore_mem>>) src(%dma_wait3A_140 : memref<10000x128xf32, #tpu.memory_space<hbm>>) dst(%arg16 : memref<80x128xf32, #tpu.memory_space<vmem>>)
      %scan3A_141 = arith.constant 0 : i32
      %scan3A_142 = arith.constant 0 : i32
      %scan3A_143 = arith.constant 5 : i32
      %scan3A_144 = arith.addi %scan3A_142, %scan3A_143 : i32
      %scan3A_145 = arith.constant 1 : i32
      %scan3A_146 = scf.for %scan3A_186 = %scan3A_142 to %scan3A_144 step %scan3A_145 iter_args(%scan3A_187 = %scan3A_141) -> (i32)  : i32 {
        %mul3A_188 = arith.constant 16 : i32
        %mul3A_189 = arith.muli %scan3A_186, %mul3A_188 : i32
        %multiple_of3A = tpu.assume_multiple %mul3A_189, 16 : i32
        %get3A = arith.index_cast %multiple_of3A : i32 to index
        %get3A_190 = tpu.vector_load %arg18[%get3A] {strides = array<i32>} : memref<80xf32, #tpu.memory_space<vmem>>, vector<16xf32>,
        %get3A_191 = vector.shape_cast %get3A_190 : vector<16xf32> to vector<16xf32>
        %scan3A_192 = arith.constant 0 : i32
        %scan3A_193 = arith.constant 0 : i32
        %scan3A_194 = arith.constant 16 : i32
        %scan3A_195 = arith.addi %scan3A_193, %scan3A_194 : i32
        %scan3A_196 = arith.constant 4 : i32
        %scan3A_197 = scf.for %scan3A_200 = %scan3A_193 to %scan3A_195 step %scan3A_196 iter_args(%scan3A_201 = %scan3A_192) -> (i32)  : i32 {
          %add3A_202 = arith.addi %multiple_of3A, %scan3A_200 : i32
          %broadcast_in_dim3A_203 = vector.broadcast %scan3A_200 : i32 to vector<16xi32>
          %lt3A = arith.constant 0 : i32
          %lt3A_204 = vector.broadcast %lt3A : i32 to vector<16xi32>
          %lt3A_205 = arith.cmpi slt, %broadcast_in_dim3A_203, %lt3A_204 : vector<16xi32>
          %add3A_206 = arith.constant 16 : i32
          %add3A_207 = vector.broadcast %add3A_206 : i32 to vector<16xi32>
          %add3A_208 = arith.addi %broadcast_in_dim3A_203, %add3A_207 : vector<16xi32>
          %select_n3A = arith.select %lt3A_205, %add3A_208, %broadcast_in_dim3A_203 : vector<16xi1>, vector<16xi32>
          %broadcast_in_dim3A_209 = vector.shape_cast %select_n3A : vector<16xi32> to vector<16x1xi32>
          %gather3A = vector.shape_cast %broadcast_in_dim3A_209 : vector<16x1xi32> to vector<16xi32>
          %gather3A_210 = tpu.dynamic_gather %get3A_191[%gather3A] in [0] : vector<16xf32>, vector<16xi32> -> vector<16xf32>
          %get3A_211 = arith.index_cast %add3A_202 : i32 to index
          %get3A_212 = arith.constant 0 : index
          %get3A_213 = tpu.vector_load %arg16[%get3A_211, %get3A_212] {strides = array<i32>} : memref<80x128xf32, #tpu.memory_space<vmem>>, vector<1x16xf32>,
          %get3A_214 = vector.shape_cast %get3A_213 : vector<1x16xf32> to vector<16xf32>
          %mul3A_215 = arith.mulf %gather3A_210, %get3A_214 : vector<16xf32>
          %swap3A = arith.index_cast %add3A_202 : i32 to index
          %swap3A_216 = arith.constant 0 : index
          %swap3A_217 = tpu.vector_load %arg16[%swap3A, %swap3A_216] {strides = array<i32>} : memref<80x128xf32, #tpu.memory_space<vmem>>, vector<1x16xf32>,
          %swap3A_218 = vector.shape_cast %swap3A_217 : vector<1x16xf32> to vector<16xf32>
          %swap3A_219 = vector.shape_cast %mul3A_215 : vector<16xf32> to vector<1x16xf32>
          tpu.vector_store %arg16[%swap3A, %swap3A_216], %swap3A_219 {strides = array<i32>} : memref<80x128xf32, #tpu.memory_space<vmem>>, vector<1x16xf32>,
          %get3A_220 = arith.index_cast %add3A_202 : i32 to index
          %get3A_221 = arith.constant 16 : index
          %get3A_222 = tpu.vector_load %arg16[%get3A_220, %get3A_221] {strides = array<i32>} : memref<80x128xf32, #tpu.memory_space<vmem>>, vector<1x16xf32>,
          %get3A_223 = vector.shape_cast %get3A_222 : vector<1x16xf32> to vector<16xf32>
          %mul3A_224 = arith.mulf %gather3A_210, %get3A_223 : vector<16xf32>
          %swap3A_225 = arith.index_cast %add3A_202 : i32 to index
          %swap3A_226 = arith.constant 16 : index
          %swap3A_227 = tpu.vector_load %arg16[%swap3A_225, %swap3A_226] {strides = array<i32>} : memref<80x128xf32, #tpu.memory_space<vmem>>, vector<1x16xf32>,
          %swap3A_228 = vector.shape_cast %swap3A_227 : vector<1x16xf32> to vector<16xf32>
          %swap3A_229 = vector.shape_cast %mul3A_224 : vector<16xf32> to vector<1x16xf32>
          tpu.vector_store %arg16[%swap3A_225, %swap3A_226], %swap3A_229 {strides = array<i32>} : memref<80x128xf32, #tpu.memory_space<vmem>>, vector<1x16xf32>,
          %get3A_230 = arith.index_cast %add3A_202 : i32 to index
          %get3A_231 = arith.constant 32 : index
          %get3A_232 = tpu.vector_load %arg16[%get3A_230, %get3A_231] {strides = array<i32>} : memref<80x128xf32, #tpu.memory_space<vmem>>, vector<1x16xf32>,
          %get3A_233 = vector.shape_cast %get3A_232 : vector<1x16xf32> to vector<16xf32>
          %mul3A_234 = arith.mulf %gather3A_210, %get3A_233 : vector<16xf32>
          %swap3A_235 = arith.index_cast %add3A_202 : i32 to index
          %swap3A_236 = arith.constant 32 : index
          %swap3A_237 = tpu.vector_load %arg16[%swap3A_235, %swap3A_236] {strides = array<i32>} : memref<80x128xf32, #tpu.memory_space<vmem>>, vector<1x16xf32>,
          %swap3A_238 = vector.shape_cast %swap3A_237 : vector<1x16xf32> to vector<16xf32>
          %swap3A_239 = vector.shape_cast %mul3A_234 : vector<16xf32> to vector<1x16xf32>
          tpu.vector_store %arg16[%swap3A_235, %swap3A_236], %swap3A_239 {strides = array<i32>} : memref<80x128xf32, #tpu.memory_space<vmem>>, vector<1x16xf32>,
          %get3A_240 = arith.index_cast %add3A_202 : i32 to index
          %get3A_241 = arith.constant 48 : index
          %get3A_242 = tpu.vector_load %arg16[%get3A_240, %get3A_241] {strides = array<i32>} : memref<80x128xf32, #tpu.memory_space<vmem>>, vector<1x16xf32>,
          %get3A_243 = vector.shape_cast %get3A_242 : vector<1x16xf32> to vector<16xf32>
          %mul3A_244 = arith.mulf %gather3A_210, %get3A_243 : vector<16xf32>
          %swap3A_245 = arith.index_cast %add3A_202 : i32 to index
          %swap3A_246 = arith.constant 48 : index
          %swap3A_247 = tpu.vector_load %arg16[%swap3A_245, %swap3A_246] {strides = array<i32>} : memref<80x128xf32, #tpu.memory_space<vmem>>, vector<1x16xf32>,
          %swap3A_248 = vector.shape_cast %swap3A_247 : vector<1x16xf32> to vector<16xf32>
          %swap3A_249 = vector.shape_cast %mul3A_244 : vector<16xf32> to vector<1x16xf32>
          tpu.vector_store %arg16[%swap3A_245, %swap3A_246], %swap3A_249 {strides = array<i32>} : memref<80x128xf32, #tpu.memory_space<vmem>>, vector<1x16xf32>,
          %get3A_250 = arith.index_cast %add3A_202 : i32 to index
          %get3A_251 = arith.constant 64 : index
          %get3A_252 = tpu.vector_load %arg16[%get3A_250, %get3A_251] {strides = array<i32>} : memref<80x128xf32, #tpu.memory_space<vmem>>, vector<1x16xf32>,
          %get3A_253 = vector.shape_cast %get3A_252 : vector<1x16xf32> to vector<16xf32>
          %mul3A_254 = arith.mulf %gather3A_210, %get3A_253 : vector<16xf32>
          %swap3A_255 = arith.index_cast %add3A_202 : i32 to index
          %swap3A_256 = arith.constant 64 : index
          %swap3A_257 = tpu.vector_load %arg16[%swap3A_255, %swap3A_256] {strides = array<i32>} : memref<80x128xf32, #tpu.memory_space<vmem>>, vector<1x16xf32>,
          %swap3A_258 = vector.shape_cast %swap3A_257 : vector<1x16xf32> to vector<16xf32>
          %swap3A_259 = vector.shape_cast %mul3A_254 : vector<16xf32> to vector<1x16xf32>
          tpu.vector_store %arg16[%swap3A_255, %swap3A_256], %swap3A_259 {strides = array<i32>} : memref<80x128xf32, #tpu.memory_space<vmem>>, vector<1x16xf32>,
          %get3A_260 = arith.index_cast %add3A_202 : i32 to index
          %get3A_261 = arith.constant 80 : index
          %get3A_262 = tpu.vector_load %arg16[%get3A_260, %get3A_261] {strides = array<i32>} : memref<80x128xf32, #tpu.memory_space<vmem>>, vector<1x16xf32>,
          %get3A_263 = vector.shape_cast %get3A_262 : vector<1x16xf32> to vector<16xf32>
          %mul3A_264 = arith.mulf %gather3A_210, %get3A_263 : vector<16xf32>
          %swap3A_265 = arith.index_cast %add3A_202 : i32 to index
          %swap3A_266 = arith.constant 80 : index
          %swap3A_267 = tpu.vector_load %arg16[%swap3A_265, %swap3A_266] {strides = array<i32>} : memref<80x128xf32, #tpu.memory_space<vmem>>, vector<1x16xf32>,
          %swap3A_268 = vector.shape_cast %swap3A_267 : vector<1x16xf32> to vector<16xf32>
          %swap3A_269 = vector.shape_cast %mul3A_264 : vector<16xf32> to vector<1x16xf32>
          tpu.vector_store %arg16[%swap3A_265, %swap3A_266], %swap3A_269 {strides = array<i32>} : memref<80x128xf32, #tpu.memory_space<vmem>>, vector<1x16xf32>,
          %get3A_270 = arith.index_cast %add3A_202 : i32 to index
          %get3A_271 = arith.constant 96 : index
          %get3A_272 = tpu.vector_load %arg16[%get3A_270, %get3A_271] {strides = array<i32>} : memref<80x128xf32, #tpu.memory_space<vmem>>, vector<1x16xf32>,
          %get3A_273 = vector.shape_cast %get3A_272 : vector<1x16xf32> to vector<16xf32>
          %mul3A_274 = arith.mulf %gather3A_210, %get3A_273 : vector<16xf32>
          %swap3A_275 = arith.index_cast %add3A_202 : i32 to index
          %swap3A_276 = arith.constant 96 : index
          %swap3A_277 = tpu.vector_load %arg16[%swap3A_275, %swap3A_276] {strides = array<i32>} : memref<80x128xf32, #tpu.memory_space<vmem>>, vector<1x16xf32>,
          %swap3A_278 = vector.shape_cast %swap3A_277 : vector<1x16xf32> to vector<16xf32>
          %swap3A_279 = vector.shape_cast %mul3A_274 : vector<16xf32> to vector<1x16xf32>
          tpu.vector_store %arg16[%swap3A_275, %swap3A_276], %swap3A_279 {strides = array<i32>} : memref<80x128xf32, #tpu.memory_space<vmem>>, vector<1x16xf32>,
          %get3A_280 = arith.index_cast %add3A_202 : i32 to index
          %get3A_281 = arith.constant 112 : index
          %get3A_282 = tpu.vector_load %arg16[%get3A_280, %get3A_281] {strides = array<i32>} : memref<80x128xf32, #tpu.memory_space<vmem>>, vector<1x16xf32>,
          %get3A_283 = vector.shape_cast %get3A_282 : vector<1x16xf32> to vector<16xf32>
          %mul3A_284 = arith.mulf %gather3A_210, %get3A_283 : vector<16xf32>
          %swap3A_285 = arith.index_cast %add3A_202 : i32 to index
          %swap3A_286 = arith.constant 112 : index
          %swap3A_287 = tpu.vector_load %arg16[%swap3A_285, %swap3A_286] {strides = array<i32>} : memref<80x128xf32, #tpu.memory_space<vmem>>, vector<1x16xf32>,
          %swap3A_288 = vector.shape_cast %swap3A_287 : vector<1x16xf32> to vector<16xf32>
          %swap3A_289 = vector.shape_cast %mul3A_284 : vector<16xf32> to vector<1x16xf32>
          tpu.vector_store %arg16[%swap3A_285, %swap3A_286], %swap3A_289 {strides = array<i32>} : memref<80x128xf32, #tpu.memory_space<vmem>>, vector<1x16xf32>,
          %scan3A_290 = arith.constant 0 : i32
          %scan3A_291 = arith.constant 1 : i32
          %scan3A_292 = arith.addi %scan3A_200, %scan3A_291 : i32
          %add3A_293 = arith.addi %multiple_of3A, %scan3A_292 : i32
          %broadcast_in_dim3A_294 = vector.broadcast %scan3A_292 : i32 to vector<16xi32>
          %lt3A_295 = arith.constant 0 : i32
          %lt3A_296 = vector.broadcast %lt3A_295 : i32 to vector<16xi32>
          %lt3A_297 = arith.cmpi slt, %broadcast_in_dim3A_294, %lt3A_296 : vector<16xi32>
          %add3A_298 = arith.constant 16 : i32
          %add3A_299 = vector.broadcast %add3A_298 : i32 to vector<16xi32>
          %add3A_300 = arith.addi %broadcast_in_dim3A_294, %add3A_299 : vector<16xi32>
          %select_n3A_301 = arith.select %lt3A_297, %add3A_300, %broadcast_in_dim3A_294 : vector<16xi1>, vector<16xi32>
          %broadcast_in_dim3A_302 = vector.shape_cast %select_n3A_301 : vector<16xi32> to vector<16x1xi32>
          %gather3A_303 = vector.shape_cast %broadcast_in_dim3A_302 : vector<16x1xi32> to vector<16xi32>
          %gather3A_304 = tpu.dynamic_gather %get3A_191[%gather3A_303] in [0] : vector<16xf32>, vector<16xi32> -> vector<16xf32>
          %get3A_305 = arith.index_cast %add3A_293 : i32 to index
          %get3A_306 = arith.constant 0 : index
          %get3A_307 = tpu.vector_load %arg16[%get3A_305, %get3A_306] {strides = array<i32>} : memref<80x128xf32, #tpu.memory_space<vmem>>, vector<1x16xf32>,
          %get3A_308 = vector.shape_cast %get3A_307 : vector<1x16xf32> to vector<16xf32>
          %mul3A_309 = arith.mulf %gather3A_304, %get3A_308 : vector<16xf32>
          %swap3A_310 = arith.index_cast %add3A_293 : i32 to index
          %swap3A_311 = arith.constant 0 : index
          %swap3A_312 = tpu.vector_load %arg16[%swap3A_310, %swap3A_311] {strides = array<i32>} : memref<80x128xf32, #tpu.memory_space<vmem>>, vector<1x16xf32>,
          %swap3A_313 = vector.shape_cast %swap3A_312 : vector<1x16xf32> to vector<16xf32>
          %swap3A_314 = vector.shape_cast %mul3A_309 : vector<16xf32> to vector<1x16xf32>
          tpu.vector_store %arg16[%swap3A_310, %swap3A_311], %swap3A_314 {strides = array<i32>} : memref<80x128xf32, #tpu.memory_space<vmem>>, vector<1x16xf32>,
          %get3A_315 = arith.index_cast %add3A_293 : i32 to index
          %get3A_316 = arith.constant 16 : index
          %get3A_317 = tpu.vector_load %arg16[%get3A_315, %get3A_316] {strides = array<i32>} : memref<80x128xf32, #tpu.memory_space<vmem>>, vector<1x16xf32>,
          %get3A_318 = vector.shape_cast %get3A_317 : vector<1x16xf32> to vector<16xf32>
          %mul3A_319 = arith.mulf %gather3A_304, %get3A_318 : vector<16xf32>
          %swap3A_320 = arith.index_cast %add3A_293 : i32 to index
          %swap3A_321 = arith.constant 16 : index
          %swap3A_322 = tpu.vector_load %arg16[%swap3A_320, %swap3A_321] {strides = array<i32>} : memref<80x128xf32, #tpu.memory_space<vmem>>, vector<1x16xf32>,
          %swap3A_323 = vector.shape_cast %swap3A_322 : vector<1x16xf32> to vector<16xf32>
          %swap3A_324 = vector.shape_cast %mul3A_319 : vector<16xf32> to vector<1x16xf32>
          tpu.vector_store %arg16[%swap3A_320, %swap3A_321], %swap3A_324 {strides = array<i32>} : memref<80x128xf32, #tpu.memory_space<vmem>>, vector<1x16xf32>,
          %get3A_325 = arith.index_cast %add3A_293 : i32 to index
          %get3A_326 = arith.constant 32 : index
          %get3A_327 = tpu.vector_load %arg16[%get3A_325, %get3A_326] {strides = array<i32>} : memref<80x128xf32, #tpu.memory_space<vmem>>, vector<1x16xf32>,
          %get3A_328 = vector.shape_cast %get3A_327 : vector<1x16xf32> to vector<16xf32>
          %mul3A_329 = arith.mulf %gather3A_304, %get3A_328 : vector<16xf32>
          %swap3A_330 = arith.index_cast %add3A_293 : i32 to index
          %swap3A_331 = arith.constant 32 : index
          %swap3A_332 = tpu.vector_load %arg16[%swap3A_330, %swap3A_331] {strides = array<i32>} : memref<80x128xf32, #tpu.memory_space<vmem>>, vector<1x16xf32>,
          %swap3A_333 = vector.shape_cast %swap3A_332 : vector<1x16xf32> to vector<16xf32>
          %swap3A_334 = vector.shape_cast %mul3A_329 : vector<16xf32> to vector<1x16xf32>
          tpu.vector_store %arg16[%swap3A_330, %swap3A_331], %swap3A_334 {strides = array<i32>} : memref<80x128xf32, #tpu.memory_space<vmem>>, vector<1x16xf32>,
          %get3A_335 = arith.index_cast %add3A_293 : i32 to index
          %get3A_336 = arith.constant 48 : index
          %get3A_337 = tpu.vector_load %arg16[%get3A_335, %get3A_336] {strides = array<i32>} : memref<80x128xf32, #tpu.memory_space<vmem>>, vector<1x16xf32>,
          %get3A_338 = vector.shape_cast %get3A_337 : vector<1x16xf32> to vector<16xf32>
          %mul3A_339 = arith.mulf %gather3A_304, %get3A_338 : vector<16xf32>
          %swap3A_340 = arith.index_cast %add3A_293 : i32 to index
          %swap3A_341 = arith.constant 48 : index
          %swap3A_342 = tpu.vector_load %arg16[%swap3A_340, %swap3A_341] {strides = array<i32>} : memref<80x128xf32, #tpu.memory_space<vmem>>, vector<1x16xf32>,
          %swap3A_343 = vector.shape_cast %swap3A_342 : vector<1x16xf32> to vector<16xf32>
          %swap3A_344 = vector.shape_cast %mul3A_339 : vector<16xf32> to vector<1x16xf32>
          tpu.vector_store %arg16[%swap3A_340, %swap3A_341], %swap3A_344 {strides = array<i32>} : memref<80x128xf32, #tpu.memory_space<vmem>>, vector<1x16xf32>,
          %get3A_345 = arith.index_cast %add3A_293 : i32 to index
          %get3A_346 = arith.constant 64 : index
          %get3A_347 = tpu.vector_load %arg16[%get3A_345, %get3A_346] {strides = array<i32>} : memref<80x128xf32, #tpu.memory_space<vmem>>, vector<1x16xf32>,
          %get3A_348 = vector.shape_cast %get3A_347 : vector<1x16xf32> to vector<16xf32>
          %mul3A_349 = arith.mulf %gather3A_304, %get3A_348 : vector<16xf32>
          %swap3A_350 = arith.index_cast %add3A_293 : i32 to index
          %swap3A_351 = arith.constant 64 : index
          %swap3A_352 = tpu.vector_load %arg16[%swap3A_350, %swap3A_351] {strides = array<i32>} : memref<80x128xf32, #tpu.memory_space<vmem>>, vector<1x16xf32>,
          %swap3A_353 = vector.shape_cast %swap3A_352 : vector<1x16xf32> to vector<16xf32>
          %swap3A_354 = vector.shape_cast %mul3A_349 : vector<16xf32> to vector<1x16xf32>
          tpu.vector_store %arg16[%swap3A_350, %swap3A_351], %swap3A_354 {strides = array<i32>} : memref<80x128xf32, #tpu.memory_space<vmem>>, vector<1x16xf32>,
          %get3A_355 = arith.index_cast %add3A_293 : i32 to index
          %get3A_356 = arith.constant 80 : index
          %get3A_357 = tpu.vector_load %arg16[%get3A_355, %get3A_356] {strides = array<i32>} : memref<80x128xf32, #tpu.memory_space<vmem>>, vector<1x16xf32>,
          %get3A_358 = vector.shape_cast %get3A_357 : vector<1x16xf32> to vector<16xf32>
          %mul3A_359 = arith.mulf %gather3A_304, %get3A_358 : vector<16xf32>
          %swap3A_360 = arith.index_cast %add3A_293 : i32 to index
          %swap3A_361 = arith.constant 80 : index
          %swap3A_362 = tpu.vector_load %arg16[%swap3A_360, %swap3A_361] {strides = array<i32>} : memref<80x128xf32, #tpu.memory_space<vmem>>, vector<1x16xf32>,
          %swap3A_363 = vector.shape_cast %swap3A_362 : vector<1x16xf32> to vector<16xf32>
          %swap3A_364 = vector.shape_cast %mul3A_359 : vector<16xf32> to vector<1x16xf32>
          tpu.vector_store %arg16[%swap3A_360, %swap3A_361], %swap3A_364 {strides = array<i32>} : memref<80x128xf32, #tpu.memory_space<vmem>>, vector<1x16xf32>,
          %get3A_365 = arith.index_cast %add3A_293 : i32 to index
          %get3A_366 = arith.constant 96 : index
          %get3A_367 = tpu.vector_load %arg16[%get3A_365, %get3A_366] {strides = array<i32>} : memref<80x128xf32, #tpu.memory_space<vmem>>, vector<1x16xf32>,
          %get3A_368 = vector.shape_cast %get3A_367 : vector<1x16xf32> to vector<16xf32>
          %mul3A_369 = arith.mulf %gather3A_304, %get3A_368 : vector<16xf32>
          %swap3A_370 = arith.index_cast %add3A_293 : i32 to index
          %swap3A_371 = arith.constant 96 : index
          %swap3A_372 = tpu.vector_load %arg16[%swap3A_370, %swap3A_371] {strides = array<i32>} : memref<80x128xf32, #tpu.memory_space<vmem>>, vector<1x16xf32>,
          %swap3A_373 = vector.shape_cast %swap3A_372 : vector<1x16xf32> to vector<16xf32>
          %swap3A_374 = vector.shape_cast %mul3A_369 : vector<16xf32> to vector<1x16xf32>
          tpu.vector_store %arg16[%swap3A_370, %swap3A_371], %swap3A_374 {strides = array<i32>} : memref<80x128xf32, #tpu.memory_space<vmem>>, vector<1x16xf32>,
          %get3A_375 = arith.index_cast %add3A_293 : i32 to index
          %get3A_376 = arith.constant 112 : index
          %get3A_377 = tpu.vector_load %arg16[%get3A_375, %get3A_376] {strides = array<i32>} : memref<80x128xf32, #tpu.memory_space<vmem>>, vector<1x16xf32>,
          %get3A_378 = vector.shape_cast %get3A_377 : vector<1x16xf32> to vector<16xf32>
          %mul3A_379 = arith.mulf %gather3A_304, %get3A_378 : vector<16xf32>
          %swap3A_380 = arith.index_cast %add3A_293 : i32 to index
          %swap3A_381 = arith.constant 112 : index
          %swap3A_382 = tpu.vector_load %arg16[%swap3A_380, %swap3A_381] {strides = array<i32>} : memref<80x128xf32, #tpu.memory_space<vmem>>, vector<1x16xf32>,
          %swap3A_383 = vector.shape_cast %swap3A_382 : vector<1x16xf32> to vector<16xf32>
          %swap3A_384 = vector.shape_cast %mul3A_379 : vector<16xf32> to vector<1x16xf32>
          tpu.vector_store %arg16[%swap3A_380, %swap3A_381], %swap3A_384 {strides = array<i32>} : memref<80x128xf32, #tpu.memory_space<vmem>>, vector<1x16xf32>,
          %scan3A_385 = arith.constant 0 : i32
          %scan3A_386 = arith.constant 2 : i32
          %scan3A_387 = arith.addi %scan3A_200, %scan3A_386 : i32
          %add3A_388 = arith.addi %multiple_of3A, %scan3A_387 : i32
          %broadcast_in_dim3A_389 = vector.broadcast %scan3A_387 : i32 to vector<16xi32>
          %lt3A_390 = arith.constant 0 : i32
          %lt3A_391 = vector.broadcast %lt3A_390 : i32 to vector<16xi32>
          %lt3A_392 = arith.cmpi slt, %broadcast_in_dim3A_389, %lt3A_391 : vector<16xi32>
          %add3A_393 = arith.constant 16 : i32
          %add3A_394 = vector.broadcast %add3A_393 : i32 to vector<16xi32>
          %add3A_395 = arith.addi %broadcast_in_dim3A_389, %add3A_394 : vector<16xi32>
          %select_n3A_396 = arith.select %lt3A_392, %add3A_395, %broadcast_in_dim3A_389 : vector<16xi1>, vector<16xi32>
          %broadcast_in_dim3A_397 = vector.shape_cast %select_n3A_396 : vector<16xi32> to vector<16x1xi32>
          %gather3A_398 = vector.shape_cast %broadcast_in_dim3A_397 : vector<16x1xi32> to vector<16xi32>
          %gather3A_399 = tpu.dynamic_gather %get3A_191[%gather3A_398] in [0] : vector<16xf32>, vector<16xi32> -> vector<16xf32>
          %get3A_400 = arith.index_cast %add3A_388 : i32 to index
          %get3A_401 = arith.constant 0 : index
          %get3A_402 = tpu.vector_load %arg16[%get3A_400, %get3A_401] {strides = array<i32>} : memref<80x128xf32, #tpu.memory_space<vmem>>, vector<1x16xf32>,
          %get3A_403 = vector.shape_cast %get3A_402 : vector<1x16xf32> to vector<16xf32>
          %mul3A_404 = arith.mulf %gather3A_399, %get3A_403 : vector<16xf32>
          %swap3A_405 = arith.index_cast %add3A_388 : i32 to index
          %swap3A_406 = arith.constant 0 : index
          %swap3A_407 = tpu.vector_load %arg16[%swap3A_405, %swap3A_406] {strides = array<i32>} : memref<80x128xf32, #tpu.memory_space<vmem>>, vector<1x16xf32>,
          %swap3A_408 = vector.shape_cast %swap3A_407 : vector<1x16xf32> to vector<16xf32>
          %swap3A_409 = vector.shape_cast %mul3A_404 : vector<16xf32> to vector<1x16xf32>
          tpu.vector_store %arg16[%swap3A_405, %swap3A_406], %swap3A_409 {strides = array<i32>} : memref<80x128xf32, #tpu.memory_space<vmem>>, vector<1x16xf32>,
          %get3A_410 = arith.index_cast %add3A_388 : i32 to index
          %get3A_411 = arith.constant 16 : index
          %get3A_412 = tpu.vector_load %arg16[%get3A_410, %get3A_411] {strides = array<i32>} : memref<80x128xf32, #tpu.memory_space<vmem>>, vector<1x16xf32>,
          %get3A_413 = vector.shape_cast %get3A_412 : vector<1x16xf32> to vector<16xf32>
          %mul3A_414 = arith.mulf %gather3A_399, %get3A_413 : vector<16xf32>
          %swap3A_415 = arith.index_cast %add3A_388 : i32 to index
          %swap3A_416 = arith.constant 16 : index
          %swap3A_417 = tpu.vector_load %arg16[%swap3A_415, %swap3A_416] {strides = array<i32>} : memref<80x128xf32, #tpu.memory_space<vmem>>, vector<1x16xf32>,
          %swap3A_418 = vector.shape_cast %swap3A_417 : vector<1x16xf32> to vector<16xf32>
          %swap3A_419 = vector.shape_cast %mul3A_414 : vector<16xf32> to vector<1x16xf32>
          tpu.vector_store %arg16[%swap3A_415, %swap3A_416], %swap3A_419 {strides = array<i32>} : memref<80x128xf32, #tpu.memory_space<vmem>>, vector<1x16xf32>,
          %get3A_420 = arith.index_cast %add3A_388 : i32 to index
          %get3A_421 = arith.constant 32 : index
          %get3A_422 = tpu.vector_load %arg16[%get3A_420, %get3A_421] {strides = array<i32>} : memref<80x128xf32, #tpu.memory_space<vmem>>, vector<1x16xf32>,
          %get3A_423 = vector.shape_cast %get3A_422 : vector<1x16xf32> to vector<16xf32>
          %mul3A_424 = arith.mulf %gather3A_399, %get3A_423 : vector<16xf32>
          %swap3A_425 = arith.index_cast %add3A_388 : i32 to index
          %swap3A_426 = arith.constant 32 : index
          %swap3A_427 = tpu.vector_load %arg16[%swap3A_425, %swap3A_426] {strides = array<i32>} : memref<80x128xf32, #tpu.memory_space<vmem>>, vector<1x16xf32>,
          %swap3A_428 = vector.shape_cast %swap3A_427 : vector<1x16xf32> to vector<16xf32>
          %swap3A_429 = vector.shape_cast %mul3A_424 : vector<16xf32> to vector<1x16xf32>
          tpu.vector_store %arg16[%swap3A_425, %swap3A_426], %swap3A_429 {strides = array<i32>} : memref<80x128xf32, #tpu.memory_space<vmem>>, vector<1x16xf32>,
          %get3A_430 = arith.index_cast %add3A_388 : i32 to index
          %get3A_431 = arith.constant 48 : index
          %get3A_432 = tpu.vector_load %arg16[%get3A_430, %get3A_431] {strides = array<i32>} : memref<80x128xf32, #tpu.memory_space<vmem>>, vector<1x16xf32>,
          %get3A_433 = vector.shape_cast %get3A_432 : vector<1x16xf32> to vector<16xf32>
          %mul3A_434 = arith.mulf %gather3A_399, %get3A_433 : vector<16xf32>
          %swap3A_435 = arith.index_cast %add3A_388 : i32 to index
          %swap3A_436 = arith.constant 48 : index
          %swap3A_437 = tpu.vector_load %arg16[%swap3A_435, %swap3A_436] {strides = array<i32>} : memref<80x128xf32, #tpu.memory_space<vmem>>, vector<1x16xf32>,
          %swap3A_438 = vector.shape_cast %swap3A_437 : vector<1x16xf32> to vector<16xf32>
          %swap3A_439 = vector.shape_cast %mul3A_434 : vector<16xf32> to vector<1x16xf32>
          tpu.vector_store %arg16[%swap3A_435, %swap3A_436], %swap3A_439 {strides = array<i32>} : memref<80x128xf32, #tpu.memory_space<vmem>>, vector<1x16xf32>,
          %get3A_440 = arith.index_cast %add3A_388 : i32 to index
          %get3A_441 = arith.constant 64 : index
          %get3A_442 = tpu.vector_load %arg16[%get3A_440, %get3A_441] {strides = array<i32>} : memref<80x128xf32, #tpu.memory_space<vmem>>, vector<1x16xf32>,
          %get3A_443 = vector.shape_cast %get3A_442 : vector<1x16xf32> to vector<16xf32>
          %mul3A_444 = arith.mulf %gather3A_399, %get3A_443 : vector<16xf32>
          %swap3A_445 = arith.index_cast %add3A_388 : i32 to index
          %swap3A_446 = arith.constant 64 : index
          %swap3A_447 = tpu.vector_load %arg16[%swap3A_445, %swap3A_446] {strides = array<i32>} : memref<80x128xf32, #tpu.memory_space<vmem>>, vector<1x16xf32>,
          %swap3A_448 = vector.shape_cast %swap3A_447 : vector<1x16xf32> to vector<16xf32>
          %swap3A_449 = vector.shape_cast %mul3A_444 : vector<16xf32> to vector<1x16xf32>
          tpu.vector_store %arg16[%swap3A_445, %swap3A_446], %swap3A_449 {strides = array<i32>} : memref<80x128xf32, #tpu.memory_space<vmem>>, vector<1x16xf32>,
          %get3A_450 = arith.index_cast %add3A_388 : i32 to index
          %get3A_451 = arith.constant 80 : index
          %get3A_452 = tpu.vector_load %arg16[%get3A_450, %get3A_451] {strides = array<i32>} : memref<80x128xf32, #tpu.memory_space<vmem>>, vector<1x16xf32>,
          %get3A_453 = vector.shape_cast %get3A_452 : vector<1x16xf32> to vector<16xf32>
          %mul3A_454 = arith.mulf %gather3A_399, %get3A_453 : vector<16xf32>
          %swap3A_455 = arith.index_cast %add3A_388 : i32 to index
          %swap3A_456 = arith.constant 80 : index
          %swap3A_457 = tpu.vector_load %arg16[%swap3A_455, %swap3A_456] {strides = array<i32>} : memref<80x128xf32, #tpu.memory_space<vmem>>, vector<1x16xf32>,
          %swap3A_458 = vector.shape_cast %swap3A_457 : vector<1x16xf32> to vector<16xf32>
          %swap3A_459 = vector.shape_cast %mul3A_454 : vector<16xf32> to vector<1x16xf32>
          tpu.vector_store %arg16[%swap3A_455, %swap3A_456], %swap3A_459 {strides = array<i32>} : memref<80x128xf32, #tpu.memory_space<vmem>>, vector<1x16xf32>,
          %get3A_460 = arith.index_cast %add3A_388 : i32 to index
          %get3A_461 = arith.constant 96 : index
          %get3A_462 = tpu.vector_load %arg16[%get3A_460, %get3A_461] {strides = array<i32>} : memref<80x128xf32, #tpu.memory_space<vmem>>, vector<1x16xf32>,
          %get3A_463 = vector.shape_cast %get3A_462 : vector<1x16xf32> to vector<16xf32>
          %mul3A_464 = arith.mulf %gather3A_399, %get3A_463 : vector<16xf32>
          %swap3A_465 = arith.index_cast %add3A_388 : i32 to index
          %swap3A_466 = arith.constant 96 : index
          %swap3A_467 = tpu.vector_load %arg16[%swap3A_465, %swap3A_466] {strides = array<i32>} : memref<80x128xf32, #tpu.memory_space<vmem>>, vector<1x16xf32>,
          %swap3A_468 = vector.shape_cast %swap3A_467 : vector<1x16xf32> to vector<16xf32>
          %swap3A_469 = vector.shape_cast %mul3A_464 : vector<16xf32> to vector<1x16xf32>
          tpu.vector_store %arg16[%swap3A_465, %swap3A_466], %swap3A_469 {strides = array<i32>} : memref<80x128xf32, #tpu.memory_space<vmem>>, vector<1x16xf32>,
          %get3A_470 = arith.index_cast %add3A_388 : i32 to index
          %get3A_471 = arith.constant 112 : index
          %get3A_472 = tpu.vector_load %arg16[%get3A_470, %get3A_471] {strides = array<i32>} : memref<80x128xf32, #tpu.memory_space<vmem>>, vector<1x16xf32>,
          %get3A_473 = vector.shape_cast %get3A_472 : vector<1x16xf32> to vector<16xf32>
          %mul3A_474 = arith.mulf %gather3A_399, %get3A_473 : vector<16xf32>
          %swap3A_475 = arith.index_cast %add3A_388 : i32 to index
          %swap3A_476 = arith.constant 112 : index
          %swap3A_477 = tpu.vector_load %arg16[%swap3A_475, %swap3A_476] {strides = array<i32>} : memref<80x128xf32, #tpu.memory_space<vmem>>, vector<1x16xf32>,
          %swap3A_478 = vector.shape_cast %swap3A_477 : vector<1x16xf32> to vector<16xf32>
          %swap3A_479 = vector.shape_cast %mul3A_474 : vector<16xf32> to vector<1x16xf32>
          tpu.vector_store %arg16[%swap3A_475, %swap3A_476], %swap3A_479 {strides = array<i32>} : memref<80x128xf32, #tpu.memory_space<vmem>>, vector<1x16xf32>,
          %scan3A_480 = arith.constant 0 : i32
          %scan3A_481 = arith.constant 3 : i32
          %scan3A_482 = arith.addi %scan3A_200, %scan3A_481 : i32
          %add3A_483 = arith.addi %multiple_of3A, %scan3A_482 : i32
          %broadcast_in_dim3A_484 = vector.broadcast %scan3A_482 : i32 to vector<16xi32>
          %lt3A_485 = arith.constant 0 : i32
          %lt3A_486 = vector.broadcast %lt3A_485 : i32 to vector<16xi32>
          %lt3A_487 = arith.cmpi slt, %broadcast_in_dim3A_484, %lt3A_486 : vector<16xi32>
          %add3A_488 = arith.constant 16 : i32
          %add3A_489 = vector.broadcast %add3A_488 : i32 to vector<16xi32>
          %add3A_490 = arith.addi %broadcast_in_dim3A_484, %add3A_489 : vector<16xi32>
          %select_n3A_491 = arith.select %lt3A_487, %add3A_490, %broadcast_in_dim3A_484 : vector<16xi1>, vector<16xi32>
          %broadcast_in_dim3A_492 = vector.shape_cast %select_n3A_491 : vector<16xi32> to vector<16x1xi32>
          %gather3A_493 = vector.shape_cast %broadcast_in_dim3A_492 : vector<16x1xi32> to vector<16xi32>
          %gather3A_494 = tpu.dynamic_gather %get3A_191[%gather3A_493] in [0] : vector<16xf32>, vector<16xi32> -> vector<16xf32>
          %get3A_495 = arith.index_cast %add3A_483 : i32 to index
          %get3A_496 = arith.constant 0 : index
          %get3A_497 = tpu.vector_load %arg16[%get3A_495, %get3A_496] {strides = array<i32>} : memref<80x128xf32, #tpu.memory_space<vmem>>, vector<1x16xf32>,
          %get3A_498 = vector.shape_cast %get3A_497 : vector<1x16xf32> to vector<16xf32>
          %mul3A_499 = arith.mulf %gather3A_494, %get3A_498 : vector<16xf32>
          %swap3A_500 = arith.index_cast %add3A_483 : i32 to index
          %swap3A_501 = arith.constant 0 : index
          %swap3A_502 = tpu.vector_load %arg16[%swap3A_500, %swap3A_501] {strides = array<i32>} : memref<80x128xf32, #tpu.memory_space<vmem>>, vector<1x16xf32>,
          %swap3A_503 = vector.shape_cast %swap3A_502 : vector<1x16xf32> to vector<16xf32>
          %swap3A_504 = vector.shape_cast %mul3A_499 : vector<16xf32> to vector<1x16xf32>
          tpu.vector_store %arg16[%swap3A_500, %swap3A_501], %swap3A_504 {strides = array<i32>} : memref<80x128xf32, #tpu.memory_space<vmem>>, vector<1x16xf32>,
          %get3A_505 = arith.index_cast %add3A_483 : i32 to index
          %get3A_506 = arith.constant 16 : index
          %get3A_507 = tpu.vector_load %arg16[%get3A_505, %get3A_506] {strides = array<i32>} : memref<80x128xf32, #tpu.memory_space<vmem>>, vector<1x16xf32>,
          %get3A_508 = vector.shape_cast %get3A_507 : vector<1x16xf32> to vector<16xf32>
          %mul3A_509 = arith.mulf %gather3A_494, %get3A_508 : vector<16xf32>
          %swap3A_510 = arith.index_cast %add3A_483 : i32 to index
          %swap3A_511 = arith.constant 16 : index
          %swap3A_512 = tpu.vector_load %arg16[%swap3A_510, %swap3A_511] {strides = array<i32>} : memref<80x128xf32, #tpu.memory_space<vmem>>, vector<1x16xf32>,
          %swap3A_513 = vector.shape_cast %swap3A_512 : vector<1x16xf32> to vector<16xf32>
          %swap3A_514 = vector.shape_cast %mul3A_509 : vector<16xf32> to vector<1x16xf32>
          tpu.vector_store %arg16[%swap3A_510, %swap3A_511], %swap3A_514 {strides = array<i32>} : memref<80x128xf32, #tpu.memory_space<vmem>>, vector<1x16xf32>,
          %get3A_515 = arith.index_cast %add3A_483 : i32 to index
          %get3A_516 = arith.constant 32 : index
          %get3A_517 = tpu.vector_load %arg16[%get3A_515, %get3A_516] {strides = array<i32>} : memref<80x128xf32, #tpu.memory_space<vmem>>, vector<1x16xf32>,
          %get3A_518 = vector.shape_cast %get3A_517 : vector<1x16xf32> to vector<16xf32>
          %mul3A_519 = arith.mulf %gather3A_494, %get3A_518 : vector<16xf32>
          %swap3A_520 = arith.index_cast %add3A_483 : i32 to index
          %swap3A_521 = arith.constant 32 : index
          %swap3A_522 = tpu.vector_load %arg16[%swap3A_520, %swap3A_521] {strides = array<i32>} : memref<80x128xf32, #tpu.memory_space<vmem>>, vector<1x16xf32>,
          %swap3A_523 = vector.shape_cast %swap3A_522 : vector<1x16xf32> to vector<16xf32>
          %swap3A_524 = vector.shape_cast %mul3A_519 : vector<16xf32> to vector<1x16xf32>
          tpu.vector_store %arg16[%swap3A_520, %swap3A_521], %swap3A_524 {strides = array<i32>} : memref<80x128xf32, #tpu.memory_space<vmem>>, vector<1x16xf32>,
          %get3A_525 = arith.index_cast %add3A_483 : i32 to index
          %get3A_526 = arith.constant 48 : index
          %get3A_527 = tpu.vector_load %arg16[%get3A_525, %get3A_526] {strides = array<i32>} : memref<80x128xf32, #tpu.memory_space<vmem>>, vector<1x16xf32>,
          %get3A_528 = vector.shape_cast %get3A_527 : vector<1x16xf32> to vector<16xf32>
          %mul3A_529 = arith.mulf %gather3A_494, %get3A_528 : vector<16xf32>
          %swap3A_530 = arith.index_cast %add3A_483 : i32 to index
          %swap3A_531 = arith.constant 48 : index
          %swap3A_532 = tpu.vector_load %arg16[%swap3A_530, %swap3A_531] {strides = array<i32>} : memref<80x128xf32, #tpu.memory_space<vmem>>, vector<1x16xf32>,
          %swap3A_533 = vector.shape_cast %swap3A_532 : vector<1x16xf32> to vector<16xf32>
          %swap3A_534 = vector.shape_cast %mul3A_529 : vector<16xf32> to vector<1x16xf32>
          tpu.vector_store %arg16[%swap3A_530, %swap3A_531], %swap3A_534 {strides = array<i32>} : memref<80x128xf32, #tpu.memory_space<vmem>>, vector<1x16xf32>,
          %get3A_535 = arith.index_cast %add3A_483 : i32 to index
          %get3A_536 = arith.constant 64 : index
          %get3A_537 = tpu.vector_load %arg16[%get3A_535, %get3A_536] {strides = array<i32>} : memref<80x128xf32, #tpu.memory_space<vmem>>, vector<1x16xf32>,
          %get3A_538 = vector.shape_cast %get3A_537 : vector<1x16xf32> to vector<16xf32>
          %mul3A_539 = arith.mulf %gather3A_494, %get3A_538 : vector<16xf32>
          %swap3A_540 = arith.index_cast %add3A_483 : i32 to index
          %swap3A_541 = arith.constant 64 : index
          %swap3A_542 = tpu.vector_load %arg16[%swap3A_540, %swap3A_541] {strides = array<i32>} : memref<80x128xf32, #tpu.memory_space<vmem>>, vector<1x16xf32>,
          %swap3A_543 = vector.shape_cast %swap3A_542 : vector<1x16xf32> to vector<16xf32>
          %swap3A_544 = vector.shape_cast %mul3A_539 : vector<16xf32> to vector<1x16xf32>
          tpu.vector_store %arg16[%swap3A_540, %swap3A_541], %swap3A_544 {strides = array<i32>} : memref<80x128xf32, #tpu.memory_space<vmem>>, vector<1x16xf32>,
          %get3A_545 = arith.index_cast %add3A_483 : i32 to index
          %get3A_546 = arith.constant 80 : index
          %get3A_547 = tpu.vector_load %arg16[%get3A_545, %get3A_546] {strides = array<i32>} : memref<80x128xf32, #tpu.memory_space<vmem>>, vector<1x16xf32>,
          %get3A_548 = vector.shape_cast %get3A_547 : vector<1x16xf32> to vector<16xf32>
          %mul3A_549 = arith.mulf %gather3A_494, %get3A_548 : vector<16xf32>
          %swap3A_550 = arith.index_cast %add3A_483 : i32 to index
          %swap3A_551 = arith.constant 80 : index
          %swap3A_552 = tpu.vector_load %arg16[%swap3A_550, %swap3A_551] {strides = array<i32>} : memref<80x128xf32, #tpu.memory_space<vmem>>, vector<1x16xf32>,
          %swap3A_553 = vector.shape_cast %swap3A_552 : vector<1x16xf32> to vector<16xf32>
          %swap3A_554 = vector.shape_cast %mul3A_549 : vector<16xf32> to vector<1x16xf32>
          tpu.vector_store %arg16[%swap3A_550, %swap3A_551], %swap3A_554 {strides = array<i32>} : memref<80x128xf32, #tpu.memory_space<vmem>>, vector<1x16xf32>,
          %get3A_555 = arith.index_cast %add3A_483 : i32 to index
          %get3A_556 = arith.constant 96 : index
          %get3A_557 = tpu.vector_load %arg16[%get3A_555, %get3A_556] {strides = array<i32>} : memref<80x128xf32, #tpu.memory_space<vmem>>, vector<1x16xf32>,
          %get3A_558 = vector.shape_cast %get3A_557 : vector<1x16xf32> to vector<16xf32>
          %mul3A_559 = arith.mulf %gather3A_494, %get3A_558 : vector<16xf32>
          %swap3A_560 = arith.index_cast %add3A_483 : i32 to index
          %swap3A_561 = arith.constant 96 : index
          %swap3A_562 = tpu.vector_load %arg16[%swap3A_560, %swap3A_561] {strides = array<i32>} : memref<80x128xf32, #tpu.memory_space<vmem>>, vector<1x16xf32>,
          %swap3A_563 = vector.shape_cast %swap3A_562 : vector<1x16xf32> to vector<16xf32>
          %swap3A_564 = vector.shape_cast %mul3A_559 : vector<16xf32> to vector<1x16xf32>
          tpu.vector_store %arg16[%swap3A_560, %swap3A_561], %swap3A_564 {strides = array<i32>} : memref<80x128xf32, #tpu.memory_space<vmem>>, vector<1x16xf32>,
          %get3A_565 = arith.index_cast %add3A_483 : i32 to index
          %get3A_566 = arith.constant 112 : index
          %get3A_567 = tpu.vector_load %arg16[%get3A_565, %get3A_566] {strides = array<i32>} : memref<80x128xf32, #tpu.memory_space<vmem>>, vector<1x16xf32>,
          %get3A_568 = vector.shape_cast %get3A_567 : vector<1x16xf32> to vector<16xf32>
          %mul3A_569 = arith.mulf %gather3A_494, %get3A_568 : vector<16xf32>
          %swap3A_570 = arith.index_cast %add3A_483 : i32 to index
          %swap3A_571 = arith.constant 112 : index
          %swap3A_572 = tpu.vector_load %arg16[%swap3A_570, %swap3A_571] {strides = array<i32>} : memref<80x128xf32, #tpu.memory_space<vmem>>, vector<1x16xf32>,
          %swap3A_573 = vector.shape_cast %swap3A_572 : vector<1x16xf32> to vector<16xf32>
          %swap3A_574 = vector.shape_cast %mul3A_569 : vector<16xf32> to vector<1x16xf32>
          tpu.vector_store %arg16[%swap3A_570, %swap3A_571], %swap3A_574 {strides = array<i32>} : memref<80x128xf32, #tpu.memory_space<vmem>>, vector<1x16xf32>,
          %scan3A_575 = arith.constant 0 : i32
          scf.yield %scan3A_575 : i32
        }
        %scan3A_198 = arith.constant 16 : i32
        %scan3A_199 = arith.constant 0 : i32
        scf.yield %scan3A_199 : i32
      }
      %scan3A_147 = arith.constant 5 : i32
      %dma_start3A_148 = arith.constant 0 : i32
      %dma_start3A_149 = arith.constant 0 : i32
      %dma_start3A_150 = tpu.memref_slice %arg2[%dma_start3A_148, %dma_start3A_149] : memref<10000x128xf32, #tpu.memory_space<hbm>> -> memref<10000x128xf32, #tpu.memory_space<hbm>>
      tpu.enqueue_indirect_dma source(%dma_start3A_150 : memref<10000x128xf32, #tpu.memory_space<hbm>>) target(%arg14 : memref<80x128xf32, #tpu.memory_space<vmem>>) offsets(%arg12 : memref<80xi32, #tpu.memory_space<vmem>>) semaphore(%arg23 : memref<!tpu.dma_semaphore, #tpu.memory_space<semaphore_mem>>)
      %dma_start3A_151 = arith.constant 0 : i32
      %dma_start3A_152 = arith.constant 0 : i32
      %dma_start3A_153 = tpu.memref_slice %arg3[%dma_start3A_151, %dma_start3A_152] : memref<10000x128xf32, #tpu.memory_space<hbm>> -> memref<10000x128xf32, #tpu.memory_space<hbm>>
      tpu.enqueue_indirect_dma source(%dma_start3A_153 : memref<10000x128xf32, #tpu.memory_space<hbm>>) target(%arg15 : memref<80x128xf32, #tpu.memory_space<vmem>>) offsets(%arg13 : memref<80xi32, #tpu.memory_space<vmem>>) semaphore(%arg23 : memref<!tpu.dma_semaphore, #tpu.memory_space<semaphore_mem>>)
      %mul3A_154 = arith.constant 80 : i32
      %mul3A_155 = arith.muli %mul3A_96, %mul3A_154 : i32
      %add3A_156 = arith.addi %mul3A_34, %mul3A_155 : i32
      "tpu.region"() ({
        %run_scoped3A = tpu.sem_alloc : memref<!tpu.dma_semaphore, #tpu.memory_space<semaphore_mem>>
        %dma_start3A_186 = arith.constant 0 : i32
        %dma_start3A_187 = arith.constant 0 : i32
        %dma_start3A_188 = tpu.memref_slice %arg21[%dma_start3A_186, %dma_start3A_187] : memref<10240x128xf32, #tpu.memory_space<vmem_shared>> -> memref<10240x128xf32, #tpu.memory_space<vmem_shared>>
        tpu.enqueue_indirect_dma source(%arg16 : memref<80x128xf32, #tpu.memory_space<vmem>>) target(%dma_start3A_188 : memref<10240x128xf32, #tpu.memory_space<vmem_shared>>) offsets(%arg11 : memref<80xi32, #tpu.memory_space<vmem>>) semaphore(%run_scoped3A : memref<!tpu.dma_semaphore, #tpu.memory_space<semaphore_mem>>) {add = true}
        %dma_wait3A_189 = arith.constant 0 : i32
        %dma_wait3A_190 = arith.constant 0 : i32
        %dma_wait3A_191 = tpu.memref_slice %arg21[%dma_wait3A_189, %dma_wait3A_190] : memref<10240x128xf32, #tpu.memory_space<vmem_shared>> -> memref<10240x128xf32, #tpu.memory_space<vmem_shared>>
        tpu.wait_indirect_dma semaphore(%run_scoped3A : memref<!tpu.dma_semaphore, #tpu.memory_space<semaphore_mem>>) src(%arg16 : memref<80x128xf32, #tpu.memory_space<vmem>>) dst(%dma_wait3A_191 : memref<10240x128xf32, #tpu.memory_space<vmem_shared>>)
        tpu.yield
      }) : () -> ()
      "tpu.region"() ({
        %run_scoped3A = tpu.sem_alloc : memref<!tpu.dma_semaphore, #tpu.memory_space<semaphore_mem>>
        %dma_start3A_186 = arith.constant 0 : i32
        %dma_start3A_187 = tpu.memref_slice %arg22[%dma_start3A_186] : memref<10240xf32, #tpu.memory_space<vmem_shared>> -> memref<10240xf32, #tpu.memory_space<vmem_shared>>
        tpu.enqueue_indirect_dma source(%arg18 : memref<80xf32, #tpu.memory_space<vmem>>) target(%dma_start3A_187 : memref<10240xf32, #tpu.memory_space<vmem_shared>>) offsets(%arg11 : memref<80xi32, #tpu.memory_space<vmem>>) semaphore(%run_scoped3A : memref<!tpu.dma_semaphore, #tpu.memory_space<semaphore_mem>>) {add = true}
        %dma_wait3A_188 = arith.constant 0 : i32
        %dma_wait3A_189 = tpu.memref_slice %arg22[%dma_wait3A_188] : memref<10240xf32, #tpu.memory_space<vmem_shared>> -> memref<10240xf32, #tpu.memory_space<vmem_shared>>
        tpu.wait_indirect_dma semaphore(%run_scoped3A : memref<!tpu.dma_semaphore, #tpu.memory_space<semaphore_mem>>) src(%arg18 : memref<80xf32, #tpu.memory_space<vmem>>) dst(%dma_wait3A_189 : memref<10240xf32, #tpu.memory_space<vmem_shared>>)
        tpu.yield
      }) : () -> ()
      "tpu.region"() ({
        %run_scoped3A = tpu.sem_alloc : memref<!tpu.dma_semaphore, #tpu.memory_space<semaphore_mem>>
        %dma_start3A_186 = tpu.memref_slice %arg9[%add3A_156] : memref<320000xf32, #tpu.memory_space<hbm>> -> memref<80xf32, #tpu.memory_space<hbm>>
        %dma_start3A_187 = tpu.memref_slice %arg9[%add3A_156] : memref<320000xf32, #tpu.memory_space<hbm>> -> memref<80xf32, #tpu.memory_space<hbm>>
        tpu.enqueue_dma source(%arg18 : memref<80xf32, #tpu.memory_space<vmem>>) target(%dma_start3A_187 : memref<80xf32, #tpu.memory_space<hbm>>) target_semaphore(%run_scoped3A : memref<!tpu.dma_semaphore, #tpu.memory_space<semaphore_mem>>)
        %dma_wait3A_188 = tpu.memref_slice %arg9[%add3A_156] : memref<320000xf32, #tpu.memory_space<hbm>> -> memref<80xf32, #tpu.memory_space<hbm>>
        %dma_wait3A_189 = tpu.memref_slice %arg9[%add3A_156] : memref<320000xf32, #tpu.memory_space<hbm>> -> memref<80xf32, #tpu.memory_space<hbm>>
        tpu.wait_dma2 semaphore(%run_scoped3A : memref<!tpu.dma_semaphore, #tpu.memory_space<semaphore_mem>>) src(%arg18 : memref<80xf32, #tpu.memory_space<vmem>>) dst(%dma_wait3A_189 : memref<80xf32, #tpu.memory_space<hbm>>)
        tpu.yield
      }) : () -> ()
      %dma_wait3A_157 = arith.constant 0 : i32
      %dma_wait3A_158 = arith.constant 0 : i32
      %dma_wait3A_159 = tpu.memref_slice %arg2[%dma_wait3A_157, %dma_wait3A_158] : memref<10000x128xf32, #tpu.memory_space<hbm>> -> memref<10000x128xf32, #tpu.memory_space<hbm>>
      tpu.wait_indirect_dma semaphore(%arg23 : memref<!tpu.dma_semaphore, #tpu.memory_space<semaphore_mem>>) src(%dma_wait3A_159 : memref<10000x128xf32, #tpu.memory_space<hbm>>) dst(%arg14 : memref<80x128xf32, #tpu.memory_space<vmem>>)
      %dma_wait3A_160 = arith.constant 0 : i32
      %dma_wait3A_161 = arith.constant 0 : i32
      %dma_wait3A_162 = tpu.memref_slice %arg3[%dma_wait3A_160, %dma_wait3A_161] : memref<10000x128xf32, #tpu.memory_space<hbm>> -> memref<10000x128xf32, #tpu.memory_space<hbm>>
      tpu.wait_indirect_dma semaphore(%arg23 : memref<!tpu.dma_semaphore, #tpu.memory_space<semaphore_mem>>) src(%dma_wait3A_162 : memref<10000x128xf32, #tpu.memory_space<hbm>>) dst(%arg15 : memref<80x128xf32, #tpu.memory_space<vmem>>)
      %scan3A_163 = arith.constant 0 : i32
      %scan3A_164 = arith.constant 0 : i32
      %scan3A_165 = arith.constant 5 : i32
      %scan3A_166 = arith.addi %scan3A_164, %scan3A_165 : i32
      %scan3A_167 = arith.constant 1 : i32
      %scan3A_168 = scf.for %scan3A_186 = %scan3A_164 to %scan3A_166 step %scan3A_167 iter_args(%scan3A_187 = %scan3A_163) -> (i32)  : i32 {
        %mul3A_188 = arith.constant 16 : i32
        %mul3A_189 = arith.muli %scan3A_186, %mul3A_188 : i32
        %multiple_of3A = tpu.assume_multiple %mul3A_189, 16 : i32
        %scan3A_190 = arith.constant 0 : i32
        %scan3A_191 = arith.constant 16 : i32
        %scan3A_192 = arith.addi %scan3A_190, %scan3A_191 : i32
        %scan3A_193 = arith.constant 4 : i32
        %scan3A_194 = scf.for %scan3A_203 = %scan3A_190 to %scan3A_192 step %scan3A_193 iter_args(%scan3A_204 = %broadcast_in_dim3A_1) -> (vector<16xf32>)  : i32 {
          %add3A_205 = arith.addi %multiple_of3A, %scan3A_203 : i32
          %get3A = arith.index_cast %add3A_205 : i32 to index
          %get3A_206 = arith.constant 0 : index
          %get3A_207 = tpu.vector_load %arg14[%get3A, %get3A_206] {strides = array<i32>} : memref<80x128xf32, #tpu.memory_space<vmem>>, vector<1x16xf32>,
          %get3A_208 = vector.shape_cast %get3A_207 : vector<1x16xf32> to vector<16xf32>
          %get3A_209 = arith.index_cast %add3A_205 : i32 to index
          %get3A_210 = arith.constant 0 : index
          %get3A_211 = tpu.vector_load %arg15[%get3A_209, %get3A_210] {strides = array<i32>} : memref<80x128xf32, #tpu.memory_space<vmem>>, vector<1x16xf32>,
          %get3A_212 = vector.shape_cast %get3A_211 : vector<1x16xf32> to vector<16xf32>
          %mul3A_213 = arith.mulf %get3A_208, %get3A_212 : vector<16xf32>
          %get3A_214 = arith.index_cast %add3A_205 : i32 to index
          %get3A_215 = arith.constant 16 : index
          %get3A_216 = tpu.vector_load %arg14[%get3A_214, %get3A_215] {strides = array<i32>} : memref<80x128xf32, #tpu.memory_space<vmem>>, vector<1x16xf32>,
          %get3A_217 = vector.shape_cast %get3A_216 : vector<1x16xf32> to vector<16xf32>
          %get3A_218 = arith.index_cast %add3A_205 : i32 to index
          %get3A_219 = arith.constant 16 : index
          %get3A_220 = tpu.vector_load %arg15[%get3A_218, %get3A_219] {strides = array<i32>} : memref<80x128xf32, #tpu.memory_space<vmem>>, vector<1x16xf32>,
          %get3A_221 = vector.shape_cast %get3A_220 : vector<1x16xf32> to vector<16xf32>
          %mul3A_222 = arith.mulf %get3A_217, %get3A_221 : vector<16xf32>
          %add3A_223 = arith.addf %mul3A_213, %mul3A_222 : vector<16xf32>
          %get3A_224 = arith.index_cast %add3A_205 : i32 to index
          %get3A_225 = arith.constant 32 : index
          %get3A_226 = tpu.vector_load %arg14[%get3A_224, %get3A_225] {strides = array<i32>} : memref<80x128xf32, #tpu.memory_space<vmem>>, vector<1x16xf32>,
          %get3A_227 = vector.shape_cast %get3A_226 : vector<1x16xf32> to vector<16xf32>
          %get3A_228 = arith.index_cast %add3A_205 : i32 to index
          %get3A_229 = arith.constant 32 : index
          %get3A_230 = tpu.vector_load %arg15[%get3A_228, %get3A_229] {strides = array<i32>} : memref<80x128xf32, #tpu.memory_space<vmem>>, vector<1x16xf32>,
          %get3A_231 = vector.shape_cast %get3A_230 : vector<1x16xf32> to vector<16xf32>
          %mul3A_232 = arith.mulf %get3A_227, %get3A_231 : vector<16xf32>
          %add3A_233 = arith.addf %add3A_223, %mul3A_232 : vector<16xf32>
          %get3A_234 = arith.index_cast %add3A_205 : i32 to index
          %get3A_235 = arith.constant 48 : index
          %get3A_236 = tpu.vector_load %arg14[%get3A_234, %get3A_235] {strides = array<i32>} : memref<80x128xf32, #tpu.memory_space<vmem>>, vector<1x16xf32>,
          %get3A_237 = vector.shape_cast %get3A_236 : vector<1x16xf32> to vector<16xf32>
          %get3A_238 = arith.index_cast %add3A_205 : i32 to index
          %get3A_239 = arith.constant 48 : index
          %get3A_240 = tpu.vector_load %arg15[%get3A_238, %get3A_239] {strides = array<i32>} : memref<80x128xf32, #tpu.memory_space<vmem>>, vector<1x16xf32>,
          %get3A_241 = vector.shape_cast %get3A_240 : vector<1x16xf32> to vector<16xf32>
          %mul3A_242 = arith.mulf %get3A_237, %get3A_241 : vector<16xf32>
          %add3A_243 = arith.addf %add3A_233, %mul3A_242 : vector<16xf32>
          %get3A_244 = arith.index_cast %add3A_205 : i32 to index
          %get3A_245 = arith.constant 64 : index
          %get3A_246 = tpu.vector_load %arg14[%get3A_244, %get3A_245] {strides = array<i32>} : memref<80x128xf32, #tpu.memory_space<vmem>>, vector<1x16xf32>,
          %get3A_247 = vector.shape_cast %get3A_246 : vector<1x16xf32> to vector<16xf32>
          %get3A_248 = arith.index_cast %add3A_205 : i32 to index
          %get3A_249 = arith.constant 64 : index
          %get3A_250 = tpu.vector_load %arg15[%get3A_248, %get3A_249] {strides = array<i32>} : memref<80x128xf32, #tpu.memory_space<vmem>>, vector<1x16xf32>,
          %get3A_251 = vector.shape_cast %get3A_250 : vector<1x16xf32> to vector<16xf32>
          %mul3A_252 = arith.mulf %get3A_247, %get3A_251 : vector<16xf32>
          %add3A_253 = arith.addf %add3A_243, %mul3A_252 : vector<16xf32>
          %get3A_254 = arith.index_cast %add3A_205 : i32 to index
          %get3A_255 = arith.constant 80 : index
          %get3A_256 = tpu.vector_load %arg14[%get3A_254, %get3A_255] {strides = array<i32>} : memref<80x128xf32, #tpu.memory_space<vmem>>, vector<1x16xf32>,
          %get3A_257 = vector.shape_cast %get3A_256 : vector<1x16xf32> to vector<16xf32>
          %get3A_258 = arith.index_cast %add3A_205 : i32 to index
          %get3A_259 = arith.constant 80 : index
          %get3A_260 = tpu.vector_load %arg15[%get3A_258, %get3A_259] {strides = array<i32>} : memref<80x128xf32, #tpu.memory_space<vmem>>, vector<1x16xf32>,
          %get3A_261 = vector.shape_cast %get3A_260 : vector<1x16xf32> to vector<16xf32>
          %mul3A_262 = arith.mulf %get3A_257, %get3A_261 : vector<16xf32>
          %add3A_263 = arith.addf %add3A_253, %mul3A_262 : vector<16xf32>
          %get3A_264 = arith.index_cast %add3A_205 : i32 to index
          %get3A_265 = arith.constant 96 : index
          %get3A_266 = tpu.vector_load %arg14[%get3A_264, %get3A_265] {strides = array<i32>} : memref<80x128xf32, #tpu.memory_space<vmem>>, vector<1x16xf32>,
          %get3A_267 = vector.shape_cast %get3A_266 : vector<1x16xf32> to vector<16xf32>
          %get3A_268 = arith.index_cast %add3A_205 : i32 to index
          %get3A_269 = arith.constant 96 : index
          %get3A_270 = tpu.vector_load %arg15[%get3A_268, %get3A_269] {strides = array<i32>} : memref<80x128xf32, #tpu.memory_space<vmem>>, vector<1x16xf32>,
          %get3A_271 = vector.shape_cast %get3A_270 : vector<1x16xf32> to vector<16xf32>
          %mul3A_272 = arith.mulf %get3A_267, %get3A_271 : vector<16xf32>
          %add3A_273 = arith.addf %add3A_263, %mul3A_272 : vector<16xf32>
          %get3A_274 = arith.index_cast %add3A_205 : i32 to index
          %get3A_275 = arith.constant 112 : index
          %get3A_276 = tpu.vector_load %arg14[%get3A_274, %get3A_275] {strides = array<i32>} : memref<80x128xf32, #tpu.memory_space<vmem>>, vector<1x16xf32>,
          %get3A_277 = vector.shape_cast %get3A_276 : vector<1x16xf32> to vector<16xf32>
          %get3A_278 = arith.index_cast %add3A_205 : i32 to index
          %get3A_279 = arith.constant 112 : index
          %get3A_280 = tpu.vector_load %arg15[%get3A_278, %get3A_279] {strides = array<i32>} : memref<80x128xf32, #tpu.memory_space<vmem>>, vector<1x16xf32>,
          %get3A_281 = vector.shape_cast %get3A_280 : vector<1x16xf32> to vector<16xf32>
          %mul3A_282 = arith.mulf %get3A_277, %get3A_281 : vector<16xf32>
          %add3A_283 = arith.addf %add3A_273, %mul3A_282 : vector<16xf32>
          %xor3A = arith.constant 8 : i32
          %xor3A_284 = vector.broadcast %xor3A : i32 to vector<16xi32>
          %xor3A_285 = arith.xori %iota3A, %xor3A_284 : vector<16xi32>
          %lt3A = arith.constant 0 : i32
          %lt3A_286 = vector.broadcast %lt3A : i32 to vector<16xi32>
          %lt3A_287 = arith.cmpi slt, %xor3A_285, %lt3A_286 : vector<16xi32>
          %add3A_288 = arith.constant 16 : i32
          %add3A_289 = vector.broadcast %add3A_288 : i32 to vector<16xi32>
          %add3A_290 = arith.addi %xor3A_285, %add3A_289 : vector<16xi32>
          %select_n3A = arith.select %lt3A_287, %add3A_290, %xor3A_285 : vector<16xi1>, vector<16xi32>
          %broadcast_in_dim3A_291 = vector.shape_cast %select_n3A : vector<16xi32> to vector<16x1xi32>
          %gather3A = vector.shape_cast %broadcast_in_dim3A_291 : vector<16x1xi32> to vector<16xi32>
          %gather3A_292 = tpu.dynamic_gather %add3A_283[%gather3A] in [0] : vector<16xf32>, vector<16xi32> -> vector<16xf32>
          %add3A_293 = arith.addf %add3A_283, %gather3A_292 : vector<16xf32>
          %xor3A_294 = arith.constant 4 : i32
          %xor3A_295 = vector.broadcast %xor3A_294 : i32 to vector<16xi32>
          %xor3A_296 = arith.xori %iota3A, %xor3A_295 : vector<16xi32>
          %lt3A_297 = arith.constant 0 : i32
          %lt3A_298 = vector.broadcast %lt3A_297 : i32 to vector<16xi32>
          %lt3A_299 = arith.cmpi slt, %xor3A_296, %lt3A_298 : vector<16xi32>
          %add3A_300 = arith.constant 16 : i32
          %add3A_301 = vector.broadcast %add3A_300 : i32 to vector<16xi32>
          %add3A_302 = arith.addi %xor3A_296, %add3A_301 : vector<16xi32>
          %select_n3A_303 = arith.select %lt3A_299, %add3A_302, %xor3A_296 : vector<16xi1>, vector<16xi32>
          %broadcast_in_dim3A_304 = vector.shape_cast %select_n3A_303 : vector<16xi32> to vector<16x1xi32>
          %gather3A_305 = vector.shape_cast %broadcast_in_dim3A_304 : vector<16x1xi32> to vector<16xi32>
          %gather3A_306 = tpu.dynamic_gather %add3A_293[%gather3A_305] in [0] : vector<16xf32>, vector<16xi32> -> vector<16xf32>
          %add3A_307 = arith.addf %add3A_293, %gather3A_306 : vector<16xf32>
          %xor3A_308 = arith.constant 2 : i32
          %xor3A_309 = vector.broadcast %xor3A_308 : i32 to vector<16xi32>
          %xor3A_310 = arith.xori %iota3A, %xor3A_309 : vector<16xi32>
          %lt3A_311 = arith.constant 0 : i32
          %lt3A_312 = vector.broadcast %lt3A_311 : i32 to vector<16xi32>
          %lt3A_313 = arith.cmpi slt, %xor3A_310, %lt3A_312 : vector<16xi32>
          %add3A_314 = arith.constant 16 : i32
          %add3A_315 = vector.broadcast %add3A_314 : i32 to vector<16xi32>
          %add3A_316 = arith.addi %xor3A_310, %add3A_315 : vector<16xi32>
          %select_n3A_317 = arith.select %lt3A_313, %add3A_316, %xor3A_310 : vector<16xi1>, vector<16xi32>
          %broadcast_in_dim3A_318 = vector.shape_cast %select_n3A_317 : vector<16xi32> to vector<16x1xi32>
          %gather3A_319 = vector.shape_cast %broadcast_in_dim3A_318 : vector<16x1xi32> to vector<16xi32>
          %gather3A_320 = tpu.dynamic_gather %add3A_307[%gather3A_319] in [0] : vector<16xf32>, vector<16xi32> -> vector<16xf32>
          %add3A_321 = arith.addf %add3A_307, %gather3A_320 : vector<16xf32>
          %xor3A_322 = arith.constant 1 : i32
          %xor3A_323 = vector.broadcast %xor3A_322 : i32 to vector<16xi32>
          %xor3A_324 = arith.xori %iota3A, %xor3A_323 : vector<16xi32>
          %lt3A_325 = arith.constant 0 : i32
          %lt3A_326 = vector.broadcast %lt3A_325 : i32 to vector<16xi32>
          %lt3A_327 = arith.cmpi slt, %xor3A_324, %lt3A_326 : vector<16xi32>
          %add3A_328 = arith.constant 16 : i32
          %add3A_329 = vector.broadcast %add3A_328 : i32 to vector<16xi32>
          %add3A_330 = arith.addi %xor3A_324, %add3A_329 : vector<16xi32>
          %select_n3A_331 = arith.select %lt3A_327, %add3A_330, %xor3A_324 : vector<16xi1>, vector<16xi32>
          %broadcast_in_dim3A_332 = vector.shape_cast %select_n3A_331 : vector<16xi32> to vector<16x1xi32>
          %gather3A_333 = vector.shape_cast %broadcast_in_dim3A_332 : vector<16x1xi32> to vector<16xi32>
          %gather3A_334 = tpu.dynamic_gather %add3A_321[%gather3A_333] in [0] : vector<16xf32>, vector<16xi32> -> vector<16xf32>
          %add3A_335 = arith.addf %add3A_321, %gather3A_334 : vector<16xf32>
          %eq3A = vector.broadcast %scan3A_203 : i32 to vector<16xi32>
          %eq3A_336 = arith.cmpi eq, %iota3A, %eq3A : vector<16xi32>
          %select_n3A_337 = arith.select %eq3A_336, %add3A_335, %scan3A_204 : vector<16xi1>, vector<16xf32>
          %scan3A_338 = arith.constant 1 : i32
          %scan3A_339 = arith.addi %scan3A_203, %scan3A_338 : i32
          %add3A_340 = arith.addi %multiple_of3A, %scan3A_339 : i32
          %get3A_341 = arith.index_cast %add3A_340 : i32 to index
          %get3A_342 = arith.constant 0 : index
          %get3A_343 = tpu.vector_load %arg14[%get3A_341, %get3A_342] {strides = array<i32>} : memref<80x128xf32, #tpu.memory_space<vmem>>, vector<1x16xf32>,
          %get3A_344 = vector.shape_cast %get3A_343 : vector<1x16xf32> to vector<16xf32>
          %get3A_345 = arith.index_cast %add3A_340 : i32 to index
          %get3A_346 = arith.constant 0 : index
          %get3A_347 = tpu.vector_load %arg15[%get3A_345, %get3A_346] {strides = array<i32>} : memref<80x128xf32, #tpu.memory_space<vmem>>, vector<1x16xf32>,
          %get3A_348 = vector.shape_cast %get3A_347 : vector<1x16xf32> to vector<16xf32>
          %mul3A_349 = arith.mulf %get3A_344, %get3A_348 : vector<16xf32>
          %get3A_350 = arith.index_cast %add3A_340 : i32 to index
          %get3A_351 = arith.constant 16 : index
          %get3A_352 = tpu.vector_load %arg14[%get3A_350, %get3A_351] {strides = array<i32>} : memref<80x128xf32, #tpu.memory_space<vmem>>, vector<1x16xf32>,
          %get3A_353 = vector.shape_cast %get3A_352 : vector<1x16xf32> to vector<16xf32>
          %get3A_354 = arith.index_cast %add3A_340 : i32 to index
          %get3A_355 = arith.constant 16 : index
          %get3A_356 = tpu.vector_load %arg15[%get3A_354, %get3A_355] {strides = array<i32>} : memref<80x128xf32, #tpu.memory_space<vmem>>, vector<1x16xf32>,
          %get3A_357 = vector.shape_cast %get3A_356 : vector<1x16xf32> to vector<16xf32>
          %mul3A_358 = arith.mulf %get3A_353, %get3A_357 : vector<16xf32>
          %add3A_359 = arith.addf %mul3A_349, %mul3A_358 : vector<16xf32>
          %get3A_360 = arith.index_cast %add3A_340 : i32 to index
          %get3A_361 = arith.constant 32 : index
          %get3A_362 = tpu.vector_load %arg14[%get3A_360, %get3A_361] {strides = array<i32>} : memref<80x128xf32, #tpu.memory_space<vmem>>, vector<1x16xf32>,
          %get3A_363 = vector.shape_cast %get3A_362 : vector<1x16xf32> to vector<16xf32>
          %get3A_364 = arith.index_cast %add3A_340 : i32 to index
          %get3A_365 = arith.constant 32 : index
          %get3A_366 = tpu.vector_load %arg15[%get3A_364, %get3A_365] {strides = array<i32>} : memref<80x128xf32, #tpu.memory_space<vmem>>, vector<1x16xf32>,
          %get3A_367 = vector.shape_cast %get3A_366 : vector<1x16xf32> to vector<16xf32>
          %mul3A_368 = arith.mulf %get3A_363, %get3A_367 : vector<16xf32>
          %add3A_369 = arith.addf %add3A_359, %mul3A_368 : vector<16xf32>
          %get3A_370 = arith.index_cast %add3A_340 : i32 to index
          %get3A_371 = arith.constant 48 : index
          %get3A_372 = tpu.vector_load %arg14[%get3A_370, %get3A_371] {strides = array<i32>} : memref<80x128xf32, #tpu.memory_space<vmem>>, vector<1x16xf32>,
          %get3A_373 = vector.shape_cast %get3A_372 : vector<1x16xf32> to vector<16xf32>
          %get3A_374 = arith.index_cast %add3A_340 : i32 to index
          %get3A_375 = arith.constant 48 : index
          %get3A_376 = tpu.vector_load %arg15[%get3A_374, %get3A_375] {strides = array<i32>} : memref<80x128xf32, #tpu.memory_space<vmem>>, vector<1x16xf32>,
          %get3A_377 = vector.shape_cast %get3A_376 : vector<1x16xf32> to vector<16xf32>
          %mul3A_378 = arith.mulf %get3A_373, %get3A_377 : vector<16xf32>
          %add3A_379 = arith.addf %add3A_369, %mul3A_378 : vector<16xf32>
          %get3A_380 = arith.index_cast %add3A_340 : i32 to index
          %get3A_381 = arith.constant 64 : index
          %get3A_382 = tpu.vector_load %arg14[%get3A_380, %get3A_381] {strides = array<i32>} : memref<80x128xf32, #tpu.memory_space<vmem>>, vector<1x16xf32>,
          %get3A_383 = vector.shape_cast %get3A_382 : vector<1x16xf32> to vector<16xf32>
          %get3A_384 = arith.index_cast %add3A_340 : i32 to index
          %get3A_385 = arith.constant 64 : index
          %get3A_386 = tpu.vector_load %arg15[%get3A_384, %get3A_385] {strides = array<i32>} : memref<80x128xf32, #tpu.memory_space<vmem>>, vector<1x16xf32>,
          %get3A_387 = vector.shape_cast %get3A_386 : vector<1x16xf32> to vector<16xf32>
          %mul3A_388 = arith.mulf %get3A_383, %get3A_387 : vector<16xf32>
          %add3A_389 = arith.addf %add3A_379, %mul3A_388 : vector<16xf32>
          %get3A_390 = arith.index_cast %add3A_340 : i32 to index
          %get3A_391 = arith.constant 80 : index
          %get3A_392 = tpu.vector_load %arg14[%get3A_390, %get3A_391] {strides = array<i32>} : memref<80x128xf32, #tpu.memory_space<vmem>>, vector<1x16xf32>,
          %get3A_393 = vector.shape_cast %get3A_392 : vector<1x16xf32> to vector<16xf32>
          %get3A_394 = arith.index_cast %add3A_340 : i32 to index
          %get3A_395 = arith.constant 80 : index
          %get3A_396 = tpu.vector_load %arg15[%get3A_394, %get3A_395] {strides = array<i32>} : memref<80x128xf32, #tpu.memory_space<vmem>>, vector<1x16xf32>,
          %get3A_397 = vector.shape_cast %get3A_396 : vector<1x16xf32> to vector<16xf32>
          %mul3A_398 = arith.mulf %get3A_393, %get3A_397 : vector<16xf32>
          %add3A_399 = arith.addf %add3A_389, %mul3A_398 : vector<16xf32>
          %get3A_400 = arith.index_cast %add3A_340 : i32 to index
          %get3A_401 = arith.constant 96 : index
          %get3A_402 = tpu.vector_load %arg14[%get3A_400, %get3A_401] {strides = array<i32>} : memref<80x128xf32, #tpu.memory_space<vmem>>, vector<1x16xf32>,
          %get3A_403 = vector.shape_cast %get3A_402 : vector<1x16xf32> to vector<16xf32>
          %get3A_404 = arith.index_cast %add3A_340 : i32 to index
          %get3A_405 = arith.constant 96 : index
          %get3A_406 = tpu.vector_load %arg15[%get3A_404, %get3A_405] {strides = array<i32>} : memref<80x128xf32, #tpu.memory_space<vmem>>, vector<1x16xf32>,
          %get3A_407 = vector.shape_cast %get3A_406 : vector<1x16xf32> to vector<16xf32>
          %mul3A_408 = arith.mulf %get3A_403, %get3A_407 : vector<16xf32>
          %add3A_409 = arith.addf %add3A_399, %mul3A_408 : vector<16xf32>
          %get3A_410 = arith.index_cast %add3A_340 : i32 to index
          %get3A_411 = arith.constant 112 : index
          %get3A_412 = tpu.vector_load %arg14[%get3A_410, %get3A_411] {strides = array<i32>} : memref<80x128xf32, #tpu.memory_space<vmem>>, vector<1x16xf32>,
          %get3A_413 = vector.shape_cast %get3A_412 : vector<1x16xf32> to vector<16xf32>
          %get3A_414 = arith.index_cast %add3A_340 : i32 to index
          %get3A_415 = arith.constant 112 : index
          %get3A_416 = tpu.vector_load %arg15[%get3A_414, %get3A_415] {strides = array<i32>} : memref<80x128xf32, #tpu.memory_space<vmem>>, vector<1x16xf32>,
          %get3A_417 = vector.shape_cast %get3A_416 : vector<1x16xf32> to vector<16xf32>
          %mul3A_418 = arith.mulf %get3A_413, %get3A_417 : vector<16xf32>
          %add3A_419 = arith.addf %add3A_409, %mul3A_418 : vector<16xf32>
          %xor3A_420 = arith.constant 8 : i32
          %xor3A_421 = vector.broadcast %xor3A_420 : i32 to vector<16xi32>
          %xor3A_422 = arith.xori %iota3A, %xor3A_421 : vector<16xi32>
          %lt3A_423 = arith.constant 0 : i32
          %lt3A_424 = vector.broadcast %lt3A_423 : i32 to vector<16xi32>
          %lt3A_425 = arith.cmpi slt, %xor3A_422, %lt3A_424 : vector<16xi32>
          %add3A_426 = arith.constant 16 : i32
          %add3A_427 = vector.broadcast %add3A_426 : i32 to vector<16xi32>
          %add3A_428 = arith.addi %xor3A_422, %add3A_427 : vector<16xi32>
          %select_n3A_429 = arith.select %lt3A_425, %add3A_428, %xor3A_422 : vector<16xi1>, vector<16xi32>
          %broadcast_in_dim3A_430 = vector.shape_cast %select_n3A_429 : vector<16xi32> to vector<16x1xi32>
          %gather3A_431 = vector.shape_cast %broadcast_in_dim3A_430 : vector<16x1xi32> to vector<16xi32>
          %gather3A_432 = tpu.dynamic_gather %add3A_419[%gather3A_431] in [0] : vector<16xf32>, vector<16xi32> -> vector<16xf32>
          %add3A_433 = arith.addf %add3A_419, %gather3A_432 : vector<16xf32>
          %xor3A_434 = arith.constant 4 : i32
          %xor3A_435 = vector.broadcast %xor3A_434 : i32 to vector<16xi32>
          %xor3A_436 = arith.xori %iota3A, %xor3A_435 : vector<16xi32>
          %lt3A_437 = arith.constant 0 : i32
          %lt3A_438 = vector.broadcast %lt3A_437 : i32 to vector<16xi32>
          %lt3A_439 = arith.cmpi slt, %xor3A_436, %lt3A_438 : vector<16xi32>
          %add3A_440 = arith.constant 16 : i32
          %add3A_441 = vector.broadcast %add3A_440 : i32 to vector<16xi32>
          %add3A_442 = arith.addi %xor3A_436, %add3A_441 : vector<16xi32>
          %select_n3A_443 = arith.select %lt3A_439, %add3A_442, %xor3A_436 : vector<16xi1>, vector<16xi32>
          %broadcast_in_dim3A_444 = vector.shape_cast %select_n3A_443 : vector<16xi32> to vector<16x1xi32>
          %gather3A_445 = vector.shape_cast %broadcast_in_dim3A_444 : vector<16x1xi32> to vector<16xi32>
          %gather3A_446 = tpu.dynamic_gather %add3A_433[%gather3A_445] in [0] : vector<16xf32>, vector<16xi32> -> vector<16xf32>
          %add3A_447 = arith.addf %add3A_433, %gather3A_446 : vector<16xf32>
          %xor3A_448 = arith.constant 2 : i32
          %xor3A_449 = vector.broadcast %xor3A_448 : i32 to vector<16xi32>
          %xor3A_450 = arith.xori %iota3A, %xor3A_449 : vector<16xi32>
          %lt3A_451 = arith.constant 0 : i32
          %lt3A_452 = vector.broadcast %lt3A_451 : i32 to vector<16xi32>
          %lt3A_453 = arith.cmpi slt, %xor3A_450, %lt3A_452 : vector<16xi32>
          %add3A_454 = arith.constant 16 : i32
          %add3A_455 = vector.broadcast %add3A_454 : i32 to vector<16xi32>
          %add3A_456 = arith.addi %xor3A_450, %add3A_455 : vector<16xi32>
          %select_n3A_457 = arith.select %lt3A_453, %add3A_456, %xor3A_450 : vector<16xi1>, vector<16xi32>
          %broadcast_in_dim3A_458 = vector.shape_cast %select_n3A_457 : vector<16xi32> to vector<16x1xi32>
          %gather3A_459 = vector.shape_cast %broadcast_in_dim3A_458 : vector<16x1xi32> to vector<16xi32>
          %gather3A_460 = tpu.dynamic_gather %add3A_447[%gather3A_459] in [0] : vector<16xf32>, vector<16xi32> -> vector<16xf32>
          %add3A_461 = arith.addf %add3A_447, %gather3A_460 : vector<16xf32>
          %xor3A_462 = arith.constant 1 : i32
          %xor3A_463 = vector.broadcast %xor3A_462 : i32 to vector<16xi32>
          %xor3A_464 = arith.xori %iota3A, %xor3A_463 : vector<16xi32>
          %lt3A_465 = arith.constant 0 : i32
          %lt3A_466 = vector.broadcast %lt3A_465 : i32 to vector<16xi32>
          %lt3A_467 = arith.cmpi slt, %xor3A_464, %lt3A_466 : vector<16xi32>
          %add3A_468 = arith.constant 16 : i32
          %add3A_469 = vector.broadcast %add3A_468 : i32 to vector<16xi32>
          %add3A_470 = arith.addi %xor3A_464, %add3A_469 : vector<16xi32>
          %select_n3A_471 = arith.select %lt3A_467, %add3A_470, %xor3A_464 : vector<16xi1>, vector<16xi32>
          %broadcast_in_dim3A_472 = vector.shape_cast %select_n3A_471 : vector<16xi32> to vector<16x1xi32>
          %gather3A_473 = vector.shape_cast %broadcast_in_dim3A_472 : vector<16x1xi32> to vector<16xi32>
          %gather3A_474 = tpu.dynamic_gather %add3A_461[%gather3A_473] in [0] : vector<16xf32>, vector<16xi32> -> vector<16xf32>
          %add3A_475 = arith.addf %add3A_461, %gather3A_474 : vector<16xf32>
          %eq3A_476 = vector.broadcast %scan3A_339 : i32 to vector<16xi32>
          %eq3A_477 = arith.cmpi eq, %iota3A, %eq3A_476 : vector<16xi32>
          %select_n3A_478 = arith.select %eq3A_477, %add3A_475, %select_n3A_337 : vector<16xi1>, vector<16xf32>
          %scan3A_479 = arith.constant 2 : i32
          %scan3A_480 = arith.addi %scan3A_203, %scan3A_479 : i32
          %add3A_481 = arith.addi %multiple_of3A, %scan3A_480 : i32
          %get3A_482 = arith.index_cast %add3A_481 : i32 to index
          %get3A_483 = arith.constant 0 : index
          %get3A_484 = tpu.vector_load %arg14[%get3A_482, %get3A_483] {strides = array<i32>} : memref<80x128xf32, #tpu.memory_space<vmem>>, vector<1x16xf32>,
          %get3A_485 = vector.shape_cast %get3A_484 : vector<1x16xf32> to vector<16xf32>
          %get3A_486 = arith.index_cast %add3A_481 : i32 to index
          %get3A_487 = arith.constant 0 : index
          %get3A_488 = tpu.vector_load %arg15[%get3A_486, %get3A_487] {strides = array<i32>} : memref<80x128xf32, #tpu.memory_space<vmem>>, vector<1x16xf32>,
          %get3A_489 = vector.shape_cast %get3A_488 : vector<1x16xf32> to vector<16xf32>
          %mul3A_490 = arith.mulf %get3A_485, %get3A_489 : vector<16xf32>
          %get3A_491 = arith.index_cast %add3A_481 : i32 to index
          %get3A_492 = arith.constant 16 : index
          %get3A_493 = tpu.vector_load %arg14[%get3A_491, %get3A_492] {strides = array<i32>} : memref<80x128xf32, #tpu.memory_space<vmem>>, vector<1x16xf32>,
          %get3A_494 = vector.shape_cast %get3A_493 : vector<1x16xf32> to vector<16xf32>
          %get3A_495 = arith.index_cast %add3A_481 : i32 to index
          %get3A_496 = arith.constant 16 : index
          %get3A_497 = tpu.vector_load %arg15[%get3A_495, %get3A_496] {strides = array<i32>} : memref<80x128xf32, #tpu.memory_space<vmem>>, vector<1x16xf32>,
          %get3A_498 = vector.shape_cast %get3A_497 : vector<1x16xf32> to vector<16xf32>
          %mul3A_499 = arith.mulf %get3A_494, %get3A_498 : vector<16xf32>
          %add3A_500 = arith.addf %mul3A_490, %mul3A_499 : vector<16xf32>
          %get3A_501 = arith.index_cast %add3A_481 : i32 to index
          %get3A_502 = arith.constant 32 : index
          %get3A_503 = tpu.vector_load %arg14[%get3A_501, %get3A_502] {strides = array<i32>} : memref<80x128xf32, #tpu.memory_space<vmem>>, vector<1x16xf32>,
          %get3A_504 = vector.shape_cast %get3A_503 : vector<1x16xf32> to vector<16xf32>
          %get3A_505 = arith.index_cast %add3A_481 : i32 to index
          %get3A_506 = arith.constant 32 : index
          %get3A_507 = tpu.vector_load %arg15[%get3A_505, %get3A_506] {strides = array<i32>} : memref<80x128xf32, #tpu.memory_space<vmem>>, vector<1x16xf32>,
          %get3A_508 = vector.shape_cast %get3A_507 : vector<1x16xf32> to vector<16xf32>
          %mul3A_509 = arith.mulf %get3A_504, %get3A_508 : vector<16xf32>
          %add3A_510 = arith.addf %add3A_500, %mul3A_509 : vector<16xf32>
          %get3A_511 = arith.index_cast %add3A_481 : i32 to index
          %get3A_512 = arith.constant 48 : index
          %get3A_513 = tpu.vector_load %arg14[%get3A_511, %get3A_512] {strides = array<i32>} : memref<80x128xf32, #tpu.memory_space<vmem>>, vector<1x16xf32>,
          %get3A_514 = vector.shape_cast %get3A_513 : vector<1x16xf32> to vector<16xf32>
          %get3A_515 = arith.index_cast %add3A_481 : i32 to index
          %get3A_516 = arith.constant 48 : index
          %get3A_517 = tpu.vector_load %arg15[%get3A_515, %get3A_516] {strides = array<i32>} : memref<80x128xf32, #tpu.memory_space<vmem>>, vector<1x16xf32>,
          %get3A_518 = vector.shape_cast %get3A_517 : vector<1x16xf32> to vector<16xf32>
          %mul3A_519 = arith.mulf %get3A_514, %get3A_518 : vector<16xf32>
          %add3A_520 = arith.addf %add3A_510, %mul3A_519 : vector<16xf32>
          %get3A_521 = arith.index_cast %add3A_481 : i32 to index
          %get3A_522 = arith.constant 64 : index
          %get3A_523 = tpu.vector_load %arg14[%get3A_521, %get3A_522] {strides = array<i32>} : memref<80x128xf32, #tpu.memory_space<vmem>>, vector<1x16xf32>,
          %get3A_524 = vector.shape_cast %get3A_523 : vector<1x16xf32> to vector<16xf32>
          %get3A_525 = arith.index_cast %add3A_481 : i32 to index
          %get3A_526 = arith.constant 64 : index
          %get3A_527 = tpu.vector_load %arg15[%get3A_525, %get3A_526] {strides = array<i32>} : memref<80x128xf32, #tpu.memory_space<vmem>>, vector<1x16xf32>,
          %get3A_528 = vector.shape_cast %get3A_527 : vector<1x16xf32> to vector<16xf32>
          %mul3A_529 = arith.mulf %get3A_524, %get3A_528 : vector<16xf32>
          %add3A_530 = arith.addf %add3A_520, %mul3A_529 : vector<16xf32>
          %get3A_531 = arith.index_cast %add3A_481 : i32 to index
          %get3A_532 = arith.constant 80 : index
          %get3A_533 = tpu.vector_load %arg14[%get3A_531, %get3A_532] {strides = array<i32>} : memref<80x128xf32, #tpu.memory_space<vmem>>, vector<1x16xf32>,
          %get3A_534 = vector.shape_cast %get3A_533 : vector<1x16xf32> to vector<16xf32>
          %get3A_535 = arith.index_cast %add3A_481 : i32 to index
          %get3A_536 = arith.constant 80 : index
          %get3A_537 = tpu.vector_load %arg15[%get3A_535, %get3A_536] {strides = array<i32>} : memref<80x128xf32, #tpu.memory_space<vmem>>, vector<1x16xf32>,
          %get3A_538 = vector.shape_cast %get3A_537 : vector<1x16xf32> to vector<16xf32>
          %mul3A_539 = arith.mulf %get3A_534, %get3A_538 : vector<16xf32>
          %add3A_540 = arith.addf %add3A_530, %mul3A_539 : vector<16xf32>
          %get3A_541 = arith.index_cast %add3A_481 : i32 to index
          %get3A_542 = arith.constant 96 : index
          %get3A_543 = tpu.vector_load %arg14[%get3A_541, %get3A_542] {strides = array<i32>} : memref<80x128xf32, #tpu.memory_space<vmem>>, vector<1x16xf32>,
          %get3A_544 = vector.shape_cast %get3A_543 : vector<1x16xf32> to vector<16xf32>
          %get3A_545 = arith.index_cast %add3A_481 : i32 to index
          %get3A_546 = arith.constant 96 : index
          %get3A_547 = tpu.vector_load %arg15[%get3A_545, %get3A_546] {strides = array<i32>} : memref<80x128xf32, #tpu.memory_space<vmem>>, vector<1x16xf32>,
          %get3A_548 = vector.shape_cast %get3A_547 : vector<1x16xf32> to vector<16xf32>
          %mul3A_549 = arith.mulf %get3A_544, %get3A_548 : vector<16xf32>
          %add3A_550 = arith.addf %add3A_540, %mul3A_549 : vector<16xf32>
          %get3A_551 = arith.index_cast %add3A_481 : i32 to index
          %get3A_552 = arith.constant 112 : index
          %get3A_553 = tpu.vector_load %arg14[%get3A_551, %get3A_552] {strides = array<i32>} : memref<80x128xf32, #tpu.memory_space<vmem>>, vector<1x16xf32>,
          %get3A_554 = vector.shape_cast %get3A_553 : vector<1x16xf32> to vector<16xf32>
          %get3A_555 = arith.index_cast %add3A_481 : i32 to index
          %get3A_556 = arith.constant 112 : index
          %get3A_557 = tpu.vector_load %arg15[%get3A_555, %get3A_556] {strides = array<i32>} : memref<80x128xf32, #tpu.memory_space<vmem>>, vector<1x16xf32>,
          %get3A_558 = vector.shape_cast %get3A_557 : vector<1x16xf32> to vector<16xf32>
          %mul3A_559 = arith.mulf %get3A_554, %get3A_558 : vector<16xf32>
          %add3A_560 = arith.addf %add3A_550, %mul3A_559 : vector<16xf32>
          %xor3A_561 = arith.constant 8 : i32
          %xor3A_562 = vector.broadcast %xor3A_561 : i32 to vector<16xi32>
          %xor3A_563 = arith.xori %iota3A, %xor3A_562 : vector<16xi32>
          %lt3A_564 = arith.constant 0 : i32
          %lt3A_565 = vector.broadcast %lt3A_564 : i32 to vector<16xi32>
          %lt3A_566 = arith.cmpi slt, %xor3A_563, %lt3A_565 : vector<16xi32>
          %add3A_567 = arith.constant 16 : i32
          %add3A_568 = vector.broadcast %add3A_567 : i32 to vector<16xi32>
          %add3A_569 = arith.addi %xor3A_563, %add3A_568 : vector<16xi32>
          %select_n3A_570 = arith.select %lt3A_566, %add3A_569, %xor3A_563 : vector<16xi1>, vector<16xi32>
          %broadcast_in_dim3A_571 = vector.shape_cast %select_n3A_570 : vector<16xi32> to vector<16x1xi32>
          %gather3A_572 = vector.shape_cast %broadcast_in_dim3A_571 : vector<16x1xi32> to vector<16xi32>
          %gather3A_573 = tpu.dynamic_gather %add3A_560[%gather3A_572] in [0] : vector<16xf32>, vector<16xi32> -> vector<16xf32>
          %add3A_574 = arith.addf %add3A_560, %gather3A_573 : vector<16xf32>
          %xor3A_575 = arith.constant 4 : i32
          %xor3A_576 = vector.broadcast %xor3A_575 : i32 to vector<16xi32>
          %xor3A_577 = arith.xori %iota3A, %xor3A_576 : vector<16xi32>
          %lt3A_578 = arith.constant 0 : i32
          %lt3A_579 = vector.broadcast %lt3A_578 : i32 to vector<16xi32>
          %lt3A_580 = arith.cmpi slt, %xor3A_577, %lt3A_579 : vector<16xi32>
          %add3A_581 = arith.constant 16 : i32
          %add3A_582 = vector.broadcast %add3A_581 : i32 to vector<16xi32>
          %add3A_583 = arith.addi %xor3A_577, %add3A_582 : vector<16xi32>
          %select_n3A_584 = arith.select %lt3A_580, %add3A_583, %xor3A_577 : vector<16xi1>, vector<16xi32>
          %broadcast_in_dim3A_585 = vector.shape_cast %select_n3A_584 : vector<16xi32> to vector<16x1xi32>
          %gather3A_586 = vector.shape_cast %broadcast_in_dim3A_585 : vector<16x1xi32> to vector<16xi32>
          %gather3A_587 = tpu.dynamic_gather %add3A_574[%gather3A_586] in [0] : vector<16xf32>, vector<16xi32> -> vector<16xf32>
          %add3A_588 = arith.addf %add3A_574, %gather3A_587 : vector<16xf32>
          %xor3A_589 = arith.constant 2 : i32
          %xor3A_590 = vector.broadcast %xor3A_589 : i32 to vector<16xi32>
          %xor3A_591 = arith.xori %iota3A, %xor3A_590 : vector<16xi32>
          %lt3A_592 = arith.constant 0 : i32
          %lt3A_593 = vector.broadcast %lt3A_592 : i32 to vector<16xi32>
          %lt3A_594 = arith.cmpi slt, %xor3A_591, %lt3A_593 : vector<16xi32>
          %add3A_595 = arith.constant 16 : i32
          %add3A_596 = vector.broadcast %add3A_595 : i32 to vector<16xi32>
          %add3A_597 = arith.addi %xor3A_591, %add3A_596 : vector<16xi32>
          %select_n3A_598 = arith.select %lt3A_594, %add3A_597, %xor3A_591 : vector<16xi1>, vector<16xi32>
          %broadcast_in_dim3A_599 = vector.shape_cast %select_n3A_598 : vector<16xi32> to vector<16x1xi32>
          %gather3A_600 = vector.shape_cast %broadcast_in_dim3A_599 : vector<16x1xi32> to vector<16xi32>
          %gather3A_601 = tpu.dynamic_gather %add3A_588[%gather3A_600] in [0] : vector<16xf32>, vector<16xi32> -> vector<16xf32>
          %add3A_602 = arith.addf %add3A_588, %gather3A_601 : vector<16xf32>
          %xor3A_603 = arith.constant 1 : i32
          %xor3A_604 = vector.broadcast %xor3A_603 : i32 to vector<16xi32>
          %xor3A_605 = arith.xori %iota3A, %xor3A_604 : vector<16xi32>
          %lt3A_606 = arith.constant 0 : i32
          %lt3A_607 = vector.broadcast %lt3A_606 : i32 to vector<16xi32>
          %lt3A_608 = arith.cmpi slt, %xor3A_605, %lt3A_607 : vector<16xi32>
          %add3A_609 = arith.constant 16 : i32
          %add3A_610 = vector.broadcast %add3A_609 : i32 to vector<16xi32>
          %add3A_611 = arith.addi %xor3A_605, %add3A_610 : vector<16xi32>
          %select_n3A_612 = arith.select %lt3A_608, %add3A_611, %xor3A_605 : vector<16xi1>, vector<16xi32>
          %broadcast_in_dim3A_613 = vector.shape_cast %select_n3A_612 : vector<16xi32> to vector<16x1xi32>
          %gather3A_614 = vector.shape_cast %broadcast_in_dim3A_613 : vector<16x1xi32> to vector<16xi32>
          %gather3A_615 = tpu.dynamic_gather %add3A_602[%gather3A_614] in [0] : vector<16xf32>, vector<16xi32> -> vector<16xf32>
          %add3A_616 = arith.addf %add3A_602, %gather3A_615 : vector<16xf32>
          %eq3A_617 = vector.broadcast %scan3A_480 : i32 to vector<16xi32>
          %eq3A_618 = arith.cmpi eq, %iota3A, %eq3A_617 : vector<16xi32>
          %select_n3A_619 = arith.select %eq3A_618, %add3A_616, %select_n3A_478 : vector<16xi1>, vector<16xf32>
          %scan3A_620 = arith.constant 3 : i32
          %scan3A_621 = arith.addi %scan3A_203, %scan3A_620 : i32
          %add3A_622 = arith.addi %multiple_of3A, %scan3A_621 : i32
          %get3A_623 = arith.index_cast %add3A_622 : i32 to index
          %get3A_624 = arith.constant 0 : index
          %get3A_625 = tpu.vector_load %arg14[%get3A_623, %get3A_624] {strides = array<i32>} : memref<80x128xf32, #tpu.memory_space<vmem>>, vector<1x16xf32>,
          %get3A_626 = vector.shape_cast %get3A_625 : vector<1x16xf32> to vector<16xf32>
          %get3A_627 = arith.index_cast %add3A_622 : i32 to index
          %get3A_628 = arith.constant 0 : index
          %get3A_629 = tpu.vector_load %arg15[%get3A_627, %get3A_628] {strides = array<i32>} : memref<80x128xf32, #tpu.memory_space<vmem>>, vector<1x16xf32>,
          %get3A_630 = vector.shape_cast %get3A_629 : vector<1x16xf32> to vector<16xf32>
          %mul3A_631 = arith.mulf %get3A_626, %get3A_630 : vector<16xf32>
          %get3A_632 = arith.index_cast %add3A_622 : i32 to index
          %get3A_633 = arith.constant 16 : index
          %get3A_634 = tpu.vector_load %arg14[%get3A_632, %get3A_633] {strides = array<i32>} : memref<80x128xf32, #tpu.memory_space<vmem>>, vector<1x16xf32>,
          %get3A_635 = vector.shape_cast %get3A_634 : vector<1x16xf32> to vector<16xf32>
          %get3A_636 = arith.index_cast %add3A_622 : i32 to index
          %get3A_637 = arith.constant 16 : index
          %get3A_638 = tpu.vector_load %arg15[%get3A_636, %get3A_637] {strides = array<i32>} : memref<80x128xf32, #tpu.memory_space<vmem>>, vector<1x16xf32>,
          %get3A_639 = vector.shape_cast %get3A_638 : vector<1x16xf32> to vector<16xf32>
          %mul3A_640 = arith.mulf %get3A_635, %get3A_639 : vector<16xf32>
          %add3A_641 = arith.addf %mul3A_631, %mul3A_640 : vector<16xf32>
          %get3A_642 = arith.index_cast %add3A_622 : i32 to index
          %get3A_643 = arith.constant 32 : index
          %get3A_644 = tpu.vector_load %arg14[%get3A_642, %get3A_643] {strides = array<i32>} : memref<80x128xf32, #tpu.memory_space<vmem>>, vector<1x16xf32>,
          %get3A_645 = vector.shape_cast %get3A_644 : vector<1x16xf32> to vector<16xf32>
          %get3A_646 = arith.index_cast %add3A_622 : i32 to index
          %get3A_647 = arith.constant 32 : index
          %get3A_648 = tpu.vector_load %arg15[%get3A_646, %get3A_647] {strides = array<i32>} : memref<80x128xf32, #tpu.memory_space<vmem>>, vector<1x16xf32>,
          %get3A_649 = vector.shape_cast %get3A_648 : vector<1x16xf32> to vector<16xf32>
          %mul3A_650 = arith.mulf %get3A_645, %get3A_649 : vector<16xf32>
          %add3A_651 = arith.addf %add3A_641, %mul3A_650 : vector<16xf32>
          %get3A_652 = arith.index_cast %add3A_622 : i32 to index
          %get3A_653 = arith.constant 48 : index
          %get3A_654 = tpu.vector_load %arg14[%get3A_652, %get3A_653] {strides = array<i32>} : memref<80x128xf32, #tpu.memory_space<vmem>>, vector<1x16xf32>,
          %get3A_655 = vector.shape_cast %get3A_654 : vector<1x16xf32> to vector<16xf32>
          %get3A_656 = arith.index_cast %add3A_622 : i32 to index
          %get3A_657 = arith.constant 48 : index
          %get3A_658 = tpu.vector_load %arg15[%get3A_656, %get3A_657] {strides = array<i32>} : memref<80x128xf32, #tpu.memory_space<vmem>>, vector<1x16xf32>,
          %get3A_659 = vector.shape_cast %get3A_658 : vector<1x16xf32> to vector<16xf32>
          %mul3A_660 = arith.mulf %get3A_655, %get3A_659 : vector<16xf32>
          %add3A_661 = arith.addf %add3A_651, %mul3A_660 : vector<16xf32>
          %get3A_662 = arith.index_cast %add3A_622 : i32 to index
          %get3A_663 = arith.constant 64 : index
          %get3A_664 = tpu.vector_load %arg14[%get3A_662, %get3A_663] {strides = array<i32>} : memref<80x128xf32, #tpu.memory_space<vmem>>, vector<1x16xf32>,
          %get3A_665 = vector.shape_cast %get3A_664 : vector<1x16xf32> to vector<16xf32>
          %get3A_666 = arith.index_cast %add3A_622 : i32 to index
          %get3A_667 = arith.constant 64 : index
          %get3A_668 = tpu.vector_load %arg15[%get3A_666, %get3A_667] {strides = array<i32>} : memref<80x128xf32, #tpu.memory_space<vmem>>, vector<1x16xf32>,
          %get3A_669 = vector.shape_cast %get3A_668 : vector<1x16xf32> to vector<16xf32>
          %mul3A_670 = arith.mulf %get3A_665, %get3A_669 : vector<16xf32>
          %add3A_671 = arith.addf %add3A_661, %mul3A_670 : vector<16xf32>
          %get3A_672 = arith.index_cast %add3A_622 : i32 to index
          %get3A_673 = arith.constant 80 : index
          %get3A_674 = tpu.vector_load %arg14[%get3A_672, %get3A_673] {strides = array<i32>} : memref<80x128xf32, #tpu.memory_space<vmem>>, vector<1x16xf32>,
          %get3A_675 = vector.shape_cast %get3A_674 : vector<1x16xf32> to vector<16xf32>
          %get3A_676 = arith.index_cast %add3A_622 : i32 to index
          %get3A_677 = arith.constant 80 : index
          %get3A_678 = tpu.vector_load %arg15[%get3A_676, %get3A_677] {strides = array<i32>} : memref<80x128xf32, #tpu.memory_space<vmem>>, vector<1x16xf32>,
          %get3A_679 = vector.shape_cast %get3A_678 : vector<1x16xf32> to vector<16xf32>
          %mul3A_680 = arith.mulf %get3A_675, %get3A_679 : vector<16xf32>
          %add3A_681 = arith.addf %add3A_671, %mul3A_680 : vector<16xf32>
          %get3A_682 = arith.index_cast %add3A_622 : i32 to index
          %get3A_683 = arith.constant 96 : index
          %get3A_684 = tpu.vector_load %arg14[%get3A_682, %get3A_683] {strides = array<i32>} : memref<80x128xf32, #tpu.memory_space<vmem>>, vector<1x16xf32>,
          %get3A_685 = vector.shape_cast %get3A_684 : vector<1x16xf32> to vector<16xf32>
          %get3A_686 = arith.index_cast %add3A_622 : i32 to index
          %get3A_687 = arith.constant 96 : index
          %get3A_688 = tpu.vector_load %arg15[%get3A_686, %get3A_687] {strides = array<i32>} : memref<80x128xf32, #tpu.memory_space<vmem>>, vector<1x16xf32>,
          %get3A_689 = vector.shape_cast %get3A_688 : vector<1x16xf32> to vector<16xf32>
          %mul3A_690 = arith.mulf %get3A_685, %get3A_689 : vector<16xf32>
          %add3A_691 = arith.addf %add3A_681, %mul3A_690 : vector<16xf32>
          %get3A_692 = arith.index_cast %add3A_622 : i32 to index
          %get3A_693 = arith.constant 112 : index
          %get3A_694 = tpu.vector_load %arg14[%get3A_692, %get3A_693] {strides = array<i32>} : memref<80x128xf32, #tpu.memory_space<vmem>>, vector<1x16xf32>,
          %get3A_695 = vector.shape_cast %get3A_694 : vector<1x16xf32> to vector<16xf32>
          %get3A_696 = arith.index_cast %add3A_622 : i32 to index
          %get3A_697 = arith.constant 112 : index
          %get3A_698 = tpu.vector_load %arg15[%get3A_696, %get3A_697] {strides = array<i32>} : memref<80x128xf32, #tpu.memory_space<vmem>>, vector<1x16xf32>,
          %get3A_699 = vector.shape_cast %get3A_698 : vector<1x16xf32> to vector<16xf32>
          %mul3A_700 = arith.mulf %get3A_695, %get3A_699 : vector<16xf32>
          %add3A_701 = arith.addf %add3A_691, %mul3A_700 : vector<16xf32>
          %xor3A_702 = arith.constant 8 : i32
          %xor3A_703 = vector.broadcast %xor3A_702 : i32 to vector<16xi32>
          %xor3A_704 = arith.xori %iota3A, %xor3A_703 : vector<16xi32>
          %lt3A_705 = arith.constant 0 : i32
          %lt3A_706 = vector.broadcast %lt3A_705 : i32 to vector<16xi32>
          %lt3A_707 = arith.cmpi slt, %xor3A_704, %lt3A_706 : vector<16xi32>
          %add3A_708 = arith.constant 16 : i32
          %add3A_709 = vector.broadcast %add3A_708 : i32 to vector<16xi32>
          %add3A_710 = arith.addi %xor3A_704, %add3A_709 : vector<16xi32>
          %select_n3A_711 = arith.select %lt3A_707, %add3A_710, %xor3A_704 : vector<16xi1>, vector<16xi32>
          %broadcast_in_dim3A_712 = vector.shape_cast %select_n3A_711 : vector<16xi32> to vector<16x1xi32>
          %gather3A_713 = vector.shape_cast %broadcast_in_dim3A_712 : vector<16x1xi32> to vector<16xi32>
          %gather3A_714 = tpu.dynamic_gather %add3A_701[%gather3A_713] in [0] : vector<16xf32>, vector<16xi32> -> vector<16xf32>
          %add3A_715 = arith.addf %add3A_701, %gather3A_714 : vector<16xf32>
          %xor3A_716 = arith.constant 4 : i32
          %xor3A_717 = vector.broadcast %xor3A_716 : i32 to vector<16xi32>
          %xor3A_718 = arith.xori %iota3A, %xor3A_717 : vector<16xi32>
          %lt3A_719 = arith.constant 0 : i32
          %lt3A_720 = vector.broadcast %lt3A_719 : i32 to vector<16xi32>
          %lt3A_721 = arith.cmpi slt, %xor3A_718, %lt3A_720 : vector<16xi32>
          %add3A_722 = arith.constant 16 : i32
          %add3A_723 = vector.broadcast %add3A_722 : i32 to vector<16xi32>
          %add3A_724 = arith.addi %xor3A_718, %add3A_723 : vector<16xi32>
          %select_n3A_725 = arith.select %lt3A_721, %add3A_724, %xor3A_718 : vector<16xi1>, vector<16xi32>
          %broadcast_in_dim3A_726 = vector.shape_cast %select_n3A_725 : vector<16xi32> to vector<16x1xi32>
          %gather3A_727 = vector.shape_cast %broadcast_in_dim3A_726 : vector<16x1xi32> to vector<16xi32>
          %gather3A_728 = tpu.dynamic_gather %add3A_715[%gather3A_727] in [0] : vector<16xf32>, vector<16xi32> -> vector<16xf32>
          %add3A_729 = arith.addf %add3A_715, %gather3A_728 : vector<16xf32>
          %xor3A_730 = arith.constant 2 : i32
          %xor3A_731 = vector.broadcast %xor3A_730 : i32 to vector<16xi32>
          %xor3A_732 = arith.xori %iota3A, %xor3A_731 : vector<16xi32>
          %lt3A_733 = arith.constant 0 : i32
          %lt3A_734 = vector.broadcast %lt3A_733 : i32 to vector<16xi32>
          %lt3A_735 = arith.cmpi slt, %xor3A_732, %lt3A_734 : vector<16xi32>
          %add3A_736 = arith.constant 16 : i32
          %add3A_737 = vector.broadcast %add3A_736 : i32 to vector<16xi32>
          %add3A_738 = arith.addi %xor3A_732, %add3A_737 : vector<16xi32>
          %select_n3A_739 = arith.select %lt3A_735, %add3A_738, %xor3A_732 : vector<16xi1>, vector<16xi32>
          %broadcast_in_dim3A_740 = vector.shape_cast %select_n3A_739 : vector<16xi32> to vector<16x1xi32>
          %gather3A_741 = vector.shape_cast %broadcast_in_dim3A_740 : vector<16x1xi32> to vector<16xi32>
          %gather3A_742 = tpu.dynamic_gather %add3A_729[%gather3A_741] in [0] : vector<16xf32>, vector<16xi32> -> vector<16xf32>
          %add3A_743 = arith.addf %add3A_729, %gather3A_742 : vector<16xf32>
          %xor3A_744 = arith.constant 1 : i32
          %xor3A_745 = vector.broadcast %xor3A_744 : i32 to vector<16xi32>
          %xor3A_746 = arith.xori %iota3A, %xor3A_745 : vector<16xi32>
          %lt3A_747 = arith.constant 0 : i32
          %lt3A_748 = vector.broadcast %lt3A_747 : i32 to vector<16xi32>
          %lt3A_749 = arith.cmpi slt, %xor3A_746, %lt3A_748 : vector<16xi32>
          %add3A_750 = arith.constant 16 : i32
          %add3A_751 = vector.broadcast %add3A_750 : i32 to vector<16xi32>
          %add3A_752 = arith.addi %xor3A_746, %add3A_751 : vector<16xi32>
          %select_n3A_753 = arith.select %lt3A_749, %add3A_752, %xor3A_746 : vector<16xi1>, vector<16xi32>
          %broadcast_in_dim3A_754 = vector.shape_cast %select_n3A_753 : vector<16xi32> to vector<16x1xi32>
          %gather3A_755 = vector.shape_cast %broadcast_in_dim3A_754 : vector<16x1xi32> to vector<16xi32>
          %gather3A_756 = tpu.dynamic_gather %add3A_743[%gather3A_755] in [0] : vector<16xf32>, vector<16xi32> -> vector<16xf32>
          %add3A_757 = arith.addf %add3A_743, %gather3A_756 : vector<16xf32>
          %eq3A_758 = vector.broadcast %scan3A_621 : i32 to vector<16xi32>
          %eq3A_759 = arith.cmpi eq, %iota3A, %eq3A_758 : vector<16xi32>
          %select_n3A_760 = arith.select %eq3A_759, %add3A_757, %select_n3A_619 : vector<16xi1>, vector<16xf32>
          scf.yield %select_n3A_760 : vector<16xf32>
        }
        %scan3A_195 = arith.constant 16 : i32
        %mul3A_196 = arith.constant 0.0883883461 : f32
        %mul3A_197 = vector.broadcast %mul3A_196 : f32 to vector<16xf32>
        %mul3A_198 = arith.mulf %scan3A_194, %mul3A_197 : vector<16xf32>
        %exp3A = math.exp %mul3A_198 : vector<16xf32>
        %swap3A = arith.index_cast %multiple_of3A : i32 to index
        %swap3A_199 = tpu.vector_load %arg19[%swap3A] {strides = array<i32>} : memref<80xf32, #tpu.memory_space<vmem>>, vector<16xf32>,
        %swap3A_200 = vector.shape_cast %swap3A_199 : vector<16xf32> to vector<16xf32>
        %swap3A_201 = vector.shape_cast %exp3A : vector<16xf32> to vector<16xf32>
        tpu.vector_store %arg19[%swap3A], %swap3A_201 {strides = array<i32>} : memref<80xf32, #tpu.memory_space<vmem>>, vector<16xf32>,
        %scan3A_202 = arith.constant 0 : i32
        scf.yield %scan3A_202 : i32
      }
      %scan3A_169 = arith.constant 5 : i32
      %dma_wait3A_170 = arith.constant 0 : i32
      %dma_wait3A_171 = arith.constant 0 : i32
      %dma_wait3A_172 = tpu.memref_slice %arg4[%dma_wait3A_170, %dma_wait3A_171] : memref<10000x128xf32, #tpu.memory_space<hbm>> -> memref<10000x128xf32, #tpu.memory_space<hbm>>
      tpu.wait_indirect_dma semaphore(%arg24 : memref<!tpu.dma_semaphore, #tpu.memory_space<semaphore_mem>>) src(%dma_wait3A_172 : memref<10000x128xf32, #tpu.memory_space<hbm>>) dst(%arg17 : memref<80x128xf32, #tpu.memory_space<vmem>>)
      %scan3A_173 = arith.constant 0 : i32
      %scan3A_174 = arith.constant 0 : i32
      %scan3A_175 = arith.constant 5 : i32
      %scan3A_176 = arith.addi %scan3A_174, %scan3A_175 : i32
      %scan3A_177 = arith.constant 1 : i32
      %scan3A_178 = scf.for %scan3A_186 = %scan3A_174 to %scan3A_176 step %scan3A_177 iter_args(%scan3A_187 = %scan3A_173) -> (i32)  : i32 {
        %mul3A_188 = arith.constant 16 : i32
        %mul3A_189 = arith.muli %scan3A_186, %mul3A_188 : i32
        %multiple_of3A = tpu.assume_multiple %mul3A_189, 16 : i32
        %get3A = arith.index_cast %multiple_of3A : i32 to index
        %get3A_190 = tpu.vector_load %arg19[%get3A] {strides = array<i32>} : memref<80xf32, #tpu.memory_space<vmem>>, vector<16xf32>,
        %get3A_191 = vector.shape_cast %get3A_190 : vector<16xf32> to vector<16xf32>
        %scan3A_192 = arith.constant 0 : i32
        %scan3A_193 = arith.constant 0 : i32
        %scan3A_194 = arith.constant 16 : i32
        %scan3A_195 = arith.addi %scan3A_193, %scan3A_194 : i32
        %scan3A_196 = arith.constant 4 : i32
        %scan3A_197 = scf.for %scan3A_200 = %scan3A_193 to %scan3A_195 step %scan3A_196 iter_args(%scan3A_201 = %scan3A_192) -> (i32)  : i32 {
          %add3A_202 = arith.addi %multiple_of3A, %scan3A_200 : i32
          %broadcast_in_dim3A_203 = vector.broadcast %scan3A_200 : i32 to vector<16xi32>
          %lt3A = arith.constant 0 : i32
          %lt3A_204 = vector.broadcast %lt3A : i32 to vector<16xi32>
          %lt3A_205 = arith.cmpi slt, %broadcast_in_dim3A_203, %lt3A_204 : vector<16xi32>
          %add3A_206 = arith.constant 16 : i32
          %add3A_207 = vector.broadcast %add3A_206 : i32 to vector<16xi32>
          %add3A_208 = arith.addi %broadcast_in_dim3A_203, %add3A_207 : vector<16xi32>
          %select_n3A = arith.select %lt3A_205, %add3A_208, %broadcast_in_dim3A_203 : vector<16xi1>, vector<16xi32>
          %broadcast_in_dim3A_209 = vector.shape_cast %select_n3A : vector<16xi32> to vector<16x1xi32>
          %gather3A = vector.shape_cast %broadcast_in_dim3A_209 : vector<16x1xi32> to vector<16xi32>
          %gather3A_210 = tpu.dynamic_gather %get3A_191[%gather3A] in [0] : vector<16xf32>, vector<16xi32> -> vector<16xf32>
          %get3A_211 = arith.index_cast %add3A_202 : i32 to index
          %get3A_212 = arith.constant 0 : index
          %get3A_213 = tpu.vector_load %arg17[%get3A_211, %get3A_212] {strides = array<i32>} : memref<80x128xf32, #tpu.memory_space<vmem>>, vector<1x16xf32>,
          %get3A_214 = vector.shape_cast %get3A_213 : vector<1x16xf32> to vector<16xf32>
          %mul3A_215 = arith.mulf %gather3A_210, %get3A_214 : vector<16xf32>
          %swap3A = arith.index_cast %add3A_202 : i32 to index
          %swap3A_216 = arith.constant 0 : index
          %swap3A_217 = tpu.vector_load %arg17[%swap3A, %swap3A_216] {strides = array<i32>} : memref<80x128xf32, #tpu.memory_space<vmem>>, vector<1x16xf32>,
          %swap3A_218 = vector.shape_cast %swap3A_217 : vector<1x16xf32> to vector<16xf32>
          %swap3A_219 = vector.shape_cast %mul3A_215 : vector<16xf32> to vector<1x16xf32>
          tpu.vector_store %arg17[%swap3A, %swap3A_216], %swap3A_219 {strides = array<i32>} : memref<80x128xf32, #tpu.memory_space<vmem>>, vector<1x16xf32>,
          %get3A_220 = arith.index_cast %add3A_202 : i32 to index
          %get3A_221 = arith.constant 16 : index
          %get3A_222 = tpu.vector_load %arg17[%get3A_220, %get3A_221] {strides = array<i32>} : memref<80x128xf32, #tpu.memory_space<vmem>>, vector<1x16xf32>,
          %get3A_223 = vector.shape_cast %get3A_222 : vector<1x16xf32> to vector<16xf32>
          %mul3A_224 = arith.mulf %gather3A_210, %get3A_223 : vector<16xf32>
          %swap3A_225 = arith.index_cast %add3A_202 : i32 to index
          %swap3A_226 = arith.constant 16 : index
          %swap3A_227 = tpu.vector_load %arg17[%swap3A_225, %swap3A_226] {strides = array<i32>} : memref<80x128xf32, #tpu.memory_space<vmem>>, vector<1x16xf32>,
          %swap3A_228 = vector.shape_cast %swap3A_227 : vector<1x16xf32> to vector<16xf32>
          %swap3A_229 = vector.shape_cast %mul3A_224 : vector<16xf32> to vector<1x16xf32>
          tpu.vector_store %arg17[%swap3A_225, %swap3A_226], %swap3A_229 {strides = array<i32>} : memref<80x128xf32, #tpu.memory_space<vmem>>, vector<1x16xf32>,
          %get3A_230 = arith.index_cast %add3A_202 : i32 to index
          %get3A_231 = arith.constant 32 : index
          %get3A_232 = tpu.vector_load %arg17[%get3A_230, %get3A_231] {strides = array<i32>} : memref<80x128xf32, #tpu.memory_space<vmem>>, vector<1x16xf32>,
          %get3A_233 = vector.shape_cast %get3A_232 : vector<1x16xf32> to vector<16xf32>
          %mul3A_234 = arith.mulf %gather3A_210, %get3A_233 : vector<16xf32>
          %swap3A_235 = arith.index_cast %add3A_202 : i32 to index
          %swap3A_236 = arith.constant 32 : index
          %swap3A_237 = tpu.vector_load %arg17[%swap3A_235, %swap3A_236] {strides = array<i32>} : memref<80x128xf32, #tpu.memory_space<vmem>>, vector<1x16xf32>,
          %swap3A_238 = vector.shape_cast %swap3A_237 : vector<1x16xf32> to vector<16xf32>
          %swap3A_239 = vector.shape_cast %mul3A_234 : vector<16xf32> to vector<1x16xf32>
          tpu.vector_store %arg17[%swap3A_235, %swap3A_236], %swap3A_239 {strides = array<i32>} : memref<80x128xf32, #tpu.memory_space<vmem>>, vector<1x16xf32>,
          %get3A_240 = arith.index_cast %add3A_202 : i32 to index
          %get3A_241 = arith.constant 48 : index
          %get3A_242 = tpu.vector_load %arg17[%get3A_240, %get3A_241] {strides = array<i32>} : memref<80x128xf32, #tpu.memory_space<vmem>>, vector<1x16xf32>,
          %get3A_243 = vector.shape_cast %get3A_242 : vector<1x16xf32> to vector<16xf32>
          %mul3A_244 = arith.mulf %gather3A_210, %get3A_243 : vector<16xf32>
          %swap3A_245 = arith.index_cast %add3A_202 : i32 to index
          %swap3A_246 = arith.constant 48 : index
          %swap3A_247 = tpu.vector_load %arg17[%swap3A_245, %swap3A_246] {strides = array<i32>} : memref<80x128xf32, #tpu.memory_space<vmem>>, vector<1x16xf32>,
          %swap3A_248 = vector.shape_cast %swap3A_247 : vector<1x16xf32> to vector<16xf32>
          %swap3A_249 = vector.shape_cast %mul3A_244 : vector<16xf32> to vector<1x16xf32>
          tpu.vector_store %arg17[%swap3A_245, %swap3A_246], %swap3A_249 {strides = array<i32>} : memref<80x128xf32, #tpu.memory_space<vmem>>, vector<1x16xf32>,
          %get3A_250 = arith.index_cast %add3A_202 : i32 to index
          %get3A_251 = arith.constant 64 : index
          %get3A_252 = tpu.vector_load %arg17[%get3A_250, %get3A_251] {strides = array<i32>} : memref<80x128xf32, #tpu.memory_space<vmem>>, vector<1x16xf32>,
          %get3A_253 = vector.shape_cast %get3A_252 : vector<1x16xf32> to vector<16xf32>
          %mul3A_254 = arith.mulf %gather3A_210, %get3A_253 : vector<16xf32>
          %swap3A_255 = arith.index_cast %add3A_202 : i32 to index
          %swap3A_256 = arith.constant 64 : index
          %swap3A_257 = tpu.vector_load %arg17[%swap3A_255, %swap3A_256] {strides = array<i32>} : memref<80x128xf32, #tpu.memory_space<vmem>>, vector<1x16xf32>,
          %swap3A_258 = vector.shape_cast %swap3A_257 : vector<1x16xf32> to vector<16xf32>
          %swap3A_259 = vector.shape_cast %mul3A_254 : vector<16xf32> to vector<1x16xf32>
          tpu.vector_store %arg17[%swap3A_255, %swap3A_256], %swap3A_259 {strides = array<i32>} : memref<80x128xf32, #tpu.memory_space<vmem>>, vector<1x16xf32>,
          %get3A_260 = arith.index_cast %add3A_202 : i32 to index
          %get3A_261 = arith.constant 80 : index
          %get3A_262 = tpu.vector_load %arg17[%get3A_260, %get3A_261] {strides = array<i32>} : memref<80x128xf32, #tpu.memory_space<vmem>>, vector<1x16xf32>,
          %get3A_263 = vector.shape_cast %get3A_262 : vector<1x16xf32> to vector<16xf32>
          %mul3A_264 = arith.mulf %gather3A_210, %get3A_263 : vector<16xf32>
          %swap3A_265 = arith.index_cast %add3A_202 : i32 to index
          %swap3A_266 = arith.constant 80 : index
          %swap3A_267 = tpu.vector_load %arg17[%swap3A_265, %swap3A_266] {strides = array<i32>} : memref<80x128xf32, #tpu.memory_space<vmem>>, vector<1x16xf32>,
          %swap3A_268 = vector.shape_cast %swap3A_267 : vector<1x16xf32> to vector<16xf32>
          %swap3A_269 = vector.shape_cast %mul3A_264 : vector<16xf32> to vector<1x16xf32>
          tpu.vector_store %arg17[%swap3A_265, %swap3A_266], %swap3A_269 {strides = array<i32>} : memref<80x128xf32, #tpu.memory_space<vmem>>, vector<1x16xf32>,
          %get3A_270 = arith.index_cast %add3A_202 : i32 to index
          %get3A_271 = arith.constant 96 : index
          %get3A_272 = tpu.vector_load %arg17[%get3A_270, %get3A_271] {strides = array<i32>} : memref<80x128xf32, #tpu.memory_space<vmem>>, vector<1x16xf32>,
          %get3A_273 = vector.shape_cast %get3A_272 : vector<1x16xf32> to vector<16xf32>
          %mul3A_274 = arith.mulf %gather3A_210, %get3A_273 : vector<16xf32>
          %swap3A_275 = arith.index_cast %add3A_202 : i32 to index
          %swap3A_276 = arith.constant 96 : index
          %swap3A_277 = tpu.vector_load %arg17[%swap3A_275, %swap3A_276] {strides = array<i32>} : memref<80x128xf32, #tpu.memory_space<vmem>>, vector<1x16xf32>,
          %swap3A_278 = vector.shape_cast %swap3A_277 : vector<1x16xf32> to vector<16xf32>
          %swap3A_279 = vector.shape_cast %mul3A_274 : vector<16xf32> to vector<1x16xf32>
          tpu.vector_store %arg17[%swap3A_275, %swap3A_276], %swap3A_279 {strides = array<i32>} : memref<80x128xf32, #tpu.memory_space<vmem>>, vector<1x16xf32>,
          %get3A_280 = arith.index_cast %add3A_202 : i32 to index
          %get3A_281 = arith.constant 112 : index
          %get3A_282 = tpu.vector_load %arg17[%get3A_280, %get3A_281] {strides = array<i32>} : memref<80x128xf32, #tpu.memory_space<vmem>>, vector<1x16xf32>,
          %get3A_283 = vector.shape_cast %get3A_282 : vector<1x16xf32> to vector<16xf32>
          %mul3A_284 = arith.mulf %gather3A_210, %get3A_283 : vector<16xf32>
          %swap3A_285 = arith.index_cast %add3A_202 : i32 to index
          %swap3A_286 = arith.constant 112 : index
          %swap3A_287 = tpu.vector_load %arg17[%swap3A_285, %swap3A_286] {strides = array<i32>} : memref<80x128xf32, #tpu.memory_space<vmem>>, vector<1x16xf32>,
          %swap3A_288 = vector.shape_cast %swap3A_287 : vector<1x16xf32> to vector<16xf32>
          %swap3A_289 = vector.shape_cast %mul3A_284 : vector<16xf32> to vector<1x16xf32>
          tpu.vector_store %arg17[%swap3A_285, %swap3A_286], %swap3A_289 {strides = array<i32>} : memref<80x128xf32, #tpu.memory_space<vmem>>, vector<1x16xf32>,
          %scan3A_290 = arith.constant 0 : i32
          %scan3A_291 = arith.constant 1 : i32
          %scan3A_292 = arith.addi %scan3A_200, %scan3A_291 : i32
          %add3A_293 = arith.addi %multiple_of3A, %scan3A_292 : i32
          %broadcast_in_dim3A_294 = vector.broadcast %scan3A_292 : i32 to vector<16xi32>
          %lt3A_295 = arith.constant 0 : i32
          %lt3A_296 = vector.broadcast %lt3A_295 : i32 to vector<16xi32>
          %lt3A_297 = arith.cmpi slt, %broadcast_in_dim3A_294, %lt3A_296 : vector<16xi32>
          %add3A_298 = arith.constant 16 : i32
          %add3A_299 = vector.broadcast %add3A_298 : i32 to vector<16xi32>
          %add3A_300 = arith.addi %broadcast_in_dim3A_294, %add3A_299 : vector<16xi32>
          %select_n3A_301 = arith.select %lt3A_297, %add3A_300, %broadcast_in_dim3A_294 : vector<16xi1>, vector<16xi32>
          %broadcast_in_dim3A_302 = vector.shape_cast %select_n3A_301 : vector<16xi32> to vector<16x1xi32>
          %gather3A_303 = vector.shape_cast %broadcast_in_dim3A_302 : vector<16x1xi32> to vector<16xi32>
          %gather3A_304 = tpu.dynamic_gather %get3A_191[%gather3A_303] in [0] : vector<16xf32>, vector<16xi32> -> vector<16xf32>
          %get3A_305 = arith.index_cast %add3A_293 : i32 to index
          %get3A_306 = arith.constant 0 : index
          %get3A_307 = tpu.vector_load %arg17[%get3A_305, %get3A_306] {strides = array<i32>} : memref<80x128xf32, #tpu.memory_space<vmem>>, vector<1x16xf32>,
          %get3A_308 = vector.shape_cast %get3A_307 : vector<1x16xf32> to vector<16xf32>
          %mul3A_309 = arith.mulf %gather3A_304, %get3A_308 : vector<16xf32>
          %swap3A_310 = arith.index_cast %add3A_293 : i32 to index
          %swap3A_311 = arith.constant 0 : index
          %swap3A_312 = tpu.vector_load %arg17[%swap3A_310, %swap3A_311] {strides = array<i32>} : memref<80x128xf32, #tpu.memory_space<vmem>>, vector<1x16xf32>,
          %swap3A_313 = vector.shape_cast %swap3A_312 : vector<1x16xf32> to vector<16xf32>
          %swap3A_314 = vector.shape_cast %mul3A_309 : vector<16xf32> to vector<1x16xf32>
          tpu.vector_store %arg17[%swap3A_310, %swap3A_311], %swap3A_314 {strides = array<i32>} : memref<80x128xf32, #tpu.memory_space<vmem>>, vector<1x16xf32>,
          %get3A_315 = arith.index_cast %add3A_293 : i32 to index
          %get3A_316 = arith.constant 16 : index
          %get3A_317 = tpu.vector_load %arg17[%get3A_315, %get3A_316] {strides = array<i32>} : memref<80x128xf32, #tpu.memory_space<vmem>>, vector<1x16xf32>,
          %get3A_318 = vector.shape_cast %get3A_317 : vector<1x16xf32> to vector<16xf32>
          %mul3A_319 = arith.mulf %gather3A_304, %get3A_318 : vector<16xf32>
          %swap3A_320 = arith.index_cast %add3A_293 : i32 to index
          %swap3A_321 = arith.constant 16 : index
          %swap3A_322 = tpu.vector_load %arg17[%swap3A_320, %swap3A_321] {strides = array<i32>} : memref<80x128xf32, #tpu.memory_space<vmem>>, vector<1x16xf32>,
          %swap3A_323 = vector.shape_cast %swap3A_322 : vector<1x16xf32> to vector<16xf32>
          %swap3A_324 = vector.shape_cast %mul3A_319 : vector<16xf32> to vector<1x16xf32>
          tpu.vector_store %arg17[%swap3A_320, %swap3A_321], %swap3A_324 {strides = array<i32>} : memref<80x128xf32, #tpu.memory_space<vmem>>, vector<1x16xf32>,
          %get3A_325 = arith.index_cast %add3A_293 : i32 to index
          %get3A_326 = arith.constant 32 : index
          %get3A_327 = tpu.vector_load %arg17[%get3A_325, %get3A_326] {strides = array<i32>} : memref<80x128xf32, #tpu.memory_space<vmem>>, vector<1x16xf32>,
          %get3A_328 = vector.shape_cast %get3A_327 : vector<1x16xf32> to vector<16xf32>
          %mul3A_329 = arith.mulf %gather3A_304, %get3A_328 : vector<16xf32>
          %swap3A_330 = arith.index_cast %add3A_293 : i32 to index
          %swap3A_331 = arith.constant 32 : index
          %swap3A_332 = tpu.vector_load %arg17[%swap3A_330, %swap3A_331] {strides = array<i32>} : memref<80x128xf32, #tpu.memory_space<vmem>>, vector<1x16xf32>,
          %swap3A_333 = vector.shape_cast %swap3A_332 : vector<1x16xf32> to vector<16xf32>
          %swap3A_334 = vector.shape_cast %mul3A_329 : vector<16xf32> to vector<1x16xf32>
          tpu.vector_store %arg17[%swap3A_330, %swap3A_331], %swap3A_334 {strides = array<i32>} : memref<80x128xf32, #tpu.memory_space<vmem>>, vector<1x16xf32>,
          %get3A_335 = arith.index_cast %add3A_293 : i32 to index
          %get3A_336 = arith.constant 48 : index
          %get3A_337 = tpu.vector_load %arg17[%get3A_335, %get3A_336] {strides = array<i32>} : memref<80x128xf32, #tpu.memory_space<vmem>>, vector<1x16xf32>,
          %get3A_338 = vector.shape_cast %get3A_337 : vector<1x16xf32> to vector<16xf32>
          %mul3A_339 = arith.mulf %gather3A_304, %get3A_338 : vector<16xf32>
          %swap3A_340 = arith.index_cast %add3A_293 : i32 to index
          %swap3A_341 = arith.constant 48 : index
          %swap3A_342 = tpu.vector_load %arg17[%swap3A_340, %swap3A_341] {strides = array<i32>} : memref<80x128xf32, #tpu.memory_space<vmem>>, vector<1x16xf32>,
          %swap3A_343 = vector.shape_cast %swap3A_342 : vector<1x16xf32> to vector<16xf32>
          %swap3A_344 = vector.shape_cast %mul3A_339 : vector<16xf32> to vector<1x16xf32>
          tpu.vector_store %arg17[%swap3A_340, %swap3A_341], %swap3A_344 {strides = array<i32>} : memref<80x128xf32, #tpu.memory_space<vmem>>, vector<1x16xf32>,
          %get3A_345 = arith.index_cast %add3A_293 : i32 to index
          %get3A_346 = arith.constant 64 : index
          %get3A_347 = tpu.vector_load %arg17[%get3A_345, %get3A_346] {strides = array<i32>} : memref<80x128xf32, #tpu.memory_space<vmem>>, vector<1x16xf32>,
          %get3A_348 = vector.shape_cast %get3A_347 : vector<1x16xf32> to vector<16xf32>
          %mul3A_349 = arith.mulf %gather3A_304, %get3A_348 : vector<16xf32>
          %swap3A_350 = arith.index_cast %add3A_293 : i32 to index
          %swap3A_351 = arith.constant 64 : index
          %swap3A_352 = tpu.vector_load %arg17[%swap3A_350, %swap3A_351] {strides = array<i32>} : memref<80x128xf32, #tpu.memory_space<vmem>>, vector<1x16xf32>,
          %swap3A_353 = vector.shape_cast %swap3A_352 : vector<1x16xf32> to vector<16xf32>
          %swap3A_354 = vector.shape_cast %mul3A_349 : vector<16xf32> to vector<1x16xf32>
          tpu.vector_store %arg17[%swap3A_350, %swap3A_351], %swap3A_354 {strides = array<i32>} : memref<80x128xf32, #tpu.memory_space<vmem>>, vector<1x16xf32>,
          %get3A_355 = arith.index_cast %add3A_293 : i32 to index
          %get3A_356 = arith.constant 80 : index
          %get3A_357 = tpu.vector_load %arg17[%get3A_355, %get3A_356] {strides = array<i32>} : memref<80x128xf32, #tpu.memory_space<vmem>>, vector<1x16xf32>,
          %get3A_358 = vector.shape_cast %get3A_357 : vector<1x16xf32> to vector<16xf32>
          %mul3A_359 = arith.mulf %gather3A_304, %get3A_358 : vector<16xf32>
          %swap3A_360 = arith.index_cast %add3A_293 : i32 to index
          %swap3A_361 = arith.constant 80 : index
          %swap3A_362 = tpu.vector_load %arg17[%swap3A_360, %swap3A_361] {strides = array<i32>} : memref<80x128xf32, #tpu.memory_space<vmem>>, vector<1x16xf32>,
          %swap3A_363 = vector.shape_cast %swap3A_362 : vector<1x16xf32> to vector<16xf32>
          %swap3A_364 = vector.shape_cast %mul3A_359 : vector<16xf32> to vector<1x16xf32>
          tpu.vector_store %arg17[%swap3A_360, %swap3A_361], %swap3A_364 {strides = array<i32>} : memref<80x128xf32, #tpu.memory_space<vmem>>, vector<1x16xf32>,
          %get3A_365 = arith.index_cast %add3A_293 : i32 to index
          %get3A_366 = arith.constant 96 : index
          %get3A_367 = tpu.vector_load %arg17[%get3A_365, %get3A_366] {strides = array<i32>} : memref<80x128xf32, #tpu.memory_space<vmem>>, vector<1x16xf32>,
          %get3A_368 = vector.shape_cast %get3A_367 : vector<1x16xf32> to vector<16xf32>
          %mul3A_369 = arith.mulf %gather3A_304, %get3A_368 : vector<16xf32>
          %swap3A_370 = arith.index_cast %add3A_293 : i32 to index
          %swap3A_371 = arith.constant 96 : index
          %swap3A_372 = tpu.vector_load %arg17[%swap3A_370, %swap3A_371] {strides = array<i32>} : memref<80x128xf32, #tpu.memory_space<vmem>>, vector<1x16xf32>,
          %swap3A_373 = vector.shape_cast %swap3A_372 : vector<1x16xf32> to vector<16xf32>
          %swap3A_374 = vector.shape_cast %mul3A_369 : vector<16xf32> to vector<1x16xf32>
          tpu.vector_store %arg17[%swap3A_370, %swap3A_371], %swap3A_374 {strides = array<i32>} : memref<80x128xf32, #tpu.memory_space<vmem>>, vector<1x16xf32>,
          %get3A_375 = arith.index_cast %add3A_293 : i32 to index
          %get3A_376 = arith.constant 112 : index
          %get3A_377 = tpu.vector_load %arg17[%get3A_375, %get3A_376] {strides = array<i32>} : memref<80x128xf32, #tpu.memory_space<vmem>>, vector<1x16xf32>,
          %get3A_378 = vector.shape_cast %get3A_377 : vector<1x16xf32> to vector<16xf32>
          %mul3A_379 = arith.mulf %gather3A_304, %get3A_378 : vector<16xf32>
          %swap3A_380 = arith.index_cast %add3A_293 : i32 to index
          %swap3A_381 = arith.constant 112 : index
          %swap3A_382 = tpu.vector_load %arg17[%swap3A_380, %swap3A_381] {strides = array<i32>} : memref<80x128xf32, #tpu.memory_space<vmem>>, vector<1x16xf32>,
          %swap3A_383 = vector.shape_cast %swap3A_382 : vector<1x16xf32> to vector<16xf32>
          %swap3A_384 = vector.shape_cast %mul3A_379 : vector<16xf32> to vector<1x16xf32>
          tpu.vector_store %arg17[%swap3A_380, %swap3A_381], %swap3A_384 {strides = array<i32>} : memref<80x128xf32, #tpu.memory_space<vmem>>, vector<1x16xf32>,
          %scan3A_385 = arith.constant 0 : i32
          %scan3A_386 = arith.constant 2 : i32
          %scan3A_387 = arith.addi %scan3A_200, %scan3A_386 : i32
          %add3A_388 = arith.addi %multiple_of3A, %scan3A_387 : i32
          %broadcast_in_dim3A_389 = vector.broadcast %scan3A_387 : i32 to vector<16xi32>
          %lt3A_390 = arith.constant 0 : i32
          %lt3A_391 = vector.broadcast %lt3A_390 : i32 to vector<16xi32>
          %lt3A_392 = arith.cmpi slt, %broadcast_in_dim3A_389, %lt3A_391 : vector<16xi32>
          %add3A_393 = arith.constant 16 : i32
          %add3A_394 = vector.broadcast %add3A_393 : i32 to vector<16xi32>
          %add3A_395 = arith.addi %broadcast_in_dim3A_389, %add3A_394 : vector<16xi32>
          %select_n3A_396 = arith.select %lt3A_392, %add3A_395, %broadcast_in_dim3A_389 : vector<16xi1>, vector<16xi32>
          %broadcast_in_dim3A_397 = vector.shape_cast %select_n3A_396 : vector<16xi32> to vector<16x1xi32>
          %gather3A_398 = vector.shape_cast %broadcast_in_dim3A_397 : vector<16x1xi32> to vector<16xi32>
          %gather3A_399 = tpu.dynamic_gather %get3A_191[%gather3A_398] in [0] : vector<16xf32>, vector<16xi32> -> vector<16xf32>
          %get3A_400 = arith.index_cast %add3A_388 : i32 to index
          %get3A_401 = arith.constant 0 : index
          %get3A_402 = tpu.vector_load %arg17[%get3A_400, %get3A_401] {strides = array<i32>} : memref<80x128xf32, #tpu.memory_space<vmem>>, vector<1x16xf32>,
          %get3A_403 = vector.shape_cast %get3A_402 : vector<1x16xf32> to vector<16xf32>
          %mul3A_404 = arith.mulf %gather3A_399, %get3A_403 : vector<16xf32>
          %swap3A_405 = arith.index_cast %add3A_388 : i32 to index
          %swap3A_406 = arith.constant 0 : index
          %swap3A_407 = tpu.vector_load %arg17[%swap3A_405, %swap3A_406] {strides = array<i32>} : memref<80x128xf32, #tpu.memory_space<vmem>>, vector<1x16xf32>,
          %swap3A_408 = vector.shape_cast %swap3A_407 : vector<1x16xf32> to vector<16xf32>
          %swap3A_409 = vector.shape_cast %mul3A_404 : vector<16xf32> to vector<1x16xf32>
          tpu.vector_store %arg17[%swap3A_405, %swap3A_406], %swap3A_409 {strides = array<i32>} : memref<80x128xf32, #tpu.memory_space<vmem>>, vector<1x16xf32>,
          %get3A_410 = arith.index_cast %add3A_388 : i32 to index
          %get3A_411 = arith.constant 16 : index
          %get3A_412 = tpu.vector_load %arg17[%get3A_410, %get3A_411] {strides = array<i32>} : memref<80x128xf32, #tpu.memory_space<vmem>>, vector<1x16xf32>,
          %get3A_413 = vector.shape_cast %get3A_412 : vector<1x16xf32> to vector<16xf32>
          %mul3A_414 = arith.mulf %gather3A_399, %get3A_413 : vector<16xf32>
          %swap3A_415 = arith.index_cast %add3A_388 : i32 to index
          %swap3A_416 = arith.constant 16 : index
          %swap3A_417 = tpu.vector_load %arg17[%swap3A_415, %swap3A_416] {strides = array<i32>} : memref<80x128xf32, #tpu.memory_space<vmem>>, vector<1x16xf32>,
          %swap3A_418 = vector.shape_cast %swap3A_417 : vector<1x16xf32> to vector<16xf32>
          %swap3A_419 = vector.shape_cast %mul3A_414 : vector<16xf32> to vector<1x16xf32>
          tpu.vector_store %arg17[%swap3A_415, %swap3A_416], %swap3A_419 {strides = array<i32>} : memref<80x128xf32, #tpu.memory_space<vmem>>, vector<1x16xf32>,
          %get3A_420 = arith.index_cast %add3A_388 : i32 to index
          %get3A_421 = arith.constant 32 : index
          %get3A_422 = tpu.vector_load %arg17[%get3A_420, %get3A_421] {strides = array<i32>} : memref<80x128xf32, #tpu.memory_space<vmem>>, vector<1x16xf32>,
          %get3A_423 = vector.shape_cast %get3A_422 : vector<1x16xf32> to vector<16xf32>
          %mul3A_424 = arith.mulf %gather3A_399, %get3A_423 : vector<16xf32>
          %swap3A_425 = arith.index_cast %add3A_388 : i32 to index
          %swap3A_426 = arith.constant 32 : index
          %swap3A_427 = tpu.vector_load %arg17[%swap3A_425, %swap3A_426] {strides = array<i32>} : memref<80x128xf32, #tpu.memory_space<vmem>>, vector<1x16xf32>,
          %swap3A_428 = vector.shape_cast %swap3A_427 : vector<1x16xf32> to vector<16xf32>
          %swap3A_429 = vector.shape_cast %mul3A_424 : vector<16xf32> to vector<1x16xf32>
          tpu.vector_store %arg17[%swap3A_425, %swap3A_426], %swap3A_429 {strides = array<i32>} : memref<80x128xf32, #tpu.memory_space<vmem>>, vector<1x16xf32>,
          %get3A_430 = arith.index_cast %add3A_388 : i32 to index
          %get3A_431 = arith.constant 48 : index
          %get3A_432 = tpu.vector_load %arg17[%get3A_430, %get3A_431] {strides = array<i32>} : memref<80x128xf32, #tpu.memory_space<vmem>>, vector<1x16xf32>,
          %get3A_433 = vector.shape_cast %get3A_432 : vector<1x16xf32> to vector<16xf32>
          %mul3A_434 = arith.mulf %gather3A_399, %get3A_433 : vector<16xf32>
          %swap3A_435 = arith.index_cast %add3A_388 : i32 to index
          %swap3A_436 = arith.constant 48 : index
          %swap3A_437 = tpu.vector_load %arg17[%swap3A_435, %swap3A_436] {strides = array<i32>} : memref<80x128xf32, #tpu.memory_space<vmem>>, vector<1x16xf32>,
          %swap3A_438 = vector.shape_cast %swap3A_437 : vector<1x16xf32> to vector<16xf32>
          %swap3A_439 = vector.shape_cast %mul3A_434 : vector<16xf32> to vector<1x16xf32>
          tpu.vector_store %arg17[%swap3A_435, %swap3A_436], %swap3A_439 {strides = array<i32>} : memref<80x128xf32, #tpu.memory_space<vmem>>, vector<1x16xf32>,
          %get3A_440 = arith.index_cast %add3A_388 : i32 to index
          %get3A_441 = arith.constant 64 : index
          %get3A_442 = tpu.vector_load %arg17[%get3A_440, %get3A_441] {strides = array<i32>} : memref<80x128xf32, #tpu.memory_space<vmem>>, vector<1x16xf32>,
          %get3A_443 = vector.shape_cast %get3A_442 : vector<1x16xf32> to vector<16xf32>
          %mul3A_444 = arith.mulf %gather3A_399, %get3A_443 : vector<16xf32>
          %swap3A_445 = arith.index_cast %add3A_388 : i32 to index
          %swap3A_446 = arith.constant 64 : index
          %swap3A_447 = tpu.vector_load %arg17[%swap3A_445, %swap3A_446] {strides = array<i32>} : memref<80x128xf32, #tpu.memory_space<vmem>>, vector<1x16xf32>,
          %swap3A_448 = vector.shape_cast %swap3A_447 : vector<1x16xf32> to vector<16xf32>
          %swap3A_449 = vector.shape_cast %mul3A_444 : vector<16xf32> to vector<1x16xf32>
          tpu.vector_store %arg17[%swap3A_445, %swap3A_446], %swap3A_449 {strides = array<i32>} : memref<80x128xf32, #tpu.memory_space<vmem>>, vector<1x16xf32>,
          %get3A_450 = arith.index_cast %add3A_388 : i32 to index
          %get3A_451 = arith.constant 80 : index
          %get3A_452 = tpu.vector_load %arg17[%get3A_450, %get3A_451] {strides = array<i32>} : memref<80x128xf32, #tpu.memory_space<vmem>>, vector<1x16xf32>,
          %get3A_453 = vector.shape_cast %get3A_452 : vector<1x16xf32> to vector<16xf32>
          %mul3A_454 = arith.mulf %gather3A_399, %get3A_453 : vector<16xf32>
          %swap3A_455 = arith.index_cast %add3A_388 : i32 to index
          %swap3A_456 = arith.constant 80 : index
          %swap3A_457 = tpu.vector_load %arg17[%swap3A_455, %swap3A_456] {strides = array<i32>} : memref<80x128xf32, #tpu.memory_space<vmem>>, vector<1x16xf32>,
          %swap3A_458 = vector.shape_cast %swap3A_457 : vector<1x16xf32> to vector<16xf32>
          %swap3A_459 = vector.shape_cast %mul3A_454 : vector<16xf32> to vector<1x16xf32>
          tpu.vector_store %arg17[%swap3A_455, %swap3A_456], %swap3A_459 {strides = array<i32>} : memref<80x128xf32, #tpu.memory_space<vmem>>, vector<1x16xf32>,
          %get3A_460 = arith.index_cast %add3A_388 : i32 to index
          %get3A_461 = arith.constant 96 : index
          %get3A_462 = tpu.vector_load %arg17[%get3A_460, %get3A_461] {strides = array<i32>} : memref<80x128xf32, #tpu.memory_space<vmem>>, vector<1x16xf32>,
          %get3A_463 = vector.shape_cast %get3A_462 : vector<1x16xf32> to vector<16xf32>
          %mul3A_464 = arith.mulf %gather3A_399, %get3A_463 : vector<16xf32>
          %swap3A_465 = arith.index_cast %add3A_388 : i32 to index
          %swap3A_466 = arith.constant 96 : index
          %swap3A_467 = tpu.vector_load %arg17[%swap3A_465, %swap3A_466] {strides = array<i32>} : memref<80x128xf32, #tpu.memory_space<vmem>>, vector<1x16xf32>,
          %swap3A_468 = vector.shape_cast %swap3A_467 : vector<1x16xf32> to vector<16xf32>
          %swap3A_469 = vector.shape_cast %mul3A_464 : vector<16xf32> to vector<1x16xf32>
          tpu.vector_store %arg17[%swap3A_465, %swap3A_466], %swap3A_469 {strides = array<i32>} : memref<80x128xf32, #tpu.memory_space<vmem>>, vector<1x16xf32>,
          %get3A_470 = arith.index_cast %add3A_388 : i32 to index
          %get3A_471 = arith.constant 112 : index
          %get3A_472 = tpu.vector_load %arg17[%get3A_470, %get3A_471] {strides = array<i32>} : memref<80x128xf32, #tpu.memory_space<vmem>>, vector<1x16xf32>,
          %get3A_473 = vector.shape_cast %get3A_472 : vector<1x16xf32> to vector<16xf32>
          %mul3A_474 = arith.mulf %gather3A_399, %get3A_473 : vector<16xf32>
          %swap3A_475 = arith.index_cast %add3A_388 : i32 to index
          %swap3A_476 = arith.constant 112 : index
          %swap3A_477 = tpu.vector_load %arg17[%swap3A_475, %swap3A_476] {strides = array<i32>} : memref<80x128xf32, #tpu.memory_space<vmem>>, vector<1x16xf32>,
          %swap3A_478 = vector.shape_cast %swap3A_477 : vector<1x16xf32> to vector<16xf32>
          %swap3A_479 = vector.shape_cast %mul3A_474 : vector<16xf32> to vector<1x16xf32>
          tpu.vector_store %arg17[%swap3A_475, %swap3A_476], %swap3A_479 {strides = array<i32>} : memref<80x128xf32, #tpu.memory_space<vmem>>, vector<1x16xf32>,
          %scan3A_480 = arith.constant 0 : i32
          %scan3A_481 = arith.constant 3 : i32
          %scan3A_482 = arith.addi %scan3A_200, %scan3A_481 : i32
          %add3A_483 = arith.addi %multiple_of3A, %scan3A_482 : i32
          %broadcast_in_dim3A_484 = vector.broadcast %scan3A_482 : i32 to vector<16xi32>
          %lt3A_485 = arith.constant 0 : i32
          %lt3A_486 = vector.broadcast %lt3A_485 : i32 to vector<16xi32>
          %lt3A_487 = arith.cmpi slt, %broadcast_in_dim3A_484, %lt3A_486 : vector<16xi32>
          %add3A_488 = arith.constant 16 : i32
          %add3A_489 = vector.broadcast %add3A_488 : i32 to vector<16xi32>
          %add3A_490 = arith.addi %broadcast_in_dim3A_484, %add3A_489 : vector<16xi32>
          %select_n3A_491 = arith.select %lt3A_487, %add3A_490, %broadcast_in_dim3A_484 : vector<16xi1>, vector<16xi32>
          %broadcast_in_dim3A_492 = vector.shape_cast %select_n3A_491 : vector<16xi32> to vector<16x1xi32>
          %gather3A_493 = vector.shape_cast %broadcast_in_dim3A_492 : vector<16x1xi32> to vector<16xi32>
          %gather3A_494 = tpu.dynamic_gather %get3A_191[%gather3A_493] in [0] : vector<16xf32>, vector<16xi32> -> vector<16xf32>
          %get3A_495 = arith.index_cast %add3A_483 : i32 to index
          %get3A_496 = arith.constant 0 : index
          %get3A_497 = tpu.vector_load %arg17[%get3A_495, %get3A_496] {strides = array<i32>} : memref<80x128xf32, #tpu.memory_space<vmem>>, vector<1x16xf32>,
          %get3A_498 = vector.shape_cast %get3A_497 : vector<1x16xf32> to vector<16xf32>
          %mul3A_499 = arith.mulf %gather3A_494, %get3A_498 : vector<16xf32>
          %swap3A_500 = arith.index_cast %add3A_483 : i32 to index
          %swap3A_501 = arith.constant 0 : index
          %swap3A_502 = tpu.vector_load %arg17[%swap3A_500, %swap3A_501] {strides = array<i32>} : memref<80x128xf32, #tpu.memory_space<vmem>>, vector<1x16xf32>,
          %swap3A_503 = vector.shape_cast %swap3A_502 : vector<1x16xf32> to vector<16xf32>
          %swap3A_504 = vector.shape_cast %mul3A_499 : vector<16xf32> to vector<1x16xf32>
          tpu.vector_store %arg17[%swap3A_500, %swap3A_501], %swap3A_504 {strides = array<i32>} : memref<80x128xf32, #tpu.memory_space<vmem>>, vector<1x16xf32>,
          %get3A_505 = arith.index_cast %add3A_483 : i32 to index
          %get3A_506 = arith.constant 16 : index
          %get3A_507 = tpu.vector_load %arg17[%get3A_505, %get3A_506] {strides = array<i32>} : memref<80x128xf32, #tpu.memory_space<vmem>>, vector<1x16xf32>,
          %get3A_508 = vector.shape_cast %get3A_507 : vector<1x16xf32> to vector<16xf32>
          %mul3A_509 = arith.mulf %gather3A_494, %get3A_508 : vector<16xf32>
          %swap3A_510 = arith.index_cast %add3A_483 : i32 to index
          %swap3A_511 = arith.constant 16 : index
          %swap3A_512 = tpu.vector_load %arg17[%swap3A_510, %swap3A_511] {strides = array<i32>} : memref<80x128xf32, #tpu.memory_space<vmem>>, vector<1x16xf32>,
          %swap3A_513 = vector.shape_cast %swap3A_512 : vector<1x16xf32> to vector<16xf32>
          %swap3A_514 = vector.shape_cast %mul3A_509 : vector<16xf32> to vector<1x16xf32>
          tpu.vector_store %arg17[%swap3A_510, %swap3A_511], %swap3A_514 {strides = array<i32>} : memref<80x128xf32, #tpu.memory_space<vmem>>, vector<1x16xf32>,
          %get3A_515 = arith.index_cast %add3A_483 : i32 to index
          %get3A_516 = arith.constant 32 : index
          %get3A_517 = tpu.vector_load %arg17[%get3A_515, %get3A_516] {strides = array<i32>} : memref<80x128xf32, #tpu.memory_space<vmem>>, vector<1x16xf32>,
          %get3A_518 = vector.shape_cast %get3A_517 : vector<1x16xf32> to vector<16xf32>
          %mul3A_519 = arith.mulf %gather3A_494, %get3A_518 : vector<16xf32>
          %swap3A_520 = arith.index_cast %add3A_483 : i32 to index
          %swap3A_521 = arith.constant 32 : index
          %swap3A_522 = tpu.vector_load %arg17[%swap3A_520, %swap3A_521] {strides = array<i32>} : memref<80x128xf32, #tpu.memory_space<vmem>>, vector<1x16xf32>,
          %swap3A_523 = vector.shape_cast %swap3A_522 : vector<1x16xf32> to vector<16xf32>
          %swap3A_524 = vector.shape_cast %mul3A_519 : vector<16xf32> to vector<1x16xf32>
          tpu.vector_store %arg17[%swap3A_520, %swap3A_521], %swap3A_524 {strides = array<i32>} : memref<80x128xf32, #tpu.memory_space<vmem>>, vector<1x16xf32>,
          %get3A_525 = arith.index_cast %add3A_483 : i32 to index
          %get3A_526 = arith.constant 48 : index
          %get3A_527 = tpu.vector_load %arg17[%get3A_525, %get3A_526] {strides = array<i32>} : memref<80x128xf32, #tpu.memory_space<vmem>>, vector<1x16xf32>,
          %get3A_528 = vector.shape_cast %get3A_527 : vector<1x16xf32> to vector<16xf32>
          %mul3A_529 = arith.mulf %gather3A_494, %get3A_528 : vector<16xf32>
          %swap3A_530 = arith.index_cast %add3A_483 : i32 to index
          %swap3A_531 = arith.constant 48 : index
          %swap3A_532 = tpu.vector_load %arg17[%swap3A_530, %swap3A_531] {strides = array<i32>} : memref<80x128xf32, #tpu.memory_space<vmem>>, vector<1x16xf32>,
          %swap3A_533 = vector.shape_cast %swap3A_532 : vector<1x16xf32> to vector<16xf32>
          %swap3A_534 = vector.shape_cast %mul3A_529 : vector<16xf32> to vector<1x16xf32>
          tpu.vector_store %arg17[%swap3A_530, %swap3A_531], %swap3A_534 {strides = array<i32>} : memref<80x128xf32, #tpu.memory_space<vmem>>, vector<1x16xf32>,
          %get3A_535 = arith.index_cast %add3A_483 : i32 to index
          %get3A_536 = arith.constant 64 : index
          %get3A_537 = tpu.vector_load %arg17[%get3A_535, %get3A_536] {strides = array<i32>} : memref<80x128xf32, #tpu.memory_space<vmem>>, vector<1x16xf32>,
          %get3A_538 = vector.shape_cast %get3A_537 : vector<1x16xf32> to vector<16xf32>
          %mul3A_539 = arith.mulf %gather3A_494, %get3A_538 : vector<16xf32>
          %swap3A_540 = arith.index_cast %add3A_483 : i32 to index
          %swap3A_541 = arith.constant 64 : index
          %swap3A_542 = tpu.vector_load %arg17[%swap3A_540, %swap3A_541] {strides = array<i32>} : memref<80x128xf32, #tpu.memory_space<vmem>>, vector<1x16xf32>,
          %swap3A_543 = vector.shape_cast %swap3A_542 : vector<1x16xf32> to vector<16xf32>
          %swap3A_544 = vector.shape_cast %mul3A_539 : vector<16xf32> to vector<1x16xf32>
          tpu.vector_store %arg17[%swap3A_540, %swap3A_541], %swap3A_544 {strides = array<i32>} : memref<80x128xf32, #tpu.memory_space<vmem>>, vector<1x16xf32>,
          %get3A_545 = arith.index_cast %add3A_483 : i32 to index
          %get3A_546 = arith.constant 80 : index
          %get3A_547 = tpu.vector_load %arg17[%get3A_545, %get3A_546] {strides = array<i32>} : memref<80x128xf32, #tpu.memory_space<vmem>>, vector<1x16xf32>,
          %get3A_548 = vector.shape_cast %get3A_547 : vector<1x16xf32> to vector<16xf32>
          %mul3A_549 = arith.mulf %gather3A_494, %get3A_548 : vector<16xf32>
          %swap3A_550 = arith.index_cast %add3A_483 : i32 to index
          %swap3A_551 = arith.constant 80 : index
          %swap3A_552 = tpu.vector_load %arg17[%swap3A_550, %swap3A_551] {strides = array<i32>} : memref<80x128xf32, #tpu.memory_space<vmem>>, vector<1x16xf32>,
          %swap3A_553 = vector.shape_cast %swap3A_552 : vector<1x16xf32> to vector<16xf32>
          %swap3A_554 = vector.shape_cast %mul3A_549 : vector<16xf32> to vector<1x16xf32>
          tpu.vector_store %arg17[%swap3A_550, %swap3A_551], %swap3A_554 {strides = array<i32>} : memref<80x128xf32, #tpu.memory_space<vmem>>, vector<1x16xf32>,
          %get3A_555 = arith.index_cast %add3A_483 : i32 to index
          %get3A_556 = arith.constant 96 : index
          %get3A_557 = tpu.vector_load %arg17[%get3A_555, %get3A_556] {strides = array<i32>} : memref<80x128xf32, #tpu.memory_space<vmem>>, vector<1x16xf32>,
          %get3A_558 = vector.shape_cast %get3A_557 : vector<1x16xf32> to vector<16xf32>
          %mul3A_559 = arith.mulf %gather3A_494, %get3A_558 : vector<16xf32>
          %swap3A_560 = arith.index_cast %add3A_483 : i32 to index
          %swap3A_561 = arith.constant 96 : index
          %swap3A_562 = tpu.vector_load %arg17[%swap3A_560, %swap3A_561] {strides = array<i32>} : memref<80x128xf32, #tpu.memory_space<vmem>>, vector<1x16xf32>,
          %swap3A_563 = vector.shape_cast %swap3A_562 : vector<1x16xf32> to vector<16xf32>
          %swap3A_564 = vector.shape_cast %mul3A_559 : vector<16xf32> to vector<1x16xf32>
          tpu.vector_store %arg17[%swap3A_560, %swap3A_561], %swap3A_564 {strides = array<i32>} : memref<80x128xf32, #tpu.memory_space<vmem>>, vector<1x16xf32>,
          %get3A_565 = arith.index_cast %add3A_483 : i32 to index
          %get3A_566 = arith.constant 112 : index
          %get3A_567 = tpu.vector_load %arg17[%get3A_565, %get3A_566] {strides = array<i32>} : memref<80x128xf32, #tpu.memory_space<vmem>>, vector<1x16xf32>,
          %get3A_568 = vector.shape_cast %get3A_567 : vector<1x16xf32> to vector<16xf32>
          %mul3A_569 = arith.mulf %gather3A_494, %get3A_568 : vector<16xf32>
          %swap3A_570 = arith.index_cast %add3A_483 : i32 to index
          %swap3A_571 = arith.constant 112 : index
          %swap3A_572 = tpu.vector_load %arg17[%swap3A_570, %swap3A_571] {strides = array<i32>} : memref<80x128xf32, #tpu.memory_space<vmem>>, vector<1x16xf32>,
          %swap3A_573 = vector.shape_cast %swap3A_572 : vector<1x16xf32> to vector<16xf32>
          %swap3A_574 = vector.shape_cast %mul3A_569 : vector<16xf32> to vector<1x16xf32>
          tpu.vector_store %arg17[%swap3A_570, %swap3A_571], %swap3A_574 {strides = array<i32>} : memref<80x128xf32, #tpu.memory_space<vmem>>, vector<1x16xf32>,
          %scan3A_575 = arith.constant 0 : i32
          scf.yield %scan3A_575 : i32
        }
        %scan3A_198 = arith.constant 16 : i32
        %scan3A_199 = arith.constant 0 : i32
        scf.yield %scan3A_199 : i32
      }
      %scan3A_179 = arith.constant 5 : i32
      %add3A_180 = arith.constant 1 : i32
      %add3A_181 = arith.addi %mul3A_96, %add3A_180 : i32
      %mul3A_182 = arith.constant 80 : i32
      %mul3A_183 = arith.muli %add3A_181, %mul3A_182 : i32
      %add3A_184 = arith.addi %mul3A_34, %mul3A_183 : i32
      "tpu.region"() ({
        %run_scoped3A = tpu.sem_alloc : memref<!tpu.dma_semaphore, #tpu.memory_space<semaphore_mem>>
        %dma_start3A_186 = arith.constant 0 : i32
        %dma_start3A_187 = arith.constant 0 : i32
        %dma_start3A_188 = tpu.memref_slice %arg21[%dma_start3A_186, %dma_start3A_187] : memref<10240x128xf32, #tpu.memory_space<vmem_shared>> -> memref<10240x128xf32, #tpu.memory_space<vmem_shared>>
        tpu.enqueue_indirect_dma source(%arg17 : memref<80x128xf32, #tpu.memory_space<vmem>>) target(%dma_start3A_188 : memref<10240x128xf32, #tpu.memory_space<vmem_shared>>) offsets(%arg13 : memref<80xi32, #tpu.memory_space<vmem>>) semaphore(%run_scoped3A : memref<!tpu.dma_semaphore, #tpu.memory_space<semaphore_mem>>) {add = true}
        %dma_wait3A_189 = arith.constant 0 : i32
        %dma_wait3A_190 = arith.constant 0 : i32
        %dma_wait3A_191 = tpu.memref_slice %arg21[%dma_wait3A_189, %dma_wait3A_190] : memref<10240x128xf32, #tpu.memory_space<vmem_shared>> -> memref<10240x128xf32, #tpu.memory_space<vmem_shared>>
        tpu.wait_indirect_dma semaphore(%run_scoped3A : memref<!tpu.dma_semaphore, #tpu.memory_space<semaphore_mem>>) src(%arg17 : memref<80x128xf32, #tpu.memory_space<vmem>>) dst(%dma_wait3A_191 : memref<10240x128xf32, #tpu.memory_space<vmem_shared>>)
        tpu.yield
      }) : () -> ()
      "tpu.region"() ({
        %run_scoped3A = tpu.sem_alloc : memref<!tpu.dma_semaphore, #tpu.memory_space<semaphore_mem>>
        %dma_start3A_186 = arith.constant 0 : i32
        %dma_start3A_187 = tpu.memref_slice %arg22[%dma_start3A_186] : memref<10240xf32, #tpu.memory_space<vmem_shared>> -> memref<10240xf32, #tpu.memory_space<vmem_shared>>
        tpu.enqueue_indirect_dma source(%arg19 : memref<80xf32, #tpu.memory_space<vmem>>) target(%dma_start3A_187 : memref<10240xf32, #tpu.memory_space<vmem_shared>>) offsets(%arg13 : memref<80xi32, #tpu.memory_space<vmem>>) semaphore(%run_scoped3A : memref<!tpu.dma_semaphore, #tpu.memory_space<semaphore_mem>>) {add = true}
        %dma_wait3A_188 = arith.constant 0 : i32
        %dma_wait3A_189 = tpu.memref_slice %arg22[%dma_wait3A_188] : memref<10240xf32, #tpu.memory_space<vmem_shared>> -> memref<10240xf32, #tpu.memory_space<vmem_shared>>
        tpu.wait_indirect_dma semaphore(%run_scoped3A : memref<!tpu.dma_semaphore, #tpu.memory_space<semaphore_mem>>) src(%arg19 : memref<80xf32, #tpu.memory_space<vmem>>) dst(%dma_wait3A_189 : memref<10240xf32, #tpu.memory_space<vmem_shared>>)
        tpu.yield
      }) : () -> ()
      "tpu.region"() ({
        %run_scoped3A = tpu.sem_alloc : memref<!tpu.dma_semaphore, #tpu.memory_space<semaphore_mem>>
        %dma_start3A_186 = tpu.memref_slice %arg9[%add3A_184] : memref<320000xf32, #tpu.memory_space<hbm>> -> memref<80xf32, #tpu.memory_space<hbm>>
        %dma_start3A_187 = tpu.memref_slice %arg9[%add3A_184] : memref<320000xf32, #tpu.memory_space<hbm>> -> memref<80xf32, #tpu.memory_space<hbm>>
        tpu.enqueue_dma source(%arg19 : memref<80xf32, #tpu.memory_space<vmem>>) target(%dma_start3A_187 : memref<80xf32, #tpu.memory_space<hbm>>) target_semaphore(%run_scoped3A : memref<!tpu.dma_semaphore, #tpu.memory_space<semaphore_mem>>)
        %dma_wait3A_188 = tpu.memref_slice %arg9[%add3A_184] : memref<320000xf32, #tpu.memory_space<hbm>> -> memref<80xf32, #tpu.memory_space<hbm>>
        %dma_wait3A_189 = tpu.memref_slice %arg9[%add3A_184] : memref<320000xf32, #tpu.memory_space<hbm>> -> memref<80xf32, #tpu.memory_space<hbm>>
        tpu.wait_dma2 semaphore(%run_scoped3A : memref<!tpu.dma_semaphore, #tpu.memory_space<semaphore_mem>>) src(%arg19 : memref<80xf32, #tpu.memory_space<vmem>>) dst(%dma_wait3A_189 : memref<80xf32, #tpu.memory_space<hbm>>)
        tpu.yield
      }) : () -> ()
      %scan3A_185 = arith.constant 0 : i32
      scf.yield %scan3A_185 : i32
    }
    %scan3A_41 = arith.constant 62 : i32
    %add3A_42 = arith.constant 9920 : i32
    %add3A_43 = arith.addi %mul3A_34, %add3A_42 : i32
    "tpu.region"() ({
      %run_scoped3A = tpu.sem_alloc : memref<!tpu.dma_semaphore, #tpu.memory_space<semaphore_mem>>
      %dma_start3A_93 = tpu.memref_slice %arg5[%add3A_43] : memref<320000xi32, #tpu.memory_space<hbm>> -> memref<80xi32, #tpu.memory_space<hbm>>
      %dma_start3A_94 = tpu.memref_slice %arg5[%add3A_43] : memref<320000xi32, #tpu.memory_space<hbm>> -> memref<80xi32, #tpu.memory_space<hbm>>
      tpu.enqueue_dma source(%dma_start3A_94 : memref<80xi32, #tpu.memory_space<hbm>>) target(%arg10 : memref<80xi32, #tpu.memory_space<vmem>>) target_semaphore(%run_scoped3A : memref<!tpu.dma_semaphore, #tpu.memory_space<semaphore_mem>>)
      %dma_wait3A_95 = tpu.memref_slice %arg5[%add3A_43] : memref<320000xi32, #tpu.memory_space<hbm>> -> memref<80xi32, #tpu.memory_space<hbm>>
      %dma_wait3A_96 = tpu.memref_slice %arg5[%add3A_43] : memref<320000xi32, #tpu.memory_space<hbm>> -> memref<80xi32, #tpu.memory_space<hbm>>
      tpu.wait_dma2 semaphore(%run_scoped3A : memref<!tpu.dma_semaphore, #tpu.memory_space<semaphore_mem>>) src(%dma_wait3A_96 : memref<80xi32, #tpu.memory_space<hbm>>) dst(%arg10 : memref<80xi32, #tpu.memory_space<vmem>>)
      tpu.yield
    }) : () -> ()
    "tpu.region"() ({
      %run_scoped3A = tpu.sem_alloc : memref<!tpu.dma_semaphore, #tpu.memory_space<semaphore_mem>>
      %dma_start3A_93 = tpu.memref_slice %arg6[%add3A_43] : memref<320000xi32, #tpu.memory_space<hbm>> -> memref<80xi32, #tpu.memory_space<hbm>>
      %dma_start3A_94 = tpu.memref_slice %arg6[%add3A_43] : memref<320000xi32, #tpu.memory_space<hbm>> -> memref<80xi32, #tpu.memory_space<hbm>>
      tpu.enqueue_dma source(%dma_start3A_94 : memref<80xi32, #tpu.memory_space<hbm>>) target(%arg11 : memref<80xi32, #tpu.memory_space<vmem>>) target_semaphore(%run_scoped3A : memref<!tpu.dma_semaphore, #tpu.memory_space<semaphore_mem>>)
      %dma_wait3A_95 = tpu.memref_slice %arg6[%add3A_43] : memref<320000xi32, #tpu.memory_space<hbm>> -> memref<80xi32, #tpu.memory_space<hbm>>
      %dma_wait3A_96 = tpu.memref_slice %arg6[%add3A_43] : memref<320000xi32, #tpu.memory_space<hbm>> -> memref<80xi32, #tpu.memory_space<hbm>>
      tpu.wait_dma2 semaphore(%run_scoped3A : memref<!tpu.dma_semaphore, #tpu.memory_space<semaphore_mem>>) src(%dma_wait3A_96 : memref<80xi32, #tpu.memory_space<hbm>>) dst(%arg11 : memref<80xi32, #tpu.memory_space<vmem>>)
      tpu.yield
    }) : () -> ()
    %dma_start3A = arith.constant 0 : i32
    %dma_start3A_44 = arith.constant 0 : i32
    %dma_start3A_45 = tpu.memref_slice %arg2[%dma_start3A, %dma_start3A_44] : memref<10000x128xf32, #tpu.memory_space<hbm>> -> memref<10000x128xf32, #tpu.memory_space<hbm>>
    tpu.enqueue_indirect_dma source(%dma_start3A_45 : memref<10000x128xf32, #tpu.memory_space<hbm>>) target(%arg14 : memref<80x128xf32, #tpu.memory_space<vmem>>) offsets(%arg10 : memref<80xi32, #tpu.memory_space<vmem>>) semaphore(%arg23 : memref<!tpu.dma_semaphore, #tpu.memory_space<semaphore_mem>>)
    %dma_start3A_46 = arith.constant 0 : i32
    %dma_start3A_47 = arith.constant 0 : i32
    %dma_start3A_48 = tpu.memref_slice %arg3[%dma_start3A_46, %dma_start3A_47] : memref<10000x128xf32, #tpu.memory_space<hbm>> -> memref<10000x128xf32, #tpu.memory_space<hbm>>
    tpu.enqueue_indirect_dma source(%dma_start3A_48 : memref<10000x128xf32, #tpu.memory_space<hbm>>) target(%arg15 : memref<80x128xf32, #tpu.memory_space<vmem>>) offsets(%arg11 : memref<80xi32, #tpu.memory_space<vmem>>) semaphore(%arg23 : memref<!tpu.dma_semaphore, #tpu.memory_space<semaphore_mem>>)
    %dma_start3A_49 = arith.constant 0 : i32
    %dma_start3A_50 = arith.constant 0 : i32
    %dma_start3A_51 = tpu.memref_slice %arg4[%dma_start3A_49, %dma_start3A_50] : memref<10000x128xf32, #tpu.memory_space<hbm>> -> memref<10000x128xf32, #tpu.memory_space<hbm>>
    tpu.enqueue_indirect_dma source(%dma_start3A_51 : memref<10000x128xf32, #tpu.memory_space<hbm>>) target(%arg16 : memref<80x128xf32, #tpu.memory_space<vmem>>) offsets(%arg10 : memref<80xi32, #tpu.memory_space<vmem>>) semaphore(%arg24 : memref<!tpu.dma_semaphore, #tpu.memory_space<semaphore_mem>>)
    %dma_wait3A = arith.constant 0 : i32
    %dma_wait3A_52 = arith.constant 0 : i32
    %dma_wait3A_53 = tpu.memref_slice %arg2[%dma_wait3A, %dma_wait3A_52] : memref<10000x128xf32, #tpu.memory_space<hbm>> -> memref<10000x128xf32, #tpu.memory_space<hbm>>
    tpu.wait_indirect_dma semaphore(%arg23 : memref<!tpu.dma_semaphore, #tpu.memory_space<semaphore_mem>>) src(%dma_wait3A_53 : memref<10000x128xf32, #tpu.memory_space<hbm>>) dst(%arg14 : memref<80x128xf32, #tpu.memory_space<vmem>>)
    %dma_wait3A_54 = arith.constant 0 : i32
    %dma_wait3A_55 = arith.constant 0 : i32
    %dma_wait3A_56 = tpu.memref_slice %arg3[%dma_wait3A_54, %dma_wait3A_55] : memref<10000x128xf32, #tpu.memory_space<hbm>> -> memref<10000x128xf32, #tpu.memory_space<hbm>>
    tpu.wait_indirect_dma semaphore(%arg23 : memref<!tpu.dma_semaphore, #tpu.memory_space<semaphore_mem>>) src(%dma_wait3A_56 : memref<10000x128xf32, #tpu.memory_space<hbm>>) dst(%arg15 : memref<80x128xf32, #tpu.memory_space<vmem>>)
    %scan3A_57 = arith.constant 0 : i32
    %scan3A_58 = arith.constant 0 : i32
    %scan3A_59 = arith.constant 5 : i32
    %scan3A_60 = arith.addi %scan3A_58, %scan3A_59 : i32
    %scan3A_61 = arith.constant 1 : i32
    %scan3A_62 = scf.for %scan3A_93 = %scan3A_58 to %scan3A_60 step %scan3A_61 iter_args(%scan3A_94 = %scan3A_57) -> (i32)  : i32 {
      %mul3A_95 = arith.constant 16 : i32
      %mul3A_96 = arith.muli %scan3A_93, %mul3A_95 : i32
      %multiple_of3A = tpu.assume_multiple %mul3A_96, 16 : i32
      %scan3A_97 = arith.constant 0 : i32
      %scan3A_98 = arith.constant 16 : i32
      %scan3A_99 = arith.addi %scan3A_97, %scan3A_98 : i32
      %scan3A_100 = arith.constant 4 : i32
      %scan3A_101 = scf.for %scan3A_110 = %scan3A_97 to %scan3A_99 step %scan3A_100 iter_args(%scan3A_111 = %broadcast_in_dim3A_1) -> (vector<16xf32>)  : i32 {
        %add3A_112 = arith.addi %multiple_of3A, %scan3A_110 : i32
        %get3A = arith.index_cast %add3A_112 : i32 to index
        %get3A_113 = arith.constant 0 : index
        %get3A_114 = tpu.vector_load %arg14[%get3A, %get3A_113] {strides = array<i32>} : memref<80x128xf32, #tpu.memory_space<vmem>>, vector<1x16xf32>,
        %get3A_115 = vector.shape_cast %get3A_114 : vector<1x16xf32> to vector<16xf32>
        %get3A_116 = arith.index_cast %add3A_112 : i32 to index
        %get3A_117 = arith.constant 0 : index
        %get3A_118 = tpu.vector_load %arg15[%get3A_116, %get3A_117] {strides = array<i32>} : memref<80x128xf32, #tpu.memory_space<vmem>>, vector<1x16xf32>,
        %get3A_119 = vector.shape_cast %get3A_118 : vector<1x16xf32> to vector<16xf32>
        %mul3A_120 = arith.mulf %get3A_115, %get3A_119 : vector<16xf32>
        %get3A_121 = arith.index_cast %add3A_112 : i32 to index
        %get3A_122 = arith.constant 16 : index
        %get3A_123 = tpu.vector_load %arg14[%get3A_121, %get3A_122] {strides = array<i32>} : memref<80x128xf32, #tpu.memory_space<vmem>>, vector<1x16xf32>,
        %get3A_124 = vector.shape_cast %get3A_123 : vector<1x16xf32> to vector<16xf32>
        %get3A_125 = arith.index_cast %add3A_112 : i32 to index
        %get3A_126 = arith.constant 16 : index
        %get3A_127 = tpu.vector_load %arg15[%get3A_125, %get3A_126] {strides = array<i32>} : memref<80x128xf32, #tpu.memory_space<vmem>>, vector<1x16xf32>,
        %get3A_128 = vector.shape_cast %get3A_127 : vector<1x16xf32> to vector<16xf32>
        %mul3A_129 = arith.mulf %get3A_124, %get3A_128 : vector<16xf32>
        %add3A_130 = arith.addf %mul3A_120, %mul3A_129 : vector<16xf32>
        %get3A_131 = arith.index_cast %add3A_112 : i32 to index
        %get3A_132 = arith.constant 32 : index
        %get3A_133 = tpu.vector_load %arg14[%get3A_131, %get3A_132] {strides = array<i32>} : memref<80x128xf32, #tpu.memory_space<vmem>>, vector<1x16xf32>,
        %get3A_134 = vector.shape_cast %get3A_133 : vector<1x16xf32> to vector<16xf32>
        %get3A_135 = arith.index_cast %add3A_112 : i32 to index
        %get3A_136 = arith.constant 32 : index
        %get3A_137 = tpu.vector_load %arg15[%get3A_135, %get3A_136] {strides = array<i32>} : memref<80x128xf32, #tpu.memory_space<vmem>>, vector<1x16xf32>,
        %get3A_138 = vector.shape_cast %get3A_137 : vector<1x16xf32> to vector<16xf32>
        %mul3A_139 = arith.mulf %get3A_134, %get3A_138 : vector<16xf32>
        %add3A_140 = arith.addf %add3A_130, %mul3A_139 : vector<16xf32>
        %get3A_141 = arith.index_cast %add3A_112 : i32 to index
        %get3A_142 = arith.constant 48 : index
        %get3A_143 = tpu.vector_load %arg14[%get3A_141, %get3A_142] {strides = array<i32>} : memref<80x128xf32, #tpu.memory_space<vmem>>, vector<1x16xf32>,
        %get3A_144 = vector.shape_cast %get3A_143 : vector<1x16xf32> to vector<16xf32>
        %get3A_145 = arith.index_cast %add3A_112 : i32 to index
        %get3A_146 = arith.constant 48 : index
        %get3A_147 = tpu.vector_load %arg15[%get3A_145, %get3A_146] {strides = array<i32>} : memref<80x128xf32, #tpu.memory_space<vmem>>, vector<1x16xf32>,
        %get3A_148 = vector.shape_cast %get3A_147 : vector<1x16xf32> to vector<16xf32>
        %mul3A_149 = arith.mulf %get3A_144, %get3A_148 : vector<16xf32>
        %add3A_150 = arith.addf %add3A_140, %mul3A_149 : vector<16xf32>
        %get3A_151 = arith.index_cast %add3A_112 : i32 to index
        %get3A_152 = arith.constant 64 : index
        %get3A_153 = tpu.vector_load %arg14[%get3A_151, %get3A_152] {strides = array<i32>} : memref<80x128xf32, #tpu.memory_space<vmem>>, vector<1x16xf32>,
        %get3A_154 = vector.shape_cast %get3A_153 : vector<1x16xf32> to vector<16xf32>
        %get3A_155 = arith.index_cast %add3A_112 : i32 to index
        %get3A_156 = arith.constant 64 : index
        %get3A_157 = tpu.vector_load %arg15[%get3A_155, %get3A_156] {strides = array<i32>} : memref<80x128xf32, #tpu.memory_space<vmem>>, vector<1x16xf32>,
        %get3A_158 = vector.shape_cast %get3A_157 : vector<1x16xf32> to vector<16xf32>
        %mul3A_159 = arith.mulf %get3A_154, %get3A_158 : vector<16xf32>
        %add3A_160 = arith.addf %add3A_150, %mul3A_159 : vector<16xf32>
        %get3A_161 = arith.index_cast %add3A_112 : i32 to index
        %get3A_162 = arith.constant 80 : index
        %get3A_163 = tpu.vector_load %arg14[%get3A_161, %get3A_162] {strides = array<i32>} : memref<80x128xf32, #tpu.memory_space<vmem>>, vector<1x16xf32>,
        %get3A_164 = vector.shape_cast %get3A_163 : vector<1x16xf32> to vector<16xf32>
        %get3A_165 = arith.index_cast %add3A_112 : i32 to index
        %get3A_166 = arith.constant 80 : index
        %get3A_167 = tpu.vector_load %arg15[%get3A_165, %get3A_166] {strides = array<i32>} : memref<80x128xf32, #tpu.memory_space<vmem>>, vector<1x16xf32>,
        %get3A_168 = vector.shape_cast %get3A_167 : vector<1x16xf32> to vector<16xf32>
        %mul3A_169 = arith.mulf %get3A_164, %get3A_168 : vector<16xf32>
        %add3A_170 = arith.addf %add3A_160, %mul3A_169 : vector<16xf32>
        %get3A_171 = arith.index_cast %add3A_112 : i32 to index
        %get3A_172 = arith.constant 96 : index
        %get3A_173 = tpu.vector_load %arg14[%get3A_171, %get3A_172] {strides = array<i32>} : memref<80x128xf32, #tpu.memory_space<vmem>>, vector<1x16xf32>,
        %get3A_174 = vector.shape_cast %get3A_173 : vector<1x16xf32> to vector<16xf32>
        %get3A_175 = arith.index_cast %add3A_112 : i32 to index
        %get3A_176 = arith.constant 96 : index
        %get3A_177 = tpu.vector_load %arg15[%get3A_175, %get3A_176] {strides = array<i32>} : memref<80x128xf32, #tpu.memory_space<vmem>>, vector<1x16xf32>,
        %get3A_178 = vector.shape_cast %get3A_177 : vector<1x16xf32> to vector<16xf32>
        %mul3A_179 = arith.mulf %get3A_174, %get3A_178 : vector<16xf32>
        %add3A_180 = arith.addf %add3A_170, %mul3A_179 : vector<16xf32>
        %get3A_181 = arith.index_cast %add3A_112 : i32 to index
        %get3A_182 = arith.constant 112 : index
        %get3A_183 = tpu.vector_load %arg14[%get3A_181, %get3A_182] {strides = array<i32>} : memref<80x128xf32, #tpu.memory_space<vmem>>, vector<1x16xf32>,
        %get3A_184 = vector.shape_cast %get3A_183 : vector<1x16xf32> to vector<16xf32>
        %get3A_185 = arith.index_cast %add3A_112 : i32 to index
        %get3A_186 = arith.constant 112 : index
        %get3A_187 = tpu.vector_load %arg15[%get3A_185, %get3A_186] {strides = array<i32>} : memref<80x128xf32, #tpu.memory_space<vmem>>, vector<1x16xf32>,
        %get3A_188 = vector.shape_cast %get3A_187 : vector<1x16xf32> to vector<16xf32>
        %mul3A_189 = arith.mulf %get3A_184, %get3A_188 : vector<16xf32>
        %add3A_190 = arith.addf %add3A_180, %mul3A_189 : vector<16xf32>
        %xor3A = arith.constant 8 : i32
        %xor3A_191 = vector.broadcast %xor3A : i32 to vector<16xi32>
        %xor3A_192 = arith.xori %iota3A, %xor3A_191 : vector<16xi32>
        %lt3A = arith.constant 0 : i32
        %lt3A_193 = vector.broadcast %lt3A : i32 to vector<16xi32>
        %lt3A_194 = arith.cmpi slt, %xor3A_192, %lt3A_193 : vector<16xi32>
        %add3A_195 = arith.constant 16 : i32
        %add3A_196 = vector.broadcast %add3A_195 : i32 to vector<16xi32>
        %add3A_197 = arith.addi %xor3A_192, %add3A_196 : vector<16xi32>
        %select_n3A = arith.select %lt3A_194, %add3A_197, %xor3A_192 : vector<16xi1>, vector<16xi32>
        %broadcast_in_dim3A_198 = vector.shape_cast %select_n3A : vector<16xi32> to vector<16x1xi32>
        %gather3A = vector.shape_cast %broadcast_in_dim3A_198 : vector<16x1xi32> to vector<16xi32>
        %gather3A_199 = tpu.dynamic_gather %add3A_190[%gather3A] in [0] : vector<16xf32>, vector<16xi32> -> vector<16xf32>
        %add3A_200 = arith.addf %add3A_190, %gather3A_199 : vector<16xf32>
        %xor3A_201 = arith.constant 4 : i32
        %xor3A_202 = vector.broadcast %xor3A_201 : i32 to vector<16xi32>
        %xor3A_203 = arith.xori %iota3A, %xor3A_202 : vector<16xi32>
        %lt3A_204 = arith.constant 0 : i32
        %lt3A_205 = vector.broadcast %lt3A_204 : i32 to vector<16xi32>
        %lt3A_206 = arith.cmpi slt, %xor3A_203, %lt3A_205 : vector<16xi32>
        %add3A_207 = arith.constant 16 : i32
        %add3A_208 = vector.broadcast %add3A_207 : i32 to vector<16xi32>
        %add3A_209 = arith.addi %xor3A_203, %add3A_208 : vector<16xi32>
        %select_n3A_210 = arith.select %lt3A_206, %add3A_209, %xor3A_203 : vector<16xi1>, vector<16xi32>
        %broadcast_in_dim3A_211 = vector.shape_cast %select_n3A_210 : vector<16xi32> to vector<16x1xi32>
        %gather3A_212 = vector.shape_cast %broadcast_in_dim3A_211 : vector<16x1xi32> to vector<16xi32>
        %gather3A_213 = tpu.dynamic_gather %add3A_200[%gather3A_212] in [0] : vector<16xf32>, vector<16xi32> -> vector<16xf32>
        %add3A_214 = arith.addf %add3A_200, %gather3A_213 : vector<16xf32>
        %xor3A_215 = arith.constant 2 : i32
        %xor3A_216 = vector.broadcast %xor3A_215 : i32 to vector<16xi32>
        %xor3A_217 = arith.xori %iota3A, %xor3A_216 : vector<16xi32>
        %lt3A_218 = arith.constant 0 : i32
        %lt3A_219 = vector.broadcast %lt3A_218 : i32 to vector<16xi32>
        %lt3A_220 = arith.cmpi slt, %xor3A_217, %lt3A_219 : vector<16xi32>
        %add3A_221 = arith.constant 16 : i32
        %add3A_222 = vector.broadcast %add3A_221 : i32 to vector<16xi32>
        %add3A_223 = arith.addi %xor3A_217, %add3A_222 : vector<16xi32>
        %select_n3A_224 = arith.select %lt3A_220, %add3A_223, %xor3A_217 : vector<16xi1>, vector<16xi32>
        %broadcast_in_dim3A_225 = vector.shape_cast %select_n3A_224 : vector<16xi32> to vector<16x1xi32>
        %gather3A_226 = vector.shape_cast %broadcast_in_dim3A_225 : vector<16x1xi32> to vector<16xi32>
        %gather3A_227 = tpu.dynamic_gather %add3A_214[%gather3A_226] in [0] : vector<16xf32>, vector<16xi32> -> vector<16xf32>
        %add3A_228 = arith.addf %add3A_214, %gather3A_227 : vector<16xf32>
        %xor3A_229 = arith.constant 1 : i32
        %xor3A_230 = vector.broadcast %xor3A_229 : i32 to vector<16xi32>
        %xor3A_231 = arith.xori %iota3A, %xor3A_230 : vector<16xi32>
        %lt3A_232 = arith.constant 0 : i32
        %lt3A_233 = vector.broadcast %lt3A_232 : i32 to vector<16xi32>
        %lt3A_234 = arith.cmpi slt, %xor3A_231, %lt3A_233 : vector<16xi32>
        %add3A_235 = arith.constant 16 : i32
        %add3A_236 = vector.broadcast %add3A_235 : i32 to vector<16xi32>
        %add3A_237 = arith.addi %xor3A_231, %add3A_236 : vector<16xi32>
        %select_n3A_238 = arith.select %lt3A_234, %add3A_237, %xor3A_231 : vector<16xi1>, vector<16xi32>
        %broadcast_in_dim3A_239 = vector.shape_cast %select_n3A_238 : vector<16xi32> to vector<16x1xi32>
        %gather3A_240 = vector.shape_cast %broadcast_in_dim3A_239 : vector<16x1xi32> to vector<16xi32>
        %gather3A_241 = tpu.dynamic_gather %add3A_228[%gather3A_240] in [0] : vector<16xf32>, vector<16xi32> -> vector<16xf32>
        %add3A_242 = arith.addf %add3A_228, %gather3A_241 : vector<16xf32>
        %eq3A = vector.broadcast %scan3A_110 : i32 to vector<16xi32>
        %eq3A_243 = arith.cmpi eq, %iota3A, %eq3A : vector<16xi32>
        %select_n3A_244 = arith.select %eq3A_243, %add3A_242, %scan3A_111 : vector<16xi1>, vector<16xf32>
        %scan3A_245 = arith.constant 1 : i32
        %scan3A_246 = arith.addi %scan3A_110, %scan3A_245 : i32
        %add3A_247 = arith.addi %multiple_of3A, %scan3A_246 : i32
        %get3A_248 = arith.index_cast %add3A_247 : i32 to index
        %get3A_249 = arith.constant 0 : index
        %get3A_250 = tpu.vector_load %arg14[%get3A_248, %get3A_249] {strides = array<i32>} : memref<80x128xf32, #tpu.memory_space<vmem>>, vector<1x16xf32>,
        %get3A_251 = vector.shape_cast %get3A_250 : vector<1x16xf32> to vector<16xf32>
        %get3A_252 = arith.index_cast %add3A_247 : i32 to index
        %get3A_253 = arith.constant 0 : index
        %get3A_254 = tpu.vector_load %arg15[%get3A_252, %get3A_253] {strides = array<i32>} : memref<80x128xf32, #tpu.memory_space<vmem>>, vector<1x16xf32>,
        %get3A_255 = vector.shape_cast %get3A_254 : vector<1x16xf32> to vector<16xf32>
        %mul3A_256 = arith.mulf %get3A_251, %get3A_255 : vector<16xf32>
        %get3A_257 = arith.index_cast %add3A_247 : i32 to index
        %get3A_258 = arith.constant 16 : index
        %get3A_259 = tpu.vector_load %arg14[%get3A_257, %get3A_258] {strides = array<i32>} : memref<80x128xf32, #tpu.memory_space<vmem>>, vector<1x16xf32>,
        %get3A_260 = vector.shape_cast %get3A_259 : vector<1x16xf32> to vector<16xf32>
        %get3A_261 = arith.index_cast %add3A_247 : i32 to index
        %get3A_262 = arith.constant 16 : index
        %get3A_263 = tpu.vector_load %arg15[%get3A_261, %get3A_262] {strides = array<i32>} : memref<80x128xf32, #tpu.memory_space<vmem>>, vector<1x16xf32>,
        %get3A_264 = vector.shape_cast %get3A_263 : vector<1x16xf32> to vector<16xf32>
        %mul3A_265 = arith.mulf %get3A_260, %get3A_264 : vector<16xf32>
        %add3A_266 = arith.addf %mul3A_256, %mul3A_265 : vector<16xf32>
        %get3A_267 = arith.index_cast %add3A_247 : i32 to index
        %get3A_268 = arith.constant 32 : index
        %get3A_269 = tpu.vector_load %arg14[%get3A_267, %get3A_268] {strides = array<i32>} : memref<80x128xf32, #tpu.memory_space<vmem>>, vector<1x16xf32>,
        %get3A_270 = vector.shape_cast %get3A_269 : vector<1x16xf32> to vector<16xf32>
        %get3A_271 = arith.index_cast %add3A_247 : i32 to index
        %get3A_272 = arith.constant 32 : index
        %get3A_273 = tpu.vector_load %arg15[%get3A_271, %get3A_272] {strides = array<i32>} : memref<80x128xf32, #tpu.memory_space<vmem>>, vector<1x16xf32>,
        %get3A_274 = vector.shape_cast %get3A_273 : vector<1x16xf32> to vector<16xf32>
        %mul3A_275 = arith.mulf %get3A_270, %get3A_274 : vector<16xf32>
        %add3A_276 = arith.addf %add3A_266, %mul3A_275 : vector<16xf32>
        %get3A_277 = arith.index_cast %add3A_247 : i32 to index
        %get3A_278 = arith.constant 48 : index
        %get3A_279 = tpu.vector_load %arg14[%get3A_277, %get3A_278] {strides = array<i32>} : memref<80x128xf32, #tpu.memory_space<vmem>>, vector<1x16xf32>,
        %get3A_280 = vector.shape_cast %get3A_279 : vector<1x16xf32> to vector<16xf32>
        %get3A_281 = arith.index_cast %add3A_247 : i32 to index
        %get3A_282 = arith.constant 48 : index
        %get3A_283 = tpu.vector_load %arg15[%get3A_281, %get3A_282] {strides = array<i32>} : memref<80x128xf32, #tpu.memory_space<vmem>>, vector<1x16xf32>,
        %get3A_284 = vector.shape_cast %get3A_283 : vector<1x16xf32> to vector<16xf32>
        %mul3A_285 = arith.mulf %get3A_280, %get3A_284 : vector<16xf32>
        %add3A_286 = arith.addf %add3A_276, %mul3A_285 : vector<16xf32>
        %get3A_287 = arith.index_cast %add3A_247 : i32 to index
        %get3A_288 = arith.constant 64 : index
        %get3A_289 = tpu.vector_load %arg14[%get3A_287, %get3A_288] {strides = array<i32>} : memref<80x128xf32, #tpu.memory_space<vmem>>, vector<1x16xf32>,
        %get3A_290 = vector.shape_cast %get3A_289 : vector<1x16xf32> to vector<16xf32>
        %get3A_291 = arith.index_cast %add3A_247 : i32 to index
        %get3A_292 = arith.constant 64 : index
        %get3A_293 = tpu.vector_load %arg15[%get3A_291, %get3A_292] {strides = array<i32>} : memref<80x128xf32, #tpu.memory_space<vmem>>, vector<1x16xf32>,
        %get3A_294 = vector.shape_cast %get3A_293 : vector<1x16xf32> to vector<16xf32>
        %mul3A_295 = arith.mulf %get3A_290, %get3A_294 : vector<16xf32>
        %add3A_296 = arith.addf %add3A_286, %mul3A_295 : vector<16xf32>
        %get3A_297 = arith.index_cast %add3A_247 : i32 to index
        %get3A_298 = arith.constant 80 : index
        %get3A_299 = tpu.vector_load %arg14[%get3A_297, %get3A_298] {strides = array<i32>} : memref<80x128xf32, #tpu.memory_space<vmem>>, vector<1x16xf32>,
        %get3A_300 = vector.shape_cast %get3A_299 : vector<1x16xf32> to vector<16xf32>
        %get3A_301 = arith.index_cast %add3A_247 : i32 to index
        %get3A_302 = arith.constant 80 : index
        %get3A_303 = tpu.vector_load %arg15[%get3A_301, %get3A_302] {strides = array<i32>} : memref<80x128xf32, #tpu.memory_space<vmem>>, vector<1x16xf32>,
        %get3A_304 = vector.shape_cast %get3A_303 : vector<1x16xf32> to vector<16xf32>
        %mul3A_305 = arith.mulf %get3A_300, %get3A_304 : vector<16xf32>
        %add3A_306 = arith.addf %add3A_296, %mul3A_305 : vector<16xf32>
        %get3A_307 = arith.index_cast %add3A_247 : i32 to index
        %get3A_308 = arith.constant 96 : index
        %get3A_309 = tpu.vector_load %arg14[%get3A_307, %get3A_308] {strides = array<i32>} : memref<80x128xf32, #tpu.memory_space<vmem>>, vector<1x16xf32>,
        %get3A_310 = vector.shape_cast %get3A_309 : vector<1x16xf32> to vector<16xf32>
        %get3A_311 = arith.index_cast %add3A_247 : i32 to index
        %get3A_312 = arith.constant 96 : index
        %get3A_313 = tpu.vector_load %arg15[%get3A_311, %get3A_312] {strides = array<i32>} : memref<80x128xf32, #tpu.memory_space<vmem>>, vector<1x16xf32>,
        %get3A_314 = vector.shape_cast %get3A_313 : vector<1x16xf32> to vector<16xf32>
        %mul3A_315 = arith.mulf %get3A_310, %get3A_314 : vector<16xf32>
        %add3A_316 = arith.addf %add3A_306, %mul3A_315 : vector<16xf32>
        %get3A_317 = arith.index_cast %add3A_247 : i32 to index
        %get3A_318 = arith.constant 112 : index
        %get3A_319 = tpu.vector_load %arg14[%get3A_317, %get3A_318] {strides = array<i32>} : memref<80x128xf32, #tpu.memory_space<vmem>>, vector<1x16xf32>,
        %get3A_320 = vector.shape_cast %get3A_319 : vector<1x16xf32> to vector<16xf32>
        %get3A_321 = arith.index_cast %add3A_247 : i32 to index
        %get3A_322 = arith.constant 112 : index
        %get3A_323 = tpu.vector_load %arg15[%get3A_321, %get3A_322] {strides = array<i32>} : memref<80x128xf32, #tpu.memory_space<vmem>>, vector<1x16xf32>,
        %get3A_324 = vector.shape_cast %get3A_323 : vector<1x16xf32> to vector<16xf32>
        %mul3A_325 = arith.mulf %get3A_320, %get3A_324 : vector<16xf32>
        %add3A_326 = arith.addf %add3A_316, %mul3A_325 : vector<16xf32>
        %xor3A_327 = arith.constant 8 : i32
        %xor3A_328 = vector.broadcast %xor3A_327 : i32 to vector<16xi32>
        %xor3A_329 = arith.xori %iota3A, %xor3A_328 : vector<16xi32>
        %lt3A_330 = arith.constant 0 : i32
        %lt3A_331 = vector.broadcast %lt3A_330 : i32 to vector<16xi32>
        %lt3A_332 = arith.cmpi slt, %xor3A_329, %lt3A_331 : vector<16xi32>
        %add3A_333 = arith.constant 16 : i32
        %add3A_334 = vector.broadcast %add3A_333 : i32 to vector<16xi32>
        %add3A_335 = arith.addi %xor3A_329, %add3A_334 : vector<16xi32>
        %select_n3A_336 = arith.select %lt3A_332, %add3A_335, %xor3A_329 : vector<16xi1>, vector<16xi32>
        %broadcast_in_dim3A_337 = vector.shape_cast %select_n3A_336 : vector<16xi32> to vector<16x1xi32>
        %gather3A_338 = vector.shape_cast %broadcast_in_dim3A_337 : vector<16x1xi32> to vector<16xi32>
        %gather3A_339 = tpu.dynamic_gather %add3A_326[%gather3A_338] in [0] : vector<16xf32>, vector<16xi32> -> vector<16xf32>
        %add3A_340 = arith.addf %add3A_326, %gather3A_339 : vector<16xf32>
        %xor3A_341 = arith.constant 4 : i32
        %xor3A_342 = vector.broadcast %xor3A_341 : i32 to vector<16xi32>
        %xor3A_343 = arith.xori %iota3A, %xor3A_342 : vector<16xi32>
        %lt3A_344 = arith.constant 0 : i32
        %lt3A_345 = vector.broadcast %lt3A_344 : i32 to vector<16xi32>
        %lt3A_346 = arith.cmpi slt, %xor3A_343, %lt3A_345 : vector<16xi32>
        %add3A_347 = arith.constant 16 : i32
        %add3A_348 = vector.broadcast %add3A_347 : i32 to vector<16xi32>
        %add3A_349 = arith.addi %xor3A_343, %add3A_348 : vector<16xi32>
        %select_n3A_350 = arith.select %lt3A_346, %add3A_349, %xor3A_343 : vector<16xi1>, vector<16xi32>
        %broadcast_in_dim3A_351 = vector.shape_cast %select_n3A_350 : vector<16xi32> to vector<16x1xi32>
        %gather3A_352 = vector.shape_cast %broadcast_in_dim3A_351 : vector<16x1xi32> to vector<16xi32>
        %gather3A_353 = tpu.dynamic_gather %add3A_340[%gather3A_352] in [0] : vector<16xf32>, vector<16xi32> -> vector<16xf32>
        %add3A_354 = arith.addf %add3A_340, %gather3A_353 : vector<16xf32>
        %xor3A_355 = arith.constant 2 : i32
        %xor3A_356 = vector.broadcast %xor3A_355 : i32 to vector<16xi32>
        %xor3A_357 = arith.xori %iota3A, %xor3A_356 : vector<16xi32>
        %lt3A_358 = arith.constant 0 : i32
        %lt3A_359 = vector.broadcast %lt3A_358 : i32 to vector<16xi32>
        %lt3A_360 = arith.cmpi slt, %xor3A_357, %lt3A_359 : vector<16xi32>
        %add3A_361 = arith.constant 16 : i32
        %add3A_362 = vector.broadcast %add3A_361 : i32 to vector<16xi32>
        %add3A_363 = arith.addi %xor3A_357, %add3A_362 : vector<16xi32>
        %select_n3A_364 = arith.select %lt3A_360, %add3A_363, %xor3A_357 : vector<16xi1>, vector<16xi32>
        %broadcast_in_dim3A_365 = vector.shape_cast %select_n3A_364 : vector<16xi32> to vector<16x1xi32>
        %gather3A_366 = vector.shape_cast %broadcast_in_dim3A_365 : vector<16x1xi32> to vector<16xi32>
        %gather3A_367 = tpu.dynamic_gather %add3A_354[%gather3A_366] in [0] : vector<16xf32>, vector<16xi32> -> vector<16xf32>
        %add3A_368 = arith.addf %add3A_354, %gather3A_367 : vector<16xf32>
        %xor3A_369 = arith.constant 1 : i32
        %xor3A_370 = vector.broadcast %xor3A_369 : i32 to vector<16xi32>
        %xor3A_371 = arith.xori %iota3A, %xor3A_370 : vector<16xi32>
        %lt3A_372 = arith.constant 0 : i32
        %lt3A_373 = vector.broadcast %lt3A_372 : i32 to vector<16xi32>
        %lt3A_374 = arith.cmpi slt, %xor3A_371, %lt3A_373 : vector<16xi32>
        %add3A_375 = arith.constant 16 : i32
        %add3A_376 = vector.broadcast %add3A_375 : i32 to vector<16xi32>
        %add3A_377 = arith.addi %xor3A_371, %add3A_376 : vector<16xi32>
        %select_n3A_378 = arith.select %lt3A_374, %add3A_377, %xor3A_371 : vector<16xi1>, vector<16xi32>
        %broadcast_in_dim3A_379 = vector.shape_cast %select_n3A_378 : vector<16xi32> to vector<16x1xi32>
        %gather3A_380 = vector.shape_cast %broadcast_in_dim3A_379 : vector<16x1xi32> to vector<16xi32>
        %gather3A_381 = tpu.dynamic_gather %add3A_368[%gather3A_380] in [0] : vector<16xf32>, vector<16xi32> -> vector<16xf32>
        %add3A_382 = arith.addf %add3A_368, %gather3A_381 : vector<16xf32>
        %eq3A_383 = vector.broadcast %scan3A_246 : i32 to vector<16xi32>
        %eq3A_384 = arith.cmpi eq, %iota3A, %eq3A_383 : vector<16xi32>
        %select_n3A_385 = arith.select %eq3A_384, %add3A_382, %select_n3A_244 : vector<16xi1>, vector<16xf32>
        %scan3A_386 = arith.constant 2 : i32
        %scan3A_387 = arith.addi %scan3A_110, %scan3A_386 : i32
        %add3A_388 = arith.addi %multiple_of3A, %scan3A_387 : i32
        %get3A_389 = arith.index_cast %add3A_388 : i32 to index
        %get3A_390 = arith.constant 0 : index
        %get3A_391 = tpu.vector_load %arg14[%get3A_389, %get3A_390] {strides = array<i32>} : memref<80x128xf32, #tpu.memory_space<vmem>>, vector<1x16xf32>,
        %get3A_392 = vector.shape_cast %get3A_391 : vector<1x16xf32> to vector<16xf32>
        %get3A_393 = arith.index_cast %add3A_388 : i32 to index
        %get3A_394 = arith.constant 0 : index
        %get3A_395 = tpu.vector_load %arg15[%get3A_393, %get3A_394] {strides = array<i32>} : memref<80x128xf32, #tpu.memory_space<vmem>>, vector<1x16xf32>,
        %get3A_396 = vector.shape_cast %get3A_395 : vector<1x16xf32> to vector<16xf32>
        %mul3A_397 = arith.mulf %get3A_392, %get3A_396 : vector<16xf32>
        %get3A_398 = arith.index_cast %add3A_388 : i32 to index
        %get3A_399 = arith.constant 16 : index
        %get3A_400 = tpu.vector_load %arg14[%get3A_398, %get3A_399] {strides = array<i32>} : memref<80x128xf32, #tpu.memory_space<vmem>>, vector<1x16xf32>,
        %get3A_401 = vector.shape_cast %get3A_400 : vector<1x16xf32> to vector<16xf32>
        %get3A_402 = arith.index_cast %add3A_388 : i32 to index
        %get3A_403 = arith.constant 16 : index
        %get3A_404 = tpu.vector_load %arg15[%get3A_402, %get3A_403] {strides = array<i32>} : memref<80x128xf32, #tpu.memory_space<vmem>>, vector<1x16xf32>,
        %get3A_405 = vector.shape_cast %get3A_404 : vector<1x16xf32> to vector<16xf32>
        %mul3A_406 = arith.mulf %get3A_401, %get3A_405 : vector<16xf32>
        %add3A_407 = arith.addf %mul3A_397, %mul3A_406 : vector<16xf32>
        %get3A_408 = arith.index_cast %add3A_388 : i32 to index
        %get3A_409 = arith.constant 32 : index
        %get3A_410 = tpu.vector_load %arg14[%get3A_408, %get3A_409] {strides = array<i32>} : memref<80x128xf32, #tpu.memory_space<vmem>>, vector<1x16xf32>,
        %get3A_411 = vector.shape_cast %get3A_410 : vector<1x16xf32> to vector<16xf32>
        %get3A_412 = arith.index_cast %add3A_388 : i32 to index
        %get3A_413 = arith.constant 32 : index
        %get3A_414 = tpu.vector_load %arg15[%get3A_412, %get3A_413] {strides = array<i32>} : memref<80x128xf32, #tpu.memory_space<vmem>>, vector<1x16xf32>,
        %get3A_415 = vector.shape_cast %get3A_414 : vector<1x16xf32> to vector<16xf32>
        %mul3A_416 = arith.mulf %get3A_411, %get3A_415 : vector<16xf32>
        %add3A_417 = arith.addf %add3A_407, %mul3A_416 : vector<16xf32>
        %get3A_418 = arith.index_cast %add3A_388 : i32 to index
        %get3A_419 = arith.constant 48 : index
        %get3A_420 = tpu.vector_load %arg14[%get3A_418, %get3A_419] {strides = array<i32>} : memref<80x128xf32, #tpu.memory_space<vmem>>, vector<1x16xf32>,
        %get3A_421 = vector.shape_cast %get3A_420 : vector<1x16xf32> to vector<16xf32>
        %get3A_422 = arith.index_cast %add3A_388 : i32 to index
        %get3A_423 = arith.constant 48 : index
        %get3A_424 = tpu.vector_load %arg15[%get3A_422, %get3A_423] {strides = array<i32>} : memref<80x128xf32, #tpu.memory_space<vmem>>, vector<1x16xf32>,
        %get3A_425 = vector.shape_cast %get3A_424 : vector<1x16xf32> to vector<16xf32>
        %mul3A_426 = arith.mulf %get3A_421, %get3A_425 : vector<16xf32>
        %add3A_427 = arith.addf %add3A_417, %mul3A_426 : vector<16xf32>
        %get3A_428 = arith.index_cast %add3A_388 : i32 to index
        %get3A_429 = arith.constant 64 : index
        %get3A_430 = tpu.vector_load %arg14[%get3A_428, %get3A_429] {strides = array<i32>} : memref<80x128xf32, #tpu.memory_space<vmem>>, vector<1x16xf32>,
        %get3A_431 = vector.shape_cast %get3A_430 : vector<1x16xf32> to vector<16xf32>
        %get3A_432 = arith.index_cast %add3A_388 : i32 to index
        %get3A_433 = arith.constant 64 : index
        %get3A_434 = tpu.vector_load %arg15[%get3A_432, %get3A_433] {strides = array<i32>} : memref<80x128xf32, #tpu.memory_space<vmem>>, vector<1x16xf32>,
        %get3A_435 = vector.shape_cast %get3A_434 : vector<1x16xf32> to vector<16xf32>
        %mul3A_436 = arith.mulf %get3A_431, %get3A_435 : vector<16xf32>
        %add3A_437 = arith.addf %add3A_427, %mul3A_436 : vector<16xf32>
        %get3A_438 = arith.index_cast %add3A_388 : i32 to index
        %get3A_439 = arith.constant 80 : index
        %get3A_440 = tpu.vector_load %arg14[%get3A_438, %get3A_439] {strides = array<i32>} : memref<80x128xf32, #tpu.memory_space<vmem>>, vector<1x16xf32>,
        %get3A_441 = vector.shape_cast %get3A_440 : vector<1x16xf32> to vector<16xf32>
        %get3A_442 = arith.index_cast %add3A_388 : i32 to index
        %get3A_443 = arith.constant 80 : index
        %get3A_444 = tpu.vector_load %arg15[%get3A_442, %get3A_443] {strides = array<i32>} : memref<80x128xf32, #tpu.memory_space<vmem>>, vector<1x16xf32>,
        %get3A_445 = vector.shape_cast %get3A_444 : vector<1x16xf32> to vector<16xf32>
        %mul3A_446 = arith.mulf %get3A_441, %get3A_445 : vector<16xf32>
        %add3A_447 = arith.addf %add3A_437, %mul3A_446 : vector<16xf32>
        %get3A_448 = arith.index_cast %add3A_388 : i32 to index
        %get3A_449 = arith.constant 96 : index
        %get3A_450 = tpu.vector_load %arg14[%get3A_448, %get3A_449] {strides = array<i32>} : memref<80x128xf32, #tpu.memory_space<vmem>>, vector<1x16xf32>,
        %get3A_451 = vector.shape_cast %get3A_450 : vector<1x16xf32> to vector<16xf32>
        %get3A_452 = arith.index_cast %add3A_388 : i32 to index
        %get3A_453 = arith.constant 96 : index
        %get3A_454 = tpu.vector_load %arg15[%get3A_452, %get3A_453] {strides = array<i32>} : memref<80x128xf32, #tpu.memory_space<vmem>>, vector<1x16xf32>,
        %get3A_455 = vector.shape_cast %get3A_454 : vector<1x16xf32> to vector<16xf32>
        %mul3A_456 = arith.mulf %get3A_451, %get3A_455 : vector<16xf32>
        %add3A_457 = arith.addf %add3A_447, %mul3A_456 : vector<16xf32>
        %get3A_458 = arith.index_cast %add3A_388 : i32 to index
        %get3A_459 = arith.constant 112 : index
        %get3A_460 = tpu.vector_load %arg14[%get3A_458, %get3A_459] {strides = array<i32>} : memref<80x128xf32, #tpu.memory_space<vmem>>, vector<1x16xf32>,
        %get3A_461 = vector.shape_cast %get3A_460 : vector<1x16xf32> to vector<16xf32>
        %get3A_462 = arith.index_cast %add3A_388 : i32 to index
        %get3A_463 = arith.constant 112 : index
        %get3A_464 = tpu.vector_load %arg15[%get3A_462, %get3A_463] {strides = array<i32>} : memref<80x128xf32, #tpu.memory_space<vmem>>, vector<1x16xf32>,
        %get3A_465 = vector.shape_cast %get3A_464 : vector<1x16xf32> to vector<16xf32>
        %mul3A_466 = arith.mulf %get3A_461, %get3A_465 : vector<16xf32>
        %add3A_467 = arith.addf %add3A_457, %mul3A_466 : vector<16xf32>
        %xor3A_468 = arith.constant 8 : i32
        %xor3A_469 = vector.broadcast %xor3A_468 : i32 to vector<16xi32>
        %xor3A_470 = arith.xori %iota3A, %xor3A_469 : vector<16xi32>
        %lt3A_471 = arith.constant 0 : i32
        %lt3A_472 = vector.broadcast %lt3A_471 : i32 to vector<16xi32>
        %lt3A_473 = arith.cmpi slt, %xor3A_470, %lt3A_472 : vector<16xi32>
        %add3A_474 = arith.constant 16 : i32
        %add3A_475 = vector.broadcast %add3A_474 : i32 to vector<16xi32>
        %add3A_476 = arith.addi %xor3A_470, %add3A_475 : vector<16xi32>
        %select_n3A_477 = arith.select %lt3A_473, %add3A_476, %xor3A_470 : vector<16xi1>, vector<16xi32>
        %broadcast_in_dim3A_478 = vector.shape_cast %select_n3A_477 : vector<16xi32> to vector<16x1xi32>
        %gather3A_479 = vector.shape_cast %broadcast_in_dim3A_478 : vector<16x1xi32> to vector<16xi32>
        %gather3A_480 = tpu.dynamic_gather %add3A_467[%gather3A_479] in [0] : vector<16xf32>, vector<16xi32> -> vector<16xf32>
        %add3A_481 = arith.addf %add3A_467, %gather3A_480 : vector<16xf32>
        %xor3A_482 = arith.constant 4 : i32
        %xor3A_483 = vector.broadcast %xor3A_482 : i32 to vector<16xi32>
        %xor3A_484 = arith.xori %iota3A, %xor3A_483 : vector<16xi32>
        %lt3A_485 = arith.constant 0 : i32
        %lt3A_486 = vector.broadcast %lt3A_485 : i32 to vector<16xi32>
        %lt3A_487 = arith.cmpi slt, %xor3A_484, %lt3A_486 : vector<16xi32>
        %add3A_488 = arith.constant 16 : i32
        %add3A_489 = vector.broadcast %add3A_488 : i32 to vector<16xi32>
        %add3A_490 = arith.addi %xor3A_484, %add3A_489 : vector<16xi32>
        %select_n3A_491 = arith.select %lt3A_487, %add3A_490, %xor3A_484 : vector<16xi1>, vector<16xi32>
        %broadcast_in_dim3A_492 = vector.shape_cast %select_n3A_491 : vector<16xi32> to vector<16x1xi32>
        %gather3A_493 = vector.shape_cast %broadcast_in_dim3A_492 : vector<16x1xi32> to vector<16xi32>
        %gather3A_494 = tpu.dynamic_gather %add3A_481[%gather3A_493] in [0] : vector<16xf32>, vector<16xi32> -> vector<16xf32>
        %add3A_495 = arith.addf %add3A_481, %gather3A_494 : vector<16xf32>
        %xor3A_496 = arith.constant 2 : i32
        %xor3A_497 = vector.broadcast %xor3A_496 : i32 to vector<16xi32>
        %xor3A_498 = arith.xori %iota3A, %xor3A_497 : vector<16xi32>
        %lt3A_499 = arith.constant 0 : i32
        %lt3A_500 = vector.broadcast %lt3A_499 : i32 to vector<16xi32>
        %lt3A_501 = arith.cmpi slt, %xor3A_498, %lt3A_500 : vector<16xi32>
        %add3A_502 = arith.constant 16 : i32
        %add3A_503 = vector.broadcast %add3A_502 : i32 to vector<16xi32>
        %add3A_504 = arith.addi %xor3A_498, %add3A_503 : vector<16xi32>
        %select_n3A_505 = arith.select %lt3A_501, %add3A_504, %xor3A_498 : vector<16xi1>, vector<16xi32>
        %broadcast_in_dim3A_506 = vector.shape_cast %select_n3A_505 : vector<16xi32> to vector<16x1xi32>
        %gather3A_507 = vector.shape_cast %broadcast_in_dim3A_506 : vector<16x1xi32> to vector<16xi32>
        %gather3A_508 = tpu.dynamic_gather %add3A_495[%gather3A_507] in [0] : vector<16xf32>, vector<16xi32> -> vector<16xf32>
        %add3A_509 = arith.addf %add3A_495, %gather3A_508 : vector<16xf32>
        %xor3A_510 = arith.constant 1 : i32
        %xor3A_511 = vector.broadcast %xor3A_510 : i32 to vector<16xi32>
        %xor3A_512 = arith.xori %iota3A, %xor3A_511 : vector<16xi32>
        %lt3A_513 = arith.constant 0 : i32
        %lt3A_514 = vector.broadcast %lt3A_513 : i32 to vector<16xi32>
        %lt3A_515 = arith.cmpi slt, %xor3A_512, %lt3A_514 : vector<16xi32>
        %add3A_516 = arith.constant 16 : i32
        %add3A_517 = vector.broadcast %add3A_516 : i32 to vector<16xi32>
        %add3A_518 = arith.addi %xor3A_512, %add3A_517 : vector<16xi32>
        %select_n3A_519 = arith.select %lt3A_515, %add3A_518, %xor3A_512 : vector<16xi1>, vector<16xi32>
        %broadcast_in_dim3A_520 = vector.shape_cast %select_n3A_519 : vector<16xi32> to vector<16x1xi32>
        %gather3A_521 = vector.shape_cast %broadcast_in_dim3A_520 : vector<16x1xi32> to vector<16xi32>
        %gather3A_522 = tpu.dynamic_gather %add3A_509[%gather3A_521] in [0] : vector<16xf32>, vector<16xi32> -> vector<16xf32>
        %add3A_523 = arith.addf %add3A_509, %gather3A_522 : vector<16xf32>
        %eq3A_524 = vector.broadcast %scan3A_387 : i32 to vector<16xi32>
        %eq3A_525 = arith.cmpi eq, %iota3A, %eq3A_524 : vector<16xi32>
        %select_n3A_526 = arith.select %eq3A_525, %add3A_523, %select_n3A_385 : vector<16xi1>, vector<16xf32>
        %scan3A_527 = arith.constant 3 : i32
        %scan3A_528 = arith.addi %scan3A_110, %scan3A_527 : i32
        %add3A_529 = arith.addi %multiple_of3A, %scan3A_528 : i32
        %get3A_530 = arith.index_cast %add3A_529 : i32 to index
        %get3A_531 = arith.constant 0 : index
        %get3A_532 = tpu.vector_load %arg14[%get3A_530, %get3A_531] {strides = array<i32>} : memref<80x128xf32, #tpu.memory_space<vmem>>, vector<1x16xf32>,
        %get3A_533 = vector.shape_cast %get3A_532 : vector<1x16xf32> to vector<16xf32>
        %get3A_534 = arith.index_cast %add3A_529 : i32 to index
        %get3A_535 = arith.constant 0 : index
        %get3A_536 = tpu.vector_load %arg15[%get3A_534, %get3A_535] {strides = array<i32>} : memref<80x128xf32, #tpu.memory_space<vmem>>, vector<1x16xf32>,
        %get3A_537 = vector.shape_cast %get3A_536 : vector<1x16xf32> to vector<16xf32>
        %mul3A_538 = arith.mulf %get3A_533, %get3A_537 : vector<16xf32>
        %get3A_539 = arith.index_cast %add3A_529 : i32 to index
        %get3A_540 = arith.constant 16 : index
        %get3A_541 = tpu.vector_load %arg14[%get3A_539, %get3A_540] {strides = array<i32>} : memref<80x128xf32, #tpu.memory_space<vmem>>, vector<1x16xf32>,
        %get3A_542 = vector.shape_cast %get3A_541 : vector<1x16xf32> to vector<16xf32>
        %get3A_543 = arith.index_cast %add3A_529 : i32 to index
        %get3A_544 = arith.constant 16 : index
        %get3A_545 = tpu.vector_load %arg15[%get3A_543, %get3A_544] {strides = array<i32>} : memref<80x128xf32, #tpu.memory_space<vmem>>, vector<1x16xf32>,
        %get3A_546 = vector.shape_cast %get3A_545 : vector<1x16xf32> to vector<16xf32>
        %mul3A_547 = arith.mulf %get3A_542, %get3A_546 : vector<16xf32>
        %add3A_548 = arith.addf %mul3A_538, %mul3A_547 : vector<16xf32>
        %get3A_549 = arith.index_cast %add3A_529 : i32 to index
        %get3A_550 = arith.constant 32 : index
        %get3A_551 = tpu.vector_load %arg14[%get3A_549, %get3A_550] {strides = array<i32>} : memref<80x128xf32, #tpu.memory_space<vmem>>, vector<1x16xf32>,
        %get3A_552 = vector.shape_cast %get3A_551 : vector<1x16xf32> to vector<16xf32>
        %get3A_553 = arith.index_cast %add3A_529 : i32 to index
        %get3A_554 = arith.constant 32 : index
        %get3A_555 = tpu.vector_load %arg15[%get3A_553, %get3A_554] {strides = array<i32>} : memref<80x128xf32, #tpu.memory_space<vmem>>, vector<1x16xf32>,
        %get3A_556 = vector.shape_cast %get3A_555 : vector<1x16xf32> to vector<16xf32>
        %mul3A_557 = arith.mulf %get3A_552, %get3A_556 : vector<16xf32>
        %add3A_558 = arith.addf %add3A_548, %mul3A_557 : vector<16xf32>
        %get3A_559 = arith.index_cast %add3A_529 : i32 to index
        %get3A_560 = arith.constant 48 : index
        %get3A_561 = tpu.vector_load %arg14[%get3A_559, %get3A_560] {strides = array<i32>} : memref<80x128xf32, #tpu.memory_space<vmem>>, vector<1x16xf32>,
        %get3A_562 = vector.shape_cast %get3A_561 : vector<1x16xf32> to vector<16xf32>
        %get3A_563 = arith.index_cast %add3A_529 : i32 to index
        %get3A_564 = arith.constant 48 : index
        %get3A_565 = tpu.vector_load %arg15[%get3A_563, %get3A_564] {strides = array<i32>} : memref<80x128xf32, #tpu.memory_space<vmem>>, vector<1x16xf32>,
        %get3A_566 = vector.shape_cast %get3A_565 : vector<1x16xf32> to vector<16xf32>
        %mul3A_567 = arith.mulf %get3A_562, %get3A_566 : vector<16xf32>
        %add3A_568 = arith.addf %add3A_558, %mul3A_567 : vector<16xf32>
        %get3A_569 = arith.index_cast %add3A_529 : i32 to index
        %get3A_570 = arith.constant 64 : index
        %get3A_571 = tpu.vector_load %arg14[%get3A_569, %get3A_570] {strides = array<i32>} : memref<80x128xf32, #tpu.memory_space<vmem>>, vector<1x16xf32>,
        %get3A_572 = vector.shape_cast %get3A_571 : vector<1x16xf32> to vector<16xf32>
        %get3A_573 = arith.index_cast %add3A_529 : i32 to index
        %get3A_574 = arith.constant 64 : index
        %get3A_575 = tpu.vector_load %arg15[%get3A_573, %get3A_574] {strides = array<i32>} : memref<80x128xf32, #tpu.memory_space<vmem>>, vector<1x16xf32>,
        %get3A_576 = vector.shape_cast %get3A_575 : vector<1x16xf32> to vector<16xf32>
        %mul3A_577 = arith.mulf %get3A_572, %get3A_576 : vector<16xf32>
        %add3A_578 = arith.addf %add3A_568, %mul3A_577 : vector<16xf32>
        %get3A_579 = arith.index_cast %add3A_529 : i32 to index
        %get3A_580 = arith.constant 80 : index
        %get3A_581 = tpu.vector_load %arg14[%get3A_579, %get3A_580] {strides = array<i32>} : memref<80x128xf32, #tpu.memory_space<vmem>>, vector<1x16xf32>,
        %get3A_582 = vector.shape_cast %get3A_581 : vector<1x16xf32> to vector<16xf32>
        %get3A_583 = arith.index_cast %add3A_529 : i32 to index
        %get3A_584 = arith.constant 80 : index
        %get3A_585 = tpu.vector_load %arg15[%get3A_583, %get3A_584] {strides = array<i32>} : memref<80x128xf32, #tpu.memory_space<vmem>>, vector<1x16xf32>,
        %get3A_586 = vector.shape_cast %get3A_585 : vector<1x16xf32> to vector<16xf32>
        %mul3A_587 = arith.mulf %get3A_582, %get3A_586 : vector<16xf32>
        %add3A_588 = arith.addf %add3A_578, %mul3A_587 : vector<16xf32>
        %get3A_589 = arith.index_cast %add3A_529 : i32 to index
        %get3A_590 = arith.constant 96 : index
        %get3A_591 = tpu.vector_load %arg14[%get3A_589, %get3A_590] {strides = array<i32>} : memref<80x128xf32, #tpu.memory_space<vmem>>, vector<1x16xf32>,
        %get3A_592 = vector.shape_cast %get3A_591 : vector<1x16xf32> to vector<16xf32>
        %get3A_593 = arith.index_cast %add3A_529 : i32 to index
        %get3A_594 = arith.constant 96 : index
        %get3A_595 = tpu.vector_load %arg15[%get3A_593, %get3A_594] {strides = array<i32>} : memref<80x128xf32, #tpu.memory_space<vmem>>, vector<1x16xf32>,
        %get3A_596 = vector.shape_cast %get3A_595 : vector<1x16xf32> to vector<16xf32>
        %mul3A_597 = arith.mulf %get3A_592, %get3A_596 : vector<16xf32>
        %add3A_598 = arith.addf %add3A_588, %mul3A_597 : vector<16xf32>
        %get3A_599 = arith.index_cast %add3A_529 : i32 to index
        %get3A_600 = arith.constant 112 : index
        %get3A_601 = tpu.vector_load %arg14[%get3A_599, %get3A_600] {strides = array<i32>} : memref<80x128xf32, #tpu.memory_space<vmem>>, vector<1x16xf32>,
        %get3A_602 = vector.shape_cast %get3A_601 : vector<1x16xf32> to vector<16xf32>
        %get3A_603 = arith.index_cast %add3A_529 : i32 to index
        %get3A_604 = arith.constant 112 : index
        %get3A_605 = tpu.vector_load %arg15[%get3A_603, %get3A_604] {strides = array<i32>} : memref<80x128xf32, #tpu.memory_space<vmem>>, vector<1x16xf32>,
        %get3A_606 = vector.shape_cast %get3A_605 : vector<1x16xf32> to vector<16xf32>
        %mul3A_607 = arith.mulf %get3A_602, %get3A_606 : vector<16xf32>
        %add3A_608 = arith.addf %add3A_598, %mul3A_607 : vector<16xf32>
        %xor3A_609 = arith.constant 8 : i32
        %xor3A_610 = vector.broadcast %xor3A_609 : i32 to vector<16xi32>
        %xor3A_611 = arith.xori %iota3A, %xor3A_610 : vector<16xi32>
        %lt3A_612 = arith.constant 0 : i32
        %lt3A_613 = vector.broadcast %lt3A_612 : i32 to vector<16xi32>
        %lt3A_614 = arith.cmpi slt, %xor3A_611, %lt3A_613 : vector<16xi32>
        %add3A_615 = arith.constant 16 : i32
        %add3A_616 = vector.broadcast %add3A_615 : i32 to vector<16xi32>
        %add3A_617 = arith.addi %xor3A_611, %add3A_616 : vector<16xi32>
        %select_n3A_618 = arith.select %lt3A_614, %add3A_617, %xor3A_611 : vector<16xi1>, vector<16xi32>
        %broadcast_in_dim3A_619 = vector.shape_cast %select_n3A_618 : vector<16xi32> to vector<16x1xi32>
        %gather3A_620 = vector.shape_cast %broadcast_in_dim3A_619 : vector<16x1xi32> to vector<16xi32>
        %gather3A_621 = tpu.dynamic_gather %add3A_608[%gather3A_620] in [0] : vector<16xf32>, vector<16xi32> -> vector<16xf32>
        %add3A_622 = arith.addf %add3A_608, %gather3A_621 : vector<16xf32>
        %xor3A_623 = arith.constant 4 : i32
        %xor3A_624 = vector.broadcast %xor3A_623 : i32 to vector<16xi32>
        %xor3A_625 = arith.xori %iota3A, %xor3A_624 : vector<16xi32>
        %lt3A_626 = arith.constant 0 : i32
        %lt3A_627 = vector.broadcast %lt3A_626 : i32 to vector<16xi32>
        %lt3A_628 = arith.cmpi slt, %xor3A_625, %lt3A_627 : vector<16xi32>
        %add3A_629 = arith.constant 16 : i32
        %add3A_630 = vector.broadcast %add3A_629 : i32 to vector<16xi32>
        %add3A_631 = arith.addi %xor3A_625, %add3A_630 : vector<16xi32>
        %select_n3A_632 = arith.select %lt3A_628, %add3A_631, %xor3A_625 : vector<16xi1>, vector<16xi32>
        %broadcast_in_dim3A_633 = vector.shape_cast %select_n3A_632 : vector<16xi32> to vector<16x1xi32>
        %gather3A_634 = vector.shape_cast %broadcast_in_dim3A_633 : vector<16x1xi32> to vector<16xi32>
        %gather3A_635 = tpu.dynamic_gather %add3A_622[%gather3A_634] in [0] : vector<16xf32>, vector<16xi32> -> vector<16xf32>
        %add3A_636 = arith.addf %add3A_622, %gather3A_635 : vector<16xf32>
        %xor3A_637 = arith.constant 2 : i32
        %xor3A_638 = vector.broadcast %xor3A_637 : i32 to vector<16xi32>
        %xor3A_639 = arith.xori %iota3A, %xor3A_638 : vector<16xi32>
        %lt3A_640 = arith.constant 0 : i32
        %lt3A_641 = vector.broadcast %lt3A_640 : i32 to vector<16xi32>
        %lt3A_642 = arith.cmpi slt, %xor3A_639, %lt3A_641 : vector<16xi32>
        %add3A_643 = arith.constant 16 : i32
        %add3A_644 = vector.broadcast %add3A_643 : i32 to vector<16xi32>
        %add3A_645 = arith.addi %xor3A_639, %add3A_644 : vector<16xi32>
        %select_n3A_646 = arith.select %lt3A_642, %add3A_645, %xor3A_639 : vector<16xi1>, vector<16xi32>
        %broadcast_in_dim3A_647 = vector.shape_cast %select_n3A_646 : vector<16xi32> to vector<16x1xi32>
        %gather3A_648 = vector.shape_cast %broadcast_in_dim3A_647 : vector<16x1xi32> to vector<16xi32>
        %gather3A_649 = tpu.dynamic_gather %add3A_636[%gather3A_648] in [0] : vector<16xf32>, vector<16xi32> -> vector<16xf32>
        %add3A_650 = arith.addf %add3A_636, %gather3A_649 : vector<16xf32>
        %xor3A_651 = arith.constant 1 : i32
        %xor3A_652 = vector.broadcast %xor3A_651 : i32 to vector<16xi32>
        %xor3A_653 = arith.xori %iota3A, %xor3A_652 : vector<16xi32>
        %lt3A_654 = arith.constant 0 : i32
        %lt3A_655 = vector.broadcast %lt3A_654 : i32 to vector<16xi32>
        %lt3A_656 = arith.cmpi slt, %xor3A_653, %lt3A_655 : vector<16xi32>
        %add3A_657 = arith.constant 16 : i32
        %add3A_658 = vector.broadcast %add3A_657 : i32 to vector<16xi32>
        %add3A_659 = arith.addi %xor3A_653, %add3A_658 : vector<16xi32>
        %select_n3A_660 = arith.select %lt3A_656, %add3A_659, %xor3A_653 : vector<16xi1>, vector<16xi32>
        %broadcast_in_dim3A_661 = vector.shape_cast %select_n3A_660 : vector<16xi32> to vector<16x1xi32>
        %gather3A_662 = vector.shape_cast %broadcast_in_dim3A_661 : vector<16x1xi32> to vector<16xi32>
        %gather3A_663 = tpu.dynamic_gather %add3A_650[%gather3A_662] in [0] : vector<16xf32>, vector<16xi32> -> vector<16xf32>
        %add3A_664 = arith.addf %add3A_650, %gather3A_663 : vector<16xf32>
        %eq3A_665 = vector.broadcast %scan3A_528 : i32 to vector<16xi32>
        %eq3A_666 = arith.cmpi eq, %iota3A, %eq3A_665 : vector<16xi32>
        %select_n3A_667 = arith.select %eq3A_666, %add3A_664, %select_n3A_526 : vector<16xi1>, vector<16xf32>
        scf.yield %select_n3A_667 : vector<16xf32>
      }
      %scan3A_102 = arith.constant 16 : i32
      %mul3A_103 = arith.constant 0.0883883461 : f32
      %mul3A_104 = vector.broadcast %mul3A_103 : f32 to vector<16xf32>
      %mul3A_105 = arith.mulf %scan3A_101, %mul3A_104 : vector<16xf32>
      %exp3A = math.exp %mul3A_105 : vector<16xf32>
      %swap3A = arith.index_cast %multiple_of3A : i32 to index
      %swap3A_106 = tpu.vector_load %arg18[%swap3A] {strides = array<i32>} : memref<80xf32, #tpu.memory_space<vmem>>, vector<16xf32>,
      %swap3A_107 = vector.shape_cast %swap3A_106 : vector<16xf32> to vector<16xf32>
      %swap3A_108 = vector.shape_cast %exp3A : vector<16xf32> to vector<16xf32>
      tpu.vector_store %arg18[%swap3A], %swap3A_108 {strides = array<i32>} : memref<80xf32, #tpu.memory_space<vmem>>, vector<16xf32>,
      %scan3A_109 = arith.constant 0 : i32
      scf.yield %scan3A_109 : i32
    }
    %scan3A_63 = arith.constant 5 : i32
    %dma_wait3A_64 = arith.constant 0 : i32
    %dma_wait3A_65 = arith.constant 0 : i32
    %dma_wait3A_66 = tpu.memref_slice %arg4[%dma_wait3A_64, %dma_wait3A_65] : memref<10000x128xf32, #tpu.memory_space<hbm>> -> memref<10000x128xf32, #tpu.memory_space<hbm>>
    tpu.wait_indirect_dma semaphore(%arg24 : memref<!tpu.dma_semaphore, #tpu.memory_space<semaphore_mem>>) src(%dma_wait3A_66 : memref<10000x128xf32, #tpu.memory_space<hbm>>) dst(%arg16 : memref<80x128xf32, #tpu.memory_space<vmem>>)
    %scan3A_67 = arith.constant 0 : i32
    %scan3A_68 = arith.constant 0 : i32
    %scan3A_69 = arith.constant 5 : i32
    %scan3A_70 = arith.addi %scan3A_68, %scan3A_69 : i32
    %scan3A_71 = arith.constant 1 : i32
    %scan3A_72 = scf.for %scan3A_93 = %scan3A_68 to %scan3A_70 step %scan3A_71 iter_args(%scan3A_94 = %scan3A_67) -> (i32)  : i32 {
      %mul3A_95 = arith.constant 16 : i32
      %mul3A_96 = arith.muli %scan3A_93, %mul3A_95 : i32
      %multiple_of3A = tpu.assume_multiple %mul3A_96, 16 : i32
      %get3A = arith.index_cast %multiple_of3A : i32 to index
      %get3A_97 = tpu.vector_load %arg18[%get3A] {strides = array<i32>} : memref<80xf32, #tpu.memory_space<vmem>>, vector<16xf32>,
      %get3A_98 = vector.shape_cast %get3A_97 : vector<16xf32> to vector<16xf32>
      %scan3A_99 = arith.constant 0 : i32
      %scan3A_100 = arith.constant 0 : i32
      %scan3A_101 = arith.constant 16 : i32
      %scan3A_102 = arith.addi %scan3A_100, %scan3A_101 : i32
      %scan3A_103 = arith.constant 4 : i32
      %scan3A_104 = scf.for %scan3A_107 = %scan3A_100 to %scan3A_102 step %scan3A_103 iter_args(%scan3A_108 = %scan3A_99) -> (i32)  : i32 {
        %add3A_109 = arith.addi %multiple_of3A, %scan3A_107 : i32
        %broadcast_in_dim3A_110 = vector.broadcast %scan3A_107 : i32 to vector<16xi32>
        %lt3A = arith.constant 0 : i32
        %lt3A_111 = vector.broadcast %lt3A : i32 to vector<16xi32>
        %lt3A_112 = arith.cmpi slt, %broadcast_in_dim3A_110, %lt3A_111 : vector<16xi32>
        %add3A_113 = arith.constant 16 : i32
        %add3A_114 = vector.broadcast %add3A_113 : i32 to vector<16xi32>
        %add3A_115 = arith.addi %broadcast_in_dim3A_110, %add3A_114 : vector<16xi32>
        %select_n3A = arith.select %lt3A_112, %add3A_115, %broadcast_in_dim3A_110 : vector<16xi1>, vector<16xi32>
        %broadcast_in_dim3A_116 = vector.shape_cast %select_n3A : vector<16xi32> to vector<16x1xi32>
        %gather3A = vector.shape_cast %broadcast_in_dim3A_116 : vector<16x1xi32> to vector<16xi32>
        %gather3A_117 = tpu.dynamic_gather %get3A_98[%gather3A] in [0] : vector<16xf32>, vector<16xi32> -> vector<16xf32>
        %get3A_118 = arith.index_cast %add3A_109 : i32 to index
        %get3A_119 = arith.constant 0 : index
        %get3A_120 = tpu.vector_load %arg16[%get3A_118, %get3A_119] {strides = array<i32>} : memref<80x128xf32, #tpu.memory_space<vmem>>, vector<1x16xf32>,
        %get3A_121 = vector.shape_cast %get3A_120 : vector<1x16xf32> to vector<16xf32>
        %mul3A_122 = arith.mulf %gather3A_117, %get3A_121 : vector<16xf32>
        %swap3A = arith.index_cast %add3A_109 : i32 to index
        %swap3A_123 = arith.constant 0 : index
        %swap3A_124 = tpu.vector_load %arg16[%swap3A, %swap3A_123] {strides = array<i32>} : memref<80x128xf32, #tpu.memory_space<vmem>>, vector<1x16xf32>,
        %swap3A_125 = vector.shape_cast %swap3A_124 : vector<1x16xf32> to vector<16xf32>
        %swap3A_126 = vector.shape_cast %mul3A_122 : vector<16xf32> to vector<1x16xf32>
        tpu.vector_store %arg16[%swap3A, %swap3A_123], %swap3A_126 {strides = array<i32>} : memref<80x128xf32, #tpu.memory_space<vmem>>, vector<1x16xf32>,
        %get3A_127 = arith.index_cast %add3A_109 : i32 to index
        %get3A_128 = arith.constant 16 : index
        %get3A_129 = tpu.vector_load %arg16[%get3A_127, %get3A_128] {strides = array<i32>} : memref<80x128xf32, #tpu.memory_space<vmem>>, vector<1x16xf32>,
        %get3A_130 = vector.shape_cast %get3A_129 : vector<1x16xf32> to vector<16xf32>
        %mul3A_131 = arith.mulf %gather3A_117, %get3A_130 : vector<16xf32>
        %swap3A_132 = arith.index_cast %add3A_109 : i32 to index
        %swap3A_133 = arith.constant 16 : index
        %swap3A_134 = tpu.vector_load %arg16[%swap3A_132, %swap3A_133] {strides = array<i32>} : memref<80x128xf32, #tpu.memory_space<vmem>>, vector<1x16xf32>,
        %swap3A_135 = vector.shape_cast %swap3A_134 : vector<1x16xf32> to vector<16xf32>
        %swap3A_136 = vector.shape_cast %mul3A_131 : vector<16xf32> to vector<1x16xf32>
        tpu.vector_store %arg16[%swap3A_132, %swap3A_133], %swap3A_136 {strides = array<i32>} : memref<80x128xf32, #tpu.memory_space<vmem>>, vector<1x16xf32>,
        %get3A_137 = arith.index_cast %add3A_109 : i32 to index
        %get3A_138 = arith.constant 32 : index
        %get3A_139 = tpu.vector_load %arg16[%get3A_137, %get3A_138] {strides = array<i32>} : memref<80x128xf32, #tpu.memory_space<vmem>>, vector<1x16xf32>,
        %get3A_140 = vector.shape_cast %get3A_139 : vector<1x16xf32> to vector<16xf32>
        %mul3A_141 = arith.mulf %gather3A_117, %get3A_140 : vector<16xf32>
        %swap3A_142 = arith.index_cast %add3A_109 : i32 to index
        %swap3A_143 = arith.constant 32 : index
        %swap3A_144 = tpu.vector_load %arg16[%swap3A_142, %swap3A_143] {strides = array<i32>} : memref<80x128xf32, #tpu.memory_space<vmem>>, vector<1x16xf32>,
        %swap3A_145 = vector.shape_cast %swap3A_144 : vector<1x16xf32> to vector<16xf32>
        %swap3A_146 = vector.shape_cast %mul3A_141 : vector<16xf32> to vector<1x16xf32>
        tpu.vector_store %arg16[%swap3A_142, %swap3A_143], %swap3A_146 {strides = array<i32>} : memref<80x128xf32, #tpu.memory_space<vmem>>, vector<1x16xf32>,
        %get3A_147 = arith.index_cast %add3A_109 : i32 to index
        %get3A_148 = arith.constant 48 : index
        %get3A_149 = tpu.vector_load %arg16[%get3A_147, %get3A_148] {strides = array<i32>} : memref<80x128xf32, #tpu.memory_space<vmem>>, vector<1x16xf32>,
        %get3A_150 = vector.shape_cast %get3A_149 : vector<1x16xf32> to vector<16xf32>
        %mul3A_151 = arith.mulf %gather3A_117, %get3A_150 : vector<16xf32>
        %swap3A_152 = arith.index_cast %add3A_109 : i32 to index
        %swap3A_153 = arith.constant 48 : index
        %swap3A_154 = tpu.vector_load %arg16[%swap3A_152, %swap3A_153] {strides = array<i32>} : memref<80x128xf32, #tpu.memory_space<vmem>>, vector<1x16xf32>,
        %swap3A_155 = vector.shape_cast %swap3A_154 : vector<1x16xf32> to vector<16xf32>
        %swap3A_156 = vector.shape_cast %mul3A_151 : vector<16xf32> to vector<1x16xf32>
        tpu.vector_store %arg16[%swap3A_152, %swap3A_153], %swap3A_156 {strides = array<i32>} : memref<80x128xf32, #tpu.memory_space<vmem>>, vector<1x16xf32>,
        %get3A_157 = arith.index_cast %add3A_109 : i32 to index
        %get3A_158 = arith.constant 64 : index
        %get3A_159 = tpu.vector_load %arg16[%get3A_157, %get3A_158] {strides = array<i32>} : memref<80x128xf32, #tpu.memory_space<vmem>>, vector<1x16xf32>,
        %get3A_160 = vector.shape_cast %get3A_159 : vector<1x16xf32> to vector<16xf32>
        %mul3A_161 = arith.mulf %gather3A_117, %get3A_160 : vector<16xf32>
        %swap3A_162 = arith.index_cast %add3A_109 : i32 to index
        %swap3A_163 = arith.constant 64 : index
        %swap3A_164 = tpu.vector_load %arg16[%swap3A_162, %swap3A_163] {strides = array<i32>} : memref<80x128xf32, #tpu.memory_space<vmem>>, vector<1x16xf32>,
        %swap3A_165 = vector.shape_cast %swap3A_164 : vector<1x16xf32> to vector<16xf32>
        %swap3A_166 = vector.shape_cast %mul3A_161 : vector<16xf32> to vector<1x16xf32>
        tpu.vector_store %arg16[%swap3A_162, %swap3A_163], %swap3A_166 {strides = array<i32>} : memref<80x128xf32, #tpu.memory_space<vmem>>, vector<1x16xf32>,
        %get3A_167 = arith.index_cast %add3A_109 : i32 to index
        %get3A_168 = arith.constant 80 : index
        %get3A_169 = tpu.vector_load %arg16[%get3A_167, %get3A_168] {strides = array<i32>} : memref<80x128xf32, #tpu.memory_space<vmem>>, vector<1x16xf32>,
        %get3A_170 = vector.shape_cast %get3A_169 : vector<1x16xf32> to vector<16xf32>
        %mul3A_171 = arith.mulf %gather3A_117, %get3A_170 : vector<16xf32>
        %swap3A_172 = arith.index_cast %add3A_109 : i32 to index
        %swap3A_173 = arith.constant 80 : index
        %swap3A_174 = tpu.vector_load %arg16[%swap3A_172, %swap3A_173] {strides = array<i32>} : memref<80x128xf32, #tpu.memory_space<vmem>>, vector<1x16xf32>,
        %swap3A_175 = vector.shape_cast %swap3A_174 : vector<1x16xf32> to vector<16xf32>
        %swap3A_176 = vector.shape_cast %mul3A_171 : vector<16xf32> to vector<1x16xf32>
        tpu.vector_store %arg16[%swap3A_172, %swap3A_173], %swap3A_176 {strides = array<i32>} : memref<80x128xf32, #tpu.memory_space<vmem>>, vector<1x16xf32>,
        %get3A_177 = arith.index_cast %add3A_109 : i32 to index
        %get3A_178 = arith.constant 96 : index
        %get3A_179 = tpu.vector_load %arg16[%get3A_177, %get3A_178] {strides = array<i32>} : memref<80x128xf32, #tpu.memory_space<vmem>>, vector<1x16xf32>,
        %get3A_180 = vector.shape_cast %get3A_179 : vector<1x16xf32> to vector<16xf32>
        %mul3A_181 = arith.mulf %gather3A_117, %get3A_180 : vector<16xf32>
        %swap3A_182 = arith.index_cast %add3A_109 : i32 to index
        %swap3A_183 = arith.constant 96 : index
        %swap3A_184 = tpu.vector_load %arg16[%swap3A_182, %swap3A_183] {strides = array<i32>} : memref<80x128xf32, #tpu.memory_space<vmem>>, vector<1x16xf32>,
        %swap3A_185 = vector.shape_cast %swap3A_184 : vector<1x16xf32> to vector<16xf32>
        %swap3A_186 = vector.shape_cast %mul3A_181 : vector<16xf32> to vector<1x16xf32>
        tpu.vector_store %arg16[%swap3A_182, %swap3A_183], %swap3A_186 {strides = array<i32>} : memref<80x128xf32, #tpu.memory_space<vmem>>, vector<1x16xf32>,
        %get3A_187 = arith.index_cast %add3A_109 : i32 to index
        %get3A_188 = arith.constant 112 : index
        %get3A_189 = tpu.vector_load %arg16[%get3A_187, %get3A_188] {strides = array<i32>} : memref<80x128xf32, #tpu.memory_space<vmem>>, vector<1x16xf32>,
        %get3A_190 = vector.shape_cast %get3A_189 : vector<1x16xf32> to vector<16xf32>
        %mul3A_191 = arith.mulf %gather3A_117, %get3A_190 : vector<16xf32>
        %swap3A_192 = arith.index_cast %add3A_109 : i32 to index
        %swap3A_193 = arith.constant 112 : index
        %swap3A_194 = tpu.vector_load %arg16[%swap3A_192, %swap3A_193] {strides = array<i32>} : memref<80x128xf32, #tpu.memory_space<vmem>>, vector<1x16xf32>,
        %swap3A_195 = vector.shape_cast %swap3A_194 : vector<1x16xf32> to vector<16xf32>
        %swap3A_196 = vector.shape_cast %mul3A_191 : vector<16xf32> to vector<1x16xf32>
        tpu.vector_store %arg16[%swap3A_192, %swap3A_193], %swap3A_196 {strides = array<i32>} : memref<80x128xf32, #tpu.memory_space<vmem>>, vector<1x16xf32>,
        %scan3A_197 = arith.constant 0 : i32
        %scan3A_198 = arith.constant 1 : i32
        %scan3A_199 = arith.addi %scan3A_107, %scan3A_198 : i32
        %add3A_200 = arith.addi %multiple_of3A, %scan3A_199 : i32
        %broadcast_in_dim3A_201 = vector.broadcast %scan3A_199 : i32 to vector<16xi32>
        %lt3A_202 = arith.constant 0 : i32
        %lt3A_203 = vector.broadcast %lt3A_202 : i32 to vector<16xi32>
        %lt3A_204 = arith.cmpi slt, %broadcast_in_dim3A_201, %lt3A_203 : vector<16xi32>
        %add3A_205 = arith.constant 16 : i32
        %add3A_206 = vector.broadcast %add3A_205 : i32 to vector<16xi32>
        %add3A_207 = arith.addi %broadcast_in_dim3A_201, %add3A_206 : vector<16xi32>
        %select_n3A_208 = arith.select %lt3A_204, %add3A_207, %broadcast_in_dim3A_201 : vector<16xi1>, vector<16xi32>
        %broadcast_in_dim3A_209 = vector.shape_cast %select_n3A_208 : vector<16xi32> to vector<16x1xi32>
        %gather3A_210 = vector.shape_cast %broadcast_in_dim3A_209 : vector<16x1xi32> to vector<16xi32>
        %gather3A_211 = tpu.dynamic_gather %get3A_98[%gather3A_210] in [0] : vector<16xf32>, vector<16xi32> -> vector<16xf32>
        %get3A_212 = arith.index_cast %add3A_200 : i32 to index
        %get3A_213 = arith.constant 0 : index
        %get3A_214 = tpu.vector_load %arg16[%get3A_212, %get3A_213] {strides = array<i32>} : memref<80x128xf32, #tpu.memory_space<vmem>>, vector<1x16xf32>,
        %get3A_215 = vector.shape_cast %get3A_214 : vector<1x16xf32> to vector<16xf32>
        %mul3A_216 = arith.mulf %gather3A_211, %get3A_215 : vector<16xf32>
        %swap3A_217 = arith.index_cast %add3A_200 : i32 to index
        %swap3A_218 = arith.constant 0 : index
        %swap3A_219 = tpu.vector_load %arg16[%swap3A_217, %swap3A_218] {strides = array<i32>} : memref<80x128xf32, #tpu.memory_space<vmem>>, vector<1x16xf32>,
        %swap3A_220 = vector.shape_cast %swap3A_219 : vector<1x16xf32> to vector<16xf32>
        %swap3A_221 = vector.shape_cast %mul3A_216 : vector<16xf32> to vector<1x16xf32>
        tpu.vector_store %arg16[%swap3A_217, %swap3A_218], %swap3A_221 {strides = array<i32>} : memref<80x128xf32, #tpu.memory_space<vmem>>, vector<1x16xf32>,
        %get3A_222 = arith.index_cast %add3A_200 : i32 to index
        %get3A_223 = arith.constant 16 : index
        %get3A_224 = tpu.vector_load %arg16[%get3A_222, %get3A_223] {strides = array<i32>} : memref<80x128xf32, #tpu.memory_space<vmem>>, vector<1x16xf32>,
        %get3A_225 = vector.shape_cast %get3A_224 : vector<1x16xf32> to vector<16xf32>
        %mul3A_226 = arith.mulf %gather3A_211, %get3A_225 : vector<16xf32>
        %swap3A_227 = arith.index_cast %add3A_200 : i32 to index
        %swap3A_228 = arith.constant 16 : index
        %swap3A_229 = tpu.vector_load %arg16[%swap3A_227, %swap3A_228] {strides = array<i32>} : memref<80x128xf32, #tpu.memory_space<vmem>>, vector<1x16xf32>,
        %swap3A_230 = vector.shape_cast %swap3A_229 : vector<1x16xf32> to vector<16xf32>
        %swap3A_231 = vector.shape_cast %mul3A_226 : vector<16xf32> to vector<1x16xf32>
        tpu.vector_store %arg16[%swap3A_227, %swap3A_228], %swap3A_231 {strides = array<i32>} : memref<80x128xf32, #tpu.memory_space<vmem>>, vector<1x16xf32>,
        %get3A_232 = arith.index_cast %add3A_200 : i32 to index
        %get3A_233 = arith.constant 32 : index
        %get3A_234 = tpu.vector_load %arg16[%get3A_232, %get3A_233] {strides = array<i32>} : memref<80x128xf32, #tpu.memory_space<vmem>>, vector<1x16xf32>,
        %get3A_235 = vector.shape_cast %get3A_234 : vector<1x16xf32> to vector<16xf32>
        %mul3A_236 = arith.mulf %gather3A_211, %get3A_235 : vector<16xf32>
        %swap3A_237 = arith.index_cast %add3A_200 : i32 to index
        %swap3A_238 = arith.constant 32 : index
        %swap3A_239 = tpu.vector_load %arg16[%swap3A_237, %swap3A_238] {strides = array<i32>} : memref<80x128xf32, #tpu.memory_space<vmem>>, vector<1x16xf32>,
        %swap3A_240 = vector.shape_cast %swap3A_239 : vector<1x16xf32> to vector<16xf32>
        %swap3A_241 = vector.shape_cast %mul3A_236 : vector<16xf32> to vector<1x16xf32>
        tpu.vector_store %arg16[%swap3A_237, %swap3A_238], %swap3A_241 {strides = array<i32>} : memref<80x128xf32, #tpu.memory_space<vmem>>, vector<1x16xf32>,
        %get3A_242 = arith.index_cast %add3A_200 : i32 to index
        %get3A_243 = arith.constant 48 : index
        %get3A_244 = tpu.vector_load %arg16[%get3A_242, %get3A_243] {strides = array<i32>} : memref<80x128xf32, #tpu.memory_space<vmem>>, vector<1x16xf32>,
        %get3A_245 = vector.shape_cast %get3A_244 : vector<1x16xf32> to vector<16xf32>
        %mul3A_246 = arith.mulf %gather3A_211, %get3A_245 : vector<16xf32>
        %swap3A_247 = arith.index_cast %add3A_200 : i32 to index
        %swap3A_248 = arith.constant 48 : index
        %swap3A_249 = tpu.vector_load %arg16[%swap3A_247, %swap3A_248] {strides = array<i32>} : memref<80x128xf32, #tpu.memory_space<vmem>>, vector<1x16xf32>,
        %swap3A_250 = vector.shape_cast %swap3A_249 : vector<1x16xf32> to vector<16xf32>
        %swap3A_251 = vector.shape_cast %mul3A_246 : vector<16xf32> to vector<1x16xf32>
        tpu.vector_store %arg16[%swap3A_247, %swap3A_248], %swap3A_251 {strides = array<i32>} : memref<80x128xf32, #tpu.memory_space<vmem>>, vector<1x16xf32>,
        %get3A_252 = arith.index_cast %add3A_200 : i32 to index
        %get3A_253 = arith.constant 64 : index
        %get3A_254 = tpu.vector_load %arg16[%get3A_252, %get3A_253] {strides = array<i32>} : memref<80x128xf32, #tpu.memory_space<vmem>>, vector<1x16xf32>,
        %get3A_255 = vector.shape_cast %get3A_254 : vector<1x16xf32> to vector<16xf32>
        %mul3A_256 = arith.mulf %gather3A_211, %get3A_255 : vector<16xf32>
        %swap3A_257 = arith.index_cast %add3A_200 : i32 to index
        %swap3A_258 = arith.constant 64 : index
        %swap3A_259 = tpu.vector_load %arg16[%swap3A_257, %swap3A_258] {strides = array<i32>} : memref<80x128xf32, #tpu.memory_space<vmem>>, vector<1x16xf32>,
        %swap3A_260 = vector.shape_cast %swap3A_259 : vector<1x16xf32> to vector<16xf32>
        %swap3A_261 = vector.shape_cast %mul3A_256 : vector<16xf32> to vector<1x16xf32>
        tpu.vector_store %arg16[%swap3A_257, %swap3A_258], %swap3A_261 {strides = array<i32>} : memref<80x128xf32, #tpu.memory_space<vmem>>, vector<1x16xf32>,
        %get3A_262 = arith.index_cast %add3A_200 : i32 to index
        %get3A_263 = arith.constant 80 : index
        %get3A_264 = tpu.vector_load %arg16[%get3A_262, %get3A_263] {strides = array<i32>} : memref<80x128xf32, #tpu.memory_space<vmem>>, vector<1x16xf32>,
        %get3A_265 = vector.shape_cast %get3A_264 : vector<1x16xf32> to vector<16xf32>
        %mul3A_266 = arith.mulf %gather3A_211, %get3A_265 : vector<16xf32>
        %swap3A_267 = arith.index_cast %add3A_200 : i32 to index
        %swap3A_268 = arith.constant 80 : index
        %swap3A_269 = tpu.vector_load %arg16[%swap3A_267, %swap3A_268] {strides = array<i32>} : memref<80x128xf32, #tpu.memory_space<vmem>>, vector<1x16xf32>,
        %swap3A_270 = vector.shape_cast %swap3A_269 : vector<1x16xf32> to vector<16xf32>
        %swap3A_271 = vector.shape_cast %mul3A_266 : vector<16xf32> to vector<1x16xf32>
        tpu.vector_store %arg16[%swap3A_267, %swap3A_268], %swap3A_271 {strides = array<i32>} : memref<80x128xf32, #tpu.memory_space<vmem>>, vector<1x16xf32>,
        %get3A_272 = arith.index_cast %add3A_200 : i32 to index
        %get3A_273 = arith.constant 96 : index
        %get3A_274 = tpu.vector_load %arg16[%get3A_272, %get3A_273] {strides = array<i32>} : memref<80x128xf32, #tpu.memory_space<vmem>>, vector<1x16xf32>,
        %get3A_275 = vector.shape_cast %get3A_274 : vector<1x16xf32> to vector<16xf32>
        %mul3A_276 = arith.mulf %gather3A_211, %get3A_275 : vector<16xf32>
        %swap3A_277 = arith.index_cast %add3A_200 : i32 to index
        %swap3A_278 = arith.constant 96 : index
        %swap3A_279 = tpu.vector_load %arg16[%swap3A_277, %swap3A_278] {strides = array<i32>} : memref<80x128xf32, #tpu.memory_space<vmem>>, vector<1x16xf32>,
        %swap3A_280 = vector.shape_cast %swap3A_279 : vector<1x16xf32> to vector<16xf32>
        %swap3A_281 = vector.shape_cast %mul3A_276 : vector<16xf32> to vector<1x16xf32>
        tpu.vector_store %arg16[%swap3A_277, %swap3A_278], %swap3A_281 {strides = array<i32>} : memref<80x128xf32, #tpu.memory_space<vmem>>, vector<1x16xf32>,
        %get3A_282 = arith.index_cast %add3A_200 : i32 to index
        %get3A_283 = arith.constant 112 : index
        %get3A_284 = tpu.vector_load %arg16[%get3A_282, %get3A_283] {strides = array<i32>} : memref<80x128xf32, #tpu.memory_space<vmem>>, vector<1x16xf32>,
        %get3A_285 = vector.shape_cast %get3A_284 : vector<1x16xf32> to vector<16xf32>
        %mul3A_286 = arith.mulf %gather3A_211, %get3A_285 : vector<16xf32>
        %swap3A_287 = arith.index_cast %add3A_200 : i32 to index
        %swap3A_288 = arith.constant 112 : index
        %swap3A_289 = tpu.vector_load %arg16[%swap3A_287, %swap3A_288] {strides = array<i32>} : memref<80x128xf32, #tpu.memory_space<vmem>>, vector<1x16xf32>,
        %swap3A_290 = vector.shape_cast %swap3A_289 : vector<1x16xf32> to vector<16xf32>
        %swap3A_291 = vector.shape_cast %mul3A_286 : vector<16xf32> to vector<1x16xf32>
        tpu.vector_store %arg16[%swap3A_287, %swap3A_288], %swap3A_291 {strides = array<i32>} : memref<80x128xf32, #tpu.memory_space<vmem>>, vector<1x16xf32>,
        %scan3A_292 = arith.constant 0 : i32
        %scan3A_293 = arith.constant 2 : i32
        %scan3A_294 = arith.addi %scan3A_107, %scan3A_293 : i32
        %add3A_295 = arith.addi %multiple_of3A, %scan3A_294 : i32
        %broadcast_in_dim3A_296 = vector.broadcast %scan3A_294 : i32 to vector<16xi32>
        %lt3A_297 = arith.constant 0 : i32
        %lt3A_298 = vector.broadcast %lt3A_297 : i32 to vector<16xi32>
        %lt3A_299 = arith.cmpi slt, %broadcast_in_dim3A_296, %lt3A_298 : vector<16xi32>
        %add3A_300 = arith.constant 16 : i32
        %add3A_301 = vector.broadcast %add3A_300 : i32 to vector<16xi32>
        %add3A_302 = arith.addi %broadcast_in_dim3A_296, %add3A_301 : vector<16xi32>
        %select_n3A_303 = arith.select %lt3A_299, %add3A_302, %broadcast_in_dim3A_296 : vector<16xi1>, vector<16xi32>
        %broadcast_in_dim3A_304 = vector.shape_cast %select_n3A_303 : vector<16xi32> to vector<16x1xi32>
        %gather3A_305 = vector.shape_cast %broadcast_in_dim3A_304 : vector<16x1xi32> to vector<16xi32>
        %gather3A_306 = tpu.dynamic_gather %get3A_98[%gather3A_305] in [0] : vector<16xf32>, vector<16xi32> -> vector<16xf32>
        %get3A_307 = arith.index_cast %add3A_295 : i32 to index
        %get3A_308 = arith.constant 0 : index
        %get3A_309 = tpu.vector_load %arg16[%get3A_307, %get3A_308] {strides = array<i32>} : memref<80x128xf32, #tpu.memory_space<vmem>>, vector<1x16xf32>,
        %get3A_310 = vector.shape_cast %get3A_309 : vector<1x16xf32> to vector<16xf32>
        %mul3A_311 = arith.mulf %gather3A_306, %get3A_310 : vector<16xf32>
        %swap3A_312 = arith.index_cast %add3A_295 : i32 to index
        %swap3A_313 = arith.constant 0 : index
        %swap3A_314 = tpu.vector_load %arg16[%swap3A_312, %swap3A_313] {strides = array<i32>} : memref<80x128xf32, #tpu.memory_space<vmem>>, vector<1x16xf32>,
        %swap3A_315 = vector.shape_cast %swap3A_314 : vector<1x16xf32> to vector<16xf32>
        %swap3A_316 = vector.shape_cast %mul3A_311 : vector<16xf32> to vector<1x16xf32>
        tpu.vector_store %arg16[%swap3A_312, %swap3A_313], %swap3A_316 {strides = array<i32>} : memref<80x128xf32, #tpu.memory_space<vmem>>, vector<1x16xf32>,
        %get3A_317 = arith.index_cast %add3A_295 : i32 to index
        %get3A_318 = arith.constant 16 : index
        %get3A_319 = tpu.vector_load %arg16[%get3A_317, %get3A_318] {strides = array<i32>} : memref<80x128xf32, #tpu.memory_space<vmem>>, vector<1x16xf32>,
        %get3A_320 = vector.shape_cast %get3A_319 : vector<1x16xf32> to vector<16xf32>
        %mul3A_321 = arith.mulf %gather3A_306, %get3A_320 : vector<16xf32>
        %swap3A_322 = arith.index_cast %add3A_295 : i32 to index
        %swap3A_323 = arith.constant 16 : index
        %swap3A_324 = tpu.vector_load %arg16[%swap3A_322, %swap3A_323] {strides = array<i32>} : memref<80x128xf32, #tpu.memory_space<vmem>>, vector<1x16xf32>,
        %swap3A_325 = vector.shape_cast %swap3A_324 : vector<1x16xf32> to vector<16xf32>
        %swap3A_326 = vector.shape_cast %mul3A_321 : vector<16xf32> to vector<1x16xf32>
        tpu.vector_store %arg16[%swap3A_322, %swap3A_323], %swap3A_326 {strides = array<i32>} : memref<80x128xf32, #tpu.memory_space<vmem>>, vector<1x16xf32>,
        %get3A_327 = arith.index_cast %add3A_295 : i32 to index
        %get3A_328 = arith.constant 32 : index
        %get3A_329 = tpu.vector_load %arg16[%get3A_327, %get3A_328] {strides = array<i32>} : memref<80x128xf32, #tpu.memory_space<vmem>>, vector<1x16xf32>,
        %get3A_330 = vector.shape_cast %get3A_329 : vector<1x16xf32> to vector<16xf32>
        %mul3A_331 = arith.mulf %gather3A_306, %get3A_330 : vector<16xf32>
        %swap3A_332 = arith.index_cast %add3A_295 : i32 to index
        %swap3A_333 = arith.constant 32 : index
        %swap3A_334 = tpu.vector_load %arg16[%swap3A_332, %swap3A_333] {strides = array<i32>} : memref<80x128xf32, #tpu.memory_space<vmem>>, vector<1x16xf32>,
        %swap3A_335 = vector.shape_cast %swap3A_334 : vector<1x16xf32> to vector<16xf32>
        %swap3A_336 = vector.shape_cast %mul3A_331 : vector<16xf32> to vector<1x16xf32>
        tpu.vector_store %arg16[%swap3A_332, %swap3A_333], %swap3A_336 {strides = array<i32>} : memref<80x128xf32, #tpu.memory_space<vmem>>, vector<1x16xf32>,
        %get3A_337 = arith.index_cast %add3A_295 : i32 to index
        %get3A_338 = arith.constant 48 : index
        %get3A_339 = tpu.vector_load %arg16[%get3A_337, %get3A_338] {strides = array<i32>} : memref<80x128xf32, #tpu.memory_space<vmem>>, vector<1x16xf32>,
        %get3A_340 = vector.shape_cast %get3A_339 : vector<1x16xf32> to vector<16xf32>
        %mul3A_341 = arith.mulf %gather3A_306, %get3A_340 : vector<16xf32>
        %swap3A_342 = arith.index_cast %add3A_295 : i32 to index
        %swap3A_343 = arith.constant 48 : index
        %swap3A_344 = tpu.vector_load %arg16[%swap3A_342, %swap3A_343] {strides = array<i32>} : memref<80x128xf32, #tpu.memory_space<vmem>>, vector<1x16xf32>,
        %swap3A_345 = vector.shape_cast %swap3A_344 : vector<1x16xf32> to vector<16xf32>
        %swap3A_346 = vector.shape_cast %mul3A_341 : vector<16xf32> to vector<1x16xf32>
        tpu.vector_store %arg16[%swap3A_342, %swap3A_343], %swap3A_346 {strides = array<i32>} : memref<80x128xf32, #tpu.memory_space<vmem>>, vector<1x16xf32>,
        %get3A_347 = arith.index_cast %add3A_295 : i32 to index
        %get3A_348 = arith.constant 64 : index
        %get3A_349 = tpu.vector_load %arg16[%get3A_347, %get3A_348] {strides = array<i32>} : memref<80x128xf32, #tpu.memory_space<vmem>>, vector<1x16xf32>,
        %get3A_350 = vector.shape_cast %get3A_349 : vector<1x16xf32> to vector<16xf32>
        %mul3A_351 = arith.mulf %gather3A_306, %get3A_350 : vector<16xf32>
        %swap3A_352 = arith.index_cast %add3A_295 : i32 to index
        %swap3A_353 = arith.constant 64 : index
        %swap3A_354 = tpu.vector_load %arg16[%swap3A_352, %swap3A_353] {strides = array<i32>} : memref<80x128xf32, #tpu.memory_space<vmem>>, vector<1x16xf32>,
        %swap3A_355 = vector.shape_cast %swap3A_354 : vector<1x16xf32> to vector<16xf32>
        %swap3A_356 = vector.shape_cast %mul3A_351 : vector<16xf32> to vector<1x16xf32>
        tpu.vector_store %arg16[%swap3A_352, %swap3A_353], %swap3A_356 {strides = array<i32>} : memref<80x128xf32, #tpu.memory_space<vmem>>, vector<1x16xf32>,
        %get3A_357 = arith.index_cast %add3A_295 : i32 to index
        %get3A_358 = arith.constant 80 : index
        %get3A_359 = tpu.vector_load %arg16[%get3A_357, %get3A_358] {strides = array<i32>} : memref<80x128xf32, #tpu.memory_space<vmem>>, vector<1x16xf32>,
        %get3A_360 = vector.shape_cast %get3A_359 : vector<1x16xf32> to vector<16xf32>
        %mul3A_361 = arith.mulf %gather3A_306, %get3A_360 : vector<16xf32>
        %swap3A_362 = arith.index_cast %add3A_295 : i32 to index
        %swap3A_363 = arith.constant 80 : index
        %swap3A_364 = tpu.vector_load %arg16[%swap3A_362, %swap3A_363] {strides = array<i32>} : memref<80x128xf32, #tpu.memory_space<vmem>>, vector<1x16xf32>,
        %swap3A_365 = vector.shape_cast %swap3A_364 : vector<1x16xf32> to vector<16xf32>
        %swap3A_366 = vector.shape_cast %mul3A_361 : vector<16xf32> to vector<1x16xf32>
        tpu.vector_store %arg16[%swap3A_362, %swap3A_363], %swap3A_366 {strides = array<i32>} : memref<80x128xf32, #tpu.memory_space<vmem>>, vector<1x16xf32>,
        %get3A_367 = arith.index_cast %add3A_295 : i32 to index
        %get3A_368 = arith.constant 96 : index
        %get3A_369 = tpu.vector_load %arg16[%get3A_367, %get3A_368] {strides = array<i32>} : memref<80x128xf32, #tpu.memory_space<vmem>>, vector<1x16xf32>,
        %get3A_370 = vector.shape_cast %get3A_369 : vector<1x16xf32> to vector<16xf32>
        %mul3A_371 = arith.mulf %gather3A_306, %get3A_370 : vector<16xf32>
        %swap3A_372 = arith.index_cast %add3A_295 : i32 to index
        %swap3A_373 = arith.constant 96 : index
        %swap3A_374 = tpu.vector_load %arg16[%swap3A_372, %swap3A_373] {strides = array<i32>} : memref<80x128xf32, #tpu.memory_space<vmem>>, vector<1x16xf32>,
        %swap3A_375 = vector.shape_cast %swap3A_374 : vector<1x16xf32> to vector<16xf32>
        %swap3A_376 = vector.shape_cast %mul3A_371 : vector<16xf32> to vector<1x16xf32>
        tpu.vector_store %arg16[%swap3A_372, %swap3A_373], %swap3A_376 {strides = array<i32>} : memref<80x128xf32, #tpu.memory_space<vmem>>, vector<1x16xf32>,
        %get3A_377 = arith.index_cast %add3A_295 : i32 to index
        %get3A_378 = arith.constant 112 : index
        %get3A_379 = tpu.vector_load %arg16[%get3A_377, %get3A_378] {strides = array<i32>} : memref<80x128xf32, #tpu.memory_space<vmem>>, vector<1x16xf32>,
        %get3A_380 = vector.shape_cast %get3A_379 : vector<1x16xf32> to vector<16xf32>
        %mul3A_381 = arith.mulf %gather3A_306, %get3A_380 : vector<16xf32>
        %swap3A_382 = arith.index_cast %add3A_295 : i32 to index
        %swap3A_383 = arith.constant 112 : index
        %swap3A_384 = tpu.vector_load %arg16[%swap3A_382, %swap3A_383] {strides = array<i32>} : memref<80x128xf32, #tpu.memory_space<vmem>>, vector<1x16xf32>,
        %swap3A_385 = vector.shape_cast %swap3A_384 : vector<1x16xf32> to vector<16xf32>
        %swap3A_386 = vector.shape_cast %mul3A_381 : vector<16xf32> to vector<1x16xf32>
        tpu.vector_store %arg16[%swap3A_382, %swap3A_383], %swap3A_386 {strides = array<i32>} : memref<80x128xf32, #tpu.memory_space<vmem>>, vector<1x16xf32>,
        %scan3A_387 = arith.constant 0 : i32
        %scan3A_388 = arith.constant 3 : i32
        %scan3A_389 = arith.addi %scan3A_107, %scan3A_388 : i32
        %add3A_390 = arith.addi %multiple_of3A, %scan3A_389 : i32
        %broadcast_in_dim3A_391 = vector.broadcast %scan3A_389 : i32 to vector<16xi32>
        %lt3A_392 = arith.constant 0 : i32
        %lt3A_393 = vector.broadcast %lt3A_392 : i32 to vector<16xi32>
        %lt3A_394 = arith.cmpi slt, %broadcast_in_dim3A_391, %lt3A_393 : vector<16xi32>
        %add3A_395 = arith.constant 16 : i32
        %add3A_396 = vector.broadcast %add3A_395 : i32 to vector<16xi32>
        %add3A_397 = arith.addi %broadcast_in_dim3A_391, %add3A_396 : vector<16xi32>
        %select_n3A_398 = arith.select %lt3A_394, %add3A_397, %broadcast_in_dim3A_391 : vector<16xi1>, vector<16xi32>
        %broadcast_in_dim3A_399 = vector.shape_cast %select_n3A_398 : vector<16xi32> to vector<16x1xi32>
        %gather3A_400 = vector.shape_cast %broadcast_in_dim3A_399 : vector<16x1xi32> to vector<16xi32>
        %gather3A_401 = tpu.dynamic_gather %get3A_98[%gather3A_400] in [0] : vector<16xf32>, vector<16xi32> -> vector<16xf32>
        %get3A_402 = arith.index_cast %add3A_390 : i32 to index
        %get3A_403 = arith.constant 0 : index
        %get3A_404 = tpu.vector_load %arg16[%get3A_402, %get3A_403] {strides = array<i32>} : memref<80x128xf32, #tpu.memory_space<vmem>>, vector<1x16xf32>,
        %get3A_405 = vector.shape_cast %get3A_404 : vector<1x16xf32> to vector<16xf32>
        %mul3A_406 = arith.mulf %gather3A_401, %get3A_405 : vector<16xf32>
        %swap3A_407 = arith.index_cast %add3A_390 : i32 to index
        %swap3A_408 = arith.constant 0 : index
        %swap3A_409 = tpu.vector_load %arg16[%swap3A_407, %swap3A_408] {strides = array<i32>} : memref<80x128xf32, #tpu.memory_space<vmem>>, vector<1x16xf32>,
        %swap3A_410 = vector.shape_cast %swap3A_409 : vector<1x16xf32> to vector<16xf32>
        %swap3A_411 = vector.shape_cast %mul3A_406 : vector<16xf32> to vector<1x16xf32>
        tpu.vector_store %arg16[%swap3A_407, %swap3A_408], %swap3A_411 {strides = array<i32>} : memref<80x128xf32, #tpu.memory_space<vmem>>, vector<1x16xf32>,
        %get3A_412 = arith.index_cast %add3A_390 : i32 to index
        %get3A_413 = arith.constant 16 : index
        %get3A_414 = tpu.vector_load %arg16[%get3A_412, %get3A_413] {strides = array<i32>} : memref<80x128xf32, #tpu.memory_space<vmem>>, vector<1x16xf32>,
        %get3A_415 = vector.shape_cast %get3A_414 : vector<1x16xf32> to vector<16xf32>
        %mul3A_416 = arith.mulf %gather3A_401, %get3A_415 : vector<16xf32>
        %swap3A_417 = arith.index_cast %add3A_390 : i32 to index
        %swap3A_418 = arith.constant 16 : index
        %swap3A_419 = tpu.vector_load %arg16[%swap3A_417, %swap3A_418] {strides = array<i32>} : memref<80x128xf32, #tpu.memory_space<vmem>>, vector<1x16xf32>,
        %swap3A_420 = vector.shape_cast %swap3A_419 : vector<1x16xf32> to vector<16xf32>
        %swap3A_421 = vector.shape_cast %mul3A_416 : vector<16xf32> to vector<1x16xf32>
        tpu.vector_store %arg16[%swap3A_417, %swap3A_418], %swap3A_421 {strides = array<i32>} : memref<80x128xf32, #tpu.memory_space<vmem>>, vector<1x16xf32>,
        %get3A_422 = arith.index_cast %add3A_390 : i32 to index
        %get3A_423 = arith.constant 32 : index
        %get3A_424 = tpu.vector_load %arg16[%get3A_422, %get3A_423] {strides = array<i32>} : memref<80x128xf32, #tpu.memory_space<vmem>>, vector<1x16xf32>,
        %get3A_425 = vector.shape_cast %get3A_424 : vector<1x16xf32> to vector<16xf32>
        %mul3A_426 = arith.mulf %gather3A_401, %get3A_425 : vector<16xf32>
        %swap3A_427 = arith.index_cast %add3A_390 : i32 to index
        %swap3A_428 = arith.constant 32 : index
        %swap3A_429 = tpu.vector_load %arg16[%swap3A_427, %swap3A_428] {strides = array<i32>} : memref<80x128xf32, #tpu.memory_space<vmem>>, vector<1x16xf32>,
        %swap3A_430 = vector.shape_cast %swap3A_429 : vector<1x16xf32> to vector<16xf32>
        %swap3A_431 = vector.shape_cast %mul3A_426 : vector<16xf32> to vector<1x16xf32>
        tpu.vector_store %arg16[%swap3A_427, %swap3A_428], %swap3A_431 {strides = array<i32>} : memref<80x128xf32, #tpu.memory_space<vmem>>, vector<1x16xf32>,
        %get3A_432 = arith.index_cast %add3A_390 : i32 to index
        %get3A_433 = arith.constant 48 : index
        %get3A_434 = tpu.vector_load %arg16[%get3A_432, %get3A_433] {strides = array<i32>} : memref<80x128xf32, #tpu.memory_space<vmem>>, vector<1x16xf32>,
        %get3A_435 = vector.shape_cast %get3A_434 : vector<1x16xf32> to vector<16xf32>
        %mul3A_436 = arith.mulf %gather3A_401, %get3A_435 : vector<16xf32>
        %swap3A_437 = arith.index_cast %add3A_390 : i32 to index
        %swap3A_438 = arith.constant 48 : index
        %swap3A_439 = tpu.vector_load %arg16[%swap3A_437, %swap3A_438] {strides = array<i32>} : memref<80x128xf32, #tpu.memory_space<vmem>>, vector<1x16xf32>,
        %swap3A_440 = vector.shape_cast %swap3A_439 : vector<1x16xf32> to vector<16xf32>
        %swap3A_441 = vector.shape_cast %mul3A_436 : vector<16xf32> to vector<1x16xf32>
        tpu.vector_store %arg16[%swap3A_437, %swap3A_438], %swap3A_441 {strides = array<i32>} : memref<80x128xf32, #tpu.memory_space<vmem>>, vector<1x16xf32>,
        %get3A_442 = arith.index_cast %add3A_390 : i32 to index
        %get3A_443 = arith.constant 64 : index
        %get3A_444 = tpu.vector_load %arg16[%get3A_442, %get3A_443] {strides = array<i32>} : memref<80x128xf32, #tpu.memory_space<vmem>>, vector<1x16xf32>,
        %get3A_445 = vector.shape_cast %get3A_444 : vector<1x16xf32> to vector<16xf32>
        %mul3A_446 = arith.mulf %gather3A_401, %get3A_445 : vector<16xf32>
        %swap3A_447 = arith.index_cast %add3A_390 : i32 to index
        %swap3A_448 = arith.constant 64 : index
        %swap3A_449 = tpu.vector_load %arg16[%swap3A_447, %swap3A_448] {strides = array<i32>} : memref<80x128xf32, #tpu.memory_space<vmem>>, vector<1x16xf32>,
        %swap3A_450 = vector.shape_cast %swap3A_449 : vector<1x16xf32> to vector<16xf32>
        %swap3A_451 = vector.shape_cast %mul3A_446 : vector<16xf32> to vector<1x16xf32>
        tpu.vector_store %arg16[%swap3A_447, %swap3A_448], %swap3A_451 {strides = array<i32>} : memref<80x128xf32, #tpu.memory_space<vmem>>, vector<1x16xf32>,
        %get3A_452 = arith.index_cast %add3A_390 : i32 to index
        %get3A_453 = arith.constant 80 : index
        %get3A_454 = tpu.vector_load %arg16[%get3A_452, %get3A_453] {strides = array<i32>} : memref<80x128xf32, #tpu.memory_space<vmem>>, vector<1x16xf32>,
        %get3A_455 = vector.shape_cast %get3A_454 : vector<1x16xf32> to vector<16xf32>
        %mul3A_456 = arith.mulf %gather3A_401, %get3A_455 : vector<16xf32>
        %swap3A_457 = arith.index_cast %add3A_390 : i32 to index
        %swap3A_458 = arith.constant 80 : index
        %swap3A_459 = tpu.vector_load %arg16[%swap3A_457, %swap3A_458] {strides = array<i32>} : memref<80x128xf32, #tpu.memory_space<vmem>>, vector<1x16xf32>,
        %swap3A_460 = vector.shape_cast %swap3A_459 : vector<1x16xf32> to vector<16xf32>
        %swap3A_461 = vector.shape_cast %mul3A_456 : vector<16xf32> to vector<1x16xf32>
        tpu.vector_store %arg16[%swap3A_457, %swap3A_458], %swap3A_461 {strides = array<i32>} : memref<80x128xf32, #tpu.memory_space<vmem>>, vector<1x16xf32>,
        %get3A_462 = arith.index_cast %add3A_390 : i32 to index
        %get3A_463 = arith.constant 96 : index
        %get3A_464 = tpu.vector_load %arg16[%get3A_462, %get3A_463] {strides = array<i32>} : memref<80x128xf32, #tpu.memory_space<vmem>>, vector<1x16xf32>,
        %get3A_465 = vector.shape_cast %get3A_464 : vector<1x16xf32> to vector<16xf32>
        %mul3A_466 = arith.mulf %gather3A_401, %get3A_465 : vector<16xf32>
        %swap3A_467 = arith.index_cast %add3A_390 : i32 to index
        %swap3A_468 = arith.constant 96 : index
        %swap3A_469 = tpu.vector_load %arg16[%swap3A_467, %swap3A_468] {strides = array<i32>} : memref<80x128xf32, #tpu.memory_space<vmem>>, vector<1x16xf32>,
        %swap3A_470 = vector.shape_cast %swap3A_469 : vector<1x16xf32> to vector<16xf32>
        %swap3A_471 = vector.shape_cast %mul3A_466 : vector<16xf32> to vector<1x16xf32>
        tpu.vector_store %arg16[%swap3A_467, %swap3A_468], %swap3A_471 {strides = array<i32>} : memref<80x128xf32, #tpu.memory_space<vmem>>, vector<1x16xf32>,
        %get3A_472 = arith.index_cast %add3A_390 : i32 to index
        %get3A_473 = arith.constant 112 : index
        %get3A_474 = tpu.vector_load %arg16[%get3A_472, %get3A_473] {strides = array<i32>} : memref<80x128xf32, #tpu.memory_space<vmem>>, vector<1x16xf32>,
        %get3A_475 = vector.shape_cast %get3A_474 : vector<1x16xf32> to vector<16xf32>
        %mul3A_476 = arith.mulf %gather3A_401, %get3A_475 : vector<16xf32>
        %swap3A_477 = arith.index_cast %add3A_390 : i32 to index
        %swap3A_478 = arith.constant 112 : index
        %swap3A_479 = tpu.vector_load %arg16[%swap3A_477, %swap3A_478] {strides = array<i32>} : memref<80x128xf32, #tpu.memory_space<vmem>>, vector<1x16xf32>,
        %swap3A_480 = vector.shape_cast %swap3A_479 : vector<1x16xf32> to vector<16xf32>
        %swap3A_481 = vector.shape_cast %mul3A_476 : vector<16xf32> to vector<1x16xf32>
        tpu.vector_store %arg16[%swap3A_477, %swap3A_478], %swap3A_481 {strides = array<i32>} : memref<80x128xf32, #tpu.memory_space<vmem>>, vector<1x16xf32>,
        %scan3A_482 = arith.constant 0 : i32
        scf.yield %scan3A_482 : i32
      }
      %scan3A_105 = arith.constant 16 : i32
      %scan3A_106 = arith.constant 0 : i32
      scf.yield %scan3A_106 : i32
    }
    %scan3A_73 = arith.constant 5 : i32
    %add3A_74 = arith.constant 9920 : i32
    %add3A_75 = arith.addi %mul3A_34, %add3A_74 : i32
    "tpu.region"() ({
      %run_scoped3A = tpu.sem_alloc : memref<!tpu.dma_semaphore, #tpu.memory_space<semaphore_mem>>
      %dma_start3A_93 = arith.constant 0 : i32
      %dma_start3A_94 = arith.constant 0 : i32
      %dma_start3A_95 = tpu.memref_slice %arg21[%dma_start3A_93, %dma_start3A_94] : memref<10240x128xf32, #tpu.memory_space<vmem_shared>> -> memref<10240x128xf32, #tpu.memory_space<vmem_shared>>
      tpu.enqueue_indirect_dma source(%arg16 : memref<80x128xf32, #tpu.memory_space<vmem>>) target(%dma_start3A_95 : memref<10240x128xf32, #tpu.memory_space<vmem_shared>>) offsets(%arg11 : memref<80xi32, #tpu.memory_space<vmem>>) semaphore(%run_scoped3A : memref<!tpu.dma_semaphore, #tpu.memory_space<semaphore_mem>>) {add = true}
      %dma_wait3A_96 = arith.constant 0 : i32
      %dma_wait3A_97 = arith.constant 0 : i32
      %dma_wait3A_98 = tpu.memref_slice %arg21[%dma_wait3A_96, %dma_wait3A_97] : memref<10240x128xf32, #tpu.memory_space<vmem_shared>> -> memref<10240x128xf32, #tpu.memory_space<vmem_shared>>
      tpu.wait_indirect_dma semaphore(%run_scoped3A : memref<!tpu.dma_semaphore, #tpu.memory_space<semaphore_mem>>) src(%arg16 : memref<80x128xf32, #tpu.memory_space<vmem>>) dst(%dma_wait3A_98 : memref<10240x128xf32, #tpu.memory_space<vmem_shared>>)
      tpu.yield
    }) : () -> ()
    "tpu.region"() ({
      %run_scoped3A = tpu.sem_alloc : memref<!tpu.dma_semaphore, #tpu.memory_space<semaphore_mem>>
      %dma_start3A_93 = arith.constant 0 : i32
      %dma_start3A_94 = tpu.memref_slice %arg22[%dma_start3A_93] : memref<10240xf32, #tpu.memory_space<vmem_shared>> -> memref<10240xf32, #tpu.memory_space<vmem_shared>>
      tpu.enqueue_indirect_dma source(%arg18 : memref<80xf32, #tpu.memory_space<vmem>>) target(%dma_start3A_94 : memref<10240xf32, #tpu.memory_space<vmem_shared>>) offsets(%arg11 : memref<80xi32, #tpu.memory_space<vmem>>) semaphore(%run_scoped3A : memref<!tpu.dma_semaphore, #tpu.memory_space<semaphore_mem>>) {add = true}
      %dma_wait3A_95 = arith.constant 0 : i32
      %dma_wait3A_96 = tpu.memref_slice %arg22[%dma_wait3A_95] : memref<10240xf32, #tpu.memory_space<vmem_shared>> -> memref<10240xf32, #tpu.memory_space<vmem_shared>>
      tpu.wait_indirect_dma semaphore(%run_scoped3A : memref<!tpu.dma_semaphore, #tpu.memory_space<semaphore_mem>>) src(%arg18 : memref<80xf32, #tpu.memory_space<vmem>>) dst(%dma_wait3A_96 : memref<10240xf32, #tpu.memory_space<vmem_shared>>)
      tpu.yield
    }) : () -> ()
    "tpu.region"() ({
      %run_scoped3A = tpu.sem_alloc : memref<!tpu.dma_semaphore, #tpu.memory_space<semaphore_mem>>
      %dma_start3A_93 = tpu.memref_slice %arg9[%add3A_75] : memref<320000xf32, #tpu.memory_space<hbm>> -> memref<80xf32, #tpu.memory_space<hbm>>
      %dma_start3A_94 = tpu.memref_slice %arg9[%add3A_75] : memref<320000xf32, #tpu.memory_space<hbm>> -> memref<80xf32, #tpu.memory_space<hbm>>
      tpu.enqueue_dma source(%arg18 : memref<80xf32, #tpu.memory_space<vmem>>) target(%dma_start3A_94 : memref<80xf32, #tpu.memory_space<hbm>>) target_semaphore(%run_scoped3A : memref<!tpu.dma_semaphore, #tpu.memory_space<semaphore_mem>>)
      %dma_wait3A_95 = tpu.memref_slice %arg9[%add3A_75] : memref<320000xf32, #tpu.memory_space<hbm>> -> memref<80xf32, #tpu.memory_space<hbm>>
      %dma_wait3A_96 = tpu.memref_slice %arg9[%add3A_75] : memref<320000xf32, #tpu.memory_space<hbm>> -> memref<80xf32, #tpu.memory_space<hbm>>
      tpu.wait_dma2 semaphore(%run_scoped3A : memref<!tpu.dma_semaphore, #tpu.memory_space<semaphore_mem>>) src(%arg18 : memref<80xf32, #tpu.memory_space<vmem>>) dst(%dma_wait3A_96 : memref<80xf32, #tpu.memory_space<hbm>>)
      tpu.yield
    }) : () -> ()
    %barrier3A_76 = arith.constant 0 : index
    tpu.barrier barrier_id(%barrier3A_76)
    %add3A_77 = arith.constant 0 : i32
    %add3A_78 = arith.addi %mul3A_16, %add3A_77 : i32
    "tpu.region"() ({
      %run_scoped3A = tpu.sem_alloc : memref<!tpu.dma_semaphore, #tpu.memory_space<semaphore_mem>>
      %dma_start3A_93 = arith.constant 0 : i32
      %dma_start3A_94 = tpu.memref_slice %arg21[%add3A_78, %dma_start3A_93] : memref<10240x128xf32, #tpu.memory_space<vmem_shared>> -> memref<80x128xf32, #tpu.memory_space<vmem_shared>>
      %dma_start3A_95 = arith.constant 0 : i32
      %dma_start3A_96 = tpu.memref_slice %arg21[%add3A_78, %dma_start3A_95] : memref<10240x128xf32, #tpu.memory_space<vmem_shared>> -> memref<80x128xf32, #tpu.memory_space<vmem_shared>>
      tpu.enqueue_dma source(%dma_start3A_96 : memref<80x128xf32, #tpu.memory_space<vmem_shared>>) target(%arg16 : memref<80x128xf32, #tpu.memory_space<vmem>>) target_semaphore(%run_scoped3A : memref<!tpu.dma_semaphore, #tpu.memory_space<semaphore_mem>>)
      %dma_wait3A_97 = arith.constant 0 : i32
      %dma_wait3A_98 = tpu.memref_slice %arg21[%add3A_78, %dma_wait3A_97] : memref<10240x128xf32, #tpu.memory_space<vmem_shared>> -> memref<80x128xf32, #tpu.memory_space<vmem_shared>>
      %dma_wait3A_99 = arith.constant 0 : i32
      %dma_wait3A_100 = tpu.memref_slice %arg21[%add3A_78, %dma_wait3A_99] : memref<10240x128xf32, #tpu.memory_space<vmem_shared>> -> memref<80x128xf32, #tpu.memory_space<vmem_shared>>
      tpu.wait_dma2 semaphore(%run_scoped3A : memref<!tpu.dma_semaphore, #tpu.memory_space<semaphore_mem>>) src(%dma_wait3A_100 : memref<80x128xf32, #tpu.memory_space<vmem_shared>>) dst(%arg16 : memref<80x128xf32, #tpu.memory_space<vmem>>)
      tpu.yield
    }) : () -> ()
    "tpu.region"() ({
      %run_scoped3A = tpu.sem_alloc : memref<!tpu.dma_semaphore, #tpu.memory_space<semaphore_mem>>
      %dma_start3A_93 = arith.constant 0 : i32
      %dma_start3A_94 = tpu.memref_slice %arg7[%arg0, %add3A_78, %dma_start3A_93] : memref<2x10240x128xf32, #tpu.memory_space<hbm>> -> memref<1x80x128xf32, #tpu.memory_space<hbm>>
      %dma_start3A_95 = tpu.memref_squeeze %dma_start3A_94 : memref<1x80x128xf32, #tpu.memory_space<hbm>> -> memref<80x128xf32, #tpu.memory_space<hbm>>
      %dma_start3A_96 = arith.constant 0 : i32
      %dma_start3A_97 = tpu.memref_slice %arg7[%arg0, %add3A_78, %dma_start3A_96] : memref<2x10240x128xf32, #tpu.memory_space<hbm>> -> memref<1x80x128xf32, #tpu.memory_space<hbm>>
      %dma_start3A_98 = tpu.memref_squeeze %dma_start3A_97 : memref<1x80x128xf32, #tpu.memory_space<hbm>> -> memref<80x128xf32, #tpu.memory_space<hbm>>
      tpu.enqueue_dma source(%arg16 : memref<80x128xf32, #tpu.memory_space<vmem>>) target(%dma_start3A_98 : memref<80x128xf32, #tpu.memory_space<hbm>>) target_semaphore(%run_scoped3A : memref<!tpu.dma_semaphore, #tpu.memory_space<semaphore_mem>>)
      %dma_wait3A_99 = arith.constant 0 : i32
      %dma_wait3A_100 = tpu.memref_slice %arg7[%arg0, %add3A_78, %dma_wait3A_99] : memref<2x10240x128xf32, #tpu.memory_space<hbm>> -> memref<1x80x128xf32, #tpu.memory_space<hbm>>
      %dma_wait3A_101 = tpu.memref_squeeze %dma_wait3A_100 : memref<1x80x128xf32, #tpu.memory_space<hbm>> -> memref<80x128xf32, #tpu.memory_space<hbm>>
      %dma_wait3A_102 = arith.constant 0 : i32
      %dma_wait3A_103 = tpu.memref_slice %arg7[%arg0, %add3A_78, %dma_wait3A_102] : memref<2x10240x128xf32, #tpu.memory_space<hbm>> -> memref<1x80x128xf32, #tpu.memory_space<hbm>>
      %dma_wait3A_104 = tpu.memref_squeeze %dma_wait3A_103 : memref<1x80x128xf32, #tpu.memory_space<hbm>> -> memref<80x128xf32, #tpu.memory_space<hbm>>
      tpu.wait_dma2 semaphore(%run_scoped3A : memref<!tpu.dma_semaphore, #tpu.memory_space<semaphore_mem>>) src(%arg16 : memref<80x128xf32, #tpu.memory_space<vmem>>) dst(%dma_wait3A_104 : memref<80x128xf32, #tpu.memory_space<hbm>>)
      tpu.yield
    }) : () -> ()
    %add3A_79 = arith.constant 80 : i32
    %add3A_80 = arith.addi %mul3A_16, %add3A_79 : i32
    "tpu.region"() ({
      %run_scoped3A = tpu.sem_alloc : memref<!tpu.dma_semaphore, #tpu.memory_space<semaphore_mem>>
      %dma_start3A_93 = arith.constant 0 : i32
      %dma_start3A_94 = tpu.memref_slice %arg21[%add3A_80, %dma_start3A_93] : memref<10240x128xf32, #tpu.memory_space<vmem_shared>> -> memref<80x128xf32, #tpu.memory_space<vmem_shared>>
      %dma_start3A_95 = arith.constant 0 : i32
      %dma_start3A_96 = tpu.memref_slice %arg21[%add3A_80, %dma_start3A_95] : memref<10240x128xf32, #tpu.memory_space<vmem_shared>> -> memref<80x128xf32, #tpu.memory_space<vmem_shared>>
      tpu.enqueue_dma source(%dma_start3A_96 : memref<80x128xf32, #tpu.memory_space<vmem_shared>>) target(%arg16 : memref<80x128xf32, #tpu.memory_space<vmem>>) target_semaphore(%run_scoped3A : memref<!tpu.dma_semaphore, #tpu.memory_space<semaphore_mem>>)
      %dma_wait3A_97 = arith.constant 0 : i32
      %dma_wait3A_98 = tpu.memref_slice %arg21[%add3A_80, %dma_wait3A_97] : memref<10240x128xf32, #tpu.memory_space<vmem_shared>> -> memref<80x128xf32, #tpu.memory_space<vmem_shared>>
      %dma_wait3A_99 = arith.constant 0 : i32
      %dma_wait3A_100 = tpu.memref_slice %arg21[%add3A_80, %dma_wait3A_99] : memref<10240x128xf32, #tpu.memory_space<vmem_shared>> -> memref<80x128xf32, #tpu.memory_space<vmem_shared>>
      tpu.wait_dma2 semaphore(%run_scoped3A : memref<!tpu.dma_semaphore, #tpu.memory_space<semaphore_mem>>) src(%dma_wait3A_100 : memref<80x128xf32, #tpu.memory_space<vmem_shared>>) dst(%arg16 : memref<80x128xf32, #tpu.memory_space<vmem>>)
      tpu.yield
    }) : () -> ()
    "tpu.region"() ({
      %run_scoped3A = tpu.sem_alloc : memref<!tpu.dma_semaphore, #tpu.memory_space<semaphore_mem>>
      %dma_start3A_93 = arith.constant 0 : i32
      %dma_start3A_94 = tpu.memref_slice %arg7[%arg0, %add3A_80, %dma_start3A_93] : memref<2x10240x128xf32, #tpu.memory_space<hbm>> -> memref<1x80x128xf32, #tpu.memory_space<hbm>>
      %dma_start3A_95 = tpu.memref_squeeze %dma_start3A_94 : memref<1x80x128xf32, #tpu.memory_space<hbm>> -> memref<80x128xf32, #tpu.memory_space<hbm>>
      %dma_start3A_96 = arith.constant 0 : i32
      %dma_start3A_97 = tpu.memref_slice %arg7[%arg0, %add3A_80, %dma_start3A_96] : memref<2x10240x128xf32, #tpu.memory_space<hbm>> -> memref<1x80x128xf32, #tpu.memory_space<hbm>>
      %dma_start3A_98 = tpu.memref_squeeze %dma_start3A_97 : memref<1x80x128xf32, #tpu.memory_space<hbm>> -> memref<80x128xf32, #tpu.memory_space<hbm>>
      tpu.enqueue_dma source(%arg16 : memref<80x128xf32, #tpu.memory_space<vmem>>) target(%dma_start3A_98 : memref<80x128xf32, #tpu.memory_space<hbm>>) target_semaphore(%run_scoped3A : memref<!tpu.dma_semaphore, #tpu.memory_space<semaphore_mem>>)
      %dma_wait3A_99 = arith.constant 0 : i32
      %dma_wait3A_100 = tpu.memref_slice %arg7[%arg0, %add3A_80, %dma_wait3A_99] : memref<2x10240x128xf32, #tpu.memory_space<hbm>> -> memref<1x80x128xf32, #tpu.memory_space<hbm>>
      %dma_wait3A_101 = tpu.memref_squeeze %dma_wait3A_100 : memref<1x80x128xf32, #tpu.memory_space<hbm>> -> memref<80x128xf32, #tpu.memory_space<hbm>>
      %dma_wait3A_102 = arith.constant 0 : i32
      %dma_wait3A_103 = tpu.memref_slice %arg7[%arg0, %add3A_80, %dma_wait3A_102] : memref<2x10240x128xf32, #tpu.memory_space<hbm>> -> memref<1x80x128xf32, #tpu.memory_space<hbm>>
      %dma_wait3A_104 = tpu.memref_squeeze %dma_wait3A_103 : memref<1x80x128xf32, #tpu.memory_space<hbm>> -> memref<80x128xf32, #tpu.memory_space<hbm>>
      tpu.wait_dma2 semaphore(%run_scoped3A : memref<!tpu.dma_semaphore, #tpu.memory_space<semaphore_mem>>) src(%arg16 : memref<80x128xf32, #tpu.memory_space<vmem>>) dst(%dma_wait3A_104 : memref<80x128xf32, #tpu.memory_space<hbm>>)
      tpu.yield
    }) : () -> ()
    %add3A_81 = arith.constant 160 : i32
    %add3A_82 = arith.addi %mul3A_16, %add3A_81 : i32
    "tpu.region"() ({
      %run_scoped3A = tpu.sem_alloc : memref<!tpu.dma_semaphore, #tpu.memory_space<semaphore_mem>>
      %dma_start3A_93 = arith.constant 0 : i32
      %dma_start3A_94 = tpu.memref_slice %arg21[%add3A_82, %dma_start3A_93] : memref<10240x128xf32, #tpu.memory_space<vmem_shared>> -> memref<80x128xf32, #tpu.memory_space<vmem_shared>>
      %dma_start3A_95 = arith.constant 0 : i32
      %dma_start3A_96 = tpu.memref_slice %arg21[%add3A_82, %dma_start3A_95] : memref<10240x128xf32, #tpu.memory_space<vmem_shared>> -> memref<80x128xf32, #tpu.memory_space<vmem_shared>>
      tpu.enqueue_dma source(%dma_start3A_96 : memref<80x128xf32, #tpu.memory_space<vmem_shared>>) target(%arg16 : memref<80x128xf32, #tpu.memory_space<vmem>>) target_semaphore(%run_scoped3A : memref<!tpu.dma_semaphore, #tpu.memory_space<semaphore_mem>>)
      %dma_wait3A_97 = arith.constant 0 : i32
      %dma_wait3A_98 = tpu.memref_slice %arg21[%add3A_82, %dma_wait3A_97] : memref<10240x128xf32, #tpu.memory_space<vmem_shared>> -> memref<80x128xf32, #tpu.memory_space<vmem_shared>>
      %dma_wait3A_99 = arith.constant 0 : i32
      %dma_wait3A_100 = tpu.memref_slice %arg21[%add3A_82, %dma_wait3A_99] : memref<10240x128xf32, #tpu.memory_space<vmem_shared>> -> memref<80x128xf32, #tpu.memory_space<vmem_shared>>
      tpu.wait_dma2 semaphore(%run_scoped3A : memref<!tpu.dma_semaphore, #tpu.memory_space<semaphore_mem>>) src(%dma_wait3A_100 : memref<80x128xf32, #tpu.memory_space<vmem_shared>>) dst(%arg16 : memref<80x128xf32, #tpu.memory_space<vmem>>)
      tpu.yield
    }) : () -> ()
    "tpu.region"() ({
      %run_scoped3A = tpu.sem_alloc : memref<!tpu.dma_semaphore, #tpu.memory_space<semaphore_mem>>
      %dma_start3A_93 = arith.constant 0 : i32
      %dma_start3A_94 = tpu.memref_slice %arg7[%arg0, %add3A_82, %dma_start3A_93] : memref<2x10240x128xf32, #tpu.memory_space<hbm>> -> memref<1x80x128xf32, #tpu.memory_space<hbm>>
      %dma_start3A_95 = tpu.memref_squeeze %dma_start3A_94 : memref<1x80x128xf32, #tpu.memory_space<hbm>> -> memref<80x128xf32, #tpu.memory_space<hbm>>
      %dma_start3A_96 = arith.constant 0 : i32
      %dma_start3A_97 = tpu.memref_slice %arg7[%arg0, %add3A_82, %dma_start3A_96] : memref<2x10240x128xf32, #tpu.memory_space<hbm>> -> memref<1x80x128xf32, #tpu.memory_space<hbm>>
      %dma_start3A_98 = tpu.memref_squeeze %dma_start3A_97 : memref<1x80x128xf32, #tpu.memory_space<hbm>> -> memref<80x128xf32, #tpu.memory_space<hbm>>
      tpu.enqueue_dma source(%arg16 : memref<80x128xf32, #tpu.memory_space<vmem>>) target(%dma_start3A_98 : memref<80x128xf32, #tpu.memory_space<hbm>>) target_semaphore(%run_scoped3A : memref<!tpu.dma_semaphore, #tpu.memory_space<semaphore_mem>>)
      %dma_wait3A_99 = arith.constant 0 : i32
      %dma_wait3A_100 = tpu.memref_slice %arg7[%arg0, %add3A_82, %dma_wait3A_99] : memref<2x10240x128xf32, #tpu.memory_space<hbm>> -> memref<1x80x128xf32, #tpu.memory_space<hbm>>
      %dma_wait3A_101 = tpu.memref_squeeze %dma_wait3A_100 : memref<1x80x128xf32, #tpu.memory_space<hbm>> -> memref<80x128xf32, #tpu.memory_space<hbm>>
      %dma_wait3A_102 = arith.constant 0 : i32
      %dma_wait3A_103 = tpu.memref_slice %arg7[%arg0, %add3A_82, %dma_wait3A_102] : memref<2x10240x128xf32, #tpu.memory_space<hbm>> -> memref<1x80x128xf32, #tpu.memory_space<hbm>>
      %dma_wait3A_104 = tpu.memref_squeeze %dma_wait3A_103 : memref<1x80x128xf32, #tpu.memory_space<hbm>> -> memref<80x128xf32, #tpu.memory_space<hbm>>
      tpu.wait_dma2 semaphore(%run_scoped3A : memref<!tpu.dma_semaphore, #tpu.memory_space<semaphore_mem>>) src(%arg16 : memref<80x128xf32, #tpu.memory_space<vmem>>) dst(%dma_wait3A_104 : memref<80x128xf32, #tpu.memory_space<hbm>>)
      tpu.yield
    }) : () -> ()
    %add3A_83 = arith.constant 240 : i32
    %add3A_84 = arith.addi %mul3A_16, %add3A_83 : i32
    "tpu.region"() ({
      %run_scoped3A = tpu.sem_alloc : memref<!tpu.dma_semaphore, #tpu.memory_space<semaphore_mem>>
      %dma_start3A_93 = arith.constant 0 : i32
      %dma_start3A_94 = tpu.memref_slice %arg21[%add3A_84, %dma_start3A_93] : memref<10240x128xf32, #tpu.memory_space<vmem_shared>> -> memref<80x128xf32, #tpu.memory_space<vmem_shared>>
      %dma_start3A_95 = arith.constant 0 : i32
      %dma_start3A_96 = tpu.memref_slice %arg21[%add3A_84, %dma_start3A_95] : memref<10240x128xf32, #tpu.memory_space<vmem_shared>> -> memref<80x128xf32, #tpu.memory_space<vmem_shared>>
      tpu.enqueue_dma source(%dma_start3A_96 : memref<80x128xf32, #tpu.memory_space<vmem_shared>>) target(%arg16 : memref<80x128xf32, #tpu.memory_space<vmem>>) target_semaphore(%run_scoped3A : memref<!tpu.dma_semaphore, #tpu.memory_space<semaphore_mem>>)
      %dma_wait3A_97 = arith.constant 0 : i32
      %dma_wait3A_98 = tpu.memref_slice %arg21[%add3A_84, %dma_wait3A_97] : memref<10240x128xf32, #tpu.memory_space<vmem_shared>> -> memref<80x128xf32, #tpu.memory_space<vmem_shared>>
      %dma_wait3A_99 = arith.constant 0 : i32
      %dma_wait3A_100 = tpu.memref_slice %arg21[%add3A_84, %dma_wait3A_99] : memref<10240x128xf32, #tpu.memory_space<vmem_shared>> -> memref<80x128xf32, #tpu.memory_space<vmem_shared>>
      tpu.wait_dma2 semaphore(%run_scoped3A : memref<!tpu.dma_semaphore, #tpu.memory_space<semaphore_mem>>) src(%dma_wait3A_100 : memref<80x128xf32, #tpu.memory_space<vmem_shared>>) dst(%arg16 : memref<80x128xf32, #tpu.memory_space<vmem>>)
      tpu.yield
    }) : () -> ()
    "tpu.region"() ({
      %run_scoped3A = tpu.sem_alloc : memref<!tpu.dma_semaphore, #tpu.memory_space<semaphore_mem>>
      %dma_start3A_93 = arith.constant 0 : i32
      %dma_start3A_94 = tpu.memref_slice %arg7[%arg0, %add3A_84, %dma_start3A_93] : memref<2x10240x128xf32, #tpu.memory_space<hbm>> -> memref<1x80x128xf32, #tpu.memory_space<hbm>>
      %dma_start3A_95 = tpu.memref_squeeze %dma_start3A_94 : memref<1x80x128xf32, #tpu.memory_space<hbm>> -> memref<80x128xf32, #tpu.memory_space<hbm>>
      %dma_start3A_96 = arith.constant 0 : i32
      %dma_start3A_97 = tpu.memref_slice %arg7[%arg0, %add3A_84, %dma_start3A_96] : memref<2x10240x128xf32, #tpu.memory_space<hbm>> -> memref<1x80x128xf32, #tpu.memory_space<hbm>>
      %dma_start3A_98 = tpu.memref_squeeze %dma_start3A_97 : memref<1x80x128xf32, #tpu.memory_space<hbm>> -> memref<80x128xf32, #tpu.memory_space<hbm>>
      tpu.enqueue_dma source(%arg16 : memref<80x128xf32, #tpu.memory_space<vmem>>) target(%dma_start3A_98 : memref<80x128xf32, #tpu.memory_space<hbm>>) target_semaphore(%run_scoped3A : memref<!tpu.dma_semaphore, #tpu.memory_space<semaphore_mem>>)
      %dma_wait3A_99 = arith.constant 0 : i32
      %dma_wait3A_100 = tpu.memref_slice %arg7[%arg0, %add3A_84, %dma_wait3A_99] : memref<2x10240x128xf32, #tpu.memory_space<hbm>> -> memref<1x80x128xf32, #tpu.memory_space<hbm>>
      %dma_wait3A_101 = tpu.memref_squeeze %dma_wait3A_100 : memref<1x80x128xf32, #tpu.memory_space<hbm>> -> memref<80x128xf32, #tpu.memory_space<hbm>>
      %dma_wait3A_102 = arith.constant 0 : i32
      %dma_wait3A_103 = tpu.memref_slice %arg7[%arg0, %add3A_84, %dma_wait3A_102] : memref<2x10240x128xf32, #tpu.memory_space<hbm>> -> memref<1x80x128xf32, #tpu.memory_space<hbm>>
      %dma_wait3A_104 = tpu.memref_squeeze %dma_wait3A_103 : memref<1x80x128xf32, #tpu.memory_space<hbm>> -> memref<80x128xf32, #tpu.memory_space<hbm>>
      tpu.wait_dma2 semaphore(%run_scoped3A : memref<!tpu.dma_semaphore, #tpu.memory_space<semaphore_mem>>) src(%arg16 : memref<80x128xf32, #tpu.memory_space<vmem>>) dst(%dma_wait3A_104 : memref<80x128xf32, #tpu.memory_space<hbm>>)
      tpu.yield
    }) : () -> ()
    %add3A_85 = arith.constant 320 : i32
    %add3A_86 = arith.addi %mul3A_16, %add3A_85 : i32
    "tpu.region"() ({
      %run_scoped3A = tpu.sem_alloc : memref<!tpu.dma_semaphore, #tpu.memory_space<semaphore_mem>>
      %dma_start3A_93 = arith.constant 0 : i32
      %dma_start3A_94 = tpu.memref_slice %arg21[%add3A_86, %dma_start3A_93] : memref<10240x128xf32, #tpu.memory_space<vmem_shared>> -> memref<80x128xf32, #tpu.memory_space<vmem_shared>>
      %dma_start3A_95 = arith.constant 0 : i32
      %dma_start3A_96 = tpu.memref_slice %arg21[%add3A_86, %dma_start3A_95] : memref<10240x128xf32, #tpu.memory_space<vmem_shared>> -> memref<80x128xf32, #tpu.memory_space<vmem_shared>>
      tpu.enqueue_dma source(%dma_start3A_96 : memref<80x128xf32, #tpu.memory_space<vmem_shared>>) target(%arg16 : memref<80x128xf32, #tpu.memory_space<vmem>>) target_semaphore(%run_scoped3A : memref<!tpu.dma_semaphore, #tpu.memory_space<semaphore_mem>>)
      %dma_wait3A_97 = arith.constant 0 : i32
      %dma_wait3A_98 = tpu.memref_slice %arg21[%add3A_86, %dma_wait3A_97] : memref<10240x128xf32, #tpu.memory_space<vmem_shared>> -> memref<80x128xf32, #tpu.memory_space<vmem_shared>>
      %dma_wait3A_99 = arith.constant 0 : i32
      %dma_wait3A_100 = tpu.memref_slice %arg21[%add3A_86, %dma_wait3A_99] : memref<10240x128xf32, #tpu.memory_space<vmem_shared>> -> memref<80x128xf32, #tpu.memory_space<vmem_shared>>
      tpu.wait_dma2 semaphore(%run_scoped3A : memref<!tpu.dma_semaphore, #tpu.memory_space<semaphore_mem>>) src(%dma_wait3A_100 : memref<80x128xf32, #tpu.memory_space<vmem_shared>>) dst(%arg16 : memref<80x128xf32, #tpu.memory_space<vmem>>)
      tpu.yield
    }) : () -> ()
    "tpu.region"() ({
      %run_scoped3A = tpu.sem_alloc : memref<!tpu.dma_semaphore, #tpu.memory_space<semaphore_mem>>
      %dma_start3A_93 = arith.constant 0 : i32
      %dma_start3A_94 = tpu.memref_slice %arg7[%arg0, %add3A_86, %dma_start3A_93] : memref<2x10240x128xf32, #tpu.memory_space<hbm>> -> memref<1x80x128xf32, #tpu.memory_space<hbm>>
      %dma_start3A_95 = tpu.memref_squeeze %dma_start3A_94 : memref<1x80x128xf32, #tpu.memory_space<hbm>> -> memref<80x128xf32, #tpu.memory_space<hbm>>
      %dma_start3A_96 = arith.constant 0 : i32
      %dma_start3A_97 = tpu.memref_slice %arg7[%arg0, %add3A_86, %dma_start3A_96] : memref<2x10240x128xf32, #tpu.memory_space<hbm>> -> memref<1x80x128xf32, #tpu.memory_space<hbm>>
      %dma_start3A_98 = tpu.memref_squeeze %dma_start3A_97 : memref<1x80x128xf32, #tpu.memory_space<hbm>> -> memref<80x128xf32, #tpu.memory_space<hbm>>
      tpu.enqueue_dma source(%arg16 : memref<80x128xf32, #tpu.memory_space<vmem>>) target(%dma_start3A_98 : memref<80x128xf32, #tpu.memory_space<hbm>>) target_semaphore(%run_scoped3A : memref<!tpu.dma_semaphore, #tpu.memory_space<semaphore_mem>>)
      %dma_wait3A_99 = arith.constant 0 : i32
      %dma_wait3A_100 = tpu.memref_slice %arg7[%arg0, %add3A_86, %dma_wait3A_99] : memref<2x10240x128xf32, #tpu.memory_space<hbm>> -> memref<1x80x128xf32, #tpu.memory_space<hbm>>
      %dma_wait3A_101 = tpu.memref_squeeze %dma_wait3A_100 : memref<1x80x128xf32, #tpu.memory_space<hbm>> -> memref<80x128xf32, #tpu.memory_space<hbm>>
      %dma_wait3A_102 = arith.constant 0 : i32
      %dma_wait3A_103 = tpu.memref_slice %arg7[%arg0, %add3A_86, %dma_wait3A_102] : memref<2x10240x128xf32, #tpu.memory_space<hbm>> -> memref<1x80x128xf32, #tpu.memory_space<hbm>>
      %dma_wait3A_104 = tpu.memref_squeeze %dma_wait3A_103 : memref<1x80x128xf32, #tpu.memory_space<hbm>> -> memref<80x128xf32, #tpu.memory_space<hbm>>
      tpu.wait_dma2 semaphore(%run_scoped3A : memref<!tpu.dma_semaphore, #tpu.memory_space<semaphore_mem>>) src(%arg16 : memref<80x128xf32, #tpu.memory_space<vmem>>) dst(%dma_wait3A_104 : memref<80x128xf32, #tpu.memory_space<hbm>>)
      tpu.yield
    }) : () -> ()
    %add3A_87 = arith.constant 400 : i32
    %add3A_88 = arith.addi %mul3A_16, %add3A_87 : i32
    "tpu.region"() ({
      %run_scoped3A = tpu.sem_alloc : memref<!tpu.dma_semaphore, #tpu.memory_space<semaphore_mem>>
      %dma_start3A_93 = arith.constant 0 : i32
      %dma_start3A_94 = tpu.memref_slice %arg21[%add3A_88, %dma_start3A_93] : memref<10240x128xf32, #tpu.memory_space<vmem_shared>> -> memref<80x128xf32, #tpu.memory_space<vmem_shared>>
      %dma_start3A_95 = arith.constant 0 : i32
      %dma_start3A_96 = tpu.memref_slice %arg21[%add3A_88, %dma_start3A_95] : memref<10240x128xf32, #tpu.memory_space<vmem_shared>> -> memref<80x128xf32, #tpu.memory_space<vmem_shared>>
      tpu.enqueue_dma source(%dma_start3A_96 : memref<80x128xf32, #tpu.memory_space<vmem_shared>>) target(%arg16 : memref<80x128xf32, #tpu.memory_space<vmem>>) target_semaphore(%run_scoped3A : memref<!tpu.dma_semaphore, #tpu.memory_space<semaphore_mem>>)
      %dma_wait3A_97 = arith.constant 0 : i32
      %dma_wait3A_98 = tpu.memref_slice %arg21[%add3A_88, %dma_wait3A_97] : memref<10240x128xf32, #tpu.memory_space<vmem_shared>> -> memref<80x128xf32, #tpu.memory_space<vmem_shared>>
      %dma_wait3A_99 = arith.constant 0 : i32
      %dma_wait3A_100 = tpu.memref_slice %arg21[%add3A_88, %dma_wait3A_99] : memref<10240x128xf32, #tpu.memory_space<vmem_shared>> -> memref<80x128xf32, #tpu.memory_space<vmem_shared>>
      tpu.wait_dma2 semaphore(%run_scoped3A : memref<!tpu.dma_semaphore, #tpu.memory_space<semaphore_mem>>) src(%dma_wait3A_100 : memref<80x128xf32, #tpu.memory_space<vmem_shared>>) dst(%arg16 : memref<80x128xf32, #tpu.memory_space<vmem>>)
      tpu.yield
    }) : () -> ()
    "tpu.region"() ({
      %run_scoped3A = tpu.sem_alloc : memref<!tpu.dma_semaphore, #tpu.memory_space<semaphore_mem>>
      %dma_start3A_93 = arith.constant 0 : i32
      %dma_start3A_94 = tpu.memref_slice %arg7[%arg0, %add3A_88, %dma_start3A_93] : memref<2x10240x128xf32, #tpu.memory_space<hbm>> -> memref<1x80x128xf32, #tpu.memory_space<hbm>>
      %dma_start3A_95 = tpu.memref_squeeze %dma_start3A_94 : memref<1x80x128xf32, #tpu.memory_space<hbm>> -> memref<80x128xf32, #tpu.memory_space<hbm>>
      %dma_start3A_96 = arith.constant 0 : i32
      %dma_start3A_97 = tpu.memref_slice %arg7[%arg0, %add3A_88, %dma_start3A_96] : memref<2x10240x128xf32, #tpu.memory_space<hbm>> -> memref<1x80x128xf32, #tpu.memory_space<hbm>>
      %dma_start3A_98 = tpu.memref_squeeze %dma_start3A_97 : memref<1x80x128xf32, #tpu.memory_space<hbm>> -> memref<80x128xf32, #tpu.memory_space<hbm>>
      tpu.enqueue_dma source(%arg16 : memref<80x128xf32, #tpu.memory_space<vmem>>) target(%dma_start3A_98 : memref<80x128xf32, #tpu.memory_space<hbm>>) target_semaphore(%run_scoped3A : memref<!tpu.dma_semaphore, #tpu.memory_space<semaphore_mem>>)
      %dma_wait3A_99 = arith.constant 0 : i32
      %dma_wait3A_100 = tpu.memref_slice %arg7[%arg0, %add3A_88, %dma_wait3A_99] : memref<2x10240x128xf32, #tpu.memory_space<hbm>> -> memref<1x80x128xf32, #tpu.memory_space<hbm>>
      %dma_wait3A_101 = tpu.memref_squeeze %dma_wait3A_100 : memref<1x80x128xf32, #tpu.memory_space<hbm>> -> memref<80x128xf32, #tpu.memory_space<hbm>>
      %dma_wait3A_102 = arith.constant 0 : i32
      %dma_wait3A_103 = tpu.memref_slice %arg7[%arg0, %add3A_88, %dma_wait3A_102] : memref<2x10240x128xf32, #tpu.memory_space<hbm>> -> memref<1x80x128xf32, #tpu.memory_space<hbm>>
      %dma_wait3A_104 = tpu.memref_squeeze %dma_wait3A_103 : memref<1x80x128xf32, #tpu.memory_space<hbm>> -> memref<80x128xf32, #tpu.memory_space<hbm>>
      tpu.wait_dma2 semaphore(%run_scoped3A : memref<!tpu.dma_semaphore, #tpu.memory_space<semaphore_mem>>) src(%arg16 : memref<80x128xf32, #tpu.memory_space<vmem>>) dst(%dma_wait3A_104 : memref<80x128xf32, #tpu.memory_space<hbm>>)
      tpu.yield
    }) : () -> ()
    %add3A_89 = arith.constant 480 : i32
    %add3A_90 = arith.addi %mul3A_16, %add3A_89 : i32
    "tpu.region"() ({
      %run_scoped3A = tpu.sem_alloc : memref<!tpu.dma_semaphore, #tpu.memory_space<semaphore_mem>>
      %dma_start3A_93 = arith.constant 0 : i32
      %dma_start3A_94 = tpu.memref_slice %arg21[%add3A_90, %dma_start3A_93] : memref<10240x128xf32, #tpu.memory_space<vmem_shared>> -> memref<80x128xf32, #tpu.memory_space<vmem_shared>>
      %dma_start3A_95 = arith.constant 0 : i32
      %dma_start3A_96 = tpu.memref_slice %arg21[%add3A_90, %dma_start3A_95] : memref<10240x128xf32, #tpu.memory_space<vmem_shared>> -> memref<80x128xf32, #tpu.memory_space<vmem_shared>>
      tpu.enqueue_dma source(%dma_start3A_96 : memref<80x128xf32, #tpu.memory_space<vmem_shared>>) target(%arg16 : memref<80x128xf32, #tpu.memory_space<vmem>>) target_semaphore(%run_scoped3A : memref<!tpu.dma_semaphore, #tpu.memory_space<semaphore_mem>>)
      %dma_wait3A_97 = arith.constant 0 : i32
      %dma_wait3A_98 = tpu.memref_slice %arg21[%add3A_90, %dma_wait3A_97] : memref<10240x128xf32, #tpu.memory_space<vmem_shared>> -> memref<80x128xf32, #tpu.memory_space<vmem_shared>>
      %dma_wait3A_99 = arith.constant 0 : i32
      %dma_wait3A_100 = tpu.memref_slice %arg21[%add3A_90, %dma_wait3A_99] : memref<10240x128xf32, #tpu.memory_space<vmem_shared>> -> memref<80x128xf32, #tpu.memory_space<vmem_shared>>
      tpu.wait_dma2 semaphore(%run_scoped3A : memref<!tpu.dma_semaphore, #tpu.memory_space<semaphore_mem>>) src(%dma_wait3A_100 : memref<80x128xf32, #tpu.memory_space<vmem_shared>>) dst(%arg16 : memref<80x128xf32, #tpu.memory_space<vmem>>)
      tpu.yield
    }) : () -> ()
    "tpu.region"() ({
      %run_scoped3A = tpu.sem_alloc : memref<!tpu.dma_semaphore, #tpu.memory_space<semaphore_mem>>
      %dma_start3A_93 = arith.constant 0 : i32
      %dma_start3A_94 = tpu.memref_slice %arg7[%arg0, %add3A_90, %dma_start3A_93] : memref<2x10240x128xf32, #tpu.memory_space<hbm>> -> memref<1x80x128xf32, #tpu.memory_space<hbm>>
      %dma_start3A_95 = tpu.memref_squeeze %dma_start3A_94 : memref<1x80x128xf32, #tpu.memory_space<hbm>> -> memref<80x128xf32, #tpu.memory_space<hbm>>
      %dma_start3A_96 = arith.constant 0 : i32
      %dma_start3A_97 = tpu.memref_slice %arg7[%arg0, %add3A_90, %dma_start3A_96] : memref<2x10240x128xf32, #tpu.memory_space<hbm>> -> memref<1x80x128xf32, #tpu.memory_space<hbm>>
      %dma_start3A_98 = tpu.memref_squeeze %dma_start3A_97 : memref<1x80x128xf32, #tpu.memory_space<hbm>> -> memref<80x128xf32, #tpu.memory_space<hbm>>
      tpu.enqueue_dma source(%arg16 : memref<80x128xf32, #tpu.memory_space<vmem>>) target(%dma_start3A_98 : memref<80x128xf32, #tpu.memory_space<hbm>>) target_semaphore(%run_scoped3A : memref<!tpu.dma_semaphore, #tpu.memory_space<semaphore_mem>>)
      %dma_wait3A_99 = arith.constant 0 : i32
      %dma_wait3A_100 = tpu.memref_slice %arg7[%arg0, %add3A_90, %dma_wait3A_99] : memref<2x10240x128xf32, #tpu.memory_space<hbm>> -> memref<1x80x128xf32, #tpu.memory_space<hbm>>
      %dma_wait3A_101 = tpu.memref_squeeze %dma_wait3A_100 : memref<1x80x128xf32, #tpu.memory_space<hbm>> -> memref<80x128xf32, #tpu.memory_space<hbm>>
      %dma_wait3A_102 = arith.constant 0 : i32
      %dma_wait3A_103 = tpu.memref_slice %arg7[%arg0, %add3A_90, %dma_wait3A_102] : memref<2x10240x128xf32, #tpu.memory_space<hbm>> -> memref<1x80x128xf32, #tpu.memory_space<hbm>>
      %dma_wait3A_104 = tpu.memref_squeeze %dma_wait3A_103 : memref<1x80x128xf32, #tpu.memory_space<hbm>> -> memref<80x128xf32, #tpu.memory_space<hbm>>
      tpu.wait_dma2 semaphore(%run_scoped3A : memref<!tpu.dma_semaphore, #tpu.memory_space<semaphore_mem>>) src(%arg16 : memref<80x128xf32, #tpu.memory_space<vmem>>) dst(%dma_wait3A_104 : memref<80x128xf32, #tpu.memory_space<hbm>>)
      tpu.yield
    }) : () -> ()
    %add3A_91 = arith.constant 560 : i32
    %add3A_92 = arith.addi %mul3A_16, %add3A_91 : i32
    "tpu.region"() ({
      %run_scoped3A = tpu.sem_alloc : memref<!tpu.dma_semaphore, #tpu.memory_space<semaphore_mem>>
      %dma_start3A_93 = arith.constant 0 : i32
      %dma_start3A_94 = tpu.memref_slice %arg21[%add3A_92, %dma_start3A_93] : memref<10240x128xf32, #tpu.memory_space<vmem_shared>> -> memref<80x128xf32, #tpu.memory_space<vmem_shared>>
      %dma_start3A_95 = arith.constant 0 : i32
      %dma_start3A_96 = tpu.memref_slice %arg21[%add3A_92, %dma_start3A_95] : memref<10240x128xf32, #tpu.memory_space<vmem_shared>> -> memref<80x128xf32, #tpu.memory_space<vmem_shared>>
      tpu.enqueue_dma source(%dma_start3A_96 : memref<80x128xf32, #tpu.memory_space<vmem_shared>>) target(%arg16 : memref<80x128xf32, #tpu.memory_space<vmem>>) target_semaphore(%run_scoped3A : memref<!tpu.dma_semaphore, #tpu.memory_space<semaphore_mem>>)
      %dma_wait3A_97 = arith.constant 0 : i32
      %dma_wait3A_98 = tpu.memref_slice %arg21[%add3A_92, %dma_wait3A_97] : memref<10240x128xf32, #tpu.memory_space<vmem_shared>> -> memref<80x128xf32, #tpu.memory_space<vmem_shared>>
      %dma_wait3A_99 = arith.constant 0 : i32
      %dma_wait3A_100 = tpu.memref_slice %arg21[%add3A_92, %dma_wait3A_99] : memref<10240x128xf32, #tpu.memory_space<vmem_shared>> -> memref<80x128xf32, #tpu.memory_space<vmem_shared>>
      tpu.wait_dma2 semaphore(%run_scoped3A : memref<!tpu.dma_semaphore, #tpu.memory_space<semaphore_mem>>) src(%dma_wait3A_100 : memref<80x128xf32, #tpu.memory_space<vmem_shared>>) dst(%arg16 : memref<80x128xf32, #tpu.memory_space<vmem>>)
      tpu.yield
    }) : () -> ()
    "tpu.region"() ({
      %run_scoped3A = tpu.sem_alloc : memref<!tpu.dma_semaphore, #tpu.memory_space<semaphore_mem>>
      %dma_start3A_93 = arith.constant 0 : i32
      %dma_start3A_94 = tpu.memref_slice %arg7[%arg0, %add3A_92, %dma_start3A_93] : memref<2x10240x128xf32, #tpu.memory_space<hbm>> -> memref<1x80x128xf32, #tpu.memory_space<hbm>>
      %dma_start3A_95 = tpu.memref_squeeze %dma_start3A_94 : memref<1x80x128xf32, #tpu.memory_space<hbm>> -> memref<80x128xf32, #tpu.memory_space<hbm>>
      %dma_start3A_96 = arith.constant 0 : i32
      %dma_start3A_97 = tpu.memref_slice %arg7[%arg0, %add3A_92, %dma_start3A_96] : memref<2x10240x128xf32, #tpu.memory_space<hbm>> -> memref<1x80x128xf32, #tpu.memory_space<hbm>>
      %dma_start3A_98 = tpu.memref_squeeze %dma_start3A_97 : memref<1x80x128xf32, #tpu.memory_space<hbm>> -> memref<80x128xf32, #tpu.memory_space<hbm>>
      tpu.enqueue_dma source(%arg16 : memref<80x128xf32, #tpu.memory_space<vmem>>) target(%dma_start3A_98 : memref<80x128xf32, #tpu.memory_space<hbm>>) target_semaphore(%run_scoped3A : memref<!tpu.dma_semaphore, #tpu.memory_space<semaphore_mem>>)
      %dma_wait3A_99 = arith.constant 0 : i32
      %dma_wait3A_100 = tpu.memref_slice %arg7[%arg0, %add3A_92, %dma_wait3A_99] : memref<2x10240x128xf32, #tpu.memory_space<hbm>> -> memref<1x80x128xf32, #tpu.memory_space<hbm>>
      %dma_wait3A_101 = tpu.memref_squeeze %dma_wait3A_100 : memref<1x80x128xf32, #tpu.memory_space<hbm>> -> memref<80x128xf32, #tpu.memory_space<hbm>>
      %dma_wait3A_102 = arith.constant 0 : i32
      %dma_wait3A_103 = tpu.memref_slice %arg7[%arg0, %add3A_92, %dma_wait3A_102] : memref<2x10240x128xf32, #tpu.memory_space<hbm>> -> memref<1x80x128xf32, #tpu.memory_space<hbm>>
      %dma_wait3A_104 = tpu.memref_squeeze %dma_wait3A_103 : memref<1x80x128xf32, #tpu.memory_space<hbm>> -> memref<80x128xf32, #tpu.memory_space<hbm>>
      tpu.wait_dma2 semaphore(%run_scoped3A : memref<!tpu.dma_semaphore, #tpu.memory_space<semaphore_mem>>) src(%arg16 : memref<80x128xf32, #tpu.memory_space<vmem>>) dst(%dma_wait3A_104 : memref<80x128xf32, #tpu.memory_space<hbm>>)
      tpu.yield
    }) : () -> ()
    "tpu.region"() ({
      %run_scoped3A = tpu.sem_alloc : memref<!tpu.dma_semaphore, #tpu.memory_space<semaphore_mem>>
      %dma_start3A_93 = tpu.memref_slice %arg22[%mul3A_16] : memref<10240xf32, #tpu.memory_space<vmem_shared>> -> memref<640xf32, #tpu.memory_space<vmem_shared>>
      %dma_start3A_94 = tpu.memref_slice %arg22[%mul3A_16] : memref<10240xf32, #tpu.memory_space<vmem_shared>> -> memref<640xf32, #tpu.memory_space<vmem_shared>>
      tpu.enqueue_dma source(%dma_start3A_94 : memref<640xf32, #tpu.memory_space<vmem_shared>>) target(%arg20 : memref<640xf32, #tpu.memory_space<vmem>>) target_semaphore(%run_scoped3A : memref<!tpu.dma_semaphore, #tpu.memory_space<semaphore_mem>>)
      %dma_wait3A_95 = tpu.memref_slice %arg22[%mul3A_16] : memref<10240xf32, #tpu.memory_space<vmem_shared>> -> memref<640xf32, #tpu.memory_space<vmem_shared>>
      %dma_wait3A_96 = tpu.memref_slice %arg22[%mul3A_16] : memref<10240xf32, #tpu.memory_space<vmem_shared>> -> memref<640xf32, #tpu.memory_space<vmem_shared>>
      tpu.wait_dma2 semaphore(%run_scoped3A : memref<!tpu.dma_semaphore, #tpu.memory_space<semaphore_mem>>) src(%dma_wait3A_96 : memref<640xf32, #tpu.memory_space<vmem_shared>>) dst(%arg20 : memref<640xf32, #tpu.memory_space<vmem>>)
      tpu.yield
    }) : () -> ()
    "tpu.region"() ({
      %run_scoped3A = tpu.sem_alloc : memref<!tpu.dma_semaphore, #tpu.memory_space<semaphore_mem>>
      %dma_start3A_93 = tpu.memref_slice %arg8[%arg0, %mul3A_16] : memref<2x10240xf32, #tpu.memory_space<hbm>> -> memref<1x640xf32, #tpu.memory_space<hbm>>
      %dma_start3A_94 = tpu.memref_squeeze %dma_start3A_93 : memref<1x640xf32, #tpu.memory_space<hbm>> -> memref<640xf32, #tpu.memory_space<hbm>>
      %dma_start3A_95 = tpu.memref_slice %arg8[%arg0, %mul3A_16] : memref<2x10240xf32, #tpu.memory_space<hbm>> -> memref<1x640xf32, #tpu.memory_space<hbm>>
      %dma_start3A_96 = tpu.memref_squeeze %dma_start3A_95 : memref<1x640xf32, #tpu.memory_space<hbm>> -> memref<640xf32, #tpu.memory_space<hbm>>
      tpu.enqueue_dma source(%arg20 : memref<640xf32, #tpu.memory_space<vmem>>) target(%dma_start3A_96 : memref<640xf32, #tpu.memory_space<hbm>>) target_semaphore(%run_scoped3A : memref<!tpu.dma_semaphore, #tpu.memory_space<semaphore_mem>>)
      %dma_wait3A_97 = tpu.memref_slice %arg8[%arg0, %mul3A_16] : memref<2x10240xf32, #tpu.memory_space<hbm>> -> memref<1x640xf32, #tpu.memory_space<hbm>>
      %dma_wait3A_98 = tpu.memref_squeeze %dma_wait3A_97 : memref<1x640xf32, #tpu.memory_space<hbm>> -> memref<640xf32, #tpu.memory_space<hbm>>
      %dma_wait3A_99 = tpu.memref_slice %arg8[%arg0, %mul3A_16] : memref<2x10240xf32, #tpu.memory_space<hbm>> -> memref<1x640xf32, #tpu.memory_space<hbm>>
      %dma_wait3A_100 = tpu.memref_squeeze %dma_wait3A_99 : memref<1x640xf32, #tpu.memory_space<hbm>> -> memref<640xf32, #tpu.memory_space<hbm>>
      tpu.wait_dma2 semaphore(%run_scoped3A : memref<!tpu.dma_semaphore, #tpu.memory_space<semaphore_mem>>) src(%arg20 : memref<640xf32, #tpu.memory_space<vmem>>) dst(%dma_wait3A_100 : memref<640xf32, #tpu.memory_space<hbm>>)
      tpu.yield
    }) : () -> ()
    return
  }
}

#map = affine_map<(d0, d1) -> (0)>
module attributes {stable_mosaic.version = 14 : i64} {
  func.func @_alpha_body(%arg0: i32, %arg1: i32, %arg2: memref<320000xf32, #tpu.memory_space<hbm>>, %arg3: memref<320000xi32, #tpu.memory_space<hbm>>, %arg4: memref<10240xf32, #tpu.memory_space<hbm>>, %arg5: memref<320000xf32, #tpu.memory_space<hbm>>, %arg6: memref<2000xi32, #tpu.memory_space<vmem>>, %arg7: memref<2000xf32, #tpu.memory_space<vmem>>, %arg8: memref<2000xf32, #tpu.memory_space<vmem>>, %arg9: memref<2000xf32, #tpu.memory_space<vmem>>, %arg10: memref<!tpu.dma_semaphore, #tpu.memory_space<semaphore_mem>>) attributes {dimension_semantics = [#tpu.dimension_semantics<core_parallel>, #tpu.dimension_semantics<subcore_parallel>], iteration_bounds = array<i64: 2, 16>, scalar_prefetch = 0 : i64, scratch_operands = 5 : i64, tpu.core_type = #tpu.core_type<sc_vector_subcore>, window_params = [{transform_indices = #map}, {transform_indices = #map}, {transform_indices = #map}, {transform_indices = #map}]} {
    %mul3A = arith.constant 2 : i32
    %mul3A_0 = arith.muli %arg1, %mul3A : i32
    %add3A = arith.addi %mul3A_0, %arg0 : i32
    %mul3A_1 = arith.constant 10000 : i32
    %mul3A_2 = arith.muli %add3A, %mul3A_1 : i32
    %scan3A = arith.constant 0 : i32
    %scan3A_3 = arith.constant 0 : i32
    %scan3A_4 = arith.constant 5 : i32
    %scan3A_5 = arith.addi %scan3A_3, %scan3A_4 : i32
    %scan3A_6 = arith.constant 1 : i32
    %scan3A_7 = scf.for %scan3A_9 = %scan3A_3 to %scan3A_5 step %scan3A_6 iter_args(%scan3A_10 = %scan3A) -> (i32)  : i32 {
      %mul3A_11 = arith.constant 2000 : i32
      %mul3A_12 = arith.muli %scan3A_9, %mul3A_11 : i32
      %add3A_13 = arith.addi %mul3A_2, %mul3A_12 : i32
      "tpu.region"() ({
        %run_scoped3A = tpu.sem_alloc : memref<!tpu.dma_semaphore, #tpu.memory_space<semaphore_mem>>
        %dma_start3A_24 = tpu.memref_slice %arg3[%add3A_13] : memref<320000xi32, #tpu.memory_space<hbm>> -> memref<2000xi32, #tpu.memory_space<hbm>>
        %dma_start3A_25 = tpu.memref_slice %arg3[%add3A_13] : memref<320000xi32, #tpu.memory_space<hbm>> -> memref<2000xi32, #tpu.memory_space<hbm>>
        tpu.enqueue_dma source(%dma_start3A_25 : memref<2000xi32, #tpu.memory_space<hbm>>) target(%arg6 : memref<2000xi32, #tpu.memory_space<vmem>>) target_semaphore(%run_scoped3A : memref<!tpu.dma_semaphore, #tpu.memory_space<semaphore_mem>>)
        %dma_wait3A_26 = tpu.memref_slice %arg3[%add3A_13] : memref<320000xi32, #tpu.memory_space<hbm>> -> memref<2000xi32, #tpu.memory_space<hbm>>
        %dma_wait3A_27 = tpu.memref_slice %arg3[%add3A_13] : memref<320000xi32, #tpu.memory_space<hbm>> -> memref<2000xi32, #tpu.memory_space<hbm>>
        tpu.wait_dma2 semaphore(%run_scoped3A : memref<!tpu.dma_semaphore, #tpu.memory_space<semaphore_mem>>) src(%dma_wait3A_27 : memref<2000xi32, #tpu.memory_space<hbm>>) dst(%arg6 : memref<2000xi32, #tpu.memory_space<vmem>>)
        tpu.yield
      }) : () -> ()
      "tpu.region"() ({
        %run_scoped3A = tpu.sem_alloc : memref<!tpu.dma_semaphore, #tpu.memory_space<semaphore_mem>>
        %dma_start3A_24 = tpu.memref_slice %arg2[%add3A_13] : memref<320000xf32, #tpu.memory_space<hbm>> -> memref<2000xf32, #tpu.memory_space<hbm>>
        %dma_start3A_25 = tpu.memref_slice %arg2[%add3A_13] : memref<320000xf32, #tpu.memory_space<hbm>> -> memref<2000xf32, #tpu.memory_space<hbm>>
        tpu.enqueue_dma source(%dma_start3A_25 : memref<2000xf32, #tpu.memory_space<hbm>>) target(%arg7 : memref<2000xf32, #tpu.memory_space<vmem>>) target_semaphore(%run_scoped3A : memref<!tpu.dma_semaphore, #tpu.memory_space<semaphore_mem>>)
        %dma_wait3A_26 = tpu.memref_slice %arg2[%add3A_13] : memref<320000xf32, #tpu.memory_space<hbm>> -> memref<2000xf32, #tpu.memory_space<hbm>>
        %dma_wait3A_27 = tpu.memref_slice %arg2[%add3A_13] : memref<320000xf32, #tpu.memory_space<hbm>> -> memref<2000xf32, #tpu.memory_space<hbm>>
        tpu.wait_dma2 semaphore(%run_scoped3A : memref<!tpu.dma_semaphore, #tpu.memory_space<semaphore_mem>>) src(%dma_wait3A_27 : memref<2000xf32, #tpu.memory_space<hbm>>) dst(%arg7 : memref<2000xf32, #tpu.memory_space<vmem>>)
        tpu.yield
      }) : () -> ()
      %dma_start3A = arith.constant 0 : i32
      %dma_start3A_14 = tpu.memref_slice %arg4[%dma_start3A] : memref<10240xf32, #tpu.memory_space<hbm>> -> memref<10240xf32, #tpu.memory_space<hbm>>
      tpu.enqueue_indirect_dma source(%dma_start3A_14 : memref<10240xf32, #tpu.memory_space<hbm>>) target(%arg8 : memref<2000xf32, #tpu.memory_space<vmem>>) offsets(%arg6 : memref<2000xi32, #tpu.memory_space<vmem>>) semaphore(%arg10 : memref<!tpu.dma_semaphore, #tpu.memory_space<semaphore_mem>>)
      %dma_wait3A = arith.constant 0 : i32
      %dma_wait3A_15 = tpu.memref_slice %arg4[%dma_wait3A] : memref<10240xf32, #tpu.memory_space<hbm>> -> memref<10240xf32, #tpu.memory_space<hbm>>
      tpu.wait_indirect_dma semaphore(%arg10 : memref<!tpu.dma_semaphore, #tpu.memory_space<semaphore_mem>>) src(%dma_wait3A_15 : memref<10240xf32, #tpu.memory_space<hbm>>) dst(%arg8 : memref<2000xf32, #tpu.memory_space<vmem>>)
      %scan3A_16 = arith.constant 0 : i32
      %scan3A_17 = arith.constant 0 : i32
      %scan3A_18 = arith.constant 125 : i32
      %scan3A_19 = arith.addi %scan3A_17, %scan3A_18 : i32
      %scan3A_20 = arith.constant 1 : i32
      %scan3A_21 = scf.for %scan3A_24 = %scan3A_17 to %scan3A_19 step %scan3A_20 iter_args(%scan3A_25 = %scan3A_16) -> (i32)  : i32 {
        %mul3A_26 = arith.constant 16 : i32
        %mul3A_27 = arith.muli %scan3A_24, %mul3A_26 : i32
        %multiple_of3A = tpu.assume_multiple %mul3A_27, 16 : i32
        %get3A = arith.index_cast %multiple_of3A : i32 to index
        %get3A_28 = tpu.vector_load %arg7[%get3A] {strides = array<i32>} : memref<2000xf32, #tpu.memory_space<vmem>>, vector<16xf32>,
        %get3A_29 = vector.shape_cast %get3A_28 : vector<16xf32> to vector<16xf32>
        %get3A_30 = arith.index_cast %multiple_of3A : i32 to index
        %get3A_31 = tpu.vector_load %arg8[%get3A_30] {strides = array<i32>} : memref<2000xf32, #tpu.memory_space<vmem>>, vector<16xf32>,
        %get3A_32 = vector.shape_cast %get3A_31 : vector<16xf32> to vector<16xf32>
        %add3A_33 = arith.constant 9.99999968E-21 : f32
        %add3A_34 = vector.broadcast %add3A_33 : f32 to vector<16xf32>
        %add3A_35 = arith.addf %get3A_32, %add3A_34 : vector<16xf32>
        %div3A = arith.divf %get3A_29, %add3A_35 : vector<16xf32>
        %swap3A = arith.index_cast %multiple_of3A : i32 to index
        %swap3A_36 = tpu.vector_load %arg9[%swap3A] {strides = array<i32>} : memref<2000xf32, #tpu.memory_space<vmem>>, vector<16xf32>,
        %swap3A_37 = vector.shape_cast %swap3A_36 : vector<16xf32> to vector<16xf32>
        %swap3A_38 = vector.shape_cast %div3A : vector<16xf32> to vector<16xf32>
        tpu.vector_store %arg9[%swap3A], %swap3A_38 {strides = array<i32>} : memref<2000xf32, #tpu.memory_space<vmem>>, vector<16xf32>,
        %scan3A_39 = arith.constant 0 : i32
        scf.yield %scan3A_39 : i32
      }
      %scan3A_22 = arith.constant 125 : i32
      "tpu.region"() ({
        %run_scoped3A = tpu.sem_alloc : memref<!tpu.dma_semaphore, #tpu.memory_space<semaphore_mem>>
        %dma_start3A_24 = tpu.memref_slice %arg5[%add3A_13] : memref<320000xf32, #tpu.memory_space<hbm>> -> memref<2000xf32, #tpu.memory_space<hbm>>
        %dma_start3A_25 = tpu.memref_slice %arg5[%add3A_13] : memref<320000xf32, #tpu.memory_space<hbm>> -> memref<2000xf32, #tpu.memory_space<hbm>>
        tpu.enqueue_dma source(%arg9 : memref<2000xf32, #tpu.memory_space<vmem>>) target(%dma_start3A_25 : memref<2000xf32, #tpu.memory_space<hbm>>) target_semaphore(%run_scoped3A : memref<!tpu.dma_semaphore, #tpu.memory_space<semaphore_mem>>)
        %dma_wait3A_26 = tpu.memref_slice %arg5[%add3A_13] : memref<320000xf32, #tpu.memory_space<hbm>> -> memref<2000xf32, #tpu.memory_space<hbm>>
        %dma_wait3A_27 = tpu.memref_slice %arg5[%add3A_13] : memref<320000xf32, #tpu.memory_space<hbm>> -> memref<2000xf32, #tpu.memory_space<hbm>>
        tpu.wait_dma2 semaphore(%run_scoped3A : memref<!tpu.dma_semaphore, #tpu.memory_space<semaphore_mem>>) src(%arg9 : memref<2000xf32, #tpu.memory_space<vmem>>) dst(%dma_wait3A_27 : memref<2000xf32, #tpu.memory_space<hbm>>)
        tpu.yield
      }) : () -> ()
      %scan3A_23 = arith.constant 0 : i32
      scf.yield %scan3A_23 : i32
    }
    %scan3A_8 = arith.constant 5 : i32
    return
  }
}

module attributes {stable_mosaic.version = 14 : i64} {
  func.func @_fin_body(%arg0: memref<2x10240x128xf32, #tpu.memory_space<vmem>>, %arg1: memref<2x10240x1xf32, #tpu.memory_space<vmem>>, %arg2: memref<10240x128xf32, #tpu.memory_space<vmem>>, %arg3: memref<10240x1xf32, #tpu.memory_space<vmem>>) attributes {dimension_semantics = [], scalar_prefetch = 0 : i64, scratch_operands = 0 : i64, tpu.core_type = #tpu.core_type<tc>} {
    %get3A = arith.constant 0 : index
    %get3A_0 = arith.constant 0 : index
    %get3A_1 = arith.constant 0 : index
    %get3A_2 = vector.load %arg1[%get3A, %get3A_0, %get3A_1] : memref<2x10240x1xf32, #tpu.memory_space<vmem>>, vector<1x10240x1xf32>
    %get3A_3 = vector.shape_cast %get3A_2 : vector<1x10240x1xf32> to vector<10240x1xf32>
    %get3A_4 = arith.constant 1 : index
    %get3A_5 = arith.constant 0 : index
    %get3A_6 = arith.constant 0 : index
    %get3A_7 = vector.load %arg1[%get3A_4, %get3A_5, %get3A_6] : memref<2x10240x1xf32, #tpu.memory_space<vmem>>, vector<1x10240x1xf32>
    %get3A_8 = vector.shape_cast %get3A_7 : vector<1x10240x1xf32> to vector<10240x1xf32>
    %add3A = arith.addf %get3A_3, %get3A_8 : vector<10240x1xf32>
    %swap3A = arith.constant 0 : index
    %swap3A_9 = arith.constant 0 : index
    %swap3A_10 = vector.load %arg3[%swap3A, %swap3A_9] : memref<10240x1xf32, #tpu.memory_space<vmem>>, vector<10240x1xf32>
    tpu.vector_store %arg3[%swap3A, %swap3A_9], %add3A {strides = array<i32>} : memref<10240x1xf32, #tpu.memory_space<vmem>>, vector<10240x1xf32>,
    %get3A_11 = arith.constant 0 : index
    %get3A_12 = arith.constant 0 : index
    %get3A_13 = arith.constant 0 : index
    %get3A_14 = vector.load %arg0[%get3A_11, %get3A_12, %get3A_13] : memref<2x10240x128xf32, #tpu.memory_space<vmem>>, vector<1x10240x128xf32>
    %get3A_15 = vector.shape_cast %get3A_14 : vector<1x10240x128xf32> to vector<10240x128xf32>
    %get3A_16 = arith.constant 1 : index
    %get3A_17 = arith.constant 0 : index
    %get3A_18 = arith.constant 0 : index
    %get3A_19 = vector.load %arg0[%get3A_16, %get3A_17, %get3A_18] : memref<2x10240x128xf32, #tpu.memory_space<vmem>>, vector<1x10240x128xf32>
    %get3A_20 = vector.shape_cast %get3A_19 : vector<1x10240x128xf32> to vector<10240x128xf32>
    %add3A_21 = arith.addf %get3A_15, %get3A_20 : vector<10240x128xf32>
    %add3A_22 = arith.constant 9.99999968E-21 : f32
    %add3A_23 = vector.broadcast %add3A_22 : f32 to vector<10240x1xf32>
    %add3A_24 = arith.addf %add3A, %add3A_23 : vector<10240x1xf32>
    %div3A = vector.broadcast %add3A_24 : vector<10240x1xf32> to vector<10240x128xf32>
    %div3A_25 = arith.divf %add3A_21, %div3A : vector<10240x128xf32>
    %swap3A_26 = arith.constant 0 : index
    %swap3A_27 = arith.constant 0 : index
    %swap3A_28 = vector.load %arg2[%swap3A_26, %swap3A_27] : memref<10240x128xf32, #tpu.memory_space<vmem>>, vector<10240x128xf32>
    tpu.vector_store %arg2[%swap3A_26, %swap3A_27], %div3A_25 {strides = array<i32>} : memref<10240x128xf32, #tpu.memory_space<vmem>>, vector<10240x128xf32>,
    return
  }
}

module attributes {stable_mosaic.version = 14 : i64} {
  func.func @_proj_body(%arg0: i32, %arg1: memref<2000x128xf32, #tpu.memory_space<vmem>>, %arg2: memref<128x128xf32, #tpu.memory_space<vmem>>, %arg3: memref<1x128xf32, #tpu.memory_space<vmem>>, %arg4: memref<128x128xf32, #tpu.memory_space<vmem>>, %arg5: memref<1x128xf32, #tpu.memory_space<vmem>>, %arg6: memref<128x128xf32, #tpu.memory_space<vmem>>, %arg7: memref<1x128xf32, #tpu.memory_space<vmem>>, %arg8: memref<2000x128xf32, #tpu.memory_space<vmem>>, %arg9: memref<2000x128xf32, #tpu.memory_space<vmem>>, %arg10: memref<2000x128xf32, #tpu.memory_space<vmem>>) attributes {dimension_semantics = [#tpu.dimension_semantics<arbitrary>], iteration_bounds = array<i64: 5>, scalar_prefetch = 0 : i64, scratch_operands = 0 : i64, tpu.core_type = #tpu.core_type<tc>, window_params = [{transform_indices = @transform_0, window_bounds = array<i64: 2000, 128>}, {pipeline_mode = #tpu.pipeline_mode<synchronous>, transform_indices = @transform_1, window_bounds = array<i64: 128, 128>}, {pipeline_mode = #tpu.pipeline_mode<synchronous>, transform_indices = @transform_2, window_bounds = array<i64: 1, 128>}, {pipeline_mode = #tpu.pipeline_mode<synchronous>, transform_indices = @transform_3, window_bounds = array<i64: 128, 128>}, {pipeline_mode = #tpu.pipeline_mode<synchronous>, transform_indices = @transform_4, window_bounds = array<i64: 1, 128>}, {pipeline_mode = #tpu.pipeline_mode<synchronous>, transform_indices = @transform_5, window_bounds = array<i64: 128, 128>}, {pipeline_mode = #tpu.pipeline_mode<synchronous>, transform_indices = @transform_6, window_bounds = array<i64: 1, 128>}, {transform_indices = @transform_7, window_bounds = array<i64: 2000, 128>}, {transform_indices = @transform_8, window_bounds = array<i64: 2000, 128>}, {transform_indices = @transform_9, window_bounds = array<i64: 2000, 128>}]} {
    %get3A = arith.constant 0 : index
    %get3A_0 = arith.constant 0 : index
    %get3A_1 = vector.load %arg1[%get3A, %get3A_0] : memref<2000x128xf32, #tpu.memory_space<vmem>>, vector<2000x128xf32>
    %get3A_2 = arith.constant 0 : index
    %get3A_3 = arith.constant 0 : index
    %get3A_4 = vector.load %arg2[%get3A_2, %get3A_3] : memref<128x128xf32, #tpu.memory_space<vmem>>, vector<128x128xf32>
    %dot_general3A = arith.constant dense<0.000000e+00> : vector<2000x128xf32>
    %dot_general3A_5 = tpu.matmul %get3A_1, %get3A_4, %dot_general3A {dimension_numbers = #tpu.dot_dimension_numbers<[1], [1], [0], [0], [0, 0, 1, 0], [], []>, transpose_lhs_hint = false} : vector<2000x128xf32>, vector<128x128xf32>, vector<2000x128xf32> -> vector<2000x128xf32>
    %get3A_6 = arith.constant 0 : index
    %get3A_7 = arith.constant 0 : index
    %get3A_8 = vector.load %arg3[%get3A_6, %get3A_7] : memref<1x128xf32, #tpu.memory_space<vmem>>, vector<1x128xf32>
    %add3A = vector.broadcast %get3A_8 : vector<1x128xf32> to vector<2000x128xf32>
    %add3A_9 = arith.addf %dot_general3A_5, %add3A : vector<2000x128xf32>
    %swap3A = arith.constant 0 : index
    %swap3A_10 = arith.constant 0 : index
    %swap3A_11 = vector.load %arg8[%swap3A, %swap3A_10] : memref<2000x128xf32, #tpu.memory_space<vmem>>, vector<2000x128xf32>
    tpu.vector_store %arg8[%swap3A, %swap3A_10], %add3A_9 {strides = array<i32>} : memref<2000x128xf32, #tpu.memory_space<vmem>>, vector<2000x128xf32>,
    %get3A_12 = arith.constant 0 : index
    %get3A_13 = arith.constant 0 : index
    %get3A_14 = vector.load %arg4[%get3A_12, %get3A_13] : memref<128x128xf32, #tpu.memory_space<vmem>>, vector<128x128xf32>
    %dot_general3A_15 = arith.constant dense<0.000000e+00> : vector<2000x128xf32>
    %dot_general3A_16 = tpu.matmul %get3A_1, %get3A_14, %dot_general3A_15 {dimension_numbers = #tpu.dot_dimension_numbers<[1], [1], [0], [0], [0, 0, 1, 0], [], []>, transpose_lhs_hint = false} : vector<2000x128xf32>, vector<128x128xf32>, vector<2000x128xf32> -> vector<2000x128xf32>
    %get3A_17 = arith.constant 0 : index
    %get3A_18 = arith.constant 0 : index
    %get3A_19 = vector.load %arg5[%get3A_17, %get3A_18] : memref<1x128xf32, #tpu.memory_space<vmem>>, vector<1x128xf32>
    %add3A_20 = vector.broadcast %get3A_19 : vector<1x128xf32> to vector<2000x128xf32>
    %add3A_21 = arith.addf %dot_general3A_16, %add3A_20 : vector<2000x128xf32>
    %swap3A_22 = arith.constant 0 : index
    %swap3A_23 = arith.constant 0 : index
    %swap3A_24 = vector.load %arg9[%swap3A_22, %swap3A_23] : memref<2000x128xf32, #tpu.memory_space<vmem>>, vector<2000x128xf32>
    tpu.vector_store %arg9[%swap3A_22, %swap3A_23], %add3A_21 {strides = array<i32>} : memref<2000x128xf32, #tpu.memory_space<vmem>>, vector<2000x128xf32>,
    %get3A_25 = arith.constant 0 : index
    %get3A_26 = arith.constant 0 : index
    %get3A_27 = vector.load %arg6[%get3A_25, %get3A_26] : memref<128x128xf32, #tpu.memory_space<vmem>>, vector<128x128xf32>
    %dot_general3A_28 = arith.constant dense<0.000000e+00> : vector<2000x128xf32>
    %dot_general3A_29 = tpu.matmul %get3A_1, %get3A_27, %dot_general3A_28 {dimension_numbers = #tpu.dot_dimension_numbers<[1], [1], [0], [0], [0, 0, 1, 0], [], []>, transpose_lhs_hint = false} : vector<2000x128xf32>, vector<128x128xf32>, vector<2000x128xf32> -> vector<2000x128xf32>
    %get3A_30 = arith.constant 0 : index
    %get3A_31 = arith.constant 0 : index
    %get3A_32 = vector.load %arg7[%get3A_30, %get3A_31] : memref<1x128xf32, #tpu.memory_space<vmem>>, vector<1x128xf32>
    %add3A_33 = vector.broadcast %get3A_32 : vector<1x128xf32> to vector<2000x128xf32>
    %add3A_34 = arith.addf %dot_general3A_29, %add3A_33 : vector<2000x128xf32>
    %swap3A_35 = arith.constant 0 : index
    %swap3A_36 = arith.constant 0 : index
    %swap3A_37 = vector.load %arg10[%swap3A_35, %swap3A_36] : memref<2000x128xf32, #tpu.memory_space<vmem>>, vector<2000x128xf32>
    tpu.vector_store %arg10[%swap3A_35, %swap3A_36], %add3A_34 {strides = array<i32>} : memref<2000x128xf32, #tpu.memory_space<vmem>>, vector<2000x128xf32>,
    return
  }
  func.func @transform_0(%arg0: i32) -> (i32, i32) {
    %c0_i32 = arith.constant 0 : i32
    %c0_i32_0 = arith.constant 0 : i32
    return %arg0, %c0_i32 : i32, i32
  }
  func.func @transform_1(%arg0: i32) -> (i32, i32) {
    %c0_i32 = arith.constant 0 : i32
    %c0_i32_0 = arith.constant 0 : i32
    %c0_i32_1 = arith.constant 0 : i32
    return %c0_i32, %c0_i32_0 : i32, i32
  }
  func.func @transform_2(%arg0: i32) -> (i32, i32) {
    %c0_i32 = arith.constant 0 : i32
    %c0_i32_0 = arith.constant 0 : i32
    %c0_i32_1 = arith.constant 0 : i32
    return %c0_i32, %c0_i32_0 : i32, i32
  }
  func.func @transform_3(%arg0: i32) -> (i32, i32) {
    %c0_i32 = arith.constant 0 : i32
    %c0_i32_0 = arith.constant 0 : i32
    %c0_i32_1 = arith.constant 0 : i32
    return %c0_i32, %c0_i32_0 : i32, i32
  }
  func.func @transform_4(%arg0: i32) -> (i32, i32) {
    %c0_i32 = arith.constant 0 : i32
    %c0_i32_0 = arith.constant 0 : i32
    %c0_i32_1 = arith.constant 0 : i32
    return %c0_i32, %c0_i32_0 : i32, i32
  }
  func.func @transform_5(%arg0: i32) -> (i32, i32) {
    %c0_i32 = arith.constant 0 : i32
    %c0_i32_0 = arith.constant 0 : i32
    %c0_i32_1 = arith.constant 0 : i32
    return %c0_i32, %c0_i32_0 : i32, i32
  }
  func.func @transform_6(%arg0: i32) -> (i32, i32) {
    %c0_i32 = arith.constant 0 : i32
    %c0_i32_0 = arith.constant 0 : i32
    %c0_i32_1 = arith.constant 0 : i32
    return %c0_i32, %c0_i32_0 : i32, i32
  }
  func.func @transform_7(%arg0: i32) -> (i32, i32) {
    %c0_i32 = arith.constant 0 : i32
    %c0_i32_0 = arith.constant 0 : i32
    return %arg0, %c0_i32 : i32, i32
  }
  func.func @transform_8(%arg0: i32) -> (i32, i32) {
    %c0_i32 = arith.constant 0 : i32
    %c0_i32_0 = arith.constant 0 : i32
    return %arg0, %c0_i32 : i32, i32
  }
  func.func @transform_9(%arg0: i32) -> (i32, i32) {
    %c0_i32 = arith.constant 0 : i32
    %c0_i32_0 = arith.constant 0 : i32
    return %arg0, %c0_i32 : i32, i32
  }
}

</mosaic_0001>

<sc_bundles>
// kernel: kernel.6.cloned.1.call-start
scs
__scs_entry_jumppad:
0x0: {  	(pc) =	sbr.rel $0x88, $3  }
0x1: {  	(tag) =	ssettag $0x0;
	lr =	simm.s32 $0x1  }
0x2: {  	[smem:$0x3F99] =	sst lr;
	_ =	strace $0xD0000000  }
0x3: {  	_ = 	snop  }
0x4: {  	_ = 	snop  }
0x5: {  	_ = 	snop  }
0x6: {  	_ = 	snop  }
0x7: {  	_ = 	snop  }
__scs_overlays_trampoline_lowered:
0x8: {  	[smem:$0x3FA8] =	sst s0  }
0x9: {  	[smem:$0x3FA9] =	sst s1  }
0xa: {  	[smem:$0x3FAA] =	sst s2  }
0xb: {  	[smem:$0x3FAB] =	sst s3  }
0xc: {  	[smem:$0x3FAC] =	sst s4  }
0xd: {  	[smem:$0x3FAD] =	sst s5  }
0xe: {  	[smem:$0x3FAE] =	sst s6  }
0xf: {  	[smem:$0x3FAF] =	sst s7  }
0x10: {  	[smem:$0x3FB0] =	sst s8  }
0x11: {  	[smem:$0x3FB1] =	sst s9;
	s0 =	simm.s32 @!p0 $0x0  }
0x12: {  	s1 =	sld [smem:$0x3F97];
	s0 =	simm.s32 @p0 $0x1  }
0x13: {  	[smem:$0x3FB2] =	sst s0;
	s0 =	simm.s32 @!p1 $0x0  }
0x14: {  	s2 =	sld [smem:$0x3F96];
	s0 =	simm.s32 @p1 $0x1  }
0x15: {  	[smem:$0x3FB3] =	sst s0;
	s0 =	simm.s32 @!p2 $0x0  }
0x16: {  	s3 =	sld [smem:$0x3FDB];
	s0 =	simm.s32 @p2 $0x1  }
0x17: {  	s4 =	simm.s32 $0x1BF5;
	[smem:$0x3FB5] =	sst s0  }
0x18: {  	s0 =	sld [smem:$0x3F98];
	_ =	swait.ge [sflag:s4], $0x0  }
0x19: {  	s7 =	sld [smem:$0x3F99]  }
0x1a: {  	s8 =	sadd.s32 $0xFFFFE003, lr  }
0x1b: {  	s9 =	sadd.s32 $0xFFFFFEF7, lr;
	s5 =	simm.s32 $0xFFFFFFFF;
	p2 =	slt.u32 s8, $0xFFFFF086  }
0x1c: {  	p1 =	slt.u32 s9, $0xF7A;
	s5 =	simm.s32 @!p2 $0x0  }
0x1d: {  	s5 =	simm.s32 @p1 $0x1;
	p0 =	seq.s32 s7, s2  }
0x1e: {  	s7 =	smul.u32 @!p0 $0xF7A, s2;
	p2 =	seq.s32 @!p0 s5, $0x0  }
0x1f: {  	s9 =	smul.u32 $0xF7A, s1;
	s8 =	simm.s32 @!p0 $0x1BF5;
	p2 =	por !p2, p0  }
0x20: {  	[sflag:s8] =	ssyncset.s32 @!p0 $0xFFFFF086;
	s6 =	sadd.s32 @!p0 s3, s7;
	s7 =	simm.s32 @!p0 $0x108  }
0x21: {  	s3 =	sadd.s32 s3, s9;
	s6 =	sadd.s32 @!p0 $0x88, s6;
	s7 =	simm.s32 @p2 $0x1082  }
0x22: {  	[simem:s7], [sflag:s8] =	dma.local @!p0 [hbm:s6], $0xF7A  }
0x23: {  	s9 =	sor.u32 $0xD0000000, s2;
	s6 =	simm.s32 $0x108;
	_ =	swait.ge @!p0 [sflag:s8], $0x0  }
0x24: {  	s3 =	sadd.s32 $0x88, s3;
	s6 =	simm.s32 @!p1 $0x1082;
	[sflag:s4] =	ssyncset.s32 $0xFFFFF086  }
0x25: {  	[simem:s6], [sflag:s4] =	dma.local [hbm:s3], $0xF7A  }
0x26: {  	[smem:$0x3F99] =	sst s1;
	(tag) =	ssettag s2;
	_ =	strace s9  }
0x27: {  	s1 =	sld [smem:$0x3FA9]  }
0x28: {  	s2 =	sld [smem:$0x3FAA]  }
0x29: {  	s4 =	sld [smem:$0x3FAC]  }
0x2a: {  	p0 =	seq.s32 s5, $0x0;
	s5 =	sld [smem:$0x3FAD]  }
0x2b: {  	s6 =	sld [smem:$0x3FAE]  }
0x2c: {  	s7 =	sld [smem:$0x3FAF]  }
0x2d: {  	s3 =	simm.s32 $0x108;
	s8 =	sld [smem:$0x3FB0]  }
0x2e: {  	s3 =	simm.s32 @!p0 $0x1082;
	s9 =	sld [smem:$0x3FB1]  }
0x2f: {  	lr =	sadd.s32 s0, s3;
	s0 =	sld [smem:$0x3FA8]  }
0x30: {  	s3 =	sld [smem:$0x3FAB]  }
0x31: {  	[smem:$0x3FB4] =	sst s10  }
0x32: {  	s10 =	sld [smem:$0x3FB2];
	_ =	sdelay $0x3  }
0x33: {  	p0 =	seq.s32 s10, $0x1;
	s10 =	sld [smem:$0x3FB4];
	_ =	sdelay $0x3  }
0x34: {  	[smem:$0x3FB4] =	sst s10  }
0x35: {  	s10 =	sld [smem:$0x3FB3];
	_ =	sdelay $0x3  }
0x36: {  	p1 =	seq.s32 s10, $0x1;
	s10 =	sld [smem:$0x3FB4];
	_ =	sdelay $0x3  }
0x37: {  	[smem:$0x3FB4] =	sst s10  }
0x38: {  	s10 =	sld [smem:$0x3FB5]  }
0x39: {  	_ = 	snop;
	(pc) =	sbr.ind lr, $3  }
0x3a: {  	_ = 	snop  }
0x3b: {  	_ = 	snop  }
0x3c: {  	p2 =	seq.s32 s10, $0x1;
	s10 =	sld [smem:$0x3FB4]  }
0x3d: {  	_ =	shalt  }
0x3e: {  	_ =	shalt  }
0x3f: {  	_ =	shalt  }
0x40: {  	_ =	shalt  }
0x41: {  	_ =	shalt  }
0x42: {  	_ =	shalt  }
0x43: {  	_ =	shalt  }
0x44: {  	_ =	shalt  }
0x45: {  	_ =	shalt  }
0x46: {  	_ =	shalt  }
0x47: {  	_ =	shalt  }
0x48: {  	_ =	shalt  }
0x49: {  	_ =	shalt  }
0x4a: {  	_ =	shalt  }
0x4b: {  	_ =	shalt  }
0x4c: {  	_ =	shalt  }
0x4d: {  	_ =	shalt  }
0x4e: {  	_ =	shalt  }
0x4f: {  	_ =	shalt  }
0x50: {  	_ =	shalt  }
0x51: {  	_ =	shalt  }
0x52: {  	_ =	shalt  }
0x53: {  	_ =	shalt  }
0x54: {  	_ =	shalt  }
0x55: {  	_ =	shalt  }
0x56: {  	_ =	shalt  }
0x57: {  	_ =	shalt  }
0x58: {  	_ =	shalt  }
0x59: {  	_ =	shalt  }
0x5a: {  	_ =	shalt  }
0x5b: {  	_ =	shalt  }
0x5c: {  	_ =	shalt  }
0x5d: {  	_ =	shalt  }
0x5e: {  	_ =	shalt  }
0x5f: {  	_ =	shalt  }
0x60: {  	_ =	shalt  }
0x61: {  	_ =	shalt  }
0x62: {  	_ =	shalt  }
0x63: {  	_ =	shalt  }
0x64: {  	_ =	shalt  }
0x65: {  	_ =	shalt  }
0x66: {  	_ =	shalt  }
0x67: {  	_ =	shalt  }
0x68: {  	_ =	shalt  }
0x69: {  	_ =	shalt  }
0x6a: {  	_ =	shalt  }
0x6b: {  	_ =	shalt  }
0x6c: {  	_ =	shalt  }
0x6d: {  	_ =	shalt  }
0x6e: {  	_ =	shalt  }
0x6f: {  	_ =	shalt  }
0x70: {  	_ =	shalt  }
0x71: {  	_ =	shalt  }
0x72: {  	_ =	shalt  }
0x73: {  	_ =	shalt  }
0x74: {  	_ =	shalt  }
0x75: {  	_ =	shalt  }
0x76: {  	_ =	shalt  }
0x77: {  	_ =	shalt  }
0x78: {  	_ =	shalt  }
0x79: {  	_ =	shalt  }
0x7a: {  	_ =	shalt  }
0x7b: {  	_ =	shalt  }
0x7c: {  	_ =	shalt  }
0x7d: {  	_ =	shalt  }
0x7e: {  	_ =	shalt  }
0x7f: {  	_ =	shalt  }
0x80: {  	_ =	shalt  }
0x81: {  	_ =	shalt  }
0x82: {  	_ =	shalt  }
0x83: {  	_ =	shalt  }
0x84: {  	_ =	shalt  }
0x85: {  	_ =	shalt  }
0x86: {  	_ =	shalt  }
0x87: {  	_ =	shalt  }
.Lfunc_end0:
.L_simem_size_0:
called_computation_lowered:
.L_overlay_start_0:
0x88: {  	s2 =	sld [smem:$0x3FD9]  }
0x89: {  	s3 =	sld [smem:$0x3FFE];
	_ =	sdelay $0x1  }
0x8a: {  	s1 =	srdreg.scid  }
0x8b: {  	s0 =	sand.u32 $0x1, s1  }
0x8c: {  	s14 =	sshll.u32 s0, $0xA;
	s2 =	sadd.s32 s3, s2  }
0x8d: {  	s2 =	sadd.s32 s2, s14  }
0x8e: {  	[smem:$0x3FC0] =	sst s2  }
0x8f: {  	_ = 	snop  }
0x90: {  	s2 =	sld [smem:$0x3FD0];
	_ =	sdelay $0x2  }
0x91: {  	s15 =	simm.s32 $0xA;
	s4 =	simm.s32 $0x10  }
0x92: {  	[smem:s4], [sflag:s15] =	dma.local [hbm:s2], $0x1  }
0x93: {  	_ =	swait.eq [sflag:s15], $0x1  }
0x94: {  	[sflag:s15] =	ssyncset.done $0x0  }
0x95: {  	s16 =	sld [smem:$0x10];
	[sflag:s15] =	ssyncadd.s32 $0xFFFFFFFF  }
0x96: {  	s17 =	sld [smem:$0x11];
	(tm) =	ssettm $0x1  }
0x97: {  	s18 =	sld [smem:$0x3FFB];
	_ =	sdelay $0x3  }
0x98: {  	_ =	strace s18  }
0x99: {  	s4 =	sld [smem:$0x3FFC];
	_ =	sdelay $0x3  }
0x9a: {  	_ =	strace s4  }
0x9b: {  	s4 =	sld [smem:$0x3FFD];
	_ =	sdelay $0x3  }
0x9c: {  	_ =	strace s4  }
0x9d: {  	_ =	strace $0x8FFFFFFF  }
0x9e: {  	s19 =	sld [smem:$0x3FDB];
	_ =	sdelay $0x1  }
0x9f: {  	s5 =	simm.s32 $_scs_section_size  }
0xa0: {  	s6 =	simm.s32 $_size__tile_overlayer_lowered;
	s7 =	simm.s32 $_tile_overlayer_lowered  }
0xa1: {  	s22 =	simm.s32 $0x1BFF;
	s21 =	sshll.u32 s7, $0x1;
	s4 =	sadd.s32 s5, s19  }
0xa2: {  	s8 =	simm.s32 $0x0;
	s20 =	sshll.u32 s6, $0x1;
	s6 =	sadd.s32 s21, s4  }
0xa3: {  	[timem:s8], [sflag:s22] =	dma.local [hbm:s6], s20  }
0xa4: {  	_ =	swait.ge [sflag:s22], s20  }
0xa5: {  	s5 =	ssub.s32 $0x0, s20;
	[sflag:s22] =	ssyncset.done $0x0  }
0xa6: {  	[sflag:s22] =	ssyncadd.s32 s5;
	_ =	sdelay $0x1  }
0xa7: {  	s23 =	simm.s32 $0x1B8B  }
0xa8: {  	_ =	swait.ge [sflag:s23], $0x1  }
0xa9: {  	[sflag:s23] =	ssyncset.done $0x0  }
0xaa: {  	s25 =	simm.s32 $0x1B8E;
	s24 =	sld [smem:$0x3FFE];
	[sflag:s23] =	ssyncadd.s32 $0xFFFFFFFF  }
0xab: {  	s26 =	simm.s32 $execute0_lowered;
	[smem:$0x3FD2] =	sst s25  }
0xac: {  	s6 =	sshll.u32 s26, $0x1;
	_ =	strace $0x80000046;
	[dreg:$0x1] =	wrdreg $0xFFFFFFFF  }
0xad: {  	s28 =	simm.s32 $_size_execute0_lowered;
	s4 =	sadd.s32 s4, s6;
	[dreg:$0x0] =	wrdreg $0x0  }
0xae: {  	s6 =	sshll.u32 s28, $0x1;
	[dreg:$0x2] =	wrdreg s4  }
0xaf: {  	[dreg:$0x3] =	wrdreg s6  }
0xb0: {  	[dreg:$0x4] =	wrdreg $0xC0  }
0xb1: {  	_ =	task [dreg:s8], $0x5FFFF  }
0xb2: {  	[dreg:$0x1] =	wrdreg $0xFFFFFFFF  }
0xb3: {  	[dreg:$0x0] =	wrdreg $0x60  }
0xb4: {  	[dreg:$0x2] =	wrdreg s16  }
0xb5: {  	[dreg:$0x3] =	wrdreg s24  }
0xb6: {  	[dreg:$0x4] =	wrdreg s17  }
0xb7: {  	[dreg:$0x5] =	wrdreg $0xA5800  }
0xb8: {  	[dreg:$0x6] =	wrdreg $0x1E5800  }
0xb9: {  	[dreg:$0x7] =	wrdreg $0x9  }
0xba: {  	_ =	task.clear_ibuf [dreg:s8], $0x8FFFF;
	_ =	strace $0x90000046  }
0xbb: {  	s29 =	simm.s32 $0x9;
	_ =	strace $0x80000048  }
0xbc: {  	_ =	swait.ge [sflag:s29], $0x1  }
0xbd: {  	[sflag:s29] =	ssyncadd.s32 $0xFFFFFFFF  }
0xbe: {  	_ =	strace $0x90000048  }
0xbf: {  	_ =	sfence  }
0xc0: {  	s30 =	sld [smem:$0x0];
	_ =	sdelay $0x2  }
0xc1: {  	s31 =	sshll.u32 s1, $0xD;
	s1 =	sshrl.u32 s1, $0x2  }
0xc2: {  	s3 =	sand.u32 $0x4000, s31;
	s1 =	sadd.s32 s1, s30  }
0xc3: {  	s0 =	sor.u32 s3, s0;
	s1 =	sshll.u32 s1, $0x11  }
0xc4: {  	s0 =	sor.u32 s1, s0  }
0xc5: {  	s0 =	sadd.s32 $0x8F2B, s0  }
0xc6: {  	[sflag:s0] =	ssyncadd.remote.s32 $0x1  }
0xc7: {  	_ =	sfence.sel $0xFFFF  }
0xc8: {  	[dreg:$0x0] =	wrdreg $0xFFFFFFFF;
	(pc) =	sbr.abs _section_cstart, $3  }
0xc9: {  	[dreg:$0x1] =	wrdreg $0xFFFFFFFF  }
0xca: {  	_ =	task.clear_ibuf [dreg:s8], $0x2FFFF;
	_ =	strace $0x9FFFFFFF  }
0xcb: {  	(tm) =	ssettm $0x7FFFFFFF  }
tec
execute0_lowered:
.L_overlay_start_1:
0x0: {  	(tag) =	ssettag $0x1  }
0x1: {  	s2 =	rddreg [dreg:$0x1]  }
0x2: {  	s19 =	rddreg [dreg:$0x2]  }
0x3: {  	s20 =	rddreg [dreg:$0x3]  }
0x4: {  	s0 =	srdreg.scid;
	s1 =	simm.s32 $0x0;
	s16 =	stileid.u32  }
0x5: {  	s3 =	sand.u32 $0x1, s0;
	[smem:$0x7FF] =	sst s1;
	s13 =	smul.u32 $0x500, s16  }
0x6: {  	s1 =	smul.u32 $0x280, s16;
	s7 =	sadd.s32 $0x5A400, s2;
	s14 =	sshll.u32 s16, $0x1  }
0x7: {  	s9 =	smul.u32 $0x14000, s16;
	s4 =	ssub.s32 $0x2, s3;
	s5 =	sshll.u32 s3, $0x7  }
0x8: {  	s8 =	smul.u32 $0x140000, s3;
	s3 =	sor.u32 s3, s14;
	s6 =	sshrl.u32 s4, $0x1  }
0x9: {  	s5 =	sor.u32 s5, s13;
	s15 =	sshll.u32 s1, $0x7;
	s3 =	smul.u32 $0x2710, s3  }
0xa: {  	s0 =	ssub.s32 s4, s6;
	s4 =	sor.u32 $0x2800, s15;
	s10 =	sadd.s32 $0x5000, s15  }
0xb: {  	s11 =	sadd.s32 $0x7800, s15;
	s12 =	sadd.s32 $0xA000, s15;
	s13 =	sadd.s32 $0xC800, s15  }
0xc: {  	s14 =	sadd.s32 $0xF000, s15;
	s9 =	sadd.s32 s9, s8;
	s6 =	sadd.s32 $0x11800, s15  }
0xd: {  	s5 =	sshrl.u32 s5, $0x3;
	s9 =	sshrl.u32 s9, $0x3;
	s15 =	sadd.s32 s8, s4  }
0xe: {  	s18 =	sadd.s32 s8, s10;
	s23 =	sadd.s32 s8, s11;
	s25 =	sadd.s32 s8, s12  }
0xf: {  	s28 =	sadd.s32 s8, s13;
	s5 =	sadd.s32 s5, s2;
	s4 =	sadd.s32 s4, s20  }
0x10: {  	s13 =	sadd.s32 s13, s20;
	s9 =	sadd.s32 s7, s9;
	s17 =	sshrl.u32 s15, $0x3  }
0x11: {  	s21 =	sshrl.u32 s18, $0x3;
	s24 =	sshrl.u32 s23, $0x3;
	s26 =	sshrl.u32 s25, $0x3  }
0x12: {  	s15 =	sshrl.u32 s28, $0x3;
	s28 =	smul.u32 $0x50000, s16;
	s16 =	sadd.s32 $0x32800, s2  }
0x13: {  	s25 =	sadd.s32 s11, s20;
	[dreg:$0x6] =	wrdreg s9;
	s9 =	sadd.s32 s7, s17  }
0x14: {  	s11 =	sshrl.u32 s3, $0x3;
	s17 =	sadd.s32 s8, s14;
	[dreg:$0x7] =	wrdreg s9  }
0x15: {  	s8 =	sadd.s32 s8, s6;
	s9 =	sadd.s32 s7, s21;
	s21 =	rddreg [dreg:$0x4]  }
0x16: {  	s6 =	sadd.s32 s6, s20;
	[dreg:$0x8] =	wrdreg s9;
	s9 =	sadd.s32 s7, s24  }
0x17: {  	s18 =	sshrl.u32 s17, $0x3;
	[dreg:$0x9] =	wrdreg s9;
	s9 =	sadd.s32 s7, s26  }
0x18: {  	s8 =	sshrl.u32 s8, $0x3;
	[dreg:$0xa] =	wrdreg s9;
	s9 =	sadd.s32 s7, s15  }
0x19: {  	s17 =	sadd.s32 $0x1800, s2;
	[dreg:$0xb] =	wrdreg s9;
	s9 =	sadd.s32 s7, s18  }
0x1a: {  	s1 =	sadd.s32 s1, s21;
	s7 =	sadd.s32 s7, s8;
	[dreg:$0xc] =	wrdreg s9  }
0x1b: {  	s26 =	sadd.s32 s12, s20;
	s12 =	sadd.s32 s14, s20;
	[dreg:$0xd] =	wrdreg s7  }
0x1c: {  	s15 =	sadd.s32 $0xB600, s2;
	_ =	strace $0x80000047;
	[dreg:$0x15] =	wrdreg s12  }
0x1d: {  	s18 =	sadd.s32 $0xAA400, s2;
	s2 =	sadd.s32 $0x4D8, s11;
	[dreg:$0x16] =	wrdreg s6  }
0x1e: {  	s24 =	sadd.s32 s10, s20;
	s14 =	sadd.s32 s19, s2;
	[dreg:$0x17] =	wrdreg s1  }
0x1f: {  	s8 =	sshrl.u32 s28, $0x2;
	s19 =	sadd.s32 s17, s2;
	[dreg:$0x18] =	wrdreg s14  }
0x20: {  	v0 =	vimm.s32 $0xFEDCBA98;
	v1 =	vimm.s32 $0x76543210;
	v2 =	vimm.s32 $0xBA98FEDC;
	s23 =	sadd.s32 s8, s20;
	s20 =	sadd.s32 s18, s2;
	[dreg:$0x19] =	wrdreg s19  }
0x21: {  	v3 =	vimm.s32 $0x32107654;
	v4 =	vimm.s32 $0xDCFE98BA;
	s21 =	sadd.s32 $0x59A00, s5;
	[dreg:$0x1a] =	wrdreg s20  }
0x22: {  	v5 =	vimm.s32 $0x54761032;
	v6 =	vimm.s32 $0xEFCDAB89;
	v7 =	vimm.s32 $0x67452301;
	s0 =	smax.u32 s0, $0x1;
	[dreg:$0x1b] =	wrdreg s21  }
0x23: {  	s22 =	simm.s32 $0x0;
	v0 =	vunpack.c.l.s4.s8 v0;
	v1 =	vunpack.c.l.s4.s8 v1;
	v2 =	vunpack.c.l.s4.s8 v2;
	[dreg:$0x1c] =	wrdreg s0  }
0x24: {  	s30 =	simm.s32 $0x2A00;
	v3 =	vunpack.c.l.s4.s8 v3;
	v4 =	vunpack.c.l.s4.s8 v4;
	v5 =	vunpack.c.l.s4.s8 v5;
	s28 =	sadd.s32 $0x50, s3;
	[dreg:$0xe] =	wrdreg s3  }
0x25: {  	s31 =	simm.s32 $0x100;
	s29 =	simm.s32 $0x7A00;
	v6 =	vunpack.c.l.s4.s8 v6;
	v7 =	vunpack.c.l.s4.s8 v7;
	v0 =	vunpack.c.0.s8.s32 v0;
	[dreg:$0x1d] =	wrdreg s28  }
0x26: {  	v2 =	vunpack.c.0.s8.s32 v2;
	v3 =	vunpack.c.0.s8.s32 v3;
	v4 =	vunpack.c.0.s8.s32 v4;
	s10 =	simm.s32 $0x80;
	s11 =	simm.s32 $0x180;
	[dreg:$0xf] =	wrdreg s23  }
0x27: {  	v5 =	vunpack.c.0.s8.s32 v5;
	v6 =	vunpack.c.0.s8.s32 v6;
	v7 =	vunpack.c.0.s8.s32 v7;
	s7 =	simm.s32 $0x5200;
	s8 =	simm.s32 $0x4;
	[dreg:$0x10] =	wrdreg s4  }
0x28: {  	v1 =	vunpack.c.0.s8.s32 v1;
	v2 =	vcombine.low v3, v2;
	s9 =	simm.s32 $0x1;
	s2 =	simm.s32 $0x0;
	[dreg:$0x11] =	wrdreg s24  }
0x29: {  	v3 =	vcombine.low v5, v4;
	v4 =	vand.u32 $0xF, v0;
	v5 =	vcombine.low v7, v6;
	s3 =	simm.s32 $0xA300;
	s12 =	simm.s32 $0x50;
	[dreg:$0x12] =	wrdreg s25  }
0x2a: {  	v0 =	vimm.f32 $0.0e+00;
	v1 =	vcombine.low v4, v1;
	v2 =	vand.u32 $0xF, v2;
	s14 =	simm.s32 $0x200;
	s1 =	simm.s32 $0x3;
	[dreg:$0x13] =	wrdreg s26  }
0x2b: {  	v3 =	vand.u32 $0xF, v3;
	v4 =	vand.u32 $0xF, v5;
	v5 =	vlaneseq.u32;
	s20 =	simm.s32 $0x2;
	s21 =	simm.s32 $0xA200;
	[dreg:$0x14] =	wrdreg s13  }
.LBB2_1:
0x2c: {  	[dreg:$0x1e] =	wrdreg s2;
	s0 =	simm.s32 $0x0;
	s2 =	simm.s32 $0x200  }
.LBB2_2:
0x2d: {  	p0 =	sne.s32 s2, $0x9E00;
	[tilespmem:s0+$0x5270] =	vst v0  }
0x2e: {  	[tilespmem:s0+$0x5200] =	vst v0  }
0x2f: {  	[tilespmem:s0+$0x5210] =	vst v0  }
.Ltmp0:
0x30: {  	[tilespmem:s0+$0x5220] =	vst v0;
	(pc) =	sbr.rel @p0 .LBB2_2-.Ltmp0, $4  }
0x31: {  	[tilespmem:s0+$0x5230] =	vst v0  }
0x32: {  	[tilespmem:s0+$0x5240] =	vst v0  }
0x33: {  	[tilespmem:s0+$0x5250] =	vst v0  }
0x34: {  	[tilespmem:s0+$0x5260] =	vst v0;
	s0 =	sshra.s32 s2, $0x2;
	s2 =	sadd.s32 $0x200, s2  }
0x35: {  	[tilespmem:s0+$0x5270] =	vst v0  }
0x36: {  	[tilespmem:s0+$0x5200] =	vst v0  }
0x37: {  	[tilespmem:s0+$0x5210] =	vst v0  }
0x38: {  	[tilespmem:s0+$0x5220] =	vst v0  }
0x39: {  	[tilespmem:s0+$0x5230] =	vst v0  }
0x3a: {  	[tilespmem:s0+$0x5240] =	vst v0  }
0x3b: {  	[tilespmem:s0+$0x5250] =	vst v0  }
0x3c: {  	[tilespmem:s0+$0x5260] =	vst v0  }
0x3d: {  	[tilespmem:$0xA300] =	vst v0  }
0x3e: {  	[tilespmem:$0xA310] =	vst v0  }
0x3f: {  	[tilespmem:$0xA320] =	vst v0  }
0x40: {  	[tilespmem:$0xA330] =	vst v0  }
0x41: {  	[tilespmem:$0xA340] =	vst v0  }
0x42: {  	[tilespmem:$0xA350] =	vst v0  }
0x43: {  	[tilespmem:$0xA360] =	vst v0  }
0x44: {  	[tilespmem:$0xA370] =	vst v0  }
0x45: {  	[tilespmem:$0xA380] =	vst v0  }
0x46: {  	[tilespmem:$0xA390] =	vst v0  }
0x47: {  	[tilespmem:$0xA3A0] =	vst v0  }
0x48: {  	[tilespmem:$0xA3B0] =	vst v0  }
0x49: {  	[tilespmem:$0xA3C0] =	vst v0  }
0x4a: {  	[tilespmem:$0xA3D0] =	vst v0  }
0x4b: {  	[tilespmem:$0xA3E0] =	vst v0  }
0x4c: {  	[tilespmem:$0xA3F0] =	vst v0  }
0x4d: {  	[tilespmem:$0xA400] =	vst v0  }
0x4e: {  	[tilespmem:$0xA410] =	vst v0  }
0x4f: {  	[tilespmem:$0xA420] =	vst v0  }
0x50: {  	[tilespmem:$0xA430] =	vst v0  }
0x51: {  	[tilespmem:$0xA440] =	vst v0  }
0x52: {  	[tilespmem:$0xA450] =	vst v0  }
0x53: {  	[tilespmem:$0xA460] =	vst v0  }
0x54: {  	[tilespmem:$0xA470] =	vst v0  }
0x55: {  	[tilespmem:$0xA480] =	vst v0  }
0x56: {  	[tilespmem:$0xA490] =	vst v0  }
0x57: {  	[tilespmem:$0xA4A0] =	vst v0  }
0x58: {  	[tilespmem:$0xA4B0] =	vst v0  }
0x59: {  	[tilespmem:$0xA4C0] =	vst v0  }
0x5a: {  	[tilespmem:$0xA4D0] =	vst v0  }
0x5b: {  	[tilespmem:$0xA4E0] =	vst v0  }
0x5c: {  	[tilespmem:$0xA4F0] =	vst v0  }
0x5d: {  	[tilespmem:$0xA500] =	vst v0  }
0x5e: {  	[tilespmem:$0xA510] =	vst v0  }
0x5f: {  	[tilespmem:$0xA520] =	vst v0  }
0x60: {  	[tilespmem:$0xA530] =	vst v0  }
0x61: {  	[tilespmem:$0xA540] =	vst v0  }
0x62: {  	[tilespmem:$0xA550] =	vst v0  }
0x63: {  	[tilespmem:$0xA560] =	vst v0  }
0x64: {  	[tilespmem:$0xA570] =	vst v0  }
0x65: {  	[spmem:s23] =	stream.linear.scatter [tilespmem:s7], [sflag:$0x4], $0x2800, $0x38;
	[tilespmem:$0x1E800] =	vst v63  }
0x66: {  	_ =	swait.ge [sflag:s8], $0x2800  }
0x67: {  	[sflag:s8] =	ssyncset.done $0x0  }
0x68: {  	[sflag:s8] =	ssyncadd.s32 $0xFFFFD800  }
0x69: {  	[spmem:s4] =	stream.linear.scatter [tilespmem:s7], [sflag:$0x4], $0x2800, $0x38;
	[tilespmem:$0x1E800] =	vst v63  }
0x6a: {  	_ =	swait.ge [sflag:s8], $0x2800  }
0x6b: {  	[sflag:s8] =	ssyncset.done $0x0  }
0x6c: {  	[sflag:s8] =	ssyncadd.s32 $0xFFFFD800  }
0x6d: {  	[spmem:s24] =	stream.linear.scatter [tilespmem:s7], [sflag:$0x4], $0x2800, $0x38;
	[tilespmem:$0x1E800] =	vst v63  }
0x6e: {  	_ =	swait.ge [sflag:s8], $0x2800  }
0x6f: {  	[sflag:s8] =	ssyncset.done $0x0  }
0x70: {  	[sflag:s8] =	ssyncadd.s32 $0xFFFFD800  }
0x71: {  	[spmem:s25] =	stream.linear.scatter [tilespmem:s7], [sflag:$0x4], $0x2800, $0x38;
	[tilespmem:$0x1E800] =	vst v63  }
0x72: {  	_ =	swait.ge [sflag:s8], $0x2800  }
0x73: {  	[sflag:s8] =	ssyncset.done $0x0  }
0x74: {  	[sflag:s8] =	ssyncadd.s32 $0xFFFFD800  }
0x75: {  	[spmem:s26] =	stream.linear.scatter [tilespmem:s7], [sflag:$0x4], $0x2800, $0x38;
	[tilespmem:$0x1E800] =	vst v63  }
0x76: {  	_ =	swait.ge [sflag:s8], $0x2800  }
0x77: {  	[sflag:s8] =	ssyncset.done $0x0  }
0x78: {  	[sflag:s8] =	ssyncadd.s32 $0xFFFFD800  }
0x79: {  	[spmem:s13] =	stream.linear.scatter [tilespmem:s7], [sflag:$0x4], $0x2800, $0x38;
	[tilespmem:$0x1E800] =	vst v63  }
0x7a: {  	_ =	swait.ge [sflag:s8], $0x2800  }
0x7b: {  	[sflag:s8] =	ssyncset.done $0x0  }
0x7c: {  	s25 =	rddreg [dreg:$0x15];
	[sflag:s8] =	ssyncadd.s32 $0xFFFFD800  }
0x7d: {  	[spmem:s25] =	stream.linear.scatter [tilespmem:s7], [sflag:$0x4], $0x2800, $0x38;
	[tilespmem:$0x1E800] =	vst v63  }
0x7e: {  	_ =	swait.ge [sflag:s8], $0x2800  }
0x7f: {  	[sflag:s8] =	ssyncset.done $0x0  }
0x80: {  	s26 =	rddreg [dreg:$0x16];
	[sflag:s8] =	ssyncadd.s32 $0xFFFFD800  }
0x81: {  	[spmem:s26] =	stream.linear.scatter [tilespmem:s7], [sflag:$0x4], $0x2800, $0x38;
	[tilespmem:$0x1E800] =	vst v63  }
0x82: {  	_ =	swait.ge [sflag:s8], $0x2800  }
0x83: {  	[sflag:s8] =	ssyncset.done $0x0  }
0x84: {  	s28 =	rddreg [dreg:$0x17];
	[sflag:s8] =	ssyncadd.s32 $0xFFFFD800  }
0x85: {  	[spmem:s28] =	stream.linear.scatter [tilespmem:s3], [sflag:$0x4], $0x280, $0x38;
	[tilespmem:$0x1E800] =	vst v63  }
0x86: {  	_ =	swait.ge [sflag:s8], $0x280  }
0x87: {  	[sflag:s8] =	ssyncset.done $0x0  }
0x88: {  	[sflag:s8] =	ssyncadd.s32 $0xFFFFFD80  }
0x89: {  	s24 =	simm.s32 $0x0;
	s25 =	simm.s32 $0x0;
	[bflag:$0x0] =	sbarrier.arrive $0xFFFF  }
.LBB2_4:
0x8a: {  	s0 =	smul.u32 $0xA0, s25  }
0x8b: {  	s2 =	rddreg [dreg:$0xe]  }
0x8c: {  	s2 =	sadd.s32 s2, s0  }
0x8d: {  	s3 =	rddreg [dreg:$0x2];
	s28 =	sshrl.u32 s2, $0x3  }
0x8e: {  	s2 =	sadd.s32 s3, s28  }
0x8f: {  	[tilespmem:s24], [sflag:$0x4] =	stream.linear.gather [hbm4b:s2+s24], $0x50, $0x38;
	[tilespmem:$0x1E800] =	vst v63  }
0x90: {  	_ =	swait.ge [sflag:s8], $0x50  }
0x91: {  	[sflag:s8] =	ssyncset.done $0x0  }
0x92: {  	s6 =	sadd.s32 s17, s28;
	[sflag:s8] =	ssyncadd.s32 $0xFFFFFFB0  }
0x93: {  	[tilespmem:s10], [sflag:$0x4] =	stream.linear.gather [hbm4b:s6+s24], $0x50, $0x38;
	[tilespmem:$0x1E800] =	vst v63  }
0x94: {  	_ =	swait.ge [sflag:s8], $0x50  }
0x95: {  	[sflag:s8] =	ssyncset.done $0x0  }
0x96: {  	s19 =	rddreg [dreg:$0x1d];
	[sflag:s8] =	ssyncadd.s32 $0xFFFFFFB0  }
0x97: {  	s13 =	rddreg [dreg:$0x0]  }
0x98: {  	[tilespmem:s14], [sflag:$0x1] =	stream.indirect.gather [hbm4b:s13+s12], $0x80, s24, s12, $0xb8;
	[tilespmem:$0x1E800] =	vst v63  }
0x99: {  	s0 =	sadd.s32 s0, s19  }
0x9a: {  	[tilespmem:s30], [sflag:$0x1] =	stream.indirect.gather [hbm4b:s15+s12], $0x80, s10, s12, $0xb8;
	[tilespmem:$0x1E800] =	vst v63  }
0x9b: {  	s26 =	sshrl.u32 s0, $0x3  }
0x9c: {  	[tilespmem:s7], [sflag:$0x2] =	stream.indirect.gather [hbm4b:s16+s12], $0x80, s24, s12, $0xb8;
	[tilespmem:$0x1E800] =	vst v63  }
0x9d: {  	s0 =	sadd.s32 s3, s26  }
0x9e: {  	[tilespmem:s31], [sflag:$0x3] =	stream.linear.gather [hbm4b:s0+s24], $0x50, $0x38;
	[tilespmem:$0x1E800] =	vst v63  }
0x9f: {  	s23 =	sadd.s32 s17, s26  }
0xa0: {  	[tilespmem:s11], [sflag:$0x3] =	stream.linear.gather [hbm4b:s23+s24], $0x50, $0x38;
	[tilespmem:$0x1E800] =	vst v63  }
0xa1: {  	_ =	swait.ge [sflag:s1], $0x50  }
0xa2: {  	[sflag:s1] =	ssyncset.done $0x0  }
0xa3: {  	[sflag:s1] =	ssyncadd.s32 $0xFFFFFFB0  }
0xa4: {  	_ =	swait.ge [sflag:s1], $0x50  }
0xa5: {  	[sflag:s1] =	ssyncset.done $0x0  }
0xa6: {  	[sflag:s1] =	ssyncadd.s32 $0xFFFFFFB0  }
0xa7: {  	[tilespmem:s29], [sflag:$0x2] =	stream.indirect.gather [hbm4b:s16+s12], $0x80, s31, s12, $0xb8;
	[tilespmem:$0x1E800] =	vst v63  }
0xa8: {  	_ =	swait.ge [sflag:s9], $0x2800  }
0xa9: {  	[sflag:s9] =	ssyncset.done $0x0  }
0xaa: {  	[sflag:s9] =	ssyncadd.s32 $0xFFFFD800  }
0xab: {  	_ =	swait.ge [sflag:s9], $0x2800  }
0xac: {  	s4 =	simm.s32 $0x0;
	[sflag:s9] =	ssyncset.done $0x0  }
0xad: {  	s3 =	simm.s32 $0x2B00;
	s13 =	simm.s32 $0x300;
	[sflag:s9] =	ssyncadd.s32 $0xFFFFD800  }
.LBB2_5:
0xae: {  	v6 =	vld [tilespmem:s13+$0xF0]  }
0xaf: {  	v8 =	vld [tilespmem:s13+$0x70]  }
0xb0: {  	v9 =	vld [tilespmem:s13+$0xFFFFFFF0]  }
0xb1: {  	v16 =	vld [tilespmem:s3+$0xFFFFFFF0]  }
0xb2: {  	v7 =	vld [tilespmem:s13+$0xE0]  }
0xb3: {  	v18 =	vld [tilespmem:s13+$0xFFFFFF70]  }
0xb4: {  	v22 =	vld [tilespmem:s3+$0xFFFFFF70]  }
0xb5: {  	v10 =	vld [tilespmem:s13+$0x60]  }
0xb6: {  	v23 =	vld [tilespmem:s13+$0xFFFFFFE0]  }
0xb7: {  	v52 =	vld [tilespmem:s3+$0xFFFFFFE0]  }
0xb8: {  	v11 =	vld [tilespmem:s13+$0xD0]  }
0xb9: {  	v53 =	vld [tilespmem:s13+$0xFFFFFF60]  }
0xba: {  	v54 =	vld [tilespmem:s3+$0xFFFFFF60]  }
0xbb: {  	v12 =	vld [tilespmem:s13+$0x50]  }
0xbc: {  	v19 =	vld [tilespmem:s13+$0xFFFFFFD0]  }
0xbd: {  	v21 =	vld [tilespmem:s3+$0xFFFFFFD0]  }
0xbe: {  	v13 =	vld [tilespmem:s13+$0xC0]  }
0xbf: {  	v24 =	vld [tilespmem:s13+$0xFFFFFF50]  }
0xc0: {  	v26 =	vld [tilespmem:s3+$0xFFFFFF50]  }
0xc1: {  	v14 =	vld [tilespmem:s13+$0x40]  }
0xc2: {  	v27 =	vld [tilespmem:s13+$0xFFFFFFC0]  }
0xc3: {  	v28 =	vld [tilespmem:s3+$0xFFFFFFC0]  }
0xc4: {  	v15 =	vld [tilespmem:s13+$0xB0]  }
0xc5: {  	v32 =	vld [tilespmem:s13+$0xFFFFFF40]  }
0xc6: {  	v34 =	vld [tilespmem:s3+$0xFFFFFF40]  }
0xc7: {  	v17 =	vld [tilespmem:s13+$0x30]  }
0xc8: {  	v33 =	vld [tilespmem:s13+$0xFFFFFFB0]  }
0xc9: {  	v35 =	vld [tilespmem:s3+$0xFFFFFFB0]  }
0xca: {  	v20 =	vld [tilespmem:s13+$0xA0]  }
0xcb: {  	v36 =	vld [tilespmem:s13+$0xFFFFFF30]  }
0xcc: {  	v39 =	vld [tilespmem:s3+$0xFFFFFF30]  }
0xcd: {  	v25 =	vld [tilespmem:s13+$0x20]  }
0xce: {  	v37 =	vld [tilespmem:s13+$0xFFFFFFA0]  }
0xcf: {  	v40 =	vld [tilespmem:s3+$0xFFFFFFA0]  }
0xd0: {  	v29 =	vld [tilespmem:s13+$0x80]  }
0xd1: {  	v30 =	vld [tilespmem:s3+$0x80]  }
0xd2: {  	v31 =	vld [tilespmem:s13+$0x90]  }
0xd3: {  	v43 =	vld [tilespmem:s13+$0xFFFFFF20]  }
0xd4: {  	v45 =	vld [tilespmem:s3+$0xFFFFFF20]  }
0xd5: {  	v38 =	vld [tilespmem:s13+$0x0]  }
0xd6: {  	v41 =	vld [tilespmem:s3+$0x0]  }
0xd7: {  	v42 =	vld [tilespmem:s13+$0x10]  }
0xd8: {  	v44 =	vld [tilespmem:s13+$0xFFFFFF80]  }
0xd9: {  	v46 =	vld [tilespmem:s3+$0xFFFFFF80]  }
0xda: {  	v47 =	vld [tilespmem:s13+$0xFFFFFF90]  }
0xdb: {  	v48 =	vld [tilespmem:s13+$0xFFFFFF00]  }
0xdc: {  	v49 =	vld [tilespmem:s3+$0xFFFFFF00]  }
0xdd: {  	v50 =	vld [tilespmem:s13+$0xFFFFFF10];
	s2 =	sshll.u32 s4, $0x4;
	s0 =	simm.s32 $0x0;
	v18 =	vmul.f32 v22, v18;
	v16 =	vmul.f32 v16, v9  }
0xde: {  	v51 =	vld [tilespmem:s3+$0xFFFFFF10];
	s19 =	simm.s32 $0x4;
	s29 =	smov.u32 s3;
	s23 =	smov.u32 s13;
	v9 =	vimm.f32 $0.0e+00;
	v22 =	vmul.f32 v54, v53;
	v23 =	vmul.f32 v52, v23  }
.LBB2_6:
0xdf: {  	p0 =	slt.u32 s19, $0xC;
	v24 =	vmul.f32 v26, v24;
	v26 =	vld [tilespmem:s29+$0xFFFFFF90];
	v19 =	vmul.f32 v21, v19  }
0xe0: {  	v21 =	vmul.f32 v34, v32;
	v27 =	vmul.f32 v28, v27;
	v28 =	vld [tilespmem:s29+$0x10]  }
0xe1: {  	v32 =	vmul.f32 v39, v36;
	v33 =	vmul.f32 v35, v33;
	v34 =	vld [tilespmem:s29+$0x90]  }
0xe2: {  	v35 =	vmul.f32 v45, v43;
	v36 =	vmul.f32 v40, v37;
	v37 =	vld [tilespmem:s29+$0x20]  }
0xe3: {  	v39 =	vmul.f32 v49, v48;
	v40 =	vmul.f32 v51, v50;
	v43 =	vld [tilespmem:s29+$0xA0]  }
0xe4: {  	v44 =	vmul.f32 v46, v44;
	v26 =	vmul.f32 v26, v47;
	v45 =	vld [tilespmem:s29+$0x30]  }
0xe5: {  	v38 =	vmul.f32 v41, v38;
	v39 =	vadd.f32 v40, v39;
	v28 =	vmul.f32 v28, v42;
	v40 =	vld [tilespmem:s29+$0xB0]  }
0xe6: {  	v29 =	vmul.f32 v30, v29;
	v26 =	vadd.f32 v26, v44;
	v41 =	vld [tilespmem:s29+$0x40];
	v30 =	vmul.f32 v34, v31  }
0xe7: {  	v31 =	vadd.f32 v35, v39;
	v28 =	vadd.f32 v28, v38;
	v25 =	vmul.f32 v37, v25;
	v34 =	vld [tilespmem:s29+$0xC0]  }
0xe8: {  	v26 =	vadd.f32 v36, v26;
	v35 =	vld [tilespmem:s29+$0x50];
	v29 =	vadd.f32 v30, v29;
	v20 =	vmul.f32 v43, v20  }
0xe9: {  	v30 =	vadd.f32 v32, v31;
	v25 =	vadd.f32 v25, v28;
	v17 =	vmul.f32 v45, v17;
	v28 =	vld [tilespmem:s29+$0xD0]  }
0xea: {  	v26 =	vadd.f32 v33, v26;
	v31 =	vld [tilespmem:s29+$0x60];
	v20 =	vadd.f32 v20, v29;
	v15 =	vmul.f32 v40, v15  }
0xeb: {  	v21 =	vadd.f32 v21, v30;
	v17 =	vadd.f32 v17, v25;
	v14 =	vmul.f32 v41, v14;
	v25 =	vld [tilespmem:s29+$0xE0]  }
0xec: {  	v26 =	vadd.f32 v27, v26;
	v27 =	vld [tilespmem:s29+$0x70];
	v15 =	vadd.f32 v15, v20;
	v13 =	vmul.f32 v34, v13  }
0xed: {  	s23 =	sadd.s32 $0x200, s23;
	v20 =	vadd.f32 v24, v21;
	v14 =	vadd.f32 v14, v17;
	v12 =	vmul.f32 v35, v12;
	v17 =	vld [tilespmem:s29+$0xF0]  }
0xee: {  	v21 =	vld [tilespmem:s23+$0xF0];
	v19 =	vadd.f32 v19, v26;
	v13 =	vadd.f32 v13, v15;
	v11 =	vmul.f32 v28, v11  }
0xef: {  	v15 =	vld [tilespmem:s23+$0x70];
	v20 =	vadd.f32 v22, v20;
	v12 =	vadd.f32 v12, v14;
	v10 =	vmul.f32 v31, v10  }
0xf0: {  	s29 =	sadd.s32 $0x200, s29;
	v22 =	vld [tilespmem:s23+$0xFFFFFFF0];
	v14 =	vadd.f32 v23, v19;
	v11 =	vadd.f32 v11, v13;
	v13 =	vmul.f32 v25, v7  }
0xf1: {  	v23 =	vld [tilespmem:s29+$0xFFFFFFF0];
	v19 =	vadd.f32 v18, v20;
	v10 =	vadd.f32 v10, v12;
	v24 =	vmul.f32 v27, v8  }
0xf2: {  	v7 =	vld [tilespmem:s23+$0xE0];
	v12 =	vadd.f32 v16, v14;
	v11 =	vadd.f32 v13, v11;
	v13 =	vmul.f32 v17, v6  }
0xf3: {  	v16 =	vld [tilespmem:s23+$0xFFFFFF70];
	v14 =	vperm.xlane v19, v1;
	v17 =	vadd.f32 v24, v10;
	v6 =	vmov v21  }
0xf4: {  	v18 =	vld [tilespmem:s29+$0xFFFFFF70];
	v20 =	vperm.xlane v12, v1;
	v13 =	vadd.f32 v13, v11;
	v8 =	vmov v15  }
0xf5: {  	v10 =	vld [tilespmem:s23+$0x60];
	v14 =	vadd.f32 v19, v14;
	v11 =	vperm.xlane v17, v1  }
0xf6: {  	v52 =	vld [tilespmem:s23+$0xFFFFFFE0];
	v12 =	vadd.f32 v12, v20;
	v15 =	vperm.xlane v13, v1  }
0xf7: {  	v53 =	vld [tilespmem:s29+$0xFFFFFFE0];
	v19 =	vperm.xlane v14, v2;
	v17 =	vadd.f32 v17, v11  }
0xf8: {  	v11 =	vld [tilespmem:s23+$0xD0];
	v20 =	vperm.xlane v12, v2;
	v13 =	vadd.f32 v13, v15  }
0xf9: {  	v54 =	vld [tilespmem:s23+$0xFFFFFF60];
	v14 =	vadd.f32 v14, v19;
	v15 =	vperm.xlane v17, v2  }
0xfa: {  	v55 =	vld [tilespmem:s29+$0xFFFFFF60];
	v20 =	vadd.f32 v12, v20;
	v21 =	vperm.xlane v13, v2  }
0xfb: {  	v12 =	vld [tilespmem:s23+$0x50];
	v24 =	vperm.xlane v14, v3;
	v15 =	vadd.f32 v17, v15  }
0xfc: {  	v19 =	vld [tilespmem:s23+$0xFFFFFFD0];
	v17 =	vperm.xlane v20, v3;
	v25 =	vadd.f32 v13, v21  }
0xfd: {  	v21 =	vld [tilespmem:s29+$0xFFFFFFD0];
	v27 =	vadd.f32 v14, v24;
	v14 =	vperm.xlane v15, v3  }
0xfe: {  	s6 =	sadd.s32 $0x3, s0;
	v28 =	vmov s0;
	v13 =	vld [tilespmem:s23+$0xC0];
	v17 =	vadd.f32 v20, v17;
	v20 =	vperm.xlane v25, v3  }
0xff: {  	s5 =	sadd.s32 $0x2, s0;
	v30 =	vmov s6;
	v24 =	vld [tilespmem:s23+$0xFFFFFF50];
	v29 =	vperm.xlane v27, v4;
	v15 =	vadd.f32 v15, v14  }
0x100: {  	v32 =	vmov s5;
	v26 =	vld [tilespmem:s29+$0xFFFFFF50];
	v31 =	vperm.xlane v17, v4;
	v20 =	vadd.f32 v25, v20  }
0x101: {  	s5 =	sadd.s32 $0x1, s0;
	s0 =	smov.u32 s19;
	vm0 =	veq.s32 v28, v5;
	v14 =	vld [tilespmem:s23+$0x40];
	v25 =	vadd.f32 v27, v29;
	v29 =	vperm.xlane v15, v4  }
0x102: {  	v27 =	vld [tilespmem:s23+$0xFFFFFFC0];
	v17 =	vadd.f32 v17, v31;
	v31 =	vmov s5;
	v33 =	vperm.xlane v20, v4  }
0x103: {  	v28 =	vld [tilespmem:s29+$0xFFFFFFC0];
	v9 =	vsel vm0, v25, v9;
	vm0 =	veq.s32 v31, v5;
	v25 =	vadd.f32 v15, v29  }
0x104: {  	v15 =	vld [tilespmem:s23+$0xB0];
	v9 =	vsel vm0, v17, v9;
	vm0 =	veq.s32 v32, v5;
	v17 =	vadd.f32 v20, v33  }
0x105: {  	v32 =	vld [tilespmem:s23+$0xFFFFFF40];
	v9 =	vsel vm0, v25, v9;
	vm0 =	veq.s32 v30, v5  }
0x106: {  	v34 =	vld [tilespmem:s29+$0xFFFFFF40];
	v9 =	vsel vm0, v17, v9  }
0x107: {  	v17 =	vld [tilespmem:s23+$0x30]  }
0x108: {  	v33 =	vld [tilespmem:s23+$0xFFFFFFB0]  }
0x109: {  	v35 =	vld [tilespmem:s29+$0xFFFFFFB0]  }
0x10a: {  	v20 =	vld [tilespmem:s23+$0xA0]  }
0x10b: {  	v36 =	vld [tilespmem:s23+$0xFFFFFF30]  }
0x10c: {  	v39 =	vld [tilespmem:s29+$0xFFFFFF30]  }
0x10d: {  	v25 =	vld [tilespmem:s23+$0x20]  }
0x10e: {  	v37 =	vld [tilespmem:s23+$0xFFFFFFA0]  }
0x10f: {  	v40 =	vld [tilespmem:s29+$0xFFFFFFA0]  }
0x110: {  	v29 =	vld [tilespmem:s23+$0x80]  }
0x111: {  	v30 =	vld [tilespmem:s29+$0x80]  }
0x112: {  	v31 =	vld [tilespmem:s23+$0x90]  }
0x113: {  	v43 =	vld [tilespmem:s23+$0xFFFFFF20]  }
0x114: {  	v45 =	vld [tilespmem:s29+$0xFFFFFF20]  }
0x115: {  	v38 =	vld [tilespmem:s23+$0x0]  }
0x116: {  	v41 =	vld [tilespmem:s29+$0x0]  }
0x117: {  	v42 =	vld [tilespmem:s23+$0x10]  }
0x118: {  	v44 =	vld [tilespmem:s23+$0xFFFFFF80]  }
0x119: {  	v46 =	vld [tilespmem:s29+$0xFFFFFF80]  }
.Ltmp1:
0x11a: {  	v47 =	vld [tilespmem:s23+$0xFFFFFF90];
	(pc) =	sbr.rel @p0 .LBB2_6-.Ltmp1, $4  }
0x11b: {  	v48 =	vld [tilespmem:s23+$0xFFFFFF00]  }
0x11c: {  	v49 =	vld [tilespmem:s29+$0xFFFFFF00]  }
0x11d: {  	v18 =	vmul.f32 v18, v16;
	v16 =	vmul.f32 v23, v22;
	v50 =	vld [tilespmem:s23+$0xFFFFFF10]  }
0x11e: {  	s19 =	sadd.s32 $0x4, s19;
	v23 =	vmul.f32 v53, v52;
	v22 =	vmul.f32 v55, v54;
	v51 =	vld [tilespmem:s29+$0xFFFFFF10]  }
0x11f: {  	v24 =	vmul.f32 v26, v24;
	v59 =	vld [tilespmem:s29+$0xFFFFFF90];
	v19 =	vmul.f32 v21, v19  }
0x120: {  	v21 =	vmul.f32 v34, v32;
	v27 =	vmul.f32 v28, v27;
	v60 =	vld [tilespmem:s29+$0x10]  }
0x121: {  	v32 =	vmul.f32 v39, v36;
	v33 =	vmul.f32 v35, v33;
	v61 =	vld [tilespmem:s29+$0x90]  }
0x122: {  	v62 =	vmul.f32 v45, v43;
	v63 =	vmul.f32 v40, v37;
	v52 =	vld [tilespmem:s29+$0x20]  }
0x123: {  	v55 =	vld [tilespmem:s29+$0xA0];
	v53 =	vmul.f32 v49, v48;
	v54 =	vmul.f32 v51, v50  }
0x124: {  	v44 =	vmul.f32 v46, v44;
	v56 =	vld [tilespmem:s29+$0x30];
	v26 =	vmul.f32 v59, v47  }
0x125: {  	v38 =	vmul.f32 v41, v38;
	v57 =	vld [tilespmem:s29+$0xB0];
	v28 =	vmul.f32 v60, v42;
	v39 =	vadd.f32 v54, v53  }
0x126: {  	v58 =	vld [tilespmem:s29+$0x40];
	v29 =	vmul.f32 v30, v29;
	v59 =	vmul.f32 v61, v31;
	v26 =	vadd.f32 v26, v44  }
0x127: {  	v25 =	vmul.f32 v52, v25;
	v61 =	vld [tilespmem:s29+$0xC0];
	v28 =	vadd.f32 v28, v38;
	v60 =	vadd.f32 v62, v39  }
0x128: {  	v20 =	vmul.f32 v55, v20;
	v29 =	vadd.f32 v59, v29;
	v62 =	vld [tilespmem:s29+$0x50];
	v26 =	vadd.f32 v63, v26  }
0x129: {  	v36 =	vld [tilespmem:s29+$0xD0];
	v17 =	vmul.f32 v56, v17;
	v25 =	vadd.f32 v25, v28;
	v63 =	vadd.f32 v32, v60  }
0x12a: {  	v37 =	vld [tilespmem:s29+$0x60];
	v15 =	vmul.f32 v57, v15;
	v20 =	vadd.f32 v20, v29;
	v26 =	vadd.f32 v33, v26  }
0x12b: {  	v14 =	vmul.f32 v58, v14;
	v38 =	vld [tilespmem:s29+$0xE0];
	v17 =	vadd.f32 v17, v25;
	v21 =	vadd.f32 v21, v63  }
0x12c: {  	v39 =	vld [tilespmem:s29+$0x70];
	v13 =	vmul.f32 v61, v13;
	v15 =	vadd.f32 v15, v20;
	v26 =	vadd.f32 v27, v26  }
0x12d: {  	v41 =	vld [tilespmem:s29+$0xF0];
	v14 =	vadd.f32 v14, v17;
	v12 =	vmul.f32 v62, v12;
	v40 =	vadd.f32 v24, v21  }
0x12e: {  	v11 =	vmul.f32 v36, v11;
	v13 =	vadd.f32 v13, v15;
	v19 =	vadd.f32 v19, v26  }
0x12f: {  	v10 =	vmul.f32 v37, v10;
	v12 =	vadd.f32 v12, v14;
	v42 =	vadd.f32 v22, v40  }
0x130: {  	v7 =	vmul.f32 v38, v7;
	v11 =	vadd.f32 v11, v13;
	v43 =	vadd.f32 v23, v19  }
0x131: {  	v8 =	vmul.f32 v39, v8;
	v10 =	vadd.f32 v10, v12;
	v44 =	vadd.f32 v18, v42  }
0x132: {  	v6 =	vmul.f32 v41, v6;
	v7 =	vadd.f32 v7, v11;
	v45 =	vadd.f32 v16, v43  }
0x133: {  	v8 =	vadd.f32 v8, v10;
	v46 =	vperm.xlane v44, v1  }
0x134: {  	v6 =	vadd.f32 v6, v7;
	v47 =	vperm.xlane v45, v1  }
0x135: {  	v48 =	vperm.xlane v8, v1;
	v7 =	vadd.f32 v44, v46  }
0x136: {  	v49 =	vperm.xlane v6, v1;
	v10 =	vadd.f32 v45, v47  }
0x137: {  	v8 =	vadd.f32 v8, v48;
	v13 =	vperm.xlane v7, v2  }
0x138: {  	v6 =	vadd.f32 v6, v49;
	v50 =	vperm.xlane v10, v2  }
0x139: {  	v51 =	vperm.xlane v8, v2;
	v7 =	vadd.f32 v7, v13  }
0x13a: {  	v52 =	vperm.xlane v6, v2;
	v10 =	vadd.f32 v10, v50  }
0x13b: {  	v8 =	vadd.f32 v8, v51;
	v13 =	vperm.xlane v7, v3  }
0x13c: {  	v6 =	vadd.f32 v6, v52;
	v53 =	vperm.xlane v10, v3  }
0x13d: {  	v54 =	vperm.xlane v8, v3;
	v7 =	vadd.f32 v7, v13  }
0x13e: {  	s5 =	sadd.s32 $0x3, s0;
	v55 =	vmov s0;
	v56 =	vperm.xlane v6, v3;
	v10 =	vadd.f32 v10, v53  }
0x13f: {  	v58 =	vmov s5;
	v8 =	vadd.f32 v8, v54;
	v57 =	vperm.xlane v7, v4  }
0x140: {  	s6 =	sadd.s32 $0x2, s0;
	vm0 =	veq.s32 v55, v5;
	v6 =	vadd.f32 v6, v56;
	v59 =	vperm.xlane v10, v4  }
0x141: {  	s29 =	sadd.s32 $0x1, s0;
	v60 =	vmov s6;
	v61 =	vperm.xlane v8, v4;
	v7 =	vadd.f32 v7, v57  }
0x142: {  	v62 =	vmov s29;
	v63 =	vperm.xlane v6, v4;
	v10 =	vadd.f32 v10, v59  }
0x143: {  	vm13 =	veq.s32 v62, v5;
	v8 =	vadd.f32 v8, v61;
	v7 =	vsel vm0, v7, v9  }
0x144: {  	vm14 =	veq.s32 v60, v5;
	v6 =	vadd.f32 v6, v63;
	v7 =	vsel vm13, v10, v7  }
0x145: {  	vm15 =	veq.s32 v58, v5;
	v7 =	vsel vm14, v8, v7  }
0x146: {  	v6 =	vsel vm15, v6, v7  }
0x147: {  	v6 =	vmul.f32 $8.838834610e-02, v6;
	_ =	sdelay $0x1  }
0x148: {  	v6 =	vmul.f32 $1.442695020e+00, v6;
	_ =	sdelay $0x1  }
0x149: {  	(erf) = vpow2.f32 v6;
	_ =	sdelay $0x3  }
0x14a: {  	s4 =	sadd.s32 $0x1, s4  }
0x14b: {  	p0 =	sne.s32 s4, $0x5  }
.Ltmp2:
0x14c: {  	_ = 	snop;
	(pc) =	sbr.rel @p0 .LBB2_5-.Ltmp2, $3  }
0x14d: {  	_ =	sdelay $0x1  }
0x14e: {  	v6 =	vpop (erf)  }
0x14f: {  	s3 =	sadd.s32 $0x800, s3;
	s13 =	sadd.s32 $0x800, s13;
	[tilespmem:s2+$0xA200] =	vst v6  }
0x150: {  	_ =	swait.ge [sflag:s20], $0x2800  }
0x151: {  	s0 =	simm.s32 $0x0;
	[sflag:s20] =	ssyncset.done $0x0  }
0x152: {  	s2 =	simm.s32 $0x5300;
	s3 =	simm.s32 $0x0;
	[sflag:s20] =	ssyncadd.s32 $0xFFFFD800  }
.LBB2_9:
0x153: {  	s4 =	sshll.u32 s3, $0x4  }
0x154: {  	v6 =	vld [tilespmem:s4+$0xA200];
	_ =	sdelay $0x1  }
0x155: {  	v7 =	vld [tilespmem:s2+$0xFFFFFF00]  }
0x156: {  	v8 =	vld [tilespmem:s2+$0xFFFFFF10]  }
0x157: {  	v9 =	vmov s0;
	v10 =	vld [tilespmem:s2+$0xFFFFFF20]  }
0x158: {  	v11 =	vld [tilespmem:s2+$0xFFFFFF30];
	v9 =	vperm.xlane v6, v9  }
0x159: {  	v12 =	vld [tilespmem:s2+$0xFFFFFF40]  }
0x15a: {  	v13 =	vld [tilespmem:s2+$0xFFFFFF50];
	v7 =	vmul.f32 v7, v9  }
0x15b: {  	v14 =	vld [tilespmem:s2+$0xFFFFFF60];
	v8 =	vmul.f32 v8, v9  }
0x15c: {  	[tilespmem:s2+$0xFFFFFF00] =	vst v7;
	v7 =	vmul.f32 v10, v9;
	v10 =	vld [tilespmem:s2+$0xFFFFFF70]  }
0x15d: {  	[tilespmem:s2+$0xFFFFFF10] =	vst v8;
	v8 =	vmul.f32 v11, v9;
	v11 =	vld [tilespmem:s2+$0xFFFFFF80]  }
0x15e: {  	s19 =	simm.s32 $0x1;
	[tilespmem:s2+$0xFFFFFF20] =	vst v7;
	v7 =	vmul.f32 v12, v9;
	v12 =	vld [tilespmem:s2+$0xFFFFFF90]  }
0x15f: {  	v15 =	vld [tilespmem:s2+$0xFFFFFFA0];
	[tilespmem:s2+$0xFFFFFF30] =	vst v8;
	v8 =	vmul.f32 v13, v9;
	v13 =	vmov s19  }
0x160: {  	v14 =	vmul.f32 v14, v9;
	[tilespmem:s2+$0xFFFFFF40] =	vst v7;
	v7 =	vperm.xlane v6, v13;
	v13 =	vld [tilespmem:s2+$0xFFFFFFB0]  }
0x161: {  	[tilespmem:s2+$0xFFFFFF50] =	vst v8;
	v8 =	vmul.f32 v10, v9;
	v9 =	vld [tilespmem:s2+$0xFFFFFFC0]  }
0x162: {  	[tilespmem:s2+$0xFFFFFF60] =	vst v14;
	v10 =	vmul.f32 v11, v7;
	v11 =	vld [tilespmem:s2+$0xFFFFFFD0]  }
0x163: {  	[tilespmem:s2+$0xFFFFFF70] =	vst v8;
	v8 =	vmul.f32 v12, v7;
	v12 =	vld [tilespmem:s2+$0xFFFFFFE0]  }
0x164: {  	v14 =	vld [tilespmem:s2+$0x0];
	[tilespmem:s2+$0xFFFFFF80] =	vst v10;
	v10 =	vmul.f32 v15, v7  }
0x165: {  	s23 =	simm.s32 $0x2;
	[tilespmem:s2+$0xFFFFFF90] =	vst v8;
	v8 =	vmul.f32 v13, v7;
	v13 =	vld [tilespmem:s2+$0x10]  }
0x166: {  	v15 =	vld [tilespmem:s2+$0x20];
	[tilespmem:s2+$0xFFFFFFA0] =	vst v10;
	v9 =	vmul.f32 v9, v7;
	v10 =	vmov s23  }
0x167: {  	[tilespmem:s2+$0xFFFFFFB0] =	vst v8;
	v8 =	vmul.f32 v11, v7;
	v10 =	vperm.xlane v6, v10;
	v11 =	vld [tilespmem:s2+$0x30]  }
0x168: {  	[tilespmem:s2+$0xFFFFFFC0] =	vst v9;
	v9 =	vmul.f32 v12, v7;
	v12 =	vld [tilespmem:s2+$0x40]  }
0x169: {  	[tilespmem:s2+$0xFFFFFFD0] =	vst v8;
	v8 =	vmul.f32 v14, v10;
	v14 =	vld [tilespmem:s2+$0x50]  }
0x16a: {  	[tilespmem:s2+$0xFFFFFFE0] =	vst v9;
	v9 =	vmul.f32 v13, v10;
	v13 =	vld [tilespmem:s2+$0x60]  }
0x16b: {  	[tilespmem:s2+$0x0] =	vst v8;
	v8 =	vmul.f32 v15, v10;
	v15 =	vld [tilespmem:s2+$0x70]  }
0x16c: {  	[tilespmem:s2+$0x10] =	vst v9;
	v9 =	vmul.f32 v11, v10;
	v11 =	vld [tilespmem:s2+$0x80]  }
0x16d: {  	s29 =	simm.s32 $0x3;
	v16 =	vld [tilespmem:s2+$0x90];
	[tilespmem:s2+$0x20] =	vst v8;
	v8 =	vmul.f32 v12, v10  }
0x16e: {  	[tilespmem:s2+$0x30] =	vst v9;
	v12 =	vmul.f32 v14, v10;
	v9 =	vmov s29;
	v14 =	vld [tilespmem:s2+$0xA0]  }
0x16f: {  	[tilespmem:s2+$0x40] =	vst v8;
	v13 =	vmul.f32 v13, v10;
	v8 =	vperm.xlane v6, v9;
	v9 =	vld [tilespmem:s2+$0xB0]  }
0x170: {  	[tilespmem:s2+$0x50] =	vst v12;
	v15 =	vmul.f32 v15, v10;
	v10 =	vld [tilespmem:s2+$0xC0]  }
0x171: {  	v12 =	vld [tilespmem:s2+$0xD0];
	[tilespmem:s2+$0x60] =	vst v13;
	v13 =	vmul.f32 v11, v8  }
0x172: {  	v11 =	vld [tilespmem:s2+$0xE0];
	[tilespmem:s2+$0x70] =	vst v15;
	v15 =	vmul.f32 v16, v8  }
0x173: {  	s13 =	simm.s32 $0x4;
	s4 =	smov.u32 s2;
	s19 =	smov.u32 s2;
	[tilespmem:s2+$0x80] =	vst v13;
	v14 =	vmul.f32 v14, v8;
	v13 =	vld [tilespmem:s2+$0xF0]  }
.LBB2_10:
0x174: {  	p0 =	slt.u32 s13, $0xC;
	v16 =	vld [tilespmem:s4+$0xFFFFFFF0];
	[tilespmem:s4+$0x90] =	vst v15;
	v9 =	vmul.f32 v9, v8;
	s19 =	sadd.s32 $0x200, s19  }
0x175: {  	v15 =	vld [tilespmem:s19+$0xFFFFFF00];
	[tilespmem:s4+$0xA0] =	vst v14;
	v10 =	vmul.f32 v10, v8  }
0x176: {  	v14 =	vld [tilespmem:s19+$0xFFFFFF10];
	[tilespmem:s4+$0xB0] =	vst v9;
	v9 =	vmul.f32 v12, v8  }
0x177: {  	v12 =	vmov s13;
	v17 =	vld [tilespmem:s19+$0xFFFFFF20];
	[tilespmem:s4+$0xC0] =	vst v10;
	v10 =	vmul.f32 v11, v8  }
0x178: {  	v11 =	vperm.xlane v6, v12;
	v12 =	vld [tilespmem:s19+$0xFFFFFF30];
	[tilespmem:s4+$0xD0] =	vst v9;
	v8 =	vmul.f32 v13, v8  }
0x179: {  	v9 =	vld [tilespmem:s19+$0xFFFFFF40];
	v7 =	vmul.f32 v16, v7;
	[tilespmem:s4+$0xE0] =	vst v10  }
0x17a: {  	v10 =	vmul.f32 v15, v11;
	v13 =	vld [tilespmem:s19+$0xFFFFFF50];
	[tilespmem:s4+$0xF0] =	vst v8  }
0x17b: {  	v8 =	vmul.f32 v14, v11;
	v14 =	vld [tilespmem:s19+$0xFFFFFF60];
	[tilespmem:s4+$0xFFFFFFF0] =	vst v7;
	s4 =	smov.u32 s19  }
0x17c: {  	[tilespmem:s19+$0xFFFFFF00] =	vst v10;
	v7 =	vmul.f32 v17, v11;
	v10 =	vld [tilespmem:s19+$0xFFFFFF70]  }
0x17d: {  	[tilespmem:s19+$0xFFFFFF10] =	vst v8;
	v8 =	vmul.f32 v12, v11;
	v12 =	vld [tilespmem:s19+$0xFFFFFF80]  }
0x17e: {  	s5 =	sadd.s32 $0x1, s13;
	[tilespmem:s19+$0xFFFFFF20] =	vst v7;
	v7 =	vmul.f32 v9, v11;
	v9 =	vld [tilespmem:s19+$0xFFFFFF90]  }
0x17f: {  	[tilespmem:s19+$0xFFFFFF30] =	vst v8;
	v8 =	vmul.f32 v13, v11;
	v13 =	vmov s5;
	v15 =	vld [tilespmem:s19+$0xFFFFFFA0]  }
0x180: {  	[tilespmem:s19+$0xFFFFFF40] =	vst v7;
	v14 =	vmul.f32 v14, v11;
	v7 =	vperm.xlane v6, v13;
	v13 =	vld [tilespmem:s19+$0xFFFFFFB0]  }
0x181: {  	[tilespmem:s19+$0xFFFFFF50] =	vst v8;
	v8 =	vmul.f32 v10, v11;
	v10 =	vld [tilespmem:s19+$0xFFFFFFC0]  }
0x182: {  	[tilespmem:s19+$0xFFFFFF60] =	vst v14;
	v11 =	vmul.f32 v12, v7;
	v12 =	vld [tilespmem:s19+$0xFFFFFFD0]  }
0x183: {  	[tilespmem:s19+$0xFFFFFF70] =	vst v8;
	v8 =	vmul.f32 v9, v7;
	v9 =	vld [tilespmem:s19+$0xFFFFFFE0]  }
0x184: {  	[tilespmem:s19+$0xFFFFFF80] =	vst v11;
	v11 =	vmul.f32 v15, v7;
	v14 =	vld [tilespmem:s19+$0x0]  }
0x185: {  	s5 =	sadd.s32 $0x2, s13;
	[tilespmem:s19+$0xFFFFFF90] =	vst v8;
	v8 =	vmul.f32 v13, v7;
	v13 =	vld [tilespmem:s19+$0x10]  }
0x186: {  	[tilespmem:s19+$0xFFFFFFA0] =	vst v11;
	v10 =	vmul.f32 v10, v7;
	v11 =	vmov s5;
	v15 =	vld [tilespmem:s19+$0x20]  }
0x187: {  	[tilespmem:s19+$0xFFFFFFB0] =	vst v8;
	v8 =	vmul.f32 v12, v7;
	v11 =	vperm.xlane v6, v11;
	v12 =	vld [tilespmem:s19+$0x30]  }
0x188: {  	[tilespmem:s19+$0xFFFFFFC0] =	vst v10;
	v9 =	vmul.f32 v9, v7;
	v10 =	vld [tilespmem:s19+$0x40]  }
0x189: {  	[tilespmem:s19+$0xFFFFFFD0] =	vst v8;
	v8 =	vmul.f32 v14, v11;
	v14 =	vld [tilespmem:s19+$0x50]  }
0x18a: {  	[tilespmem:s19+$0xFFFFFFE0] =	vst v9;
	v9 =	vmul.f32 v13, v11;
	v13 =	vld [tilespmem:s19+$0x60]  }
0x18b: {  	[tilespmem:s19+$0x0] =	vst v8;
	v8 =	vmul.f32 v15, v11;
	v15 =	vld [tilespmem:s19+$0x70]  }
0x18c: {  	[tilespmem:s19+$0x10] =	vst v9;
	v9 =	vmul.f32 v12, v11;
	v12 =	vld [tilespmem:s19+$0x80]  }
0x18d: {  	s5 =	sadd.s32 $0x3, s13;
	[tilespmem:s19+$0x20] =	vst v8;
	v8 =	vmul.f32 v10, v11;
	v16 =	vld [tilespmem:s19+$0x90]  }
0x18e: {  	[tilespmem:s19+$0x30] =	vst v9;
	v10 =	vmul.f32 v14, v11;
	v9 =	vmov s5;
	v14 =	vld [tilespmem:s19+$0xA0]  }
.Ltmp3:
0x18f: {  	[tilespmem:s19+$0x40] =	vst v8;
	v13 =	vmul.f32 v13, v11;
	v8 =	vperm.xlane v6, v9;
	v9 =	vld [tilespmem:s19+$0xB0];
	(pc) =	sbr.rel @p0 .LBB2_10-.Ltmp3, $4  }
0x190: {  	[tilespmem:s19+$0x50] =	vst v10;
	v11 =	vmul.f32 v15, v11;
	v10 =	vld [tilespmem:s19+$0xC0]  }
0x191: {  	[tilespmem:s19+$0x60] =	vst v13;
	v13 =	vmul.f32 v12, v8;
	v12 =	vld [tilespmem:s19+$0xD0]  }
0x192: {  	[tilespmem:s19+$0x70] =	vst v11;
	v15 =	vmul.f32 v16, v8;
	v11 =	vld [tilespmem:s19+$0xE0]  }
0x193: {  	s13 =	sadd.s32 $0x4, s13;
	[tilespmem:s19+$0x80] =	vst v13;
	v14 =	vmul.f32 v14, v8;
	v13 =	vld [tilespmem:s19+$0xF0]  }
0x194: {  	v6 =	vld [tilespmem:s4+$0xFFFFFFF0];
	[tilespmem:s4+$0x90] =	vst v15;
	v9 =	vmul.f32 v9, v8  }
0x195: {  	s3 =	sadd.s32 $0x1, s3;
	[tilespmem:s4+$0xA0] =	vst v14;
	v10 =	vmul.f32 v10, v8  }
0x196: {  	p0 =	sne.s32 s3, $0x5;
	[tilespmem:s4+$0xB0] =	vst v9;
	v61 =	vmul.f32 v12, v8  }
.Ltmp4:
0x197: {  	[tilespmem:s4+$0xC0] =	vst v10;
	v62 =	vmul.f32 v11, v8;
	(pc) =	sbr.rel @p0 .LBB2_9-.Ltmp4, $4  }
0x198: {  	[tilespmem:s4+$0xD0] =	vst v61;
	v63 =	vmul.f32 v13, v8  }
0x199: {  	v6 =	vmul.f32 v6, v7;
	[tilespmem:s4+$0xE0] =	vst v62  }
0x19a: {  	[tilespmem:s4+$0xF0] =	vst v63  }
0x19b: {  	s2 =	sadd.s32 $0x800, s2;
	[tilespmem:s4+$0xFFFFFFF0] =	vst v6  }
0x19c: {  	s0 =	rddreg [dreg:$0x0]  }
0x19d: {  	[tilespmem:s14], [sflag:$0x1] =	stream.indirect.gather [hbm4b:s0+s12], $0x80, s31, s12, $0xb8;
	[tilespmem:$0x1E800] =	vst v63  }
0x19e: {  	_ = 	snop  }
0x19f: {  	[tilespmem:s30], [sflag:$0x1] =	stream.indirect.gather [hbm4b:s15+s12], $0x80, s11, s12, $0xb8;
	[tilespmem:$0x1E800] =	vst v63  }
0x1a0: {  	s19 =	rddreg [dreg:$0x3]  }
0x1a1: {  	[spmem:s19] =	stream.indirect.scatter.add.f32 [tilespmem:s7], [sflag:$0x4], $0x80, s10, s12, $0xb8;
	[tilespmem:$0x1E800] =	vst v63  }
0x1a2: {  	_ =	swait.ge [sflag:s8], $0x2800  }
0x1a3: {  	[sflag:s8] =	ssyncset.done $0x0  }
0x1a4: {  	[sflag:s8] =	ssyncadd.s32 $0xFFFFD800  }
0x1a5: {  	s23 =	rddreg [dreg:$0x4]  }
0x1a6: {  	[spmem:s23] =	stream.indirect.scatter.add.f32 [tilespmem:s21], [sflag:$0x4], $0x1, s10, s12, $0xb8;
	[tilespmem:$0x1E800] =	vst v63  }
0x1a7: {  	_ =	swait.ge [sflag:s8], $0x50  }
0x1a8: {  	[sflag:s8] =	ssyncset.done $0x0  }
0x1a9: {  	s29 =	sadd.s32 s18, s28;
	s28 =	simm.s32 $0x0;
	[sflag:s8] =	ssyncadd.s32 $0xFFFFFFB0  }
0x1aa: {  	[hbm4b:s29+s28] =	stream.linear.scatter [tilespmem:s21], [sflag:$0x4], $0x50, $0x38;
	[tilespmem:$0x1E800] =	vst v63  }
0x1ab: {  	_ =	swait.ge [sflag:s8], $0x50  }
0x1ac: {  	[sflag:s8] =	ssyncset.done $0x0  }
0x1ad: {  	[sflag:s8] =	ssyncadd.s32 $0xFFFFFFB0  }
0x1ae: {  	_ =	swait.ge [sflag:s9], $0x2800  }
0x1af: {  	[sflag:s9] =	ssyncset.done $0x0  }
0x1b0: {  	[sflag:s9] =	ssyncadd.s32 $0xFFFFD800  }
0x1b1: {  	_ =	swait.ge [sflag:s9], $0x2800  }
0x1b2: {  	[sflag:s9] =	ssyncset.done $0x0  }
0x1b3: {  	s4 =	simm.s32 $0x300;
	s23 =	simm.s32 $0x2B00;
	[sflag:s9] =	ssyncadd.s32 $0xFFFFD800  }
.LBB2_13:
0x1b4: {  	v6 =	vld [tilespmem:s4+$0xF0]  }
0x1b5: {  	v8 =	vld [tilespmem:s4+$0x70]  }
0x1b6: {  	v9 =	vld [tilespmem:s4+$0xFFFFFFF0]  }
0x1b7: {  	v16 =	vld [tilespmem:s23+$0xFFFFFFF0]  }
0x1b8: {  	v7 =	vld [tilespmem:s4+$0xE0]  }
0x1b9: {  	v18 =	vld [tilespmem:s4+$0xFFFFFF70]  }
0x1ba: {  	v22 =	vld [tilespmem:s23+$0xFFFFFF70]  }
0x1bb: {  	v10 =	vld [tilespmem:s4+$0x60]  }
0x1bc: {  	v23 =	vld [tilespmem:s4+$0xFFFFFFE0]  }
0x1bd: {  	v52 =	vld [tilespmem:s23+$0xFFFFFFE0]  }
0x1be: {  	v11 =	vld [tilespmem:s4+$0xD0]  }
0x1bf: {  	v53 =	vld [tilespmem:s4+$0xFFFFFF60]  }
0x1c0: {  	v54 =	vld [tilespmem:s23+$0xFFFFFF60]  }
0x1c1: {  	v12 =	vld [tilespmem:s4+$0x50]  }
0x1c2: {  	v19 =	vld [tilespmem:s4+$0xFFFFFFD0]  }
0x1c3: {  	v21 =	vld [tilespmem:s23+$0xFFFFFFD0]  }
0x1c4: {  	v13 =	vld [tilespmem:s4+$0xC0]  }
0x1c5: {  	v24 =	vld [tilespmem:s4+$0xFFFFFF50]  }
0x1c6: {  	v26 =	vld [tilespmem:s23+$0xFFFFFF50]  }
0x1c7: {  	v14 =	vld [tilespmem:s4+$0x40]  }
0x1c8: {  	v27 =	vld [tilespmem:s4+$0xFFFFFFC0]  }
0x1c9: {  	v28 =	vld [tilespmem:s23+$0xFFFFFFC0]  }
0x1ca: {  	v15 =	vld [tilespmem:s4+$0xB0]  }
0x1cb: {  	v32 =	vld [tilespmem:s4+$0xFFFFFF40]  }
0x1cc: {  	v34 =	vld [tilespmem:s23+$0xFFFFFF40]  }
0x1cd: {  	v17 =	vld [tilespmem:s4+$0x30]  }
0x1ce: {  	v33 =	vld [tilespmem:s4+$0xFFFFFFB0]  }
0x1cf: {  	v35 =	vld [tilespmem:s23+$0xFFFFFFB0]  }
0x1d0: {  	v20 =	vld [tilespmem:s4+$0xA0]  }
0x1d1: {  	v36 =	vld [tilespmem:s4+$0xFFFFFF30]  }
0x1d2: {  	v39 =	vld [tilespmem:s23+$0xFFFFFF30]  }
0x1d3: {  	v25 =	vld [tilespmem:s4+$0x20]  }
0x1d4: {  	v37 =	vld [tilespmem:s4+$0xFFFFFFA0]  }
0x1d5: {  	v40 =	vld [tilespmem:s23+$0xFFFFFFA0]  }
0x1d6: {  	v29 =	vld [tilespmem:s4+$0x80]  }
0x1d7: {  	v30 =	vld [tilespmem:s23+$0x80]  }
0x1d8: {  	v31 =	vld [tilespmem:s4+$0x90]  }
0x1d9: {  	v43 =	vld [tilespmem:s4+$0xFFFFFF20]  }
0x1da: {  	v45 =	vld [tilespmem:s23+$0xFFFFFF20]  }
0x1db: {  	v38 =	vld [tilespmem:s4+$0x0]  }
0x1dc: {  	v41 =	vld [tilespmem:s23+$0x0]  }
0x1dd: {  	v42 =	vld [tilespmem:s4+$0x10]  }
0x1de: {  	v44 =	vld [tilespmem:s4+$0xFFFFFF80]  }
0x1df: {  	v46 =	vld [tilespmem:s23+$0xFFFFFF80]  }
0x1e0: {  	v47 =	vld [tilespmem:s4+$0xFFFFFF90]  }
0x1e1: {  	v48 =	vld [tilespmem:s4+$0xFFFFFF00]  }
0x1e2: {  	v49 =	vld [tilespmem:s23+$0xFFFFFF00]  }
0x1e3: {  	v50 =	vld [tilespmem:s4+$0xFFFFFF10];
	s2 =	sshll.u32 s28, $0x4;
	s3 =	simm.s32 $0x4;
	v18 =	vmul.f32 v22, v18;
	v16 =	vmul.f32 v16, v9  }
0x1e4: {  	v51 =	vld [tilespmem:s23+$0xFFFFFF10];
	s29 =	smov.u32 s23;
	s19 =	smov.u32 s4;
	s0 =	simm.s32 $0x0;
	v9 =	vimm.f32 $0.0e+00;
	v22 =	vmul.f32 v54, v53;
	v23 =	vmul.f32 v52, v23  }
.LBB2_14:
0x1e5: {  	p0 =	slt.u32 s3, $0xC;
	v24 =	vmul.f32 v26, v24;
	v26 =	vld [tilespmem:s29+$0xFFFFFF90];
	v19 =	vmul.f32 v21, v19  }
0x1e6: {  	v21 =	vmul.f32 v34, v32;
	v27 =	vmul.f32 v28, v27;
	v28 =	vld [tilespmem:s29+$0x10]  }
0x1e7: {  	v32 =	vmul.f32 v39, v36;
	v33 =	vmul.f32 v35, v33;
	v34 =	vld [tilespmem:s29+$0x90]  }
0x1e8: {  	v35 =	vmul.f32 v45, v43;
	v36 =	vmul.f32 v40, v37;
	v37 =	vld [tilespmem:s29+$0x20]  }
0x1e9: {  	v39 =	vmul.f32 v49, v48;
	v40 =	vmul.f32 v51, v50;
	v43 =	vld [tilespmem:s29+$0xA0]  }
0x1ea: {  	v44 =	vmul.f32 v46, v44;
	v26 =	vmul.f32 v26, v47;
	v45 =	vld [tilespmem:s29+$0x30]  }
0x1eb: {  	v38 =	vmul.f32 v41, v38;
	v39 =	vadd.f32 v40, v39;
	v28 =	vmul.f32 v28, v42;
	v40 =	vld [tilespmem:s29+$0xB0]  }
0x1ec: {  	v29 =	vmul.f32 v30, v29;
	v26 =	vadd.f32 v26, v44;
	v41 =	vld [tilespmem:s29+$0x40];
	v30 =	vmul.f32 v34, v31  }
0x1ed: {  	v31 =	vadd.f32 v35, v39;
	v28 =	vadd.f32 v28, v38;
	v25 =	vmul.f32 v37, v25;
	v34 =	vld [tilespmem:s29+$0xC0]  }
0x1ee: {  	v26 =	vadd.f32 v36, v26;
	v35 =	vld [tilespmem:s29+$0x50];
	v29 =	vadd.f32 v30, v29;
	v20 =	vmul.f32 v43, v20  }
0x1ef: {  	v30 =	vadd.f32 v32, v31;
	v25 =	vadd.f32 v25, v28;
	v17 =	vmul.f32 v45, v17;
	v28 =	vld [tilespmem:s29+$0xD0]  }
0x1f0: {  	v26 =	vadd.f32 v33, v26;
	v31 =	vld [tilespmem:s29+$0x60];
	v20 =	vadd.f32 v20, v29;
	v15 =	vmul.f32 v40, v15  }
0x1f1: {  	v21 =	vadd.f32 v21, v30;
	v17 =	vadd.f32 v17, v25;
	v14 =	vmul.f32 v41, v14;
	v25 =	vld [tilespmem:s29+$0xE0]  }
0x1f2: {  	v26 =	vadd.f32 v27, v26;
	v27 =	vld [tilespmem:s29+$0x70];
	v15 =	vadd.f32 v15, v20;
	v13 =	vmul.f32 v34, v13  }
0x1f3: {  	s19 =	sadd.s32 $0x200, s19;
	v20 =	vadd.f32 v24, v21;
	v14 =	vadd.f32 v14, v17;
	v12 =	vmul.f32 v35, v12;
	v17 =	vld [tilespmem:s29+$0xF0]  }
0x1f4: {  	v21 =	vld [tilespmem:s19+$0xF0];
	v19 =	vadd.f32 v19, v26;
	v13 =	vadd.f32 v13, v15;
	v11 =	vmul.f32 v28, v11  }
0x1f5: {  	v15 =	vld [tilespmem:s19+$0x70];
	v20 =	vadd.f32 v22, v20;
	v12 =	vadd.f32 v12, v14;
	v10 =	vmul.f32 v31, v10  }
0x1f6: {  	s29 =	sadd.s32 $0x200, s29;
	v22 =	vld [tilespmem:s19+$0xFFFFFFF0];
	v14 =	vadd.f32 v23, v19;
	v11 =	vadd.f32 v11, v13;
	v13 =	vmul.f32 v25, v7  }
0x1f7: {  	v23 =	vld [tilespmem:s29+$0xFFFFFFF0];
	v19 =	vadd.f32 v18, v20;
	v10 =	vadd.f32 v10, v12;
	v24 =	vmul.f32 v27, v8  }
0x1f8: {  	v7 =	vld [tilespmem:s19+$0xE0];
	v12 =	vadd.f32 v16, v14;
	v11 =	vadd.f32 v13, v11;
	v13 =	vmul.f32 v17, v6  }
0x1f9: {  	v16 =	vld [tilespmem:s19+$0xFFFFFF70];
	v14 =	vperm.xlane v19, v1;
	v17 =	vadd.f32 v24, v10;
	v6 =	vmov v21  }
0x1fa: {  	v18 =	vld [tilespmem:s29+$0xFFFFFF70];
	v20 =	vperm.xlane v12, v1;
	v13 =	vadd.f32 v13, v11;
	v8 =	vmov v15  }
0x1fb: {  	v10 =	vld [tilespmem:s19+$0x60];
	v14 =	vadd.f32 v19, v14;
	v11 =	vperm.xlane v17, v1  }
0x1fc: {  	v52 =	vld [tilespmem:s19+$0xFFFFFFE0];
	v12 =	vadd.f32 v12, v20;
	v15 =	vperm.xlane v13, v1  }
0x1fd: {  	v53 =	vld [tilespmem:s29+$0xFFFFFFE0];
	v19 =	vperm.xlane v14, v2;
	v17 =	vadd.f32 v17, v11  }
0x1fe: {  	v11 =	vld [tilespmem:s19+$0xD0];
	v20 =	vperm.xlane v12, v2;
	v13 =	vadd.f32 v13, v15  }
0x1ff: {  	v54 =	vld [tilespmem:s19+$0xFFFFFF60];
	v14 =	vadd.f32 v14, v19;
	v15 =	vperm.xlane v17, v2  }
0x200: {  	v55 =	vld [tilespmem:s29+$0xFFFFFF60];
	v20 =	vadd.f32 v12, v20;
	v21 =	vperm.xlane v13, v2  }
0x201: {  	v12 =	vld [tilespmem:s19+$0x50];
	v24 =	vperm.xlane v14, v3;
	v15 =	vadd.f32 v17, v15  }
0x202: {  	v19 =	vld [tilespmem:s19+$0xFFFFFFD0];
	v17 =	vperm.xlane v20, v3;
	v25 =	vadd.f32 v13, v21  }
0x203: {  	v21 =	vld [tilespmem:s29+$0xFFFFFFD0];
	v27 =	vadd.f32 v14, v24;
	v14 =	vperm.xlane v15, v3  }
0x204: {  	s5 =	sadd.s32 $0x3, s0;
	v28 =	vmov s0;
	v13 =	vld [tilespmem:s19+$0xC0];
	v17 =	vadd.f32 v20, v17;
	v20 =	vperm.xlane v25, v3  }
0x205: {  	s6 =	sadd.s32 $0x2, s0;
	v30 =	vmov s5;
	v24 =	vld [tilespmem:s19+$0xFFFFFF50];
	v29 =	vperm.xlane v27, v4;
	v15 =	vadd.f32 v15, v14  }
0x206: {  	v32 =	vmov s6;
	v26 =	vld [tilespmem:s29+$0xFFFFFF50];
	v31 =	vperm.xlane v17, v4;
	v20 =	vadd.f32 v25, v20  }
0x207: {  	s5 =	sadd.s32 $0x1, s0;
	s0 =	smov.u32 s3;
	vm0 =	veq.s32 v28, v5;
	v14 =	vld [tilespmem:s19+$0x40];
	v25 =	vadd.f32 v27, v29;
	v29 =	vperm.xlane v15, v4  }
0x208: {  	v27 =	vld [tilespmem:s19+$0xFFFFFFC0];
	v17 =	vadd.f32 v17, v31;
	v31 =	vmov s5;
	v33 =	vperm.xlane v20, v4  }
0x209: {  	v28 =	vld [tilespmem:s29+$0xFFFFFFC0];
	v9 =	vsel vm0, v25, v9;
	vm0 =	veq.s32 v31, v5;
	v25 =	vadd.f32 v15, v29  }
0x20a: {  	v15 =	vld [tilespmem:s19+$0xB0];
	v9 =	vsel vm0, v17, v9;
	vm0 =	veq.s32 v32, v5;
	v17 =	vadd.f32 v20, v33  }
0x20b: {  	v32 =	vld [tilespmem:s19+$0xFFFFFF40];
	v9 =	vsel vm0, v25, v9;
	vm0 =	veq.s32 v30, v5  }
0x20c: {  	v34 =	vld [tilespmem:s29+$0xFFFFFF40];
	v9 =	vsel vm0, v17, v9  }
0x20d: {  	v17 =	vld [tilespmem:s19+$0x30]  }
0x20e: {  	v33 =	vld [tilespmem:s19+$0xFFFFFFB0]  }
0x20f: {  	v35 =	vld [tilespmem:s29+$0xFFFFFFB0]  }
0x210: {  	v20 =	vld [tilespmem:s19+$0xA0]  }
0x211: {  	v36 =	vld [tilespmem:s19+$0xFFFFFF30]  }
0x212: {  	v39 =	vld [tilespmem:s29+$0xFFFFFF30]  }
0x213: {  	v25 =	vld [tilespmem:s19+$0x20]  }
0x214: {  	v37 =	vld [tilespmem:s19+$0xFFFFFFA0]  }
0x215: {  	v40 =	vld [tilespmem:s29+$0xFFFFFFA0]  }
0x216: {  	v29 =	vld [tilespmem:s19+$0x80]  }
0x217: {  	v30 =	vld [tilespmem:s29+$0x80]  }
0x218: {  	v31 =	vld [tilespmem:s19+$0x90]  }
0x219: {  	v43 =	vld [tilespmem:s19+$0xFFFFFF20]  }
0x21a: {  	v45 =	vld [tilespmem:s29+$0xFFFFFF20]  }
0x21b: {  	v38 =	vld [tilespmem:s19+$0x0]  }
0x21c: {  	v41 =	vld [tilespmem:s29+$0x0]  }
0x21d: {  	v42 =	vld [tilespmem:s19+$0x10]  }
0x21e: {  	v44 =	vld [tilespmem:s19+$0xFFFFFF80]  }
0x21f: {  	v46 =	vld [tilespmem:s29+$0xFFFFFF80]  }
.Ltmp5:
0x220: {  	v47 =	vld [tilespmem:s19+$0xFFFFFF90];
	(pc) =	sbr.rel @p0 .LBB2_14-.Ltmp5, $4  }
0x221: {  	v48 =	vld [tilespmem:s19+$0xFFFFFF00]  }
0x222: {  	v49 =	vld [tilespmem:s29+$0xFFFFFF00]  }
0x223: {  	v18 =	vmul.f32 v18, v16;
	v16 =	vmul.f32 v23, v22;
	v50 =	vld [tilespmem:s19+$0xFFFFFF10]  }
0x224: {  	s3 =	sadd.s32 $0x4, s3;
	v23 =	vmul.f32 v53, v52;
	v22 =	vmul.f32 v55, v54;
	v51 =	vld [tilespmem:s29+$0xFFFFFF10]  }
0x225: {  	v24 =	vmul.f32 v26, v24;
	v59 =	vld [tilespmem:s29+$0xFFFFFF90];
	v19 =	vmul.f32 v21, v19  }
0x226: {  	v21 =	vmul.f32 v34, v32;
	v27 =	vmul.f32 v28, v27;
	v60 =	vld [tilespmem:s29+$0x10]  }
0x227: {  	v32 =	vmul.f32 v39, v36;
	v33 =	vmul.f32 v35, v33;
	v61 =	vld [tilespmem:s29+$0x90]  }
0x228: {  	v62 =	vmul.f32 v45, v43;
	v63 =	vmul.f32 v40, v37;
	v52 =	vld [tilespmem:s29+$0x20]  }
0x229: {  	v55 =	vld [tilespmem:s29+$0xA0];
	v53 =	vmul.f32 v49, v48;
	v54 =	vmul.f32 v51, v50  }
0x22a: {  	v44 =	vmul.f32 v46, v44;
	v56 =	vld [tilespmem:s29+$0x30];
	v26 =	vmul.f32 v59, v47  }
0x22b: {  	v38 =	vmul.f32 v41, v38;
	v57 =	vld [tilespmem:s29+$0xB0];
	v28 =	vmul.f32 v60, v42;
	v39 =	vadd.f32 v54, v53  }
0x22c: {  	v58 =	vld [tilespmem:s29+$0x40];
	v29 =	vmul.f32 v30, v29;
	v59 =	vmul.f32 v61, v31;
	v26 =	vadd.f32 v26, v44  }
0x22d: {  	v25 =	vmul.f32 v52, v25;
	v61 =	vld [tilespmem:s29+$0xC0];
	v28 =	vadd.f32 v28, v38;
	v60 =	vadd.f32 v62, v39  }
0x22e: {  	v20 =	vmul.f32 v55, v20;
	v29 =	vadd.f32 v59, v29;
	v62 =	vld [tilespmem:s29+$0x50];
	v26 =	vadd.f32 v63, v26  }
0x22f: {  	v36 =	vld [tilespmem:s29+$0xD0];
	v17 =	vmul.f32 v56, v17;
	v25 =	vadd.f32 v25, v28;
	v63 =	vadd.f32 v32, v60  }
0x230: {  	v37 =	vld [tilespmem:s29+$0x60];
	v15 =	vmul.f32 v57, v15;
	v20 =	vadd.f32 v20, v29;
	v26 =	vadd.f32 v33, v26  }
0x231: {  	v14 =	vmul.f32 v58, v14;
	v38 =	vld [tilespmem:s29+$0xE0];
	v17 =	vadd.f32 v17, v25;
	v21 =	vadd.f32 v21, v63  }
0x232: {  	v39 =	vld [tilespmem:s29+$0x70];
	v13 =	vmul.f32 v61, v13;
	v15 =	vadd.f32 v15, v20;
	v26 =	vadd.f32 v27, v26  }
0x233: {  	v41 =	vld [tilespmem:s29+$0xF0];
	v14 =	vadd.f32 v14, v17;
	v12 =	vmul.f32 v62, v12;
	v40 =	vadd.f32 v24, v21  }
0x234: {  	v11 =	vmul.f32 v36, v11;
	v13 =	vadd.f32 v13, v15;
	v19 =	vadd.f32 v19, v26  }
0x235: {  	v10 =	vmul.f32 v37, v10;
	v12 =	vadd.f32 v12, v14;
	v42 =	vadd.f32 v22, v40  }
0x236: {  	v7 =	vmul.f32 v38, v7;
	v11 =	vadd.f32 v11, v13;
	v43 =	vadd.f32 v23, v19  }
0x237: {  	v8 =	vmul.f32 v39, v8;
	v10 =	vadd.f32 v10, v12;
	v44 =	vadd.f32 v18, v42  }
0x238: {  	v6 =	vmul.f32 v41, v6;
	v7 =	vadd.f32 v7, v11;
	v45 =	vadd.f32 v16, v43  }
0x239: {  	v8 =	vadd.f32 v8, v10;
	v46 =	vperm.xlane v44, v1  }
0x23a: {  	v6 =	vadd.f32 v6, v7;
	v47 =	vperm.xlane v45, v1  }
0x23b: {  	v48 =	vperm.xlane v8, v1;
	v7 =	vadd.f32 v44, v46  }
0x23c: {  	v49 =	vperm.xlane v6, v1;
	v10 =	vadd.f32 v45, v47  }
0x23d: {  	v8 =	vadd.f32 v8, v48;
	v13 =	vperm.xlane v7, v2  }
0x23e: {  	v6 =	vadd.f32 v6, v49;
	v50 =	vperm.xlane v10, v2  }
0x23f: {  	v51 =	vperm.xlane v8, v2;
	v7 =	vadd.f32 v7, v13  }
0x240: {  	v52 =	vperm.xlane v6, v2;
	v10 =	vadd.f32 v10, v50  }
0x241: {  	v8 =	vadd.f32 v8, v51;
	v13 =	vperm.xlane v7, v3  }
0x242: {  	v6 =	vadd.f32 v6, v52;
	v53 =	vperm.xlane v10, v3  }
0x243: {  	v54 =	vperm.xlane v8, v3;
	v7 =	vadd.f32 v7, v13  }
0x244: {  	s3 =	sadd.s32 $0x3, s0;
	v55 =	vmov s0;
	v56 =	vperm.xlane v6, v3;
	v10 =	vadd.f32 v10, v53  }
0x245: {  	v58 =	vmov s3;
	v8 =	vadd.f32 v8, v54;
	v57 =	vperm.xlane v7, v4  }
0x246: {  	s5 =	sadd.s32 $0x2, s0;
	vm0 =	veq.s32 v55, v5;
	v6 =	vadd.f32 v6, v56;
	v59 =	vperm.xlane v10, v4  }
0x247: {  	s29 =	sadd.s32 $0x1, s0;
	v60 =	vmov s5;
	v61 =	vperm.xlane v8, v4;
	v7 =	vadd.f32 v7, v57  }
0x248: {  	v62 =	vmov s29;
	v63 =	vperm.xlane v6, v4;
	v10 =	vadd.f32 v10, v59  }
0x249: {  	vm13 =	veq.s32 v62, v5;
	v8 =	vadd.f32 v8, v61;
	v7 =	vsel vm0, v7, v9  }
0x24a: {  	vm14 =	veq.s32 v60, v5;
	v6 =	vadd.f32 v6, v63;
	v7 =	vsel vm13, v10, v7  }
0x24b: {  	vm15 =	veq.s32 v58, v5;
	v7 =	vsel vm14, v8, v7  }
0x24c: {  	v6 =	vsel vm15, v6, v7  }
0x24d: {  	v6 =	vmul.f32 $8.838834610e-02, v6;
	_ =	sdelay $0x1  }
0x24e: {  	v6 =	vmul.f32 $1.442695020e+00, v6;
	_ =	sdelay $0x1  }
0x24f: {  	(erf) = vpow2.f32 v6;
	_ =	sdelay $0x3  }
0x250: {  	s28 =	sadd.s32 $0x1, s28  }
0x251: {  	p0 =	sne.s32 s28, $0x5  }
.Ltmp6:
0x252: {  	_ = 	snop;
	(pc) =	sbr.rel @p0 .LBB2_13-.Ltmp6, $3  }
0x253: {  	_ =	sdelay $0x1  }
0x254: {  	v6 =	vpop (erf)  }
0x255: {  	s23 =	sadd.s32 $0x800, s23;
	s4 =	sadd.s32 $0x800, s4;
	[tilespmem:s2+$0xA280] =	vst v6  }
0x256: {  	_ =	swait.ge [sflag:s20], $0x2800  }
0x257: {  	s0 =	simm.s32 $0x0;
	s2 =	simm.s32 $0x7B00;
	[sflag:s20] =	ssyncset.done $0x0  }
0x258: {  	s3 =	simm.s32 $0x0;
	s29 =	simm.s32 $0x7A00;
	[sflag:s20] =	ssyncadd.s32 $0xFFFFD800  }
.LBB2_17:
0x259: {  	s4 =	sshll.u32 s3, $0x4  }
0x25a: {  	v6 =	vld [tilespmem:s4+$0xA280];
	_ =	sdelay $0x1  }
0x25b: {  	v7 =	vld [tilespmem:s2+$0xFFFFFF00]  }
0x25c: {  	v8 =	vld [tilespmem:s2+$0xFFFFFF10]  }
0x25d: {  	v9 =	vmov s0;
	v10 =	vld [tilespmem:s2+$0xFFFFFF20]  }
0x25e: {  	v11 =	vld [tilespmem:s2+$0xFFFFFF30];
	v9 =	vperm.xlane v6, v9  }
0x25f: {  	v12 =	vld [tilespmem:s2+$0xFFFFFF40]  }
0x260: {  	v13 =	vld [tilespmem:s2+$0xFFFFFF50];
	v7 =	vmul.f32 v7, v9  }
0x261: {  	v14 =	vld [tilespmem:s2+$0xFFFFFF60];
	v8 =	vmul.f32 v8, v9  }
0x262: {  	[tilespmem:s2+$0xFFFFFF00] =	vst v7;
	v7 =	vmul.f32 v10, v9;
	v10 =	vld [tilespmem:s2+$0xFFFFFF70]  }
0x263: {  	[tilespmem:s2+$0xFFFFFF10] =	vst v8;
	v8 =	vmul.f32 v11, v9;
	v11 =	vld [tilespmem:s2+$0xFFFFFF80]  }
0x264: {  	s19 =	simm.s32 $0x1;
	[tilespmem:s2+$0xFFFFFF20] =	vst v7;
	v7 =	vmul.f32 v12, v9;
	v12 =	vld [tilespmem:s2+$0xFFFFFF90]  }
0x265: {  	v15 =	vld [tilespmem:s2+$0xFFFFFFA0];
	[tilespmem:s2+$0xFFFFFF30] =	vst v8;
	v8 =	vmul.f32 v13, v9;
	v13 =	vmov s19  }
0x266: {  	v14 =	vmul.f32 v14, v9;
	[tilespmem:s2+$0xFFFFFF40] =	vst v7;
	v7 =	vperm.xlane v6, v13;
	v13 =	vld [tilespmem:s2+$0xFFFFFFB0]  }
0x267: {  	[tilespmem:s2+$0xFFFFFF50] =	vst v8;
	v8 =	vmul.f32 v10, v9;
	v9 =	vld [tilespmem:s2+$0xFFFFFFC0]  }
0x268: {  	[tilespmem:s2+$0xFFFFFF60] =	vst v14;
	v10 =	vmul.f32 v11, v7;
	v11 =	vld [tilespmem:s2+$0xFFFFFFD0]  }
0x269: {  	[tilespmem:s2+$0xFFFFFF70] =	vst v8;
	v8 =	vmul.f32 v12, v7;
	v12 =	vld [tilespmem:s2+$0xFFFFFFE0]  }
0x26a: {  	v14 =	vld [tilespmem:s2+$0x0];
	[tilespmem:s2+$0xFFFFFF80] =	vst v10;
	v10 =	vmul.f32 v15, v7  }
0x26b: {  	s23 =	simm.s32 $0x2;
	[tilespmem:s2+$0xFFFFFF90] =	vst v8;
	v8 =	vmul.f32 v13, v7;
	v13 =	vld [tilespmem:s2+$0x10]  }
0x26c: {  	v15 =	vld [tilespmem:s2+$0x20];
	[tilespmem:s2+$0xFFFFFFA0] =	vst v10;
	v9 =	vmul.f32 v9, v7;
	v10 =	vmov s23  }
0x26d: {  	[tilespmem:s2+$0xFFFFFFB0] =	vst v8;
	v8 =	vmul.f32 v11, v7;
	v10 =	vperm.xlane v6, v10;
	v11 =	vld [tilespmem:s2+$0x30]  }
0x26e: {  	[tilespmem:s2+$0xFFFFFFC0] =	vst v9;
	v9 =	vmul.f32 v12, v7;
	v12 =	vld [tilespmem:s2+$0x40]  }
0x26f: {  	[tilespmem:s2+$0xFFFFFFD0] =	vst v8;
	v8 =	vmul.f32 v14, v10;
	v14 =	vld [tilespmem:s2+$0x50]  }
0x270: {  	[tilespmem:s2+$0xFFFFFFE0] =	vst v9;
	v9 =	vmul.f32 v13, v10;
	v13 =	vld [tilespmem:s2+$0x60]  }
0x271: {  	[tilespmem:s2+$0x0] =	vst v8;
	v8 =	vmul.f32 v15, v10;
	v15 =	vld [tilespmem:s2+$0x70]  }
0x272: {  	[tilespmem:s2+$0x10] =	vst v9;
	v9 =	vmul.f32 v11, v10;
	v11 =	vld [tilespmem:s2+$0x80]  }
0x273: {  	s28 =	simm.s32 $0x3;
	v16 =	vld [tilespmem:s2+$0x90];
	[tilespmem:s2+$0x20] =	vst v8;
	v8 =	vmul.f32 v12, v10  }
0x274: {  	[tilespmem:s2+$0x30] =	vst v9;
	v12 =	vmul.f32 v14, v10;
	v9 =	vmov s28;
	v14 =	vld [tilespmem:s2+$0xA0]  }
0x275: {  	[tilespmem:s2+$0x40] =	vst v8;
	v13 =	vmul.f32 v13, v10;
	v8 =	vperm.xlane v6, v9;
	v9 =	vld [tilespmem:s2+$0xB0]  }
0x276: {  	[tilespmem:s2+$0x50] =	vst v12;
	v15 =	vmul.f32 v15, v10;
	v10 =	vld [tilespmem:s2+$0xC0]  }
0x277: {  	v12 =	vld [tilespmem:s2+$0xD0];
	[tilespmem:s2+$0x60] =	vst v13;
	v13 =	vmul.f32 v11, v8  }
0x278: {  	v11 =	vld [tilespmem:s2+$0xE0];
	[tilespmem:s2+$0x70] =	vst v15;
	v15 =	vmul.f32 v16, v8  }
0x279: {  	s13 =	simm.s32 $0x4;
	s4 =	smov.u32 s2;
	s19 =	smov.u32 s2;
	[tilespmem:s2+$0x80] =	vst v13;
	v14 =	vmul.f32 v14, v8;
	v13 =	vld [tilespmem:s2+$0xF0]  }
.LBB2_18:
0x27a: {  	p0 =	slt.u32 s13, $0xC;
	v16 =	vld [tilespmem:s4+$0xFFFFFFF0];
	[tilespmem:s4+$0x90] =	vst v15;
	v9 =	vmul.f32 v9, v8;
	s19 =	sadd.s32 $0x200, s19  }
0x27b: {  	v15 =	vld [tilespmem:s19+$0xFFFFFF00];
	[tilespmem:s4+$0xA0] =	vst v14;
	v10 =	vmul.f32 v10, v8  }
0x27c: {  	v14 =	vld [tilespmem:s19+$0xFFFFFF10];
	[tilespmem:s4+$0xB0] =	vst v9;
	v9 =	vmul.f32 v12, v8  }
0x27d: {  	v12 =	vmov s13;
	v17 =	vld [tilespmem:s19+$0xFFFFFF20];
	[tilespmem:s4+$0xC0] =	vst v10;
	v10 =	vmul.f32 v11, v8  }
0x27e: {  	v11 =	vperm.xlane v6, v12;
	v12 =	vld [tilespmem:s19+$0xFFFFFF30];
	[tilespmem:s4+$0xD0] =	vst v9;
	v8 =	vmul.f32 v13, v8  }
0x27f: {  	v9 =	vld [tilespmem:s19+$0xFFFFFF40];
	v7 =	vmul.f32 v16, v7;
	[tilespmem:s4+$0xE0] =	vst v10  }
0x280: {  	v10 =	vmul.f32 v15, v11;
	v13 =	vld [tilespmem:s19+$0xFFFFFF50];
	[tilespmem:s4+$0xF0] =	vst v8  }
0x281: {  	v8 =	vmul.f32 v14, v11;
	v14 =	vld [tilespmem:s19+$0xFFFFFF60];
	[tilespmem:s4+$0xFFFFFFF0] =	vst v7;
	s4 =	smov.u32 s19  }
0x282: {  	[tilespmem:s19+$0xFFFFFF00] =	vst v10;
	v7 =	vmul.f32 v17, v11;
	v10 =	vld [tilespmem:s19+$0xFFFFFF70]  }
0x283: {  	[tilespmem:s19+$0xFFFFFF10] =	vst v8;
	v8 =	vmul.f32 v12, v11;
	v12 =	vld [tilespmem:s19+$0xFFFFFF80]  }
0x284: {  	s5 =	sadd.s32 $0x1, s13;
	[tilespmem:s19+$0xFFFFFF20] =	vst v7;
	v7 =	vmul.f32 v9, v11;
	v9 =	vld [tilespmem:s19+$0xFFFFFF90]  }
0x285: {  	[tilespmem:s19+$0xFFFFFF30] =	vst v8;
	v8 =	vmul.f32 v13, v11;
	v13 =	vmov s5;
	v15 =	vld [tilespmem:s19+$0xFFFFFFA0]  }
0x286: {  	[tilespmem:s19+$0xFFFFFF40] =	vst v7;
	v14 =	vmul.f32 v14, v11;
	v7 =	vperm.xlane v6, v13;
	v13 =	vld [tilespmem:s19+$0xFFFFFFB0]  }
0x287: {  	[tilespmem:s19+$0xFFFFFF50] =	vst v8;
	v8 =	vmul.f32 v10, v11;
	v10 =	vld [tilespmem:s19+$0xFFFFFFC0]  }
0x288: {  	[tilespmem:s19+$0xFFFFFF60] =	vst v14;
	v11 =	vmul.f32 v12, v7;
	v12 =	vld [tilespmem:s19+$0xFFFFFFD0]  }
0x289: {  	[tilespmem:s19+$0xFFFFFF70] =	vst v8;
	v8 =	vmul.f32 v9, v7;
	v9 =	vld [tilespmem:s19+$0xFFFFFFE0]  }
0x28a: {  	[tilespmem:s19+$0xFFFFFF80] =	vst v11;
	v11 =	vmul.f32 v15, v7;
	v14 =	vld [tilespmem:s19+$0x0]  }
0x28b: {  	s5 =	sadd.s32 $0x2, s13;
	[tilespmem:s19+$0xFFFFFF90] =	vst v8;
	v8 =	vmul.f32 v13, v7;
	v13 =	vld [tilespmem:s19+$0x10]  }
0x28c: {  	[tilespmem:s19+$0xFFFFFFA0] =	vst v11;
	v10 =	vmul.f32 v10, v7;
	v11 =	vmov s5;
	v15 =	vld [tilespmem:s19+$0x20]  }
0x28d: {  	[tilespmem:s19+$0xFFFFFFB0] =	vst v8;
	v8 =	vmul.f32 v12, v7;
	v11 =	vperm.xlane v6, v11;
	v12 =	vld [tilespmem:s19+$0x30]  }
0x28e: {  	[tilespmem:s19+$0xFFFFFFC0] =	vst v10;
	v9 =	vmul.f32 v9, v7;
	v10 =	vld [tilespmem:s19+$0x40]  }
0x28f: {  	[tilespmem:s19+$0xFFFFFFD0] =	vst v8;
	v8 =	vmul.f32 v14, v11;
	v14 =	vld [tilespmem:s19+$0x50]  }
0x290: {  	[tilespmem:s19+$0xFFFFFFE0] =	vst v9;
	v9 =	vmul.f32 v13, v11;
	v13 =	vld [tilespmem:s19+$0x60]  }
0x291: {  	[tilespmem:s19+$0x0] =	vst v8;
	v8 =	vmul.f32 v15, v11;
	v15 =	vld [tilespmem:s19+$0x70]  }
0x292: {  	[tilespmem:s19+$0x10] =	vst v9;
	v9 =	vmul.f32 v12, v11;
	v12 =	vld [tilespmem:s19+$0x80]  }
0x293: {  	s5 =	sadd.s32 $0x3, s13;
	[tilespmem:s19+$0x20] =	vst v8;
	v8 =	vmul.f32 v10, v11;
	v16 =	vld [tilespmem:s19+$0x90]  }
0x294: {  	[tilespmem:s19+$0x30] =	vst v9;
	v10 =	vmul.f32 v14, v11;
	v9 =	vmov s5;
	v14 =	vld [tilespmem:s19+$0xA0]  }
.Ltmp7:
0x295: {  	[tilespmem:s19+$0x40] =	vst v8;
	v13 =	vmul.f32 v13, v11;
	v8 =	vperm.xlane v6, v9;
	v9 =	vld [tilespmem:s19+$0xB0];
	(pc) =	sbr.rel @p0 .LBB2_18-.Ltmp7, $4  }
0x296: {  	[tilespmem:s19+$0x50] =	vst v10;
	v11 =	vmul.f32 v15, v11;
	v10 =	vld [tilespmem:s19+$0xC0]  }
0x297: {  	[tilespmem:s19+$0x60] =	vst v13;
	v13 =	vmul.f32 v12, v8;
	v12 =	vld [tilespmem:s19+$0xD0]  }
0x298: {  	[tilespmem:s19+$0x70] =	vst v11;
	v15 =	vmul.f32 v16, v8;
	v11 =	vld [tilespmem:s19+$0xE0]  }
0x299: {  	s13 =	sadd.s32 $0x4, s13;
	[tilespmem:s19+$0x80] =	vst v13;
	v14 =	vmul.f32 v14, v8;
	v13 =	vld [tilespmem:s19+$0xF0]  }
0x29a: {  	v6 =	vld [tilespmem:s4+$0xFFFFFFF0];
	[tilespmem:s4+$0x90] =	vst v15;
	v9 =	vmul.f32 v9, v8  }
0x29b: {  	s3 =	sadd.s32 $0x1, s3;
	[tilespmem:s4+$0xA0] =	vst v14;
	v10 =	vmul.f32 v10, v8  }
0x29c: {  	p0 =	sne.s32 s3, $0x5;
	[tilespmem:s4+$0xB0] =	vst v9;
	v61 =	vmul.f32 v12, v8  }
.Ltmp8:
0x29d: {  	[tilespmem:s4+$0xC0] =	vst v10;
	v62 =	vmul.f32 v11, v8;
	(pc) =	sbr.rel @p0 .LBB2_17-.Ltmp8, $4  }
0x29e: {  	[tilespmem:s4+$0xD0] =	vst v61;
	v63 =	vmul.f32 v13, v8  }
0x29f: {  	v6 =	vmul.f32 v6, v7;
	[tilespmem:s4+$0xE0] =	vst v62  }
0x2a0: {  	[tilespmem:s4+$0xF0] =	vst v63  }
0x2a1: {  	s2 =	sadd.s32 $0x800, s2;
	[tilespmem:s4+$0xFFFFFFF0] =	vst v6  }
0x2a2: {  	s0 =	rddreg [dreg:$0x3]  }
0x2a3: {  	[spmem:s0] =	stream.indirect.scatter.add.f32 [tilespmem:s29], [sflag:$0x4], $0x80, s11, s12, $0xb8;
	[tilespmem:$0x1E800] =	vst v63  }
0x2a4: {  	_ =	swait.ge [sflag:s8], $0x2800  }
0x2a5: {  	[sflag:s8] =	ssyncset.done $0x0  }
0x2a6: {  	[sflag:s8] =	ssyncadd.s32 $0xFFFFD800  }
0x2a7: {  	s2 =	simm.s32 $0xA280;
	s23 =	rddreg [dreg:$0x4]  }
0x2a8: {  	[spmem:s23] =	stream.indirect.scatter.add.f32 [tilespmem:s2], [sflag:$0x4], $0x1, s11, s12, $0xb8;
	[tilespmem:$0x1E800] =	vst v63  }
0x2a9: {  	s25 =	sadd.s32 $0x1, s25;
	_ =	swait.ge [sflag:s8], $0x50  }
0x2aa: {  	p0 =	sne.s32 s25, $0x3E;
	[sflag:s8] =	ssyncset.done $0x0  }
.Ltmp9:
0x2ab: {  	s28 =	sadd.s32 s18, s26;
	[sflag:s8] =	ssyncadd.s32 $0xFFFFFFB0;
	(pc) =	sbr.rel @p0 .LBB2_4-.Ltmp9, $4  }
0x2ac: {  	[hbm4b:s28+s22] =	stream.linear.scatter [tilespmem:s2], [sflag:$0x4], $0x50, $0x38;
	[tilespmem:$0x1E800] =	vst v63  }
0x2ad: {  	_ =	swait.ge [sflag:s8], $0x50  }
0x2ae: {  	[sflag:s8] =	ssyncset.done $0x0  }
0x2af: {  	[sflag:s8] =	ssyncadd.s32 $0xFFFFFFB0  }
0x2b0: {  	s24 =	simm.s32 $0x0;
	s0 =	rddreg [dreg:$0x18]  }
0x2b1: {  	[tilespmem:s24], [sflag:$0x4] =	stream.linear.gather [hbm4b:s0+s24], $0x50, $0x38;
	[tilespmem:$0x1E800] =	vst v63  }
0x2b2: {  	_ =	swait.ge [sflag:s8], $0x50  }
0x2b3: {  	[sflag:s8] =	ssyncset.done $0x0  }
0x2b4: {  	s26 =	rddreg [dreg:$0x19];
	[sflag:s8] =	ssyncadd.s32 $0xFFFFFFB0  }
0x2b5: {  	[tilespmem:s10], [sflag:$0x4] =	stream.linear.gather [hbm4b:s26+s24], $0x50, $0x38;
	[tilespmem:$0x1E800] =	vst v63  }
0x2b6: {  	_ =	swait.ge [sflag:s8], $0x50  }
0x2b7: {  	[sflag:s8] =	ssyncset.done $0x0  }
0x2b8: {  	[sflag:s8] =	ssyncadd.s32 $0xFFFFFFB0  }
0x2b9: {  	s28 =	rddreg [dreg:$0x0]  }
0x2ba: {  	[tilespmem:s14], [sflag:$0x1] =	stream.indirect.gather [hbm4b:s28+s12], $0x80, s24, s12, $0xb8;
	[tilespmem:$0x1E800] =	vst v63  }
0x2bb: {  	_ = 	snop  }
0x2bc: {  	[tilespmem:s30], [sflag:$0x1] =	stream.indirect.gather [hbm4b:s15+s12], $0x80, s10, s12, $0xb8;
	[tilespmem:$0x1E800] =	vst v63  }
0x2bd: {  	_ = 	snop  }
0x2be: {  	[tilespmem:s7], [sflag:$0x2] =	stream.indirect.gather [hbm4b:s16+s12], $0x80, s24, s12, $0xb8;
	[tilespmem:$0x1E800] =	vst v63  }
0x2bf: {  	_ =	swait.ge [sflag:s9], $0x2800  }
0x2c0: {  	[sflag:s9] =	ssyncset.done $0x0  }
0x2c1: {  	[sflag:s9] =	ssyncadd.s32 $0xFFFFD800  }
0x2c2: {  	_ =	swait.ge [sflag:s9], $0x2800  }
0x2c3: {  	[sflag:s9] =	ssyncset.done $0x0  }
0x2c4: {  	s23 =	simm.s32 $0x2B00;
	s4 =	simm.s32 $0x300;
	[sflag:s9] =	ssyncadd.s32 $0xFFFFD800  }
.LBB2_22:
0x2c5: {  	v6 =	vld [tilespmem:s4+$0xF0]  }
0x2c6: {  	v8 =	vld [tilespmem:s4+$0x70]  }
0x2c7: {  	v9 =	vld [tilespmem:s4+$0xFFFFFFF0]  }
0x2c8: {  	v16 =	vld [tilespmem:s23+$0xFFFFFFF0]  }
0x2c9: {  	v7 =	vld [tilespmem:s4+$0xE0]  }
0x2ca: {  	v18 =	vld [tilespmem:s4+$0xFFFFFF70]  }
0x2cb: {  	v22 =	vld [tilespmem:s23+$0xFFFFFF70]  }
0x2cc: {  	v10 =	vld [tilespmem:s4+$0x60]  }
0x2cd: {  	v23 =	vld [tilespmem:s4+$0xFFFFFFE0]  }
0x2ce: {  	v52 =	vld [tilespmem:s23+$0xFFFFFFE0]  }
0x2cf: {  	v11 =	vld [tilespmem:s4+$0xD0]  }
0x2d0: {  	v53 =	vld [tilespmem:s4+$0xFFFFFF60]  }
0x2d1: {  	v54 =	vld [tilespmem:s23+$0xFFFFFF60]  }
0x2d2: {  	v12 =	vld [tilespmem:s4+$0x50]  }
0x2d3: {  	v19 =	vld [tilespmem:s4+$0xFFFFFFD0]  }
0x2d4: {  	v21 =	vld [tilespmem:s23+$0xFFFFFFD0]  }
0x2d5: {  	v13 =	vld [tilespmem:s4+$0xC0]  }
0x2d6: {  	v24 =	vld [tilespmem:s4+$0xFFFFFF50]  }
0x2d7: {  	v26 =	vld [tilespmem:s23+$0xFFFFFF50]  }
0x2d8: {  	v14 =	vld [tilespmem:s4+$0x40]  }
0x2d9: {  	v27 =	vld [tilespmem:s4+$0xFFFFFFC0]  }
0x2da: {  	v28 =	vld [tilespmem:s23+$0xFFFFFFC0]  }
0x2db: {  	v15 =	vld [tilespmem:s4+$0xB0]  }
0x2dc: {  	v32 =	vld [tilespmem:s4+$0xFFFFFF40]  }
0x2dd: {  	v34 =	vld [tilespmem:s23+$0xFFFFFF40]  }
0x2de: {  	v17 =	vld [tilespmem:s4+$0x30]  }
0x2df: {  	v33 =	vld [tilespmem:s4+$0xFFFFFFB0]  }
0x2e0: {  	v35 =	vld [tilespmem:s23+$0xFFFFFFB0]  }
0x2e1: {  	v20 =	vld [tilespmem:s4+$0xA0]  }
0x2e2: {  	v36 =	vld [tilespmem:s4+$0xFFFFFF30]  }
0x2e3: {  	v39 =	vld [tilespmem:s23+$0xFFFFFF30]  }
0x2e4: {  	v25 =	vld [tilespmem:s4+$0x20]  }
0x2e5: {  	v37 =	vld [tilespmem:s4+$0xFFFFFFA0]  }
0x2e6: {  	v40 =	vld [tilespmem:s23+$0xFFFFFFA0]  }
0x2e7: {  	v29 =	vld [tilespmem:s4+$0x80]  }
0x2e8: {  	v30 =	vld [tilespmem:s23+$0x80]  }
0x2e9: {  	v31 =	vld [tilespmem:s4+$0x90]  }
0x2ea: {  	v43 =	vld [tilespmem:s4+$0xFFFFFF20]  }
0x2eb: {  	v45 =	vld [tilespmem:s23+$0xFFFFFF20]  }
0x2ec: {  	v38 =	vld [tilespmem:s4+$0x0]  }
0x2ed: {  	v41 =	vld [tilespmem:s23+$0x0]  }
0x2ee: {  	v42 =	vld [tilespmem:s4+$0x10]  }
0x2ef: {  	v44 =	vld [tilespmem:s4+$0xFFFFFF80]  }
0x2f0: {  	v46 =	vld [tilespmem:s23+$0xFFFFFF80]  }
0x2f1: {  	v47 =	vld [tilespmem:s4+$0xFFFFFF90]  }
0x2f2: {  	v48 =	vld [tilespmem:s4+$0xFFFFFF00]  }
0x2f3: {  	v49 =	vld [tilespmem:s23+$0xFFFFFF00]  }
0x2f4: {  	v50 =	vld [tilespmem:s4+$0xFFFFFF10];
	s2 =	sshll.u32 s24, $0x4;
	s3 =	simm.s32 $0x4;
	v18 =	vmul.f32 v22, v18;
	v16 =	vmul.f32 v16, v9  }
0x2f5: {  	v51 =	vld [tilespmem:s23+$0xFFFFFF10];
	s25 =	smov.u32 s23;
	s19 =	smov.u32 s4;
	s0 =	simm.s32 $0x0;
	v9 =	vimm.f32 $0.0e+00;
	v22 =	vmul.f32 v54, v53;
	v23 =	vmul.f32 v52, v23  }
.LBB2_23:
0x2f6: {  	p0 =	slt.u32 s3, $0xC;
	v24 =	vmul.f32 v26, v24;
	v26 =	vld [tilespmem:s25+$0xFFFFFF90];
	v19 =	vmul.f32 v21, v19  }
0x2f7: {  	v21 =	vmul.f32 v34, v32;
	v27 =	vmul.f32 v28, v27;
	v28 =	vld [tilespmem:s25+$0x10]  }
0x2f8: {  	v32 =	vmul.f32 v39, v36;
	v33 =	vmul.f32 v35, v33;
	v34 =	vld [tilespmem:s25+$0x90]  }
0x2f9: {  	v35 =	vmul.f32 v45, v43;
	v36 =	vmul.f32 v40, v37;
	v37 =	vld [tilespmem:s25+$0x20]  }
0x2fa: {  	v39 =	vmul.f32 v49, v48;
	v40 =	vmul.f32 v51, v50;
	v43 =	vld [tilespmem:s25+$0xA0]  }
0x2fb: {  	v44 =	vmul.f32 v46, v44;
	v26 =	vmul.f32 v26, v47;
	v45 =	vld [tilespmem:s25+$0x30]  }
0x2fc: {  	v38 =	vmul.f32 v41, v38;
	v39 =	vadd.f32 v40, v39;
	v28 =	vmul.f32 v28, v42;
	v40 =	vld [tilespmem:s25+$0xB0]  }
0x2fd: {  	v29 =	vmul.f32 v30, v29;
	v26 =	vadd.f32 v26, v44;
	v41 =	vld [tilespmem:s25+$0x40];
	v30 =	vmul.f32 v34, v31  }
0x2fe: {  	v31 =	vadd.f32 v35, v39;
	v28 =	vadd.f32 v28, v38;
	v25 =	vmul.f32 v37, v25;
	v34 =	vld [tilespmem:s25+$0xC0]  }
0x2ff: {  	v26 =	vadd.f32 v36, v26;
	v35 =	vld [tilespmem:s25+$0x50];
	v29 =	vadd.f32 v30, v29;
	v20 =	vmul.f32 v43, v20  }
0x300: {  	v30 =	vadd.f32 v32, v31;
	v25 =	vadd.f32 v25, v28;
	v17 =	vmul.f32 v45, v17;
	v28 =	vld [tilespmem:s25+$0xD0]  }
0x301: {  	v26 =	vadd.f32 v33, v26;
	v31 =	vld [tilespmem:s25+$0x60];
	v20 =	vadd.f32 v20, v29;
	v15 =	vmul.f32 v40, v15  }
0x302: {  	v21 =	vadd.f32 v21, v30;
	v17 =	vadd.f32 v17, v25;
	v14 =	vmul.f32 v41, v14;
	v25 =	vld [tilespmem:s25+$0xE0]  }
0x303: {  	v26 =	vadd.f32 v27, v26;
	v27 =	vld [tilespmem:s25+$0x70];
	v15 =	vadd.f32 v15, v20;
	v13 =	vmul.f32 v34, v13  }
0x304: {  	s19 =	sadd.s32 $0x200, s19;
	v20 =	vadd.f32 v24, v21;
	v14 =	vadd.f32 v14, v17;
	v12 =	vmul.f32 v35, v12;
	v17 =	vld [tilespmem:s25+$0xF0]  }
0x305: {  	v21 =	vld [tilespmem:s19+$0xF0];
	v19 =	vadd.f32 v19, v26;
	v13 =	vadd.f32 v13, v15;
	v11 =	vmul.f32 v28, v11  }
0x306: {  	v15 =	vld [tilespmem:s19+$0x70];
	v20 =	vadd.f32 v22, v20;
	v12 =	vadd.f32 v12, v14;
	v10 =	vmul.f32 v31, v10  }
0x307: {  	s25 =	sadd.s32 $0x200, s25;
	v22 =	vld [tilespmem:s19+$0xFFFFFFF0];
	v14 =	vadd.f32 v23, v19;
	v11 =	vadd.f32 v11, v13;
	v13 =	vmul.f32 v25, v7  }
0x308: {  	v23 =	vld [tilespmem:s25+$0xFFFFFFF0];
	v19 =	vadd.f32 v18, v20;
	v10 =	vadd.f32 v10, v12;
	v24 =	vmul.f32 v27, v8  }
0x309: {  	v7 =	vld [tilespmem:s19+$0xE0];
	v12 =	vadd.f32 v16, v14;
	v11 =	vadd.f32 v13, v11;
	v13 =	vmul.f32 v17, v6  }
0x30a: {  	v16 =	vld [tilespmem:s19+$0xFFFFFF70];
	v14 =	vperm.xlane v19, v1;
	v17 =	vadd.f32 v24, v10;
	v6 =	vmov v21  }
0x30b: {  	v18 =	vld [tilespmem:s25+$0xFFFFFF70];
	v20 =	vperm.xlane v12, v1;
	v13 =	vadd.f32 v13, v11;
	v8 =	vmov v15  }
0x30c: {  	v10 =	vld [tilespmem:s19+$0x60];
	v14 =	vadd.f32 v19, v14;
	v11 =	vperm.xlane v17, v1  }
0x30d: {  	v52 =	vld [tilespmem:s19+$0xFFFFFFE0];
	v12 =	vadd.f32 v12, v20;
	v15 =	vperm.xlane v13, v1  }
0x30e: {  	v53 =	vld [tilespmem:s25+$0xFFFFFFE0];
	v19 =	vperm.xlane v14, v2;
	v17 =	vadd.f32 v17, v11  }
0x30f: {  	v11 =	vld [tilespmem:s19+$0xD0];
	v20 =	vperm.xlane v12, v2;
	v13 =	vadd.f32 v13, v15  }
0x310: {  	v54 =	vld [tilespmem:s19+$0xFFFFFF60];
	v14 =	vadd.f32 v14, v19;
	v15 =	vperm.xlane v17, v2  }
0x311: {  	v55 =	vld [tilespmem:s25+$0xFFFFFF60];
	v20 =	vadd.f32 v12, v20;
	v21 =	vperm.xlane v13, v2  }
0x312: {  	v12 =	vld [tilespmem:s19+$0x50];
	v24 =	vperm.xlane v14, v3;
	v15 =	vadd.f32 v17, v15  }
0x313: {  	v19 =	vld [tilespmem:s19+$0xFFFFFFD0];
	v17 =	vperm.xlane v20, v3;
	v25 =	vadd.f32 v13, v21  }
0x314: {  	v21 =	vld [tilespmem:s25+$0xFFFFFFD0];
	v27 =	vadd.f32 v14, v24;
	v14 =	vperm.xlane v15, v3  }
0x315: {  	s5 =	sadd.s32 $0x3, s0;
	v28 =	vmov s0;
	v13 =	vld [tilespmem:s19+$0xC0];
	v17 =	vadd.f32 v20, v17;
	v20 =	vperm.xlane v25, v3  }
0x316: {  	s6 =	sadd.s32 $0x2, s0;
	v30 =	vmov s5;
	v24 =	vld [tilespmem:s19+$0xFFFFFF50];
	v29 =	vperm.xlane v27, v4;
	v15 =	vadd.f32 v15, v14  }
0x317: {  	v32 =	vmov s6;
	v26 =	vld [tilespmem:s25+$0xFFFFFF50];
	v31 =	vperm.xlane v17, v4;
	v20 =	vadd.f32 v25, v20  }
0x318: {  	s5 =	sadd.s32 $0x1, s0;
	s0 =	smov.u32 s3;
	vm0 =	veq.s32 v28, v5;
	v14 =	vld [tilespmem:s19+$0x40];
	v25 =	vadd.f32 v27, v29;
	v29 =	vperm.xlane v15, v4  }
0x319: {  	v27 =	vld [tilespmem:s19+$0xFFFFFFC0];
	v17 =	vadd.f32 v17, v31;
	v31 =	vmov s5;
	v33 =	vperm.xlane v20, v4  }
0x31a: {  	v28 =	vld [tilespmem:s25+$0xFFFFFFC0];
	v9 =	vsel vm0, v25, v9;
	vm0 =	veq.s32 v31, v5;
	v25 =	vadd.f32 v15, v29  }
0x31b: {  	v15 =	vld [tilespmem:s19+$0xB0];
	v9 =	vsel vm0, v17, v9;
	vm0 =	veq.s32 v32, v5;
	v17 =	vadd.f32 v20, v33  }
0x31c: {  	v32 =	vld [tilespmem:s19+$0xFFFFFF40];
	v9 =	vsel vm0, v25, v9;
	vm0 =	veq.s32 v30, v5  }
0x31d: {  	v34 =	vld [tilespmem:s25+$0xFFFFFF40];
	v9 =	vsel vm0, v17, v9  }
0x31e: {  	v17 =	vld [tilespmem:s19+$0x30]  }
0x31f: {  	v33 =	vld [tilespmem:s19+$0xFFFFFFB0]  }
0x320: {  	v35 =	vld [tilespmem:s25+$0xFFFFFFB0]  }
0x321: {  	v20 =	vld [tilespmem:s19+$0xA0]  }
0x322: {  	v36 =	vld [tilespmem:s19+$0xFFFFFF30]  }
0x323: {  	v39 =	vld [tilespmem:s25+$0xFFFFFF30]  }
0x324: {  	v25 =	vld [tilespmem:s19+$0x20]  }
0x325: {  	v37 =	vld [tilespmem:s19+$0xFFFFFFA0]  }
0x326: {  	v40 =	vld [tilespmem:s25+$0xFFFFFFA0]  }
0x327: {  	v29 =	vld [tilespmem:s19+$0x80]  }
0x328: {  	v30 =	vld [tilespmem:s25+$0x80]  }
0x329: {  	v31 =	vld [tilespmem:s19+$0x90]  }
0x32a: {  	v43 =	vld [tilespmem:s19+$0xFFFFFF20]  }
0x32b: {  	v45 =	vld [tilespmem:s25+$0xFFFFFF20]  }
0x32c: {  	v38 =	vld [tilespmem:s19+$0x0]  }
0x32d: {  	v41 =	vld [tilespmem:s25+$0x0]  }
0x32e: {  	v42 =	vld [tilespmem:s19+$0x10]  }
0x32f: {  	v44 =	vld [tilespmem:s19+$0xFFFFFF80]  }
0x330: {  	v46 =	vld [tilespmem:s25+$0xFFFFFF80]  }
.Ltmp10:
0x331: {  	v47 =	vld [tilespmem:s19+$0xFFFFFF90];
	(pc) =	sbr.rel @p0 .LBB2_23-.Ltmp10, $4  }
0x332: {  	v48 =	vld [tilespmem:s19+$0xFFFFFF00]  }
0x333: {  	v49 =	vld [tilespmem:s25+$0xFFFFFF00]  }
0x334: {  	v18 =	vmul.f32 v18, v16;
	v16 =	vmul.f32 v23, v22;
	v50 =	vld [tilespmem:s19+$0xFFFFFF10]  }
0x335: {  	s3 =	sadd.s32 $0x4, s3;
	v23 =	vmul.f32 v53, v52;
	v22 =	vmul.f32 v55, v54;
	v51 =	vld [tilespmem:s25+$0xFFFFFF10]  }
0x336: {  	v24 =	vmul.f32 v26, v24;
	v59 =	vld [tilespmem:s25+$0xFFFFFF90];
	v19 =	vmul.f32 v21, v19  }
0x337: {  	v21 =	vmul.f32 v34, v32;
	v27 =	vmul.f32 v28, v27;
	v60 =	vld [tilespmem:s25+$0x10]  }
0x338: {  	v32 =	vmul.f32 v39, v36;
	v33 =	vmul.f32 v35, v33;
	v61 =	vld [tilespmem:s25+$0x90]  }
0x339: {  	v62 =	vmul.f32 v45, v43;
	v63 =	vmul.f32 v40, v37;
	v52 =	vld [tilespmem:s25+$0x20]  }
0x33a: {  	v55 =	vld [tilespmem:s25+$0xA0];
	v53 =	vmul.f32 v49, v48;
	v54 =	vmul.f32 v51, v50  }
0x33b: {  	v44 =	vmul.f32 v46, v44;
	v56 =	vld [tilespmem:s25+$0x30];
	v26 =	vmul.f32 v59, v47  }
0x33c: {  	v38 =	vmul.f32 v41, v38;
	v57 =	vld [tilespmem:s25+$0xB0];
	v28 =	vmul.f32 v60, v42;
	v39 =	vadd.f32 v54, v53  }
0x33d: {  	v58 =	vld [tilespmem:s25+$0x40];
	v29 =	vmul.f32 v30, v29;
	v59 =	vmul.f32 v61, v31;
	v26 =	vadd.f32 v26, v44  }
0x33e: {  	v25 =	vmul.f32 v52, v25;
	v61 =	vld [tilespmem:s25+$0xC0];
	v28 =	vadd.f32 v28, v38;
	v60 =	vadd.f32 v62, v39  }
0x33f: {  	v20 =	vmul.f32 v55, v20;
	v29 =	vadd.f32 v59, v29;
	v62 =	vld [tilespmem:s25+$0x50];
	v26 =	vadd.f32 v63, v26  }
0x340: {  	v36 =	vld [tilespmem:s25+$0xD0];
	v17 =	vmul.f32 v56, v17;
	v25 =	vadd.f32 v25, v28;
	v63 =	vadd.f32 v32, v60  }
0x341: {  	v37 =	vld [tilespmem:s25+$0x60];
	v15 =	vmul.f32 v57, v15;
	v20 =	vadd.f32 v20, v29;
	v26 =	vadd.f32 v33, v26  }
0x342: {  	v14 =	vmul.f32 v58, v14;
	v38 =	vld [tilespmem:s25+$0xE0];
	v17 =	vadd.f32 v17, v25;
	v21 =	vadd.f32 v21, v63  }
0x343: {  	v39 =	vld [tilespmem:s25+$0x70];
	v13 =	vmul.f32 v61, v13;
	v15 =	vadd.f32 v15, v20;
	v26 =	vadd.f32 v27, v26  }
0x344: {  	v41 =	vld [tilespmem:s25+$0xF0];
	v14 =	vadd.f32 v14, v17;
	v12 =	vmul.f32 v62, v12;
	v40 =	vadd.f32 v24, v21  }
0x345: {  	v11 =	vmul.f32 v36, v11;
	v13 =	vadd.f32 v13, v15;
	v19 =	vadd.f32 v19, v26  }
0x346: {  	v10 =	vmul.f32 v37, v10;
	v12 =	vadd.f32 v12, v14;
	v42 =	vadd.f32 v22, v40  }
0x347: {  	v7 =	vmul.f32 v38, v7;
	v11 =	vadd.f32 v11, v13;
	v43 =	vadd.f32 v23, v19  }
0x348: {  	v8 =	vmul.f32 v39, v8;
	v10 =	vadd.f32 v10, v12;
	v44 =	vadd.f32 v18, v42  }
0x349: {  	v6 =	vmul.f32 v41, v6;
	v7 =	vadd.f32 v7, v11;
	v45 =	vadd.f32 v16, v43  }
0x34a: {  	v8 =	vadd.f32 v8, v10;
	v46 =	vperm.xlane v44, v1  }
0x34b: {  	v6 =	vadd.f32 v6, v7;
	v47 =	vperm.xlane v45, v1  }
0x34c: {  	v48 =	vperm.xlane v8, v1;
	v7 =	vadd.f32 v44, v46  }
0x34d: {  	v49 =	vperm.xlane v6, v1;
	v10 =	vadd.f32 v45, v47  }
0x34e: {  	v8 =	vadd.f32 v8, v48;
	v13 =	vperm.xlane v7, v2  }
0x34f: {  	v6 =	vadd.f32 v6, v49;
	v50 =	vperm.xlane v10, v2  }
0x350: {  	v51 =	vperm.xlane v8, v2;
	v7 =	vadd.f32 v7, v13  }
0x351: {  	v52 =	vperm.xlane v6, v2;
	v10 =	vadd.f32 v10, v50  }
0x352: {  	v8 =	vadd.f32 v8, v51;
	v13 =	vperm.xlane v7, v3  }
0x353: {  	v6 =	vadd.f32 v6, v52;
	v53 =	vperm.xlane v10, v3  }
0x354: {  	v54 =	vperm.xlane v8, v3;
	v7 =	vadd.f32 v7, v13  }
0x355: {  	s3 =	sadd.s32 $0x3, s0;
	v55 =	vmov s0;
	v56 =	vperm.xlane v6, v3;
	v10 =	vadd.f32 v10, v53  }
0x356: {  	v58 =	vmov s3;
	v8 =	vadd.f32 v8, v54;
	v57 =	vperm.xlane v7, v4  }
0x357: {  	s5 =	sadd.s32 $0x2, s0;
	vm0 =	veq.s32 v55, v5;
	v6 =	vadd.f32 v6, v56;
	v59 =	vperm.xlane v10, v4  }
0x358: {  	s28 =	sadd.s32 $0x1, s0;
	v60 =	vmov s5;
	v61 =	vperm.xlane v8, v4;
	v7 =	vadd.f32 v7, v57  }
0x359: {  	v62 =	vmov s28;
	v63 =	vperm.xlane v6, v4;
	v10 =	vadd.f32 v10, v59  }
0x35a: {  	vm13 =	veq.s32 v62, v5;
	v8 =	vadd.f32 v8, v61;
	v7 =	vsel vm0, v7, v9  }
0x35b: {  	vm14 =	veq.s32 v60, v5;
	v6 =	vadd.f32 v6, v63;
	v7 =	vsel vm13, v10, v7  }
0x35c: {  	vm15 =	veq.s32 v58, v5;
	v7 =	vsel vm14, v8, v7  }
0x35d: {  	v6 =	vsel vm15, v6, v7  }
0x35e: {  	v6 =	vmul.f32 $8.838834610e-02, v6;
	_ =	sdelay $0x1  }
0x35f: {  	v6 =	vmul.f32 $1.442695020e+00, v6;
	_ =	sdelay $0x1  }
0x360: {  	(erf) = vpow2.f32 v6;
	_ =	sdelay $0x3  }
0x361: {  	s24 =	sadd.s32 $0x1, s24  }
0x362: {  	p0 =	sne.s32 s24, $0x5  }
.Ltmp11:
0x363: {  	_ = 	snop;
	(pc) =	sbr.rel @p0 .LBB2_22-.Ltmp11, $3  }
0x364: {  	_ =	sdelay $0x1  }
0x365: {  	v6 =	vpop (erf)  }
0x366: {  	s23 =	sadd.s32 $0x800, s23;
	s4 =	sadd.s32 $0x800, s4;
	[tilespmem:s2+$0xA200] =	vst v6  }
0x367: {  	_ =	swait.ge [sflag:s20], $0x2800  }
0x368: {  	s23 =	rddreg [dreg:$0xf]  }
0x369: {  	s0 =	simm.s32 $0x0;
	s24 =	rddreg [dreg:$0x11]  }
0x36a: {  	s2 =	simm.s32 $0x5300;
	[sflag:s20] =	ssyncset.done $0x0;
	s25 =	rddreg [dreg:$0x12]  }
0x36b: {  	s3 =	simm.s32 $0x0;
	s26 =	rddreg [dreg:$0x13];
	[sflag:s20] =	ssyncadd.s32 $0xFFFFD800  }
.LBB2_26:
0x36c: {  	s4 =	sshll.u32 s3, $0x4  }
0x36d: {  	v6 =	vld [tilespmem:s4+$0xA200];
	_ =	sdelay $0x1  }
0x36e: {  	v7 =	vld [tilespmem:s2+$0xFFFFFF00]  }
0x36f: {  	v8 =	vld [tilespmem:s2+$0xFFFFFF10]  }
0x370: {  	v9 =	vmov s0;
	v10 =	vld [tilespmem:s2+$0xFFFFFF20]  }
0x371: {  	v11 =	vld [tilespmem:s2+$0xFFFFFF30];
	v9 =	vperm.xlane v6, v9  }
0x372: {  	v12 =	vld [tilespmem:s2+$0xFFFFFF40]  }
0x373: {  	v13 =	vld [tilespmem:s2+$0xFFFFFF50];
	v7 =	vmul.f32 v7, v9  }
0x374: {  	v14 =	vld [tilespmem:s2+$0xFFFFFF60];
	v8 =	vmul.f32 v8, v9  }
0x375: {  	[tilespmem:s2+$0xFFFFFF00] =	vst v7;
	v7 =	vmul.f32 v10, v9;
	v10 =	vld [tilespmem:s2+$0xFFFFFF70]  }
0x376: {  	[tilespmem:s2+$0xFFFFFF10] =	vst v8;
	v8 =	vmul.f32 v11, v9;
	v11 =	vld [tilespmem:s2+$0xFFFFFF80]  }
0x377: {  	s19 =	simm.s32 $0x1;
	[tilespmem:s2+$0xFFFFFF20] =	vst v7;
	v7 =	vmul.f32 v12, v9;
	v12 =	vld [tilespmem:s2+$0xFFFFFF90]  }
0x378: {  	v15 =	vld [tilespmem:s2+$0xFFFFFFA0];
	[tilespmem:s2+$0xFFFFFF30] =	vst v8;
	v8 =	vmul.f32 v13, v9;
	v13 =	vmov s19  }
0x379: {  	v14 =	vmul.f32 v14, v9;
	[tilespmem:s2+$0xFFFFFF40] =	vst v7;
	v7 =	vperm.xlane v6, v13;
	v13 =	vld [tilespmem:s2+$0xFFFFFFB0]  }
0x37a: {  	[tilespmem:s2+$0xFFFFFF50] =	vst v8;
	v8 =	vmul.f32 v10, v9;
	v9 =	vld [tilespmem:s2+$0xFFFFFFC0]  }
0x37b: {  	[tilespmem:s2+$0xFFFFFF60] =	vst v14;
	v10 =	vmul.f32 v11, v7;
	v11 =	vld [tilespmem:s2+$0xFFFFFFD0]  }
0x37c: {  	[tilespmem:s2+$0xFFFFFF70] =	vst v8;
	v8 =	vmul.f32 v12, v7;
	v12 =	vld [tilespmem:s2+$0xFFFFFFE0]  }
0x37d: {  	v14 =	vld [tilespmem:s2+$0x0];
	[tilespmem:s2+$0xFFFFFF80] =	vst v10;
	v10 =	vmul.f32 v15, v7  }
0x37e: {  	s22 =	simm.s32 $0x2;
	[tilespmem:s2+$0xFFFFFF90] =	vst v8;
	v8 =	vmul.f32 v13, v7;
	v13 =	vld [tilespmem:s2+$0x10]  }
0x37f: {  	v15 =	vld [tilespmem:s2+$0x20];
	[tilespmem:s2+$0xFFFFFFA0] =	vst v10;
	v9 =	vmul.f32 v9, v7;
	v10 =	vmov s22  }
0x380: {  	[tilespmem:s2+$0xFFFFFFB0] =	vst v8;
	v8 =	vmul.f32 v11, v7;
	v10 =	vperm.xlane v6, v10;
	v11 =	vld [tilespmem:s2+$0x30]  }
0x381: {  	[tilespmem:s2+$0xFFFFFFC0] =	vst v9;
	v9 =	vmul.f32 v12, v7;
	v12 =	vld [tilespmem:s2+$0x40]  }
0x382: {  	[tilespmem:s2+$0xFFFFFFD0] =	vst v8;
	v8 =	vmul.f32 v14, v10;
	v14 =	vld [tilespmem:s2+$0x50]  }
0x383: {  	[tilespmem:s2+$0xFFFFFFE0] =	vst v9;
	v9 =	vmul.f32 v13, v10;
	v13 =	vld [tilespmem:s2+$0x60]  }
0x384: {  	[tilespmem:s2+$0x0] =	vst v8;
	v8 =	vmul.f32 v15, v10;
	v15 =	vld [tilespmem:s2+$0x70]  }
0x385: {  	[tilespmem:s2+$0x10] =	vst v9;
	v9 =	vmul.f32 v11, v10;
	v11 =	vld [tilespmem:s2+$0x80]  }
0x386: {  	s28 =	simm.s32 $0x3;
	v16 =	vld [tilespmem:s2+$0x90];
	[tilespmem:s2+$0x20] =	vst v8;
	v8 =	vmul.f32 v12, v10  }
0x387: {  	[tilespmem:s2+$0x30] =	vst v9;
	v12 =	vmul.f32 v14, v10;
	v9 =	vmov s28;
	v14 =	vld [tilespmem:s2+$0xA0]  }
0x388: {  	[tilespmem:s2+$0x40] =	vst v8;
	v13 =	vmul.f32 v13, v10;
	v8 =	vperm.xlane v6, v9;
	v9 =	vld [tilespmem:s2+$0xB0]  }
0x389: {  	[tilespmem:s2+$0x50] =	vst v12;
	v15 =	vmul.f32 v15, v10;
	v10 =	vld [tilespmem:s2+$0xC0]  }
0x38a: {  	v12 =	vld [tilespmem:s2+$0xD0];
	[tilespmem:s2+$0x60] =	vst v13;
	v13 =	vmul.f32 v11, v8  }
0x38b: {  	v11 =	vld [tilespmem:s2+$0xE0];
	[tilespmem:s2+$0x70] =	vst v15;
	v15 =	vmul.f32 v16, v8  }
0x38c: {  	s13 =	simm.s32 $0x4;
	s4 =	smov.u32 s2;
	s19 =	smov.u32 s2;
	[tilespmem:s2+$0x80] =	vst v13;
	v14 =	vmul.f32 v14, v8;
	v13 =	vld [tilespmem:s2+$0xF0]  }
.LBB2_27:
0x38d: {  	p0 =	slt.u32 s13, $0xC;
	v16 =	vld [tilespmem:s4+$0xFFFFFFF0];
	[tilespmem:s4+$0x90] =	vst v15;
	v9 =	vmul.f32 v9, v8;
	s19 =	sadd.s32 $0x200, s19  }
0x38e: {  	v15 =	vld [tilespmem:s19+$0xFFFFFF00];
	[tilespmem:s4+$0xA0] =	vst v14;
	v10 =	vmul.f32 v10, v8  }
0x38f: {  	v14 =	vld [tilespmem:s19+$0xFFFFFF10];
	[tilespmem:s4+$0xB0] =	vst v9;
	v9 =	vmul.f32 v12, v8  }
0x390: {  	v12 =	vmov s13;
	v17 =	vld [tilespmem:s19+$0xFFFFFF20];
	[tilespmem:s4+$0xC0] =	vst v10;
	v10 =	vmul.f32 v11, v8  }
0x391: {  	v11 =	vperm.xlane v6, v12;
	v12 =	vld [tilespmem:s19+$0xFFFFFF30];
	[tilespmem:s4+$0xD0] =	vst v9;
	v8 =	vmul.f32 v13, v8  }
0x392: {  	v9 =	vld [tilespmem:s19+$0xFFFFFF40];
	v7 =	vmul.f32 v16, v7;
	[tilespmem:s4+$0xE0] =	vst v10  }
0x393: {  	v10 =	vmul.f32 v15, v11;
	v13 =	vld [tilespmem:s19+$0xFFFFFF50];
	[tilespmem:s4+$0xF0] =	vst v8  }
0x394: {  	v8 =	vmul.f32 v14, v11;
	v14 =	vld [tilespmem:s19+$0xFFFFFF60];
	[tilespmem:s4+$0xFFFFFFF0] =	vst v7;
	s4 =	smov.u32 s19  }
0x395: {  	[tilespmem:s19+$0xFFFFFF00] =	vst v10;
	v7 =	vmul.f32 v17, v11;
	v10 =	vld [tilespmem:s19+$0xFFFFFF70]  }
0x396: {  	[tilespmem:s19+$0xFFFFFF10] =	vst v8;
	v8 =	vmul.f32 v12, v11;
	v12 =	vld [tilespmem:s19+$0xFFFFFF80]  }
0x397: {  	s5 =	sadd.s32 $0x1, s13;
	[tilespmem:s19+$0xFFFFFF20] =	vst v7;
	v7 =	vmul.f32 v9, v11;
	v9 =	vld [tilespmem:s19+$0xFFFFFF90]  }
0x398: {  	[tilespmem:s19+$0xFFFFFF30] =	vst v8;
	v8 =	vmul.f32 v13, v11;
	v13 =	vmov s5;
	v15 =	vld [tilespmem:s19+$0xFFFFFFA0]  }
0x399: {  	[tilespmem:s19+$0xFFFFFF40] =	vst v7;
	v14 =	vmul.f32 v14, v11;
	v7 =	vperm.xlane v6, v13;
	v13 =	vld [tilespmem:s19+$0xFFFFFFB0]  }
0x39a: {  	[tilespmem:s19+$0xFFFFFF50] =	vst v8;
	v8 =	vmul.f32 v10, v11;
	v10 =	vld [tilespmem:s19+$0xFFFFFFC0]  }
0x39b: {  	[tilespmem:s19+$0xFFFFFF60] =	vst v14;
	v11 =	vmul.f32 v12, v7;
	v12 =	vld [tilespmem:s19+$0xFFFFFFD0]  }
0x39c: {  	[tilespmem:s19+$0xFFFFFF70] =	vst v8;
	v8 =	vmul.f32 v9, v7;
	v9 =	vld [tilespmem:s19+$0xFFFFFFE0]  }
0x39d: {  	[tilespmem:s19+$0xFFFFFF80] =	vst v11;
	v11 =	vmul.f32 v15, v7;
	v14 =	vld [tilespmem:s19+$0x0]  }
0x39e: {  	s5 =	sadd.s32 $0x2, s13;
	[tilespmem:s19+$0xFFFFFF90] =	vst v8;
	v8 =	vmul.f32 v13, v7;
	v13 =	vld [tilespmem:s19+$0x10]  }
0x39f: {  	[tilespmem:s19+$0xFFFFFFA0] =	vst v11;
	v10 =	vmul.f32 v10, v7;
	v11 =	vmov s5;
	v15 =	vld [tilespmem:s19+$0x20]  }
0x3a0: {  	[tilespmem:s19+$0xFFFFFFB0] =	vst v8;
	v8 =	vmul.f32 v12, v7;
	v11 =	vperm.xlane v6, v11;
	v12 =	vld [tilespmem:s19+$0x30]  }
0x3a1: {  	[tilespmem:s19+$0xFFFFFFC0] =	vst v10;
	v9 =	vmul.f32 v9, v7;
	v10 =	vld [tilespmem:s19+$0x40]  }
0x3a2: {  	[tilespmem:s19+$0xFFFFFFD0] =	vst v8;
	v8 =	vmul.f32 v14, v11;
	v14 =	vld [tilespmem:s19+$0x50]  }
0x3a3: {  	[tilespmem:s19+$0xFFFFFFE0] =	vst v9;
	v9 =	vmul.f32 v13, v11;
	v13 =	vld [tilespmem:s19+$0x60]  }
0x3a4: {  	[tilespmem:s19+$0x0] =	vst v8;
	v8 =	vmul.f32 v15, v11;
	v15 =	vld [tilespmem:s19+$0x70]  }
0x3a5: {  	[tilespmem:s19+$0x10] =	vst v9;
	v9 =	vmul.f32 v12, v11;
	v12 =	vld [tilespmem:s19+$0x80]  }
0x3a6: {  	s5 =	sadd.s32 $0x3, s13;
	[tilespmem:s19+$0x20] =	vst v8;
	v8 =	vmul.f32 v10, v11;
	v16 =	vld [tilespmem:s19+$0x90]  }
0x3a7: {  	[tilespmem:s19+$0x30] =	vst v9;
	v10 =	vmul.f32 v14, v11;
	v9 =	vmov s5;
	v14 =	vld [tilespmem:s19+$0xA0]  }
.Ltmp12:
0x3a8: {  	[tilespmem:s19+$0x40] =	vst v8;
	v13 =	vmul.f32 v13, v11;
	v8 =	vperm.xlane v6, v9;
	v9 =	vld [tilespmem:s19+$0xB0];
	(pc) =	sbr.rel @p0 .LBB2_27-.Ltmp12, $4  }
0x3a9: {  	[tilespmem:s19+$0x50] =	vst v10;
	v11 =	vmul.f32 v15, v11;
	v10 =	vld [tilespmem:s19+$0xC0]  }
0x3aa: {  	[tilespmem:s19+$0x60] =	vst v13;
	v13 =	vmul.f32 v12, v8;
	v12 =	vld [tilespmem:s19+$0xD0]  }
0x3ab: {  	[tilespmem:s19+$0x70] =	vst v11;
	v15 =	vmul.f32 v16, v8;
	v11 =	vld [tilespmem:s19+$0xE0]  }
0x3ac: {  	s13 =	sadd.s32 $0x4, s13;
	[tilespmem:s19+$0x80] =	vst v13;
	v14 =	vmul.f32 v14, v8;
	v13 =	vld [tilespmem:s19+$0xF0]  }
0x3ad: {  	v6 =	vld [tilespmem:s4+$0xFFFFFFF0];
	[tilespmem:s4+$0x90] =	vst v15;
	v9 =	vmul.f32 v9, v8  }
0x3ae: {  	s3 =	sadd.s32 $0x1, s3;
	[tilespmem:s4+$0xA0] =	vst v14;
	v10 =	vmul.f32 v10, v8  }
0x3af: {  	p0 =	sne.s32 s3, $0x5;
	[tilespmem:s4+$0xB0] =	vst v9;
	v61 =	vmul.f32 v12, v8  }
.Ltmp13:
0x3b0: {  	[tilespmem:s4+$0xC0] =	vst v10;
	v62 =	vmul.f32 v11, v8;
	(pc) =	sbr.rel @p0 .LBB2_26-.Ltmp13, $4  }
0x3b1: {  	[tilespmem:s4+$0xD0] =	vst v61;
	v63 =	vmul.f32 v13, v8  }
0x3b2: {  	v6 =	vmul.f32 v6, v7;
	[tilespmem:s4+$0xE0] =	vst v62  }
0x3b3: {  	[tilespmem:s4+$0xF0] =	vst v63  }
0x3b4: {  	s2 =	sadd.s32 $0x800, s2;
	[tilespmem:s4+$0xFFFFFFF0] =	vst v6  }
0x3b5: {  	s0 =	rddreg [dreg:$0x3]  }
0x3b6: {  	[spmem:s0] =	stream.indirect.scatter.add.f32 [tilespmem:s7], [sflag:$0x4], $0x80, s10, s12, $0xb8;
	[tilespmem:$0x1E800] =	vst v63  }
0x3b7: {  	_ =	swait.ge [sflag:s8], $0x2800  }
0x3b8: {  	[sflag:s8] =	ssyncset.done $0x0  }
0x3b9: {  	[sflag:s8] =	ssyncadd.s32 $0xFFFFD800  }
0x3ba: {  	s13 =	rddreg [dreg:$0x4]  }
0x3bb: {  	[spmem:s13] =	stream.indirect.scatter.add.f32 [tilespmem:s21], [sflag:$0x4], $0x1, s10, s12, $0xb8;
	[tilespmem:$0x1E800] =	vst v63  }
0x3bc: {  	_ =	swait.ge [sflag:s8], $0x50  }
0x3bd: {  	[sflag:s8] =	ssyncset.done $0x0  }
0x3be: {  	s0 =	simm.s32 $0x0;
	s2 =	rddreg [dreg:$0x1a];
	[sflag:s8] =	ssyncadd.s32 $0xFFFFFFB0  }
0x3bf: {  	[hbm4b:s2+s0] =	stream.linear.scatter [tilespmem:s21], [sflag:$0x4], $0x50, $0x38;
	[tilespmem:$0x1E800] =	vst v63  }
0x3c0: {  	_ =	swait.ge [sflag:s8], $0x50  }
0x3c1: {  	[sflag:s8] =	ssyncset.done $0x0  }
0x3c2: {  	[sflag:s8] =	ssyncadd.s32 $0xFFFFFFB0  }
0x3c3: {  	[bflag:$0x0] =	sbarrier.arrive $0xFFFF  }
0x3c4: {  	[tilespmem:s7], [sflag:$0x4] =	stream.linear.gather [spmem:s23], $0x2800, $0x38;
	[tilespmem:$0x1E800] =	vst v63  }
0x3c5: {  	_ =	swait.ge [sflag:s8], $0x2800  }
0x3c6: {  	[sflag:s8] =	ssyncset.done $0x0  }
0x3c7: {  	s19 =	rddreg [dreg:$0x6];
	[sflag:s8] =	ssyncadd.s32 $0xFFFFD800  }
0x3c8: {  	[hbm4b:s19+s0] =	stream.linear.scatter [tilespmem:s7], [sflag:$0x4], $0x2800, $0x38;
	[tilespmem:$0x1E800] =	vst v63  }
0x3c9: {  	_ =	swait.ge [sflag:s8], $0x2800  }
0x3ca: {  	[sflag:s8] =	ssyncset.done $0x0  }
0x3cb: {  	s4 =	rddreg [dreg:$0x10];
	[sflag:s8] =	ssyncadd.s32 $0xFFFFD800  }
0x3cc: {  	[tilespmem:s7], [sflag:$0x4] =	stream.linear.gather [spmem:s4], $0x2800, $0x38;
	[tilespmem:$0x1E800] =	vst v63  }
0x3cd: {  	_ =	swait.ge [sflag:s8], $0x2800  }
0x3ce: {  	[sflag:s8] =	ssyncset.done $0x0  }
0x3cf: {  	s22 =	rddreg [dreg:$0x7];
	[sflag:s8] =	ssyncadd.s32 $0xFFFFD800  }
0x3d0: {  	[hbm4b:s22+s0] =	stream.linear.scatter [tilespmem:s7], [sflag:$0x4], $0x2800, $0x38;
	[tilespmem:$0x1E800] =	vst v63  }
0x3d1: {  	_ =	swait.ge [sflag:s8], $0x2800  }
0x3d2: {  	[sflag:s8] =	ssyncset.done $0x0  }
0x3d3: {  	[sflag:s8] =	ssyncadd.s32 $0xFFFFD800  }
0x3d4: {  	[tilespmem:s7], [sflag:$0x4] =	stream.linear.gather [spmem:s24], $0x2800, $0x38;
	[tilespmem:$0x1E800] =	vst v63  }
0x3d5: {  	_ =	swait.ge [sflag:s8], $0x2800  }
0x3d6: {  	[sflag:s8] =	ssyncset.done $0x0  }
0x3d7: {  	s28 =	rddreg [dreg:$0x8];
	[sflag:s8] =	ssyncadd.s32 $0xFFFFD800  }
0x3d8: {  	[hbm4b:s28+s0] =	stream.linear.scatter [tilespmem:s7], [sflag:$0x4], $0x2800, $0x38;
	[tilespmem:$0x1E800] =	vst v63  }
0x3d9: {  	_ =	swait.ge [sflag:s8], $0x2800  }
0x3da: {  	[sflag:s8] =	ssyncset.done $0x0  }
0x3db: {  	[sflag:s8] =	ssyncadd.s32 $0xFFFFD800  }
0x3dc: {  	[tilespmem:s7], [sflag:$0x4] =	stream.linear.gather [spmem:s25], $0x2800, $0x38;
	[tilespmem:$0x1E800] =	vst v63  }
0x3dd: {  	_ =	swait.ge [sflag:s8], $0x2800  }
0x3de: {  	[sflag:s8] =	ssyncset.done $0x0  }
0x3df: {  	s3 =	rddreg [dreg:$0x9];
	[sflag:s8] =	ssyncadd.s32 $0xFFFFD800  }
0x3e0: {  	[hbm4b:s3+s0] =	stream.linear.scatter [tilespmem:s7], [sflag:$0x4], $0x2800, $0x38;
	[tilespmem:$0x1E800] =	vst v63  }
0x3e1: {  	_ =	swait.ge [sflag:s8], $0x2800  }
0x3e2: {  	[sflag:s8] =	ssyncset.done $0x0  }
0x3e3: {  	[sflag:s8] =	ssyncadd.s32 $0xFFFFD800  }
0x3e4: {  	[tilespmem:s7], [sflag:$0x4] =	stream.linear.gather [spmem:s26], $0x2800, $0x38;
	[tilespmem:$0x1E800] =	vst v63  }
0x3e5: {  	_ =	swait.ge [sflag:s8], $0x2800  }
0x3e6: {  	[sflag:s8] =	ssyncset.done $0x0  }
0x3e7: {  	s5 =	rddreg [dreg:$0xa];
	[sflag:s8] =	ssyncadd.s32 $0xFFFFD800  }
0x3e8: {  	[hbm4b:s5+s0] =	stream.linear.scatter [tilespmem:s7], [sflag:$0x4], $0x2800, $0x38;
	[tilespmem:$0x1E800] =	vst v63  }
0x3e9: {  	_ =	swait.ge [sflag:s8], $0x2800  }
0x3ea: {  	[sflag:s8] =	ssyncset.done $0x0  }
0x3eb: {  	s13 =	rddreg [dreg:$0x14];
	[sflag:s8] =	ssyncadd.s32 $0xFFFFD800  }
0x3ec: {  	[tilespmem:s7], [sflag:$0x4] =	stream.linear.gather [spmem:s13], $0x2800, $0x38;
	[tilespmem:$0x1E800] =	vst v63  }
0x3ed: {  	_ =	swait.ge [sflag:s8], $0x2800  }
0x3ee: {  	[sflag:s8] =	ssyncset.done $0x0  }
0x3ef: {  	s6 =	rddreg [dreg:$0xb];
	[sflag:s8] =	ssyncadd.s32 $0xFFFFD800  }
0x3f0: {  	[hbm4b:s6+s0] =	stream.linear.scatter [tilespmem:s7], [sflag:$0x4], $0x2800, $0x38;
	[tilespmem:$0x1E800] =	vst v63  }
0x3f1: {  	_ =	swait.ge [sflag:s8], $0x2800  }
0x3f2: {  	[sflag:s8] =	ssyncset.done $0x0  }
0x3f3: {  	s19 =	rddreg [dreg:$0x15];
	[sflag:s8] =	ssyncadd.s32 $0xFFFFD800  }
0x3f4: {  	[tilespmem:s7], [sflag:$0x4] =	stream.linear.gather [spmem:s19], $0x2800, $0x38;
	[tilespmem:$0x1E800] =	vst v63  }
0x3f5: {  	_ =	swait.ge [sflag:s8], $0x2800  }
0x3f6: {  	[sflag:s8] =	ssyncset.done $0x0  }
0x3f7: {  	s22 =	rddreg [dreg:$0xc];
	[sflag:s8] =	ssyncadd.s32 $0xFFFFD800  }
0x3f8: {  	[hbm4b:s22+s0] =	stream.linear.scatter [tilespmem:s7], [sflag:$0x4], $0x2800, $0x38;
	[tilespmem:$0x1E800] =	vst v63  }
0x3f9: {  	_ =	swait.ge [sflag:s8], $0x2800  }
0x3fa: {  	[sflag:s8] =	ssyncset.done $0x0  }
0x3fb: {  	s28 =	rddreg [dreg:$0x16];
	[sflag:s8] =	ssyncadd.s32 $0xFFFFD800  }
0x3fc: {  	[tilespmem:s7], [sflag:$0x4] =	stream.linear.gather [spmem:s28], $0x2800, $0x38;
	[tilespmem:$0x1E800] =	vst v63  }
0x3fd: {  	_ =	swait.ge [sflag:s8], $0x2800  }
0x3fe: {  	[sflag:s8] =	ssyncset.done $0x0  }
0x3ff: {  	s3 =	rddreg [dreg:$0xd];
	[sflag:s8] =	ssyncadd.s32 $0xFFFFD800  }
0x400: {  	[hbm4b:s3+s0] =	stream.linear.scatter [tilespmem:s7], [sflag:$0x4], $0x2800, $0x38;
	[tilespmem:$0x1E800] =	vst v63  }
0x401: {  	_ =	swait.ge [sflag:s8], $0x2800  }
0x402: {  	[sflag:s8] =	ssyncset.done $0x0  }
0x403: {  	s3 =	simm.s32 $0xA300;
	s5 =	rddreg [dreg:$0x17];
	[sflag:s8] =	ssyncadd.s32 $0xFFFFD800  }
0x404: {  	[tilespmem:s3], [sflag:$0x4] =	stream.linear.gather [spmem:s5], $0x280, $0x38;
	[tilespmem:$0x1E800] =	vst v63  }
0x405: {  	_ =	swait.ge [sflag:s8], $0x280  }
0x406: {  	[sflag:s8] =	ssyncset.done $0x0  }
0x407: {  	s6 =	rddreg [dreg:$0x1b];
	[sflag:s8] =	ssyncadd.s32 $0xFFFFFD80  }
0x408: {  	[hbm4b:s6+s10] =	stream.strided.scatter [tilespmem:s3], [sflag:$0x4], $0x280, s31, s10, $0x38;
	[tilespmem:$0x1E800] =	vst v63  }
0x409: {  	_ =	swait.ge [sflag:s8], $0x280  }
0x40a: {  	s19 =	rddreg [dreg:$0x1e]  }
0x40b: {  	s28 =	rddreg [dreg:$0x1c];
	s2 =	sadd.s32 $0x1, s19  }
0x40c: {  	p0 =	sne.s32 s2, s28  }
.Ltmp14:
0x40d: {  	_ = 	snop;
	(pc) =	sbr.rel @p0 .LBB2_1-.Ltmp14, $3  }
0x40e: {  	_ =	sdelay $0x1  }
0x40f: {  	[sflag:s8] =	ssyncset.done $0x0  }
0x410: {  	s22 =	simm.s32 $0x0;
	[sflag:s8] =	ssyncadd.s32 $0xFFFFFD80  }
0x411: {  	_ =	sfence.sel $0x180000  }
0x412: {  	[bflag:$0x0] =	sbarrier.arrive $0xFFFF  }
0x413: {  	_ =	strace $0x90000047  }
0x414: {  	s0 =	stileid.u32;
	[bflag:$0x2] =	sbarrier.arrive $0xFFFF  }
0x415: {  	p0 =	sne.s32 s0, $0x0;
	s0 =	rddreg [dreg:$0x5]  }
0x416: {  	s0 =	sadd.s32 @!p0 $0x100000, s0  }
0x417: {  	[sflag:s0] =	ssyncadd.tile.s32 @!p0 $0x1;
	_ =	shalt  }
.Lfunc_end2:
_tile_overlayer_lowered:
.L_overlay_start_2:
0x418: {  	(tag) =	ssettag $0x2  }
0x419: {  	s0 =	rddreg [dreg:$0x0];
	s2 =	stileid.u32  }
0x41a: {  	s1 =	rddreg [dreg:$0x1];
	p0 =	sne.s32 s2, $0x0  }
0x41b: {  	s3 =	rddreg [dreg:$0x2];
	[bflag:$0x3] =	sbarrier.arrive $0xFFFF;
	s2 =	simm.s32 @!p0 $0x1C04  }
0x41c: {  	[timem:s3], [sflag:s2] =	dma.local @!p0 [hbm:s0], s1  }
0x41d: {  	s0 =	simm.s32 @!p0 $0x4  }
0x41e: {  	_ =	swait.ge @!p0 [sflag:s0], s1  }
0x41f: {  	s1 =	ssub.s32 @!p0 $0x0, s1;
	[sflag:s0] =	ssyncset.done @!p0 $0x0  }
0x420: {  	[sflag:s0] =	ssyncadd.s32 @!p0 s1  }
0x421: {  	[bflag:$0x3] =	sbarrier.arrive $0xFFFF  }
0x422: {  	_ =	shalt  }

// kernel: kernel.9.cloned.1.call-start
scs
__scs_entry_jumppad:
0x0: {  	(pc) =	sbr.rel $0x88, $3  }
0x1: {  	(tag) =	ssettag $0x0;
	lr =	simm.s32 $0x1  }
0x2: {  	[smem:$0x3F99] =	sst lr;
	_ =	strace $0xD0000000  }
0x3: {  	_ = 	snop  }
0x4: {  	_ = 	snop  }
0x5: {  	_ = 	snop  }
0x6: {  	_ = 	snop  }
0x7: {  	_ = 	snop  }
__scs_overlays_trampoline_lowered:
0x8: {  	[smem:$0x3FA8] =	sst s0  }
0x9: {  	[smem:$0x3FA9] =	sst s1  }
0xa: {  	[smem:$0x3FAA] =	sst s2  }
0xb: {  	[smem:$0x3FAB] =	sst s3  }
0xc: {  	[smem:$0x3FAC] =	sst s4  }
0xd: {  	[smem:$0x3FAD] =	sst s5  }
0xe: {  	[smem:$0x3FAE] =	sst s6  }
0xf: {  	[smem:$0x3FAF] =	sst s7  }
0x10: {  	[smem:$0x3FB0] =	sst s8  }
0x11: {  	[smem:$0x3FB1] =	sst s9;
	s0 =	simm.s32 @!p0 $0x0  }
0x12: {  	s1 =	sld [smem:$0x3F97];
	s0 =	simm.s32 @p0 $0x1  }
0x13: {  	[smem:$0x3FB2] =	sst s0;
	s0 =	simm.s32 @!p1 $0x0  }
0x14: {  	s2 =	sld [smem:$0x3F96];
	s0 =	simm.s32 @p1 $0x1  }
0x15: {  	[smem:$0x3FB3] =	sst s0;
	s0 =	simm.s32 @!p2 $0x0  }
0x16: {  	s3 =	sld [smem:$0x3FDB];
	s0 =	simm.s32 @p2 $0x1  }
0x17: {  	s4 =	simm.s32 $0x1BF5;
	[smem:$0x3FB5] =	sst s0  }
0x18: {  	s0 =	sld [smem:$0x3F98];
	_ =	swait.ge [sflag:s4], $0x0  }
0x19: {  	s7 =	sld [smem:$0x3F99]  }
0x1a: {  	s8 =	sadd.s32 $0xFFFFE003, lr  }
0x1b: {  	s9 =	sadd.s32 $0xFFFFFEF7, lr;
	s5 =	simm.s32 $0xFFFFFFFF;
	p2 =	slt.u32 s8, $0xFFFFF086  }
0x1c: {  	p1 =	slt.u32 s9, $0xF7A;
	s5 =	simm.s32 @!p2 $0x0  }
0x1d: {  	s5 =	simm.s32 @p1 $0x1;
	p0 =	seq.s32 s7, s2  }
0x1e: {  	s7 =	smul.u32 @!p0 $0xF7A, s2;
	p2 =	seq.s32 @!p0 s5, $0x0  }
0x1f: {  	s9 =	smul.u32 $0xF7A, s1;
	s8 =	simm.s32 @!p0 $0x1BF5;
	p2 =	por !p2, p0  }
0x20: {  	[sflag:s8] =	ssyncset.s32 @!p0 $0xFFFFF086;
	s6 =	sadd.s32 @!p0 s3, s7;
	s7 =	simm.s32 @!p0 $0x108  }
0x21: {  	s3 =	sadd.s32 s3, s9;
	s6 =	sadd.s32 @!p0 $0x88, s6;
	s7 =	simm.s32 @p2 $0x1082  }
0x22: {  	[simem:s7], [sflag:s8] =	dma.local @!p0 [hbm:s6], $0xF7A  }
0x23: {  	s9 =	sor.u32 $0xD0000000, s2;
	s6 =	simm.s32 $0x108;
	_ =	swait.ge @!p0 [sflag:s8], $0x0  }
0x24: {  	s3 =	sadd.s32 $0x88, s3;
	s6 =	simm.s32 @!p1 $0x1082;
	[sflag:s4] =	ssyncset.s32 $0xFFFFF086  }
0x25: {  	[simem:s6], [sflag:s4] =	dma.local [hbm:s3], $0xF7A  }
0x26: {  	[smem:$0x3F99] =	sst s1;
	(tag) =	ssettag s2;
	_ =	strace s9  }
0x27: {  	s1 =	sld [smem:$0x3FA9]  }
0x28: {  	s2 =	sld [smem:$0x3FAA]  }
0x29: {  	s4 =	sld [smem:$0x3FAC]  }
0x2a: {  	p0 =	seq.s32 s5, $0x0;
	s5 =	sld [smem:$0x3FAD]  }
0x2b: {  	s6 =	sld [smem:$0x3FAE]  }
0x2c: {  	s7 =	sld [smem:$0x3FAF]  }
0x2d: {  	s3 =	simm.s32 $0x108;
	s8 =	sld [smem:$0x3FB0]  }
0x2e: {  	s3 =	simm.s32 @!p0 $0x1082;
	s9 =	sld [smem:$0x3FB1]  }
0x2f: {  	lr =	sadd.s32 s0, s3;
	s0 =	sld [smem:$0x3FA8]  }
0x30: {  	s3 =	sld [smem:$0x3FAB]  }
0x31: {  	[smem:$0x3FB4] =	sst s10  }
0x32: {  	s10 =	sld [smem:$0x3FB2];
	_ =	sdelay $0x3  }
0x33: {  	p0 =	seq.s32 s10, $0x1;
	s10 =	sld [smem:$0x3FB4];
	_ =	sdelay $0x3  }
0x34: {  	[smem:$0x3FB4] =	sst s10  }
0x35: {  	s10 =	sld [smem:$0x3FB3];
	_ =	sdelay $0x3  }
0x36: {  	p1 =	seq.s32 s10, $0x1;
	s10 =	sld [smem:$0x3FB4];
	_ =	sdelay $0x3  }
0x37: {  	[smem:$0x3FB4] =	sst s10  }
0x38: {  	s10 =	sld [smem:$0x3FB5]  }
0x39: {  	_ = 	snop;
	(pc) =	sbr.ind lr, $3  }
0x3a: {  	_ = 	snop  }
0x3b: {  	_ = 	snop  }
0x3c: {  	p2 =	seq.s32 s10, $0x1;
	s10 =	sld [smem:$0x3FB4]  }
0x3d: {  	_ =	shalt  }
0x3e: {  	_ =	shalt  }
0x3f: {  	_ =	shalt  }
0x40: {  	_ =	shalt  }
0x41: {  	_ =	shalt  }
0x42: {  	_ =	shalt  }
0x43: {  	_ =	shalt  }
0x44: {  	_ =	shalt  }
0x45: {  	_ =	shalt  }
0x46: {  	_ =	shalt  }
0x47: {  	_ =	shalt  }
0x48: {  	_ =	shalt  }
0x49: {  	_ =	shalt  }
0x4a: {  	_ =	shalt  }
0x4b: {  	_ =	shalt  }
0x4c: {  	_ =	shalt  }
0x4d: {  	_ =	shalt  }
0x4e: {  	_ =	shalt  }
0x4f: {  	_ =	shalt  }
0x50: {  	_ =	shalt  }
0x51: {  	_ =	shalt  }
0x52: {  	_ =	shalt  }
0x53: {  	_ =	shalt  }
0x54: {  	_ =	shalt  }
0x55: {  	_ =	shalt  }
0x56: {  	_ =	shalt  }
0x57: {  	_ =	shalt  }
0x58: {  	_ =	shalt  }
0x59: {  	_ =	shalt  }
0x5a: {  	_ =	shalt  }
0x5b: {  	_ =	shalt  }
0x5c: {  	_ =	shalt  }
0x5d: {  	_ =	shalt  }
0x5e: {  	_ =	shalt  }
0x5f: {  	_ =	shalt  }
0x60: {  	_ =	shalt  }
0x61: {  	_ =	shalt  }
0x62: {  	_ =	shalt  }
0x63: {  	_ =	shalt  }
0x64: {  	_ =	shalt  }
0x65: {  	_ =	shalt  }
0x66: {  	_ =	shalt  }
0x67: {  	_ =	shalt  }
0x68: {  	_ =	shalt  }
0x69: {  	_ =	shalt  }
0x6a: {  	_ =	shalt  }
0x6b: {  	_ =	shalt  }
0x6c: {  	_ =	shalt  }
0x6d: {  	_ =	shalt  }
0x6e: {  	_ =	shalt  }
0x6f: {  	_ =	shalt  }
0x70: {  	_ =	shalt  }
0x71: {  	_ =	shalt  }
0x72: {  	_ =	shalt  }
0x73: {  	_ =	shalt  }
0x74: {  	_ =	shalt  }
0x75: {  	_ =	shalt  }
0x76: {  	_ =	shalt  }
0x77: {  	_ =	shalt  }
0x78: {  	_ =	shalt  }
0x79: {  	_ =	shalt  }
0x7a: {  	_ =	shalt  }
0x7b: {  	_ =	shalt  }
0x7c: {  	_ =	shalt  }
0x7d: {  	_ =	shalt  }
0x7e: {  	_ =	shalt  }
0x7f: {  	_ =	shalt  }
0x80: {  	_ =	shalt  }
0x81: {  	_ =	shalt  }
0x82: {  	_ =	shalt  }
0x83: {  	_ =	shalt  }
0x84: {  	_ =	shalt  }
0x85: {  	_ =	shalt  }
0x86: {  	_ =	shalt  }
0x87: {  	_ =	shalt  }
.Lfunc_end0:
.L_simem_size_0:
called_computation.1_lowered:
.L_overlay_start_0:
0x88: {  	s2 =	sld [smem:$0x3FD9]  }
0x89: {  	s3 =	sld [smem:$0x3FFE];
	_ =	sdelay $0x1  }
0x8a: {  	s1 =	srdreg.scid  }
0x8b: {  	s0 =	sand.u32 $0x1, s1  }
0x8c: {  	s14 =	sshll.u32 s0, $0xA;
	s2 =	sadd.s32 s3, s2  }
0x8d: {  	s2 =	sadd.s32 s2, s14  }
0x8e: {  	[smem:$0x3FC0] =	sst s2  }
0x8f: {  	_ = 	snop  }
0x90: {  	s2 =	sld [smem:$0x3FD0];
	_ =	sdelay $0x2  }
0x91: {  	s15 =	simm.s32 $0xA;
	s4 =	simm.s32 $0x10  }
0x92: {  	[smem:s4], [sflag:s15] =	dma.local [hbm:s2], $0x1  }
0x93: {  	_ =	swait.eq [sflag:s15], $0x1  }
0x94: {  	[sflag:s15] =	ssyncset.done $0x0  }
0x95: {  	[sflag:s15] =	ssyncadd.s32 $0xFFFFFFFF  }
0x96: {  	s16 =	sld [smem:$0x11];
	(tm) =	ssettm $0x1  }
0x97: {  	s17 =	sld [smem:$0x3FFB];
	_ =	sdelay $0x3  }
0x98: {  	_ =	strace s17  }
0x99: {  	s3 =	sld [smem:$0x3FFC];
	_ =	sdelay $0x3  }
0x9a: {  	_ =	strace s3  }
0x9b: {  	s3 =	sld [smem:$0x3FFD];
	_ =	sdelay $0x3  }
0x9c: {  	_ =	strace s3  }
0x9d: {  	_ =	strace $0x8FFFFFFF  }
0x9e: {  	s18 =	sld [smem:$0x3FDB];
	_ =	sdelay $0x1  }
0x9f: {  	s19 =	simm.s32 $_scs_section_size  }
0xa0: {  	s5 =	simm.s32 $_size__tile_overlayer_lowered;
	s6 =	simm.s32 $_tile_overlayer_lowered  }
0xa1: {  	s22 =	simm.s32 $0x1BFF;
	s21 =	sshll.u32 s6, $0x1;
	s3 =	sadd.s32 s19, s18  }
0xa2: {  	s7 =	simm.s32 $0x0;
	s20 =	sshll.u32 s5, $0x1;
	s5 =	sadd.s32 s21, s3  }
0xa3: {  	[timem:s7], [sflag:s22] =	dma.local [hbm:s5], s20  }
0xa4: {  	_ =	swait.ge [sflag:s22], s20  }
0xa5: {  	s4 =	ssub.s32 $0x0, s20;
	[sflag:s22] =	ssyncset.done $0x0  }
0xa6: {  	[sflag:s22] =	ssyncadd.s32 s4;
	_ =	sdelay $0x1  }
0xa7: {  	s23 =	simm.s32 $0x1B8B  }
0xa8: {  	_ =	swait.ge [sflag:s23], $0x1  }
0xa9: {  	[sflag:s23] =	ssyncset.done $0x0  }
0xaa: {  	s25 =	simm.s32 $0x1B8E;
	s24 =	sld [smem:$0x3FFE];
	[sflag:s23] =	ssyncadd.s32 $0xFFFFFFFF  }
0xab: {  	s26 =	simm.s32 $execute0_lowered;
	[smem:$0x3FD2] =	sst s25  }
0xac: {  	s5 =	sshll.u32 s26, $0x1;
	_ =	strace $0x80000049;
	[dreg:$0x1] =	wrdreg $0xFFFFFFFF  }
0xad: {  	s28 =	simm.s32 $_size_execute0_lowered;
	s3 =	sadd.s32 s3, s5;
	[dreg:$0x0] =	wrdreg $0x0  }
0xae: {  	s5 =	sshll.u32 s28, $0x1;
	[dreg:$0x2] =	wrdreg s3  }
0xaf: {  	[dreg:$0x3] =	wrdreg s5  }
0xb0: {  	[dreg:$0x4] =	wrdreg $0xC0  }
0xb1: {  	_ =	task [dreg:s7], $0x5FFFF  }
0xb2: {  	[dreg:$0x1] =	wrdreg $0xFFFFFFFF  }
0xb3: {  	[dreg:$0x0] =	wrdreg $0x60  }
0xb4: {  	[dreg:$0x2] =	wrdreg s24  }
0xb5: {  	[dreg:$0x3] =	wrdreg s16  }
0xb6: {  	[dreg:$0x4] =	wrdreg $0x9  }
0xb7: {  	_ =	task.clear_ibuf [dreg:s7], $0x5FFFF;
	_ =	strace $0x90000049  }
0xb8: {  	s29 =	simm.s32 $0x9;
	_ =	strace $0x8000004B  }
0xb9: {  	_ =	swait.ge [sflag:s29], $0x1  }
0xba: {  	[sflag:s29] =	ssyncadd.s32 $0xFFFFFFFF  }
0xbb: {  	_ =	strace $0x9000004B  }
0xbc: {  	_ =	sfence  }
0xbd: {  	s30 =	sld [smem:$0x0];
	_ =	sdelay $0x2  }
0xbe: {  	s31 =	sshll.u32 s1, $0xD;
	s1 =	sshrl.u32 s1, $0x2  }
0xbf: {  	s3 =	sand.u32 $0x4000, s31;
	s1 =	sadd.s32 s1, s30  }
0xc0: {  	s0 =	sor.u32 s3, s0;
	s1 =	sshll.u32 s1, $0x11  }
0xc1: {  	s0 =	sor.u32 s1, s0  }
0xc2: {  	s0 =	sadd.s32 $0x8F2B, s0  }
0xc3: {  	[sflag:s0] =	ssyncadd.remote.s32 $0x1  }
0xc4: {  	_ =	sfence.sel $0xFFFF  }
0xc5: {  	[dreg:$0x0] =	wrdreg $0xFFFFFFFF;
	(pc) =	sbr.abs _section_cstart, $3  }
0xc6: {  	[dreg:$0x1] =	wrdreg $0xFFFFFFFF  }
0xc7: {  	_ =	task.clear_ibuf [dreg:s7], $0x2FFFF;
	_ =	strace $0x9FFFFFFF  }
0xc8: {  	(tm) =	ssettm $0x7FFFFFFF  }
0xc9: {  	_ =	shalt  }
tec
execute0_lowered:
.L_overlay_start_1:
0x0: {  	(tag) =	ssettag $0x1  }
0x1: {  	s6 =	rddreg [dreg:$0x0]  }
0x2: {  	s1 =	rddreg [dreg:$0x1]  }
0x3: {  	s0 =	rddreg [dreg:$0x2];
	s2 =	simm.s32 $0x0;
	s3 =	srdreg.scid  }
0x4: {  	s11 =	simm.s32 $0x7D0;
	s12 =	simm.s32 $0x1000;
	s13 =	simm.s32 $0x1  }
0x5: {  	s14 =	simm.s32 $0x1800;
	s15 =	simm.s32 $0x0;
	[smem:$0x7FF] =	sst s2  }
0x6: {  	s7 =	sand.u32 $0x1, s3;
	s4 =	sadd.s32 $0xAA400, s6;
	s3 =	stileid.u32  }
0x7: {  	s5 =	sadd.s32 $0x1800, s6;
	s6 =	sadd.s32 $0xB600, s6;
	s8 =	ssub.s32 $0x2, s7  }
0x8: {  	_ =	strace $0x8000004A;
	s10 =	sshll.u32 s3, $0x1;
	s9 =	sshrl.u32 s8, $0x1  }
0x9: {  	s7 =	sor.u32 s7, s10;
	s10 =	simm.s32 $0x800;
	s8 =	ssub.s32 s8, s9  }
0xa: {  	s7 =	smul.u32 $0x2710, s7;
	s9 =	simm.s32 $0x2;
	s8 =	smax.u32 s8, $0x1  }
.LBB2_1:
0xb: {  	s16 =	simm.s32 $0x0  }
.LBB2_2:
0xc: {  	s17 =	smul.u32 $0x7D0, s16;
	_ =	sdelay $0x1  }
0xd: {  	s17 =	sadd.s32 s7, s17  }
0xe: {  	s17 =	sshrl.u32 s17, $0x3  }
0xf: {  	s19 =	simm.s32 $0x0;
	s18 =	sadd.s32 s5, s17  }
0x10: {  	[tilespmem:s19], [sflag:$0x2] =	stream.linear.gather [hbm4b:s18+s19], $0x7D0, $0x38;
	[tilespmem:$0x2000] =	vst v63  }
0x11: {  	_ =	swait.ge [sflag:s9], $0x7D0  }
0x12: {  	[sflag:s9] =	ssyncset.done $0x0  }
0x13: {  	s31 =	sadd.s32 s4, s17;
	[sflag:s9] =	ssyncadd.s32 $0xFFFFF830  }
0x14: {  	[tilespmem:s10], [sflag:$0x2] =	stream.linear.gather [hbm4b:s31+s19], $0x7D0, $0x38;
	[tilespmem:$0x2000] =	vst v63  }
0x15: {  	_ =	swait.ge [sflag:s9], $0x7D0  }
0x16: {  	[sflag:s9] =	ssyncset.done $0x0  }
0x17: {  	[sflag:s9] =	ssyncadd.s32 $0xFFFFF830  }
0x18: {  	[tilespmem:s12], [sflag:$0x1] =	stream.indirect.gather [hbm4b:s6+s11], $0x1, s19, s11, $0xb8;
	[tilespmem:$0x2000] =	vst v63  }
0x19: {  	_ =	swait.ge [sflag:s13], $0x7D0  }
0x1a: {  	[sflag:s13] =	ssyncset.done $0x0  }
0x1b: {  	s19 =	simm.s32 $0x0;
	[sflag:s13] =	ssyncadd.s32 $0xFFFFF830  }
0x1c: {  	v0 =	vld [tilespmem:s19+$0x1000];
	_ =	sdelay $0x4  }
0x1d: {  	v0 =	vadd.f32 $9.999999680e-21, v0  }
0x1e: {  	s18 =	simm.s32 $0x10  }
0x1f: {  	(erf) = vrcp.f32 v0;
	v0 =	vld [tilespmem:s18+$0x1000];
	_ =	sdelay $0x3  }
0x20: {  	s20 =	simm.s32 $0x20  }
0x21: {  	v1 =	vld [tilespmem:s20+$0x1000];
	v2 =	vadd.f32 $9.999999680e-21, v0  }
0x22: {  	v0 =	vld [tilespmem:s19+$0x800]  }
0x23: {  	(erf) = vrcp.f32 v2;
	_ =	sdelay $0x2  }
0x24: {  	s21 =	simm.s32 $0xC0;
	v2 =	vpop (erf)  }
.LBB2_3:
0x25: {  	s22 =	sshra.s32 s21, $0x2;
	p0 =	sne.s32 s21, $0x1F00;
	s21 =	sadd.s32 $0x40, s21;
	v3 =	vadd.f32 $9.999999680e-21, v1;
	v2 =	vmul.f32 v2, v0;
	v0 =	vld [tilespmem:s18+$0x800]  }
.Ltmp0:
0x26: {  	v1 =	vld [tilespmem:s22+$0x1000];
	(pc) =	sbr.rel @p0 .LBB2_3-.Ltmp0, $3  }
0x27: {  	(erf) = vrcp.f32 v3;
	[tilespmem:s19+$0x1800] =	vst v2;
	s19 =	smov.u32 s18;
	s18 =	smov.u32 s20;
	s20 =	smov.u32 s22  }
0x28: {  	_ =	sdelay $0x1  }
0x29: {  	v2 =	vpop (erf)  }
0x2a: {  	v1 =	vadd.f32 $9.999999680e-21, v1;
	_ =	sdelay $0x1  }
0x2b: {  	(erf) = vrcp.f32 v1;
	_ =	sdelay $0x1  }
0x2c: {  	v0 =	vmul.f32 v2, v0;
	_ =	sdelay $0x1  }
0x2d: {  	v61 =	vld [tilespmem:s18+$0x800];
	[tilespmem:s19+$0x1800] =	vst v0  }
0x2e: {  	v0 =	vld [tilespmem:s20+$0x800];
	_ =	sdelay $0x2  }
0x2f: {  	v62 =	vpop (erf)  }
0x30: {  	v1 =	vmul.f32 v62, v61;
	v63 =	vpop (erf)  }
0x31: {  	s16 =	sadd.s32 $0x1, s16;
	v0 =	vmul.f32 v63, v0  }
0x32: {  	p0 =	sne.s32 s16, $0x5;
	[tilespmem:s18+$0x1800] =	vst v1  }
.Ltmp1:
0x33: {  	s17 =	sadd.s32 s1, s17;
	[tilespmem:s20+$0x1800] =	vst v0;
	(pc) =	sbr.rel @p0 .LBB2_2-.Ltmp1, $4  }
0x34: {  	[hbm4b:s17+s2] =	stream.linear.scatter [tilespmem:s14], [sflag:$0x2], $0x7D0, $0x38;
	[tilespmem:$0x2000] =	vst v63  }
0x35: {  	_ =	swait.ge [sflag:s9], $0x7D0  }
0x36: {  	[sflag:s9] =	ssyncset.done $0x0  }
0x37: {  	[sflag:s9] =	ssyncadd.s32 $0xFFFFF830  }
0x38: {  	s15 =	sadd.s32 $0x1, s15  }
0x39: {  	p0 =	sne.s32 s15, s8  }
.Ltmp2:
0x3a: {  	_ = 	snop;
	(pc) =	sbr.rel @p0 .LBB2_1-.Ltmp2, $1  }
0x3b: {  	_ =	sdelay $0x3  }
0x3c: {  	_ =	sfence.sel $0x180000  }
0x3d: {  	[bflag:$0x0] =	sbarrier.arrive $0xFFFF  }
0x3e: {  	p0 =	sne.s32 s3, $0x0;
	_ =	strace $0x9000004A  }
0x3f: {  	s0 =	sadd.s32 @!p0 $0x100000, s0;
	[bflag:$0x2] =	sbarrier.arrive $0xFFFF  }
0x40: {  	[sflag:s0] =	ssyncadd.tile.s32 @!p0 $0x1;
	_ =	shalt  }
.Lfunc_end2:
_tile_overlayer_lowered:
.L_overlay_start_2:
0x41: {  	(tag) =	ssettag $0x2  }
0x42: {  	s0 =	rddreg [dreg:$0x0];
	s2 =	stileid.u32  }
0x43: {  	s1 =	rddreg [dreg:$0x1];
	p0 =	sne.s32 s2, $0x0  }
0x44: {  	s3 =	rddreg [dreg:$0x2];
	[bflag:$0x3] =	sbarrier.arrive $0xFFFF;
	s2 =	simm.s32 @!p0 $0x1C02  }
0x45: {  	[timem:s3], [sflag:s2] =	dma.local @!p0 [hbm:s0], s1  }
0x46: {  	s0 =	simm.s32 @!p0 $0x2  }
0x47: {  	_ =	swait.ge @!p0 [sflag:s0], s1  }
0x48: {  	s1 =	ssub.s32 @!p0 $0x0, s1;
	[sflag:s0] =	ssyncset.done @!p0 $0x0  }
0x49: {  	[sflag:s0] =	ssyncadd.s32 @!p0 s1  }
0x4a: {  	[bflag:$0x3] =	sbarrier.arrive $0xFFFF  }
0x4b: {  	_ =	shalt  }

</sc_bundles>
